<compile_context>
chip_gen: v7x
topology: tpu7x:2x2x1
jax: 0.10.2.dev20260603
libtpu: 0.0.44.dev20260713+nightly
codegen_flags: <defaults>
</compile_context>

<pallas_src>
import functools

import jax
import jax.numpy as jnp
from jax import lax
from jax.experimental import pallas as pl
from jax.experimental.pallas import tpu as pltpu
from jax.experimental.pallas import tpu_sc as plsc

N = 10000
E = 320000
D_IN = 128
H = 256
G = 128
OUT = 2
HH = H // 2

NSC = 2
NTILE = 16
ROWS_PER_TILE = 640
N_TAIL = N - (NTILE - 1) * ROWS_PER_TILE
N_PAD = NTILE * ROWS_PER_TILE
EDGE_CHUNK = 80
NBUF = 4

BR = 400
NBLK = N // BR

_P = lax.Precision.HIGHEST


def _dot(a, b):
    return jnp.dot(a, b, preferred_element_type=jnp.float32, precision=_P)




def _edge_loop(edges_hbm, gather_from, acc, srcv, dstv, rows,
               isems, jsems, gsems, ssems, e_base, n_chunks, pre_idescs):
    n_groups = n_chunks // NBUF
    n_tail = n_chunks % NBUF
    dummy_rows_src = gather_from.at[pl.ds(0, EDGE_CHUNK)]

    def drain_scatter(b):
        pltpu.make_async_copy(dummy_rows_src, rows[b], ssems[b]).wait()

    def chunk_stage1(off, b):
        i1 = pltpu.async_copy(edges_hbm.at[pl.ds(off, EDGE_CHUNK)],
                              srcv[b], isems[b])
        i2 = pltpu.async_copy(edges_hbm.at[pl.ds(E + off, EDGE_CHUNK)],
                              dstv[b], jsems[b])
        return (i1, i2)

    def chunk_stage2(idesc, b):
        idesc[0].wait()
        idesc[1].wait()
        return pltpu.async_copy(gather_from.at[srcv[b]], rows[b], gsems[b])

    def chunk_stage3(gdesc, b):
        gdesc.wait()
        pltpu.async_copy(rows[b], acc.at[dstv[b]], ssems[b], add=True)

    gdescs0 = [chunk_stage2(pre_idescs[b], b) for b in range(NBUF)]

    def first_scatters():
        for b in range(NBUF):
            chunk_stage3(gdescs0[b], b)

    def group(g, carry):
        base = e_base + g * (NBUF * EDGE_CHUNK)
        idescs = []
        for b in range(NBUF):
            drain_scatter(b)
            idescs.append(chunk_stage1(base + b * EDGE_CHUNK, b))
        gdescs = [chunk_stage2(idescs[b], b) for b in range(NBUF)]
        for b in range(NBUF):
            chunk_stage3(gdescs[b], b)
        return carry

    first_scatters()
    lax.fori_loop(1, n_groups, group, 0, unroll=False)
    tail_base = e_base + n_groups * NBUF * EDGE_CHUNK
    idescs = []
    for b in range(n_tail):
        drain_scatter(b)
        idescs.append(chunk_stage1(tail_base + b * EDGE_CHUNK, b))
    gdescs = [chunk_stage2(idescs[b], b) for b in range(n_tail)]
    for b in range(n_tail):
        chunk_stage3(gdescs[b], b)
    for b in range(NBUF):
        drain_scatter(b)


def _prefire_idx(edges_hbm, srcv, dstv, isems, jsems, e_base):
    descs = []
    for b in range(NBUF):
        off = e_base + b * EDGE_CHUNK
        i1 = pltpu.async_copy(edges_hbm.at[pl.ds(off, EDGE_CHUNK)],
                              srcv[b], isems[b])
        i2 = pltpu.async_copy(edges_hbm.at[pl.ds(E + off, EDGE_CHUNK)],
                              dstv[b], jsems[b])
        descs.append((i1, i2))
    return descs


def _spmm_init_acc(zeros_hbm, acc, s):
    pltpu.sync_copy(zeros_hbm, acc.at[pl.ds(s * ROWS_PER_TILE, ROWS_PER_TILE)])
    plsc.subcore_barrier()


def _spmm_readout(acc, out_hbm, c, s):
    plsc.subcore_barrier()

    @pl.when(s < NTILE - 1)
    def _():
        sl = pl.ds(s * ROWS_PER_TILE, ROWS_PER_TILE)
        pltpu.sync_copy(acc.at[sl], out_hbm.at[c, sl])

    @pl.when(s == NTILE - 1)
    def _():
        sl = pl.ds((NTILE - 1) * ROWS_PER_TILE, N_TAIL)
        pltpu.sync_copy(acc.at[sl], out_hbm.at[c, sl])


@functools.cache
def _make_spmm_edge_split():
    mesh = plsc.VectorSubcoreMesh(core_axis_name="c", subcore_axis_name="s")

    @functools.partial(
        pl.kernel,
        out_type=jax.ShapeDtypeStruct((NSC, N, D_IN), jnp.float32),
        mesh=mesh,
        scratch_types=[
            pltpu.VMEM_SHARED((N_PAD, D_IN), jnp.float32),
            [pltpu.VMEM((EDGE_CHUNK,), jnp.int32)] * NBUF,
            [pltpu.VMEM((EDGE_CHUNK,), jnp.int32)] * NBUF,
            [pltpu.VMEM((EDGE_CHUNK, D_IN), jnp.float32)] * NBUF,
            [pltpu.SemaphoreType.DMA] * NBUF,
            [pltpu.SemaphoreType.DMA] * NBUF,
            [pltpu.SemaphoreType.DMA] * NBUF,
            [pltpu.SemaphoreType.DMA] * NBUF,
        ],
    )
    def spmm_edge_split(edges_hbm, x_hbm, zeros_hbm, out_hbm,
                        acc, srcv, dstv, rows,
                        isems, jsems, gsems, ssems):
        c = lax.axis_index("c")
        s = lax.axis_index("s")
        edges_per_tile = E // (NSC * NTILE)
        e_base = (c * NTILE + s) * edges_per_tile
        pre = _prefire_idx(edges_hbm, srcv, dstv, isems, jsems, e_base)
        _spmm_init_acc(zeros_hbm, acc, s)
        _edge_loop(edges_hbm, x_hbm, acc, srcv, dstv, rows,
                   isems, jsems, gsems, ssems, e_base,
                   edges_per_tile // EDGE_CHUNK, pre)
        _spmm_readout(acc, out_hbm, c, s)

    return spmm_edge_split


def _spmm_edge_split(edges, x, zeros):
    return _make_spmm_edge_split()(edges, x, zeros)


@functools.cache
def _make_spmm_feat_split():
    mesh = plsc.VectorSubcoreMesh(core_axis_name="c", subcore_axis_name="s")

    @functools.partial(
        pl.kernel,
        out_type=jax.ShapeDtypeStruct((NSC, N, HH), jnp.float32),
        mesh=mesh,
        scratch_types=[
            pltpu.VMEM_SHARED((N_PAD, HH), jnp.float32),
            [pltpu.VMEM((EDGE_CHUNK,), jnp.int32)] * NBUF,
            [pltpu.VMEM((EDGE_CHUNK,), jnp.int32)] * NBUF,
            [pltpu.VMEM((EDGE_CHUNK, HH), jnp.float32)] * NBUF,
            [pltpu.SemaphoreType.DMA] * NBUF,
            [pltpu.SemaphoreType.DMA] * NBUF,
            [pltpu.SemaphoreType.DMA] * NBUF,
            [pltpu.SemaphoreType.DMA] * NBUF,
        ],
    )
    def spmm_feat_split(edges_hbm, hlo_hbm, hhi_hbm, zeros_hbm,
                        out_hbm, acc, srcv, dstv, rows,
                        isems, jsems, gsems, ssems):
        c = lax.axis_index("c")
        s = lax.axis_index("s")
        edges_per_tile = E // NTILE
        e_base = s * edges_per_tile
        n_chunks = edges_per_tile // EDGE_CHUNK
        pre = _prefire_idx(edges_hbm, srcv, dstv, isems, jsems, e_base)
        _spmm_init_acc(zeros_hbm, acc, s)

        @pl.when(c == 0)
        def _():
            _edge_loop(edges_hbm, hlo_hbm, acc, srcv, dstv, rows,
                       isems, jsems, gsems, ssems, e_base, n_chunks, pre)

        @pl.when(c == 1)
        def _():
            _edge_loop(edges_hbm, hhi_hbm, acc, srcv, dstv, rows,
                       isems, jsems, gsems, ssems, e_base, n_chunks, pre)

        _spmm_readout(acc, out_hbm, c, s)

    return spmm_feat_split


def _spmm_feat_split(edges, hlo, hhi, zeros):
    return _make_spmm_feat_split()(edges, hlo, hhi, zeros)




def _acc_out(ref, val):
    @pl.when(pl.program_id(0) == 0)
    def _():
        ref[...] = val

    @pl.when(pl.program_id(0) > 0)
    def _():
        ref[...] += val


def _stats(z, stats_ref):
    s1 = jnp.sum(z, axis=0, keepdims=True)
    s2 = jnp.sum(z * z, axis=0, keepdims=True)
    _acc_out(stats_ref, jnp.concatenate([s1, s2], axis=0))


def _root1_body(x, wo, b, root_ref):
    root_ref[...] = _dot(x[...], wo[...]) + b[...]


def _layer_body(agg0, agg1, root, wr, gam, bet, wo_next, b_next,
                hlo_ref, hhi_ref, rootn_ref, zbuf, stats, *, first):
    i = pl.program_id(0)

    @pl.when(i < NBLK)
    def _():
        if first:
            z = _dot(agg0[0] + agg1[0], wr[...]) + root[...]
        else:
            z = (_dot(agg0[0], wr[:HH, :]) + _dot(agg1[0], wr[HH:, :])
                 + root[...])
        zbuf[pl.ds(i * BR, BR), :] = z
        s1 = jnp.sum(z, axis=0, keepdims=True)
        s2 = jnp.sum(z * z, axis=0, keepdims=True)
        blk = jnp.concatenate([s1, s2], axis=0)

        @pl.when(i == 0)
        def _():
            stats[...] = blk

        @pl.when(i > 0)
        def _():
            stats[...] += blk

    @pl.when(i >= NBLK)
    def _():
        j = i - NBLK
        z = zbuf[pl.ds(j * BR, BR), :]
        n = jnp.float32(N)
        mu = stats[0:1, :] / n
        var = stats[1:2, :] / n - mu * mu
        scale = gam[...] * lax.rsqrt(var + 1e-5)
        h = jnp.maximum((z - mu) * scale + bet[...], 0.0)
        hlo_ref[...] = h[:, :HH]
        hhi_ref[...] = h[:, HH:]
        rootn_ref[...] = _dot(h, wo_next[...]) + b_next[...]


def _final_body(agglo, agghi, root, wr, bat, wc1, bc1, wc2, bc2,
                out_ref, sums, cnts):
    h3 = jnp.maximum(
        _dot(agglo[0], wr[:HH, :]) + _dot(agghi[0], wr[HH:, :]) + root[...],
        0.0)
    ids = lax.broadcasted_iota(jnp.int32, (1, G), 1)
    onehot = (bat[...] == ids).astype(jnp.float32)
    dn = (((0,), (0,)), ((), ()))
    ps = lax.dot_general(onehot, h3, dn,
                         preferred_element_type=jnp.float32)
    pc = lax.dot_general(onehot, jnp.ones((BR, 1), jnp.float32), dn,
                         preferred_element_type=jnp.float32)
    _acc_out(sums, ps)
    _acc_out(cnts, pc)

    @pl.when(pl.program_id(0) == NBLK - 1)
    def _():
        p = sums[...] / jnp.maximum(cnts[...], 1.0)
        t = jnp.maximum(_dot(p, wc1[...]) + bc1[...], 0.0)
        out_ref[...] = _dot(t, wc2[...]) + bc2[...]


def _row_blocked(width):
    return pl.BlockSpec((BR, width), lambda i: (i, 0))


def _full(shape):
    return pl.BlockSpec(shape, lambda i: tuple(0 for _ in shape))


def _plane(p, width):
    return pl.BlockSpec((1, BR, width), lambda i, _p=p: (_p, i, 0))


def _root1(x, wo, b):
    return pl.pallas_call(
        _root1_body,
        grid=(NBLK,),
        in_specs=[_row_blocked(D_IN), _full((D_IN, H)), _full((1, H))],
        out_specs=_row_blocked(H),
        out_shape=jax.ShapeDtypeStruct((N, H), jnp.float32),
    )(x, wo, b.reshape(1, H))


def _layer(agg, root, wr, gam, bet, wo_next, b_next, first):
    width = D_IN if first else HH

    def phase_a(i):
        return jnp.where(i < NBLK, i, 0)

    def phase_b(i):
        return jnp.where(i < NBLK, 0, i - NBLK)

    def plane(p):
        return pl.BlockSpec((1, BR, width),
                            lambda i, _p=p: (_p, phase_a(i), 0))

    out_spec_h = pl.BlockSpec((BR, HH), lambda i: (phase_b(i), 0))
    out_spec_r = pl.BlockSpec((BR, H), lambda i: (phase_b(i), 0))
    return pl.pallas_call(
        functools.partial(_layer_body, first=first),
        grid=(2 * NBLK,),
        in_specs=[plane(0), plane(1),
                  pl.BlockSpec((BR, H), lambda i: (phase_a(i), 0)),
                  _full((width, H) if first else (H, H)),
                  _full((1, H)), _full((1, H)), _full((H, H)),
                  _full((1, H))],
        out_specs=[out_spec_h, out_spec_h, out_spec_r],
        out_shape=[jax.ShapeDtypeStruct((N, HH), jnp.float32),
                   jax.ShapeDtypeStruct((N, HH), jnp.float32),
                   jax.ShapeDtypeStruct((N, H), jnp.float32)],
        scratch_shapes=[pltpu.VMEM((N, H), jnp.float32),
                        pltpu.VMEM((2, H), jnp.float32)],
    )(agg, agg, root, wr, gam.reshape(1, H), bet.reshape(1, H), wo_next,
      b_next.reshape(1, H))


def _final(agg, root, wr, batch2d, wc1, bc1, wc2, bc2):
    return pl.pallas_call(
        _final_body,
        grid=(NBLK,),
        in_specs=[_plane(0, HH), _plane(1, HH), _row_blocked(H),
                  _full((H, H)), _row_blocked(1), _full((H, H)),
                  _full((1, H)), _full((H, OUT)), _full((1, OUT))],
        out_specs=_full((G, OUT)),
        out_shape=jax.ShapeDtypeStruct((G, OUT), jnp.float32),
        scratch_shapes=[pltpu.VMEM((G, H), jnp.float32),
                        pltpu.VMEM((G, 1), jnp.float32)],
    )(agg, agg, root, wr, batch2d, wc1, bc1.reshape(1, H), wc2,
      bc2.reshape(1, OUT))


def kernel(x, edge_index, batch,
           W1_rel, b1_rel, W1_root,
           W2_rel, b2_rel, W2_root,
           W3_rel, b3_rel, W3_root,
           bn1_g, bn1_b, bn2_g, bn2_b,
           Wc1, bc1, Wc2, bc2):
    edges = edge_index.reshape(2 * E)
    zeros = jnp.zeros((ROWS_PER_TILE, D_IN), jnp.float32)
    batch2d = batch.reshape(N, 1)

    root1 = _root1(x, W1_root, b1_rel)
    agg1 = _spmm_edge_split(edges, x, zeros)
    h1lo, h1hi, root2 = _layer(agg1, root1, W1_rel, bn1_g, bn1_b,
                               W2_root, b2_rel, first=True)

    agg2 = _spmm_feat_split(edges, h1lo, h1hi, zeros)
    h2lo, h2hi, root3 = _layer(agg2, root2, W2_rel, bn2_g, bn2_b,
                               W3_root, b3_rel, first=False)

    agg3 = _spmm_feat_split(edges, h2lo, h2hi, zeros)
    return _final(agg3, root3, W3_rel, batch2d, Wc1, bc1, Wc2, bc2)

# --- scband reference (transcript-rebuilt; emitter-appended) ---
"""Pipeline reference for scband-gnnmodel-66090956751538 (READ-ONLY COPY).

The authoritative reference and input builder live on the scoring server;
editing this copy changes nothing except your own understanding.
"""

import jax, jax.numpy as jnp
import numpy as np

N = 10000
E = 320000
D_IN = 128
H = 256
OUT = 2
G = 128


def setup_inputs(seed: int = 0) -> dict:
    key = jax.random.key(seed)
    ks = [jax.random.fold_in(key, i) for i in range(32)]
    x = jax.random.normal(ks[0], (N, D_IN), dtype=jnp.float32)
    edge_index = jax.random.randint(ks[1], (2, E), 0, N, dtype=jnp.int32)
    batch = jnp.sort(jax.random.randint(ks[2], (N,), 0, G, dtype=jnp.int32))

    def lin(k, fan_in, fan_out):
        return jax.random.normal(k, (fan_in, fan_out), dtype=jnp.float32) * (1.0 / np.sqrt(fan_in))

    inp = {
        "x": x,
        "edge_index": edge_index,
        "batch": batch,
        # GraphConv 1 (in -> hid): lin_rel (with bias) on aggregated msgs, lin_root (no bias) on x
        "W1_rel": lin(ks[3], D_IN, H), "b1_rel": jnp.zeros((H,), jnp.float32), "W1_root": lin(ks[4], D_IN, H),
        # GraphConv 2 (hid -> hid)
        "W2_rel": lin(ks[5], H, H), "b2_rel": jnp.zeros((H,), jnp.float32), "W2_root": lin(ks[6], H, H),
        # GraphConv 3 (hid -> hid)
        "W3_rel": lin(ks[7], H, H), "b3_rel": jnp.zeros((H,), jnp.float32), "W3_root": lin(ks[8], H, H),
        # BatchNorms
        "bn1_g": jnp.ones((H,), jnp.float32), "bn1_b": jnp.zeros((H,), jnp.float32),
        "bn2_g": jnp.ones((H,), jnp.float32), "bn2_b": jnp.zeros((H,), jnp.float32),
        # Classifier: Linear(H,H) -> ReLU -> Dropout -> Linear(H,OUT)
        "Wc1": lin(ks[9], H, H), "bc1": jnp.zeros((H,), jnp.float32),
        "Wc2": lin(ks[10], H, OUT), "bc2": jnp.zeros((OUT,), jnp.float32),
    }
    return inp


def _graph_conv(x, src, dst, W_rel, b_rel, W_root):
    # PyG GraphConv with aggr='add': out_i = W_rel @ sum_{j in N(i)} x_j + b_rel + W_root @ x_i
    msgs = jnp.take(x, src, axis=0)                      # gather [E, d]
    agg = jnp.zeros((x.shape[0], x.shape[1]), x.dtype).at[dst].add(msgs)  # scatter-add
    return agg @ W_rel + b_rel + x @ W_root


def _batch_norm(x, gamma, beta, eps=1e-5):
    mu = jnp.mean(x, axis=0, keepdims=True)
    var = jnp.var(x, axis=0, keepdims=True)
    return (x - mu) * jax.lax.rsqrt(var + eps) * gamma + beta


def _global_mean_pool(x, batch, num_graphs):
    sums = jnp.zeros((num_graphs, x.shape[1]), x.dtype).at[batch].add(x)
    cnts = jnp.zeros((num_graphs,), x.dtype).at[batch].add(1.0)
    cnts = jnp.maximum(cnts, 1.0)
    return sums / cnts[:, None]


def reference(x, edge_index, batch,
              W1_rel, b1_rel, W1_root,
              W2_rel, b2_rel, W2_root,
              W3_rel, b3_rel, W3_root,
              bn1_g, bn1_b, bn2_g, bn2_b,
              Wc1, bc1, Wc2, bc2):
    src, dst = edge_index[0], edge_index[1]
    h = _graph_conv(x, src, dst, W1_rel, b1_rel, W1_root)
    h = _batch_norm(h, bn1_g, bn1_b)
    h = jax.nn.relu(h)
    # dropout is identity in eval mode
    h = _graph_conv(h, src, dst, W2_rel, b2_rel, W2_root)
    h = _batch_norm(h, bn2_g, bn2_b)
    h = jax.nn.relu(h)
    h = _graph_conv(h, src, dst, W3_rel, b3_rel, W3_root)
    h = jax.nn.relu(h)
    p = _global_mean_pool(h, batch, G)
    out = jax.nn.relu(p @ Wc1 + bc1) @ Wc2 + bc2
    return out

if __name__ == "__main__":
    import jax
    _d = setup_inputs()
    print(jax.jit(kernel)(*tuple(_d.values())))

</pallas_src>

<mosaic_0001>
#map = affine_map<(d0, d1) -> (0)>
#map1 = affine_map<(d0, d1) -> (0, 0)>
#map2 = affine_map<(d0, d1) -> (0, 0, 0)>
module attributes {stable_mosaic.version = 14 : i64} {
  func.func @spmm_feat_split(%arg0: i32, %arg1: i32, %arg2: memref<640000xi32, #tpu.memory_space<hbm>>, %arg3: memref<10000x128xf32, #tpu.memory_space<hbm>>, %arg4: memref<10000x128xf32, #tpu.memory_space<hbm>>, %arg5: memref<640x128xf32, #tpu.memory_space<hbm>>, %arg6: memref<2x10000x128xf32, #tpu.memory_space<hbm>>, %arg7: memref<10240x128xf32, #tpu.memory_space<vmem_shared>>, %arg8: memref<80xi32, #tpu.memory_space<vmem>>, %arg9: memref<80xi32, #tpu.memory_space<vmem>>, %arg10: memref<80xi32, #tpu.memory_space<vmem>>, %arg11: memref<80xi32, #tpu.memory_space<vmem>>, %arg12: memref<80xi32, #tpu.memory_space<vmem>>, %arg13: memref<80xi32, #tpu.memory_space<vmem>>, %arg14: memref<80xi32, #tpu.memory_space<vmem>>, %arg15: memref<80xi32, #tpu.memory_space<vmem>>, %arg16: memref<80x128xf32, #tpu.memory_space<vmem>>, %arg17: memref<80x128xf32, #tpu.memory_space<vmem>>, %arg18: memref<80x128xf32, #tpu.memory_space<vmem>>, %arg19: memref<80x128xf32, #tpu.memory_space<vmem>>, %arg20: memref<!tpu.dma_semaphore, #tpu.memory_space<semaphore_mem>>, %arg21: memref<!tpu.dma_semaphore, #tpu.memory_space<semaphore_mem>>, %arg22: memref<!tpu.dma_semaphore, #tpu.memory_space<semaphore_mem>>, %arg23: memref<!tpu.dma_semaphore, #tpu.memory_space<semaphore_mem>>, %arg24: memref<!tpu.dma_semaphore, #tpu.memory_space<semaphore_mem>>, %arg25: memref<!tpu.dma_semaphore, #tpu.memory_space<semaphore_mem>>, %arg26: memref<!tpu.dma_semaphore, #tpu.memory_space<semaphore_mem>>, %arg27: memref<!tpu.dma_semaphore, #tpu.memory_space<semaphore_mem>>, %arg28: memref<!tpu.dma_semaphore, #tpu.memory_space<semaphore_mem>>, %arg29: memref<!tpu.dma_semaphore, #tpu.memory_space<semaphore_mem>>, %arg30: memref<!tpu.dma_semaphore, #tpu.memory_space<semaphore_mem>>, %arg31: memref<!tpu.dma_semaphore, #tpu.memory_space<semaphore_mem>>, %arg32: memref<!tpu.dma_semaphore, #tpu.memory_space<semaphore_mem>>, %arg33: memref<!tpu.dma_semaphore, #tpu.memory_space<semaphore_mem>>, %arg34: memref<!tpu.dma_semaphore, #tpu.memory_space<semaphore_mem>>, %arg35: memref<!tpu.dma_semaphore, #tpu.memory_space<semaphore_mem>>) attributes {dimension_semantics = [#tpu.dimension_semantics<core_parallel>, #tpu.dimension_semantics<subcore_parallel>], iteration_bounds = array<i64: 2, 16>, scalar_prefetch = 0 : i64, scratch_operands = 29 : i64, tpu.core_type = #tpu.core_type<sc_vector_subcore>, window_params = [{transform_indices = #map}, {transform_indices = #map1}, {transform_indices = #map1}, {transform_indices = #map1}, {transform_indices = #map2}]} {
    %mul3A = arith.constant 20000 : i32
    %mul3A_0 = arith.muli %arg1, %mul3A : i32
    %add3A = arith.constant 0 : i32
    %add3A_1 = arith.addi %mul3A_0, %add3A : i32
    %dma_start3A = tpu.memref_slice %arg2[%add3A_1] : memref<640000xi32, #tpu.memory_space<hbm>> -> memref<80xi32, #tpu.memory_space<hbm>>
    %dma_start3A_2 = tpu.memref_slice %arg2[%add3A_1] : memref<640000xi32, #tpu.memory_space<hbm>> -> memref<80xi32, #tpu.memory_space<hbm>>
    tpu.enqueue_dma source(%dma_start3A_2 : memref<80xi32, #tpu.memory_space<hbm>>) target(%arg8 : memref<80xi32, #tpu.memory_space<vmem>>) target_semaphore(%arg20 : memref<!tpu.dma_semaphore, #tpu.memory_space<semaphore_mem>>)
    %add3A_3 = arith.constant 320000 : i32
    %add3A_4 = arith.addi %add3A_3, %add3A_1 : i32
    %dma_start3A_5 = tpu.memref_slice %arg2[%add3A_4] : memref<640000xi32, #tpu.memory_space<hbm>> -> memref<80xi32, #tpu.memory_space<hbm>>
    %dma_start3A_6 = tpu.memref_slice %arg2[%add3A_4] : memref<640000xi32, #tpu.memory_space<hbm>> -> memref<80xi32, #tpu.memory_space<hbm>>
    tpu.enqueue_dma source(%dma_start3A_6 : memref<80xi32, #tpu.memory_space<hbm>>) target(%arg12 : memref<80xi32, #tpu.memory_space<vmem>>) target_semaphore(%arg24 : memref<!tpu.dma_semaphore, #tpu.memory_space<semaphore_mem>>)
    %add3A_7 = arith.constant 80 : i32
    %add3A_8 = arith.addi %mul3A_0, %add3A_7 : i32
    %dma_start3A_9 = tpu.memref_slice %arg2[%add3A_8] : memref<640000xi32, #tpu.memory_space<hbm>> -> memref<80xi32, #tpu.memory_space<hbm>>
    %dma_start3A_10 = tpu.memref_slice %arg2[%add3A_8] : memref<640000xi32, #tpu.memory_space<hbm>> -> memref<80xi32, #tpu.memory_space<hbm>>
    tpu.enqueue_dma source(%dma_start3A_10 : memref<80xi32, #tpu.memory_space<hbm>>) target(%arg9 : memref<80xi32, #tpu.memory_space<vmem>>) target_semaphore(%arg21 : memref<!tpu.dma_semaphore, #tpu.memory_space<semaphore_mem>>)
    %add3A_11 = arith.constant 320000 : i32
    %add3A_12 = arith.addi %add3A_11, %add3A_8 : i32
    %dma_start3A_13 = tpu.memref_slice %arg2[%add3A_12] : memref<640000xi32, #tpu.memory_space<hbm>> -> memref<80xi32, #tpu.memory_space<hbm>>
    %dma_start3A_14 = tpu.memref_slice %arg2[%add3A_12] : memref<640000xi32, #tpu.memory_space<hbm>> -> memref<80xi32, #tpu.memory_space<hbm>>
    tpu.enqueue_dma source(%dma_start3A_14 : memref<80xi32, #tpu.memory_space<hbm>>) target(%arg13 : memref<80xi32, #tpu.memory_space<vmem>>) target_semaphore(%arg25 : memref<!tpu.dma_semaphore, #tpu.memory_space<semaphore_mem>>)
    %add3A_15 = arith.constant 160 : i32
    %add3A_16 = arith.addi %mul3A_0, %add3A_15 : i32
    %dma_start3A_17 = tpu.memref_slice %arg2[%add3A_16] : memref<640000xi32, #tpu.memory_space<hbm>> -> memref<80xi32, #tpu.memory_space<hbm>>
    %dma_start3A_18 = tpu.memref_slice %arg2[%add3A_16] : memref<640000xi32, #tpu.memory_space<hbm>> -> memref<80xi32, #tpu.memory_space<hbm>>
    tpu.enqueue_dma source(%dma_start3A_18 : memref<80xi32, #tpu.memory_space<hbm>>) target(%arg10 : memref<80xi32, #tpu.memory_space<vmem>>) target_semaphore(%arg22 : memref<!tpu.dma_semaphore, #tpu.memory_space<semaphore_mem>>)
    %add3A_19 = arith.constant 320000 : i32
    %add3A_20 = arith.addi %add3A_19, %add3A_16 : i32
    %dma_start3A_21 = tpu.memref_slice %arg2[%add3A_20] : memref<640000xi32, #tpu.memory_space<hbm>> -> memref<80xi32, #tpu.memory_space<hbm>>
    %dma_start3A_22 = tpu.memref_slice %arg2[%add3A_20] : memref<640000xi32, #tpu.memory_space<hbm>> -> memref<80xi32, #tpu.memory_space<hbm>>
    tpu.enqueue_dma source(%dma_start3A_22 : memref<80xi32, #tpu.memory_space<hbm>>) target(%arg14 : memref<80xi32, #tpu.memory_space<vmem>>) target_semaphore(%arg26 : memref<!tpu.dma_semaphore, #tpu.memory_space<semaphore_mem>>)
    %add3A_23 = arith.constant 240 : i32
    %add3A_24 = arith.addi %mul3A_0, %add3A_23 : i32
    %dma_start3A_25 = tpu.memref_slice %arg2[%add3A_24] : memref<640000xi32, #tpu.memory_space<hbm>> -> memref<80xi32, #tpu.memory_space<hbm>>
    %dma_start3A_26 = tpu.memref_slice %arg2[%add3A_24] : memref<640000xi32, #tpu.memory_space<hbm>> -> memref<80xi32, #tpu.memory_space<hbm>>
    tpu.enqueue_dma source(%dma_start3A_26 : memref<80xi32, #tpu.memory_space<hbm>>) target(%arg11 : memref<80xi32, #tpu.memory_space<vmem>>) target_semaphore(%arg23 : memref<!tpu.dma_semaphore, #tpu.memory_space<semaphore_mem>>)
    %add3A_27 = arith.constant 320000 : i32
    %add3A_28 = arith.addi %add3A_27, %add3A_24 : i32
    %dma_start3A_29 = tpu.memref_slice %arg2[%add3A_28] : memref<640000xi32, #tpu.memory_space<hbm>> -> memref<80xi32, #tpu.memory_space<hbm>>
    %dma_start3A_30 = tpu.memref_slice %arg2[%add3A_28] : memref<640000xi32, #tpu.memory_space<hbm>> -> memref<80xi32, #tpu.memory_space<hbm>>
    tpu.enqueue_dma source(%dma_start3A_30 : memref<80xi32, #tpu.memory_space<hbm>>) target(%arg15 : memref<80xi32, #tpu.memory_space<vmem>>) target_semaphore(%arg27 : memref<!tpu.dma_semaphore, #tpu.memory_space<semaphore_mem>>)
    %mul3A_31 = arith.constant 640 : i32
    %mul3A_32 = arith.muli %arg1, %mul3A_31 : i32
    "tpu.region"() ({
      %run_scoped3A = tpu.sem_alloc : memref<!tpu.dma_semaphore, #tpu.memory_space<semaphore_mem>>
      %dma_start3A_50 = arith.constant 0 : i32
      %dma_start3A_51 = tpu.memref_slice %arg7[%mul3A_32, %dma_start3A_50] : memref<10240x128xf32, #tpu.memory_space<vmem_shared>> -> memref<640x128xf32, #tpu.memory_space<vmem_shared>>
      tpu.enqueue_dma source(%arg5 : memref<640x128xf32, #tpu.memory_space<hbm>>) target(%dma_start3A_51 : memref<640x128xf32, #tpu.memory_space<vmem_shared>>) target_semaphore(%run_scoped3A : memref<!tpu.dma_semaphore, #tpu.memory_space<semaphore_mem>>)
      %dma_wait3A = arith.constant 0 : i32
      %dma_wait3A_52 = tpu.memref_slice %arg7[%mul3A_32, %dma_wait3A] : memref<10240x128xf32, #tpu.memory_space<vmem_shared>> -> memref<640x128xf32, #tpu.memory_space<vmem_shared>>
      tpu.wait_dma2 semaphore(%run_scoped3A : memref<!tpu.dma_semaphore, #tpu.memory_space<semaphore_mem>>) src(%arg5 : memref<640x128xf32, #tpu.memory_space<hbm>>) dst(%dma_wait3A_52 : memref<640x128xf32, #tpu.memory_space<vmem_shared>>)
      tpu.yield
    }) : () -> ()
    %barrier3A = arith.constant 0 : index
    tpu.barrier barrier_id(%barrier3A)
    %eq3A = arith.constant 0 : i32
    %eq3A_33 = arith.cmpi eq, %arg0, %eq3A : i32
    %convert_element_type3A = arith.extui %eq3A_33 : i1 to i32
    %cond3A = arith.constant 0 : i32
    %cond3A_34 = arith.cmpi ne, %convert_element_type3A, %cond3A : i32
    scf.if %cond3A_34 {
      %dma_wait3A = tpu.memref_slice %arg2[%add3A_1] : memref<640000xi32, #tpu.memory_space<hbm>> -> memref<80xi32, #tpu.memory_space<hbm>>
      %dma_wait3A_50 = tpu.memref_slice %arg2[%add3A_1] : memref<640000xi32, #tpu.memory_space<hbm>> -> memref<80xi32, #tpu.memory_space<hbm>>
      tpu.wait_dma2 semaphore(%arg20 : memref<!tpu.dma_semaphore, #tpu.memory_space<semaphore_mem>>) src(%dma_wait3A_50 : memref<80xi32, #tpu.memory_space<hbm>>) dst(%arg8 : memref<80xi32, #tpu.memory_space<vmem>>)
      %dma_wait3A_51 = tpu.memref_slice %arg2[%add3A_4] : memref<640000xi32, #tpu.memory_space<hbm>> -> memref<80xi32, #tpu.memory_space<hbm>>
      %dma_wait3A_52 = tpu.memref_slice %arg2[%add3A_4] : memref<640000xi32, #tpu.memory_space<hbm>> -> memref<80xi32, #tpu.memory_space<hbm>>
      tpu.wait_dma2 semaphore(%arg24 : memref<!tpu.dma_semaphore, #tpu.memory_space<semaphore_mem>>) src(%dma_wait3A_52 : memref<80xi32, #tpu.memory_space<hbm>>) dst(%arg12 : memref<80xi32, #tpu.memory_space<vmem>>)
      %dma_start3A_53 = arith.constant 0 : i32
      %dma_start3A_54 = arith.constant 0 : i32
      %dma_start3A_55 = tpu.memref_slice %arg3[%dma_start3A_53, %dma_start3A_54] : memref<10000x128xf32, #tpu.memory_space<hbm>> -> memref<10000x128xf32, #tpu.memory_space<hbm>>
      tpu.enqueue_indirect_dma source(%dma_start3A_55 : memref<10000x128xf32, #tpu.memory_space<hbm>>) target(%arg16 : memref<80x128xf32, #tpu.memory_space<vmem>>) offsets(%arg8 : memref<80xi32, #tpu.memory_space<vmem>>) semaphore(%arg28 : memref<!tpu.dma_semaphore, #tpu.memory_space<semaphore_mem>>)
      %dma_wait3A_56 = tpu.memref_slice %arg2[%add3A_8] : memref<640000xi32, #tpu.memory_space<hbm>> -> memref<80xi32, #tpu.memory_space<hbm>>
      %dma_wait3A_57 = tpu.memref_slice %arg2[%add3A_8] : memref<640000xi32, #tpu.memory_space<hbm>> -> memref<80xi32, #tpu.memory_space<hbm>>
      tpu.wait_dma2 semaphore(%arg21 : memref<!tpu.dma_semaphore, #tpu.memory_space<semaphore_mem>>) src(%dma_wait3A_57 : memref<80xi32, #tpu.memory_space<hbm>>) dst(%arg9 : memref<80xi32, #tpu.memory_space<vmem>>)
      %dma_wait3A_58 = tpu.memref_slice %arg2[%add3A_12] : memref<640000xi32, #tpu.memory_space<hbm>> -> memref<80xi32, #tpu.memory_space<hbm>>
      %dma_wait3A_59 = tpu.memref_slice %arg2[%add3A_12] : memref<640000xi32, #tpu.memory_space<hbm>> -> memref<80xi32, #tpu.memory_space<hbm>>
      tpu.wait_dma2 semaphore(%arg25 : memref<!tpu.dma_semaphore, #tpu.memory_space<semaphore_mem>>) src(%dma_wait3A_59 : memref<80xi32, #tpu.memory_space<hbm>>) dst(%arg13 : memref<80xi32, #tpu.memory_space<vmem>>)
      %dma_start3A_60 = arith.constant 0 : i32
      %dma_start3A_61 = arith.constant 0 : i32
      %dma_start3A_62 = tpu.memref_slice %arg3[%dma_start3A_60, %dma_start3A_61] : memref<10000x128xf32, #tpu.memory_space<hbm>> -> memref<10000x128xf32, #tpu.memory_space<hbm>>
      tpu.enqueue_indirect_dma source(%dma_start3A_62 : memref<10000x128xf32, #tpu.memory_space<hbm>>) target(%arg17 : memref<80x128xf32, #tpu.memory_space<vmem>>) offsets(%arg9 : memref<80xi32, #tpu.memory_space<vmem>>) semaphore(%arg29 : memref<!tpu.dma_semaphore, #tpu.memory_space<semaphore_mem>>)
      %dma_wait3A_63 = tpu.memref_slice %arg2[%add3A_16] : memref<640000xi32, #tpu.memory_space<hbm>> -> memref<80xi32, #tpu.memory_space<hbm>>
      %dma_wait3A_64 = tpu.memref_slice %arg2[%add3A_16] : memref<640000xi32, #tpu.memory_space<hbm>> -> memref<80xi32, #tpu.memory_space<hbm>>
      tpu.wait_dma2 semaphore(%arg22 : memref<!tpu.dma_semaphore, #tpu.memory_space<semaphore_mem>>) src(%dma_wait3A_64 : memref<80xi32, #tpu.memory_space<hbm>>) dst(%arg10 : memref<80xi32, #tpu.memory_space<vmem>>)
      %dma_wait3A_65 = tpu.memref_slice %arg2[%add3A_20] : memref<640000xi32, #tpu.memory_space<hbm>> -> memref<80xi32, #tpu.memory_space<hbm>>
      %dma_wait3A_66 = tpu.memref_slice %arg2[%add3A_20] : memref<640000xi32, #tpu.memory_space<hbm>> -> memref<80xi32, #tpu.memory_space<hbm>>
      tpu.wait_dma2 semaphore(%arg26 : memref<!tpu.dma_semaphore, #tpu.memory_space<semaphore_mem>>) src(%dma_wait3A_66 : memref<80xi32, #tpu.memory_space<hbm>>) dst(%arg14 : memref<80xi32, #tpu.memory_space<vmem>>)
      %dma_start3A_67 = arith.constant 0 : i32
      %dma_start3A_68 = arith.constant 0 : i32
      %dma_start3A_69 = tpu.memref_slice %arg3[%dma_start3A_67, %dma_start3A_68] : memref<10000x128xf32, #tpu.memory_space<hbm>> -> memref<10000x128xf32, #tpu.memory_space<hbm>>
      tpu.enqueue_indirect_dma source(%dma_start3A_69 : memref<10000x128xf32, #tpu.memory_space<hbm>>) target(%arg18 : memref<80x128xf32, #tpu.memory_space<vmem>>) offsets(%arg10 : memref<80xi32, #tpu.memory_space<vmem>>) semaphore(%arg30 : memref<!tpu.dma_semaphore, #tpu.memory_space<semaphore_mem>>)
      %dma_wait3A_70 = tpu.memref_slice %arg2[%add3A_24] : memref<640000xi32, #tpu.memory_space<hbm>> -> memref<80xi32, #tpu.memory_space<hbm>>
      %dma_wait3A_71 = tpu.memref_slice %arg2[%add3A_24] : memref<640000xi32, #tpu.memory_space<hbm>> -> memref<80xi32, #tpu.memory_space<hbm>>
      tpu.wait_dma2 semaphore(%arg23 : memref<!tpu.dma_semaphore, #tpu.memory_space<semaphore_mem>>) src(%dma_wait3A_71 : memref<80xi32, #tpu.memory_space<hbm>>) dst(%arg11 : memref<80xi32, #tpu.memory_space<vmem>>)
      %dma_wait3A_72 = tpu.memref_slice %arg2[%add3A_28] : memref<640000xi32, #tpu.memory_space<hbm>> -> memref<80xi32, #tpu.memory_space<hbm>>
      %dma_wait3A_73 = tpu.memref_slice %arg2[%add3A_28] : memref<640000xi32, #tpu.memory_space<hbm>> -> memref<80xi32, #tpu.memory_space<hbm>>
      tpu.wait_dma2 semaphore(%arg27 : memref<!tpu.dma_semaphore, #tpu.memory_space<semaphore_mem>>) src(%dma_wait3A_73 : memref<80xi32, #tpu.memory_space<hbm>>) dst(%arg15 : memref<80xi32, #tpu.memory_space<vmem>>)
      %dma_start3A_74 = arith.constant 0 : i32
      %dma_start3A_75 = arith.constant 0 : i32
      %dma_start3A_76 = tpu.memref_slice %arg3[%dma_start3A_74, %dma_start3A_75] : memref<10000x128xf32, #tpu.memory_space<hbm>> -> memref<10000x128xf32, #tpu.memory_space<hbm>>
      tpu.enqueue_indirect_dma source(%dma_start3A_76 : memref<10000x128xf32, #tpu.memory_space<hbm>>) target(%arg19 : memref<80x128xf32, #tpu.memory_space<vmem>>) offsets(%arg11 : memref<80xi32, #tpu.memory_space<vmem>>) semaphore(%arg31 : memref<!tpu.dma_semaphore, #tpu.memory_space<semaphore_mem>>)
      %dma_wait3A_77 = arith.constant 0 : i32
      %dma_wait3A_78 = arith.constant 0 : i32
      %dma_wait3A_79 = tpu.memref_slice %arg3[%dma_wait3A_77, %dma_wait3A_78] : memref<10000x128xf32, #tpu.memory_space<hbm>> -> memref<10000x128xf32, #tpu.memory_space<hbm>>
      tpu.wait_indirect_dma semaphore(%arg28 : memref<!tpu.dma_semaphore, #tpu.memory_space<semaphore_mem>>) src(%dma_wait3A_79 : memref<10000x128xf32, #tpu.memory_space<hbm>>) dst(%arg16 : memref<80x128xf32, #tpu.memory_space<vmem>>)
      %dma_start3A_80 = arith.constant 0 : i32
      %dma_start3A_81 = arith.constant 0 : i32
      %dma_start3A_82 = tpu.memref_slice %arg7[%dma_start3A_80, %dma_start3A_81] : memref<10240x128xf32, #tpu.memory_space<vmem_shared>> -> memref<10240x128xf32, #tpu.memory_space<vmem_shared>>
      tpu.enqueue_indirect_dma source(%arg16 : memref<80x128xf32, #tpu.memory_space<vmem>>) target(%dma_start3A_82 : memref<10240x128xf32, #tpu.memory_space<vmem_shared>>) offsets(%arg12 : memref<80xi32, #tpu.memory_space<vmem>>) semaphore(%arg32 : memref<!tpu.dma_semaphore, #tpu.memory_space<semaphore_mem>>) {add = true}
      %dma_wait3A_83 = arith.constant 0 : i32
      %dma_wait3A_84 = arith.constant 0 : i32
      %dma_wait3A_85 = tpu.memref_slice %arg3[%dma_wait3A_83, %dma_wait3A_84] : memref<10000x128xf32, #tpu.memory_space<hbm>> -> memref<10000x128xf32, #tpu.memory_space<hbm>>
      tpu.wait_indirect_dma semaphore(%arg29 : memref<!tpu.dma_semaphore, #tpu.memory_space<semaphore_mem>>) src(%dma_wait3A_85 : memref<10000x128xf32, #tpu.memory_space<hbm>>) dst(%arg17 : memref<80x128xf32, #tpu.memory_space<vmem>>)
      %dma_start3A_86 = arith.constant 0 : i32
      %dma_start3A_87 = arith.constant 0 : i32
      %dma_start3A_88 = tpu.memref_slice %arg7[%dma_start3A_86, %dma_start3A_87] : memref<10240x128xf32, #tpu.memory_space<vmem_shared>> -> memref<10240x128xf32, #tpu.memory_space<vmem_shared>>
      tpu.enqueue_indirect_dma source(%arg17 : memref<80x128xf32, #tpu.memory_space<vmem>>) target(%dma_start3A_88 : memref<10240x128xf32, #tpu.memory_space<vmem_shared>>) offsets(%arg13 : memref<80xi32, #tpu.memory_space<vmem>>) semaphore(%arg33 : memref<!tpu.dma_semaphore, #tpu.memory_space<semaphore_mem>>) {add = true}
      %dma_wait3A_89 = arith.constant 0 : i32
      %dma_wait3A_90 = arith.constant 0 : i32
      %dma_wait3A_91 = tpu.memref_slice %arg3[%dma_wait3A_89, %dma_wait3A_90] : memref<10000x128xf32, #tpu.memory_space<hbm>> -> memref<10000x128xf32, #tpu.memory_space<hbm>>
      tpu.wait_indirect_dma semaphore(%arg30 : memref<!tpu.dma_semaphore, #tpu.memory_space<semaphore_mem>>) src(%dma_wait3A_91 : memref<10000x128xf32, #tpu.memory_space<hbm>>) dst(%arg18 : memref<80x128xf32, #tpu.memory_space<vmem>>)
      %dma_start3A_92 = arith.constant 0 : i32
      %dma_start3A_93 = arith.constant 0 : i32
      %dma_start3A_94 = tpu.memref_slice %arg7[%dma_start3A_92, %dma_start3A_93] : memref<10240x128xf32, #tpu.memory_space<vmem_shared>> -> memref<10240x128xf32, #tpu.memory_space<vmem_shared>>
      tpu.enqueue_indirect_dma source(%arg18 : memref<80x128xf32, #tpu.memory_space<vmem>>) target(%dma_start3A_94 : memref<10240x128xf32, #tpu.memory_space<vmem_shared>>) offsets(%arg14 : memref<80xi32, #tpu.memory_space<vmem>>) semaphore(%arg34 : memref<!tpu.dma_semaphore, #tpu.memory_space<semaphore_mem>>) {add = true}
      %dma_wait3A_95 = arith.constant 0 : i32
      %dma_wait3A_96 = arith.constant 0 : i32
      %dma_wait3A_97 = tpu.memref_slice %arg3[%dma_wait3A_95, %dma_wait3A_96] : memref<10000x128xf32, #tpu.memory_space<hbm>> -> memref<10000x128xf32, #tpu.memory_space<hbm>>
      tpu.wait_indirect_dma semaphore(%arg31 : memref<!tpu.dma_semaphore, #tpu.memory_space<semaphore_mem>>) src(%dma_wait3A_97 : memref<10000x128xf32, #tpu.memory_space<hbm>>) dst(%arg19 : memref<80x128xf32, #tpu.memory_space<vmem>>)
      %dma_start3A_98 = arith.constant 0 : i32
      %dma_start3A_99 = arith.constant 0 : i32
      %dma_start3A_100 = tpu.memref_slice %arg7[%dma_start3A_98, %dma_start3A_99] : memref<10240x128xf32, #tpu.memory_space<vmem_shared>> -> memref<10240x128xf32, #tpu.memory_space<vmem_shared>>
      tpu.enqueue_indirect_dma source(%arg19 : memref<80x128xf32, #tpu.memory_space<vmem>>) target(%dma_start3A_100 : memref<10240x128xf32, #tpu.memory_space<vmem_shared>>) offsets(%arg15 : memref<80xi32, #tpu.memory_space<vmem>>) semaphore(%arg35 : memref<!tpu.dma_semaphore, #tpu.memory_space<semaphore_mem>>) {add = true}
      %scan3A = arith.constant 0 : i32
      %scan3A_101 = arith.constant 1 : i32
      %scan3A_102 = arith.constant 61 : i32
      %scan3A_103 = arith.addi %scan3A_101, %scan3A_102 : i32
      %scan3A_104 = arith.constant 1 : i32
      scf.for %scan3A_186 = %scan3A_101 to %scan3A_103 step %scan3A_104  : i32 {
        %mul3A_187 = arith.constant 320 : i32
        %mul3A_188 = arith.muli %scan3A_186, %mul3A_187 : i32
        %add3A_189 = arith.addi %mul3A_0, %mul3A_188 : i32
        %dma_wait3A_190 = arith.constant 0 : i32
        %dma_wait3A_191 = arith.constant 0 : i32
        %dma_wait3A_192 = tpu.memref_slice %arg3[%dma_wait3A_190, %dma_wait3A_191] : memref<10000x128xf32, #tpu.memory_space<hbm>> -> memref<80x128xf32, #tpu.memory_space<hbm>>
        %dma_wait3A_193 = arith.constant 0 : i32
        %dma_wait3A_194 = arith.constant 0 : i32
        %dma_wait3A_195 = tpu.memref_slice %arg3[%dma_wait3A_193, %dma_wait3A_194] : memref<10000x128xf32, #tpu.memory_space<hbm>> -> memref<80x128xf32, #tpu.memory_space<hbm>>
        tpu.wait_dma2 semaphore(%arg32 : memref<!tpu.dma_semaphore, #tpu.memory_space<semaphore_mem>>) src(%dma_wait3A_195 : memref<80x128xf32, #tpu.memory_space<hbm>>) dst(%arg16 : memref<80x128xf32, #tpu.memory_space<vmem>>)
        %add3A_196 = arith.constant 0 : i32
        %add3A_197 = arith.addi %add3A_189, %add3A_196 : i32
        %dma_start3A_198 = tpu.memref_slice %arg2[%add3A_197] : memref<640000xi32, #tpu.memory_space<hbm>> -> memref<80xi32, #tpu.memory_space<hbm>>
        %dma_start3A_199 = tpu.memref_slice %arg2[%add3A_197] : memref<640000xi32, #tpu.memory_space<hbm>> -> memref<80xi32, #tpu.memory_space<hbm>>
        tpu.enqueue_dma source(%dma_start3A_199 : memref<80xi32, #tpu.memory_space<hbm>>) target(%arg8 : memref<80xi32, #tpu.memory_space<vmem>>) target_semaphore(%arg20 : memref<!tpu.dma_semaphore, #tpu.memory_space<semaphore_mem>>)
        %add3A_200 = arith.constant 320000 : i32
        %add3A_201 = arith.addi %add3A_200, %add3A_197 : i32
        %dma_start3A_202 = tpu.memref_slice %arg2[%add3A_201] : memref<640000xi32, #tpu.memory_space<hbm>> -> memref<80xi32, #tpu.memory_space<hbm>>
        %dma_start3A_203 = tpu.memref_slice %arg2[%add3A_201] : memref<640000xi32, #tpu.memory_space<hbm>> -> memref<80xi32, #tpu.memory_space<hbm>>
        tpu.enqueue_dma source(%dma_start3A_203 : memref<80xi32, #tpu.memory_space<hbm>>) target(%arg12 : memref<80xi32, #tpu.memory_space<vmem>>) target_semaphore(%arg24 : memref<!tpu.dma_semaphore, #tpu.memory_space<semaphore_mem>>)
        %dma_wait3A_204 = arith.constant 0 : i32
        %dma_wait3A_205 = arith.constant 0 : i32
        %dma_wait3A_206 = tpu.memref_slice %arg3[%dma_wait3A_204, %dma_wait3A_205] : memref<10000x128xf32, #tpu.memory_space<hbm>> -> memref<80x128xf32, #tpu.memory_space<hbm>>
        %dma_wait3A_207 = arith.constant 0 : i32
        %dma_wait3A_208 = arith.constant 0 : i32
        %dma_wait3A_209 = tpu.memref_slice %arg3[%dma_wait3A_207, %dma_wait3A_208] : memref<10000x128xf32, #tpu.memory_space<hbm>> -> memref<80x128xf32, #tpu.memory_space<hbm>>
        tpu.wait_dma2 semaphore(%arg33 : memref<!tpu.dma_semaphore, #tpu.memory_space<semaphore_mem>>) src(%dma_wait3A_209 : memref<80x128xf32, #tpu.memory_space<hbm>>) dst(%arg17 : memref<80x128xf32, #tpu.memory_space<vmem>>)
        %add3A_210 = arith.constant 80 : i32
        %add3A_211 = arith.addi %add3A_189, %add3A_210 : i32
        %dma_start3A_212 = tpu.memref_slice %arg2[%add3A_211] : memref<640000xi32, #tpu.memory_space<hbm>> -> memref<80xi32, #tpu.memory_space<hbm>>
        %dma_start3A_213 = tpu.memref_slice %arg2[%add3A_211] : memref<640000xi32, #tpu.memory_space<hbm>> -> memref<80xi32, #tpu.memory_space<hbm>>
        tpu.enqueue_dma source(%dma_start3A_213 : memref<80xi32, #tpu.memory_space<hbm>>) target(%arg9 : memref<80xi32, #tpu.memory_space<vmem>>) target_semaphore(%arg21 : memref<!tpu.dma_semaphore, #tpu.memory_space<semaphore_mem>>)
        %add3A_214 = arith.constant 320000 : i32
        %add3A_215 = arith.addi %add3A_214, %add3A_211 : i32
        %dma_start3A_216 = tpu.memref_slice %arg2[%add3A_215] : memref<640000xi32, #tpu.memory_space<hbm>> -> memref<80xi32, #tpu.memory_space<hbm>>
        %dma_start3A_217 = tpu.memref_slice %arg2[%add3A_215] : memref<640000xi32, #tpu.memory_space<hbm>> -> memref<80xi32, #tpu.memory_space<hbm>>
        tpu.enqueue_dma source(%dma_start3A_217 : memref<80xi32, #tpu.memory_space<hbm>>) target(%arg13 : memref<80xi32, #tpu.memory_space<vmem>>) target_semaphore(%arg25 : memref<!tpu.dma_semaphore, #tpu.memory_space<semaphore_mem>>)
        %dma_wait3A_218 = arith.constant 0 : i32
        %dma_wait3A_219 = arith.constant 0 : i32
        %dma_wait3A_220 = tpu.memref_slice %arg3[%dma_wait3A_218, %dma_wait3A_219] : memref<10000x128xf32, #tpu.memory_space<hbm>> -> memref<80x128xf32, #tpu.memory_space<hbm>>
        %dma_wait3A_221 = arith.constant 0 : i32
        %dma_wait3A_222 = arith.constant 0 : i32
        %dma_wait3A_223 = tpu.memref_slice %arg3[%dma_wait3A_221, %dma_wait3A_222] : memref<10000x128xf32, #tpu.memory_space<hbm>> -> memref<80x128xf32, #tpu.memory_space<hbm>>
        tpu.wait_dma2 semaphore(%arg34 : memref<!tpu.dma_semaphore, #tpu.memory_space<semaphore_mem>>) src(%dma_wait3A_223 : memref<80x128xf32, #tpu.memory_space<hbm>>) dst(%arg18 : memref<80x128xf32, #tpu.memory_space<vmem>>)
        %add3A_224 = arith.constant 160 : i32
        %add3A_225 = arith.addi %add3A_189, %add3A_224 : i32
        %dma_start3A_226 = tpu.memref_slice %arg2[%add3A_225] : memref<640000xi32, #tpu.memory_space<hbm>> -> memref<80xi32, #tpu.memory_space<hbm>>
        %dma_start3A_227 = tpu.memref_slice %arg2[%add3A_225] : memref<640000xi32, #tpu.memory_space<hbm>> -> memref<80xi32, #tpu.memory_space<hbm>>
        tpu.enqueue_dma source(%dma_start3A_227 : memref<80xi32, #tpu.memory_space<hbm>>) target(%arg10 : memref<80xi32, #tpu.memory_space<vmem>>) target_semaphore(%arg22 : memref<!tpu.dma_semaphore, #tpu.memory_space<semaphore_mem>>)
        %add3A_228 = arith.constant 320000 : i32
        %add3A_229 = arith.addi %add3A_228, %add3A_225 : i32
        %dma_start3A_230 = tpu.memref_slice %arg2[%add3A_229] : memref<640000xi32, #tpu.memory_space<hbm>> -> memref<80xi32, #tpu.memory_space<hbm>>
        %dma_start3A_231 = tpu.memref_slice %arg2[%add3A_229] : memref<640000xi32, #tpu.memory_space<hbm>> -> memref<80xi32, #tpu.memory_space<hbm>>
        tpu.enqueue_dma source(%dma_start3A_231 : memref<80xi32, #tpu.memory_space<hbm>>) target(%arg14 : memref<80xi32, #tpu.memory_space<vmem>>) target_semaphore(%arg26 : memref<!tpu.dma_semaphore, #tpu.memory_space<semaphore_mem>>)
        %dma_wait3A_232 = arith.constant 0 : i32
        %dma_wait3A_233 = arith.constant 0 : i32
        %dma_wait3A_234 = tpu.memref_slice %arg3[%dma_wait3A_232, %dma_wait3A_233] : memref<10000x128xf32, #tpu.memory_space<hbm>> -> memref<80x128xf32, #tpu.memory_space<hbm>>
        %dma_wait3A_235 = arith.constant 0 : i32
        %dma_wait3A_236 = arith.constant 0 : i32
        %dma_wait3A_237 = tpu.memref_slice %arg3[%dma_wait3A_235, %dma_wait3A_236] : memref<10000x128xf32, #tpu.memory_space<hbm>> -> memref<80x128xf32, #tpu.memory_space<hbm>>
        tpu.wait_dma2 semaphore(%arg35 : memref<!tpu.dma_semaphore, #tpu.memory_space<semaphore_mem>>) src(%dma_wait3A_237 : memref<80x128xf32, #tpu.memory_space<hbm>>) dst(%arg19 : memref<80x128xf32, #tpu.memory_space<vmem>>)
        %add3A_238 = arith.constant 240 : i32
        %add3A_239 = arith.addi %add3A_189, %add3A_238 : i32
        %dma_start3A_240 = tpu.memref_slice %arg2[%add3A_239] : memref<640000xi32, #tpu.memory_space<hbm>> -> memref<80xi32, #tpu.memory_space<hbm>>
        %dma_start3A_241 = tpu.memref_slice %arg2[%add3A_239] : memref<640000xi32, #tpu.memory_space<hbm>> -> memref<80xi32, #tpu.memory_space<hbm>>
        tpu.enqueue_dma source(%dma_start3A_241 : memref<80xi32, #tpu.memory_space<hbm>>) target(%arg11 : memref<80xi32, #tpu.memory_space<vmem>>) target_semaphore(%arg23 : memref<!tpu.dma_semaphore, #tpu.memory_space<semaphore_mem>>)
        %add3A_242 = arith.constant 320000 : i32
        %add3A_243 = arith.addi %add3A_242, %add3A_239 : i32
        %dma_start3A_244 = tpu.memref_slice %arg2[%add3A_243] : memref<640000xi32, #tpu.memory_space<hbm>> -> memref<80xi32, #tpu.memory_space<hbm>>
        %dma_start3A_245 = tpu.memref_slice %arg2[%add3A_243] : memref<640000xi32, #tpu.memory_space<hbm>> -> memref<80xi32, #tpu.memory_space<hbm>>
        tpu.enqueue_dma source(%dma_start3A_245 : memref<80xi32, #tpu.memory_space<hbm>>) target(%arg15 : memref<80xi32, #tpu.memory_space<vmem>>) target_semaphore(%arg27 : memref<!tpu.dma_semaphore, #tpu.memory_space<semaphore_mem>>)
        %dma_wait3A_246 = tpu.memref_slice %arg2[%add3A_197] : memref<640000xi32, #tpu.memory_space<hbm>> -> memref<80xi32, #tpu.memory_space<hbm>>
        %dma_wait3A_247 = tpu.memref_slice %arg2[%add3A_197] : memref<640000xi32, #tpu.memory_space<hbm>> -> memref<80xi32, #tpu.memory_space<hbm>>
        tpu.wait_dma2 semaphore(%arg20 : memref<!tpu.dma_semaphore, #tpu.memory_space<semaphore_mem>>) src(%dma_wait3A_247 : memref<80xi32, #tpu.memory_space<hbm>>) dst(%arg8 : memref<80xi32, #tpu.memory_space<vmem>>)
        %dma_wait3A_248 = tpu.memref_slice %arg2[%add3A_201] : memref<640000xi32, #tpu.memory_space<hbm>> -> memref<80xi32, #tpu.memory_space<hbm>>
        %dma_wait3A_249 = tpu.memref_slice %arg2[%add3A_201] : memref<640000xi32, #tpu.memory_space<hbm>> -> memref<80xi32, #tpu.memory_space<hbm>>
        tpu.wait_dma2 semaphore(%arg24 : memref<!tpu.dma_semaphore, #tpu.memory_space<semaphore_mem>>) src(%dma_wait3A_249 : memref<80xi32, #tpu.memory_space<hbm>>) dst(%arg12 : memref<80xi32, #tpu.memory_space<vmem>>)
        %dma_start3A_250 = arith.constant 0 : i32
        %dma_start3A_251 = arith.constant 0 : i32
        %dma_start3A_252 = tpu.memref_slice %arg3[%dma_start3A_250, %dma_start3A_251] : memref<10000x128xf32, #tpu.memory_space<hbm>> -> memref<10000x128xf32, #tpu.memory_space<hbm>>
        tpu.enqueue_indirect_dma source(%dma_start3A_252 : memref<10000x128xf32, #tpu.memory_space<hbm>>) target(%arg16 : memref<80x128xf32, #tpu.memory_space<vmem>>) offsets(%arg8 : memref<80xi32, #tpu.memory_space<vmem>>) semaphore(%arg28 : memref<!tpu.dma_semaphore, #tpu.memory_space<semaphore_mem>>)
        %dma_wait3A_253 = tpu.memref_slice %arg2[%add3A_211] : memref<640000xi32, #tpu.memory_space<hbm>> -> memref<80xi32, #tpu.memory_space<hbm>>
        %dma_wait3A_254 = tpu.memref_slice %arg2[%add3A_211] : memref<640000xi32, #tpu.memory_space<hbm>> -> memref<80xi32, #tpu.memory_space<hbm>>
        tpu.wait_dma2 semaphore(%arg21 : memref<!tpu.dma_semaphore, #tpu.memory_space<semaphore_mem>>) src(%dma_wait3A_254 : memref<80xi32, #tpu.memory_space<hbm>>) dst(%arg9 : memref<80xi32, #tpu.memory_space<vmem>>)
        %dma_wait3A_255 = tpu.memref_slice %arg2[%add3A_215] : memref<640000xi32, #tpu.memory_space<hbm>> -> memref<80xi32, #tpu.memory_space<hbm>>
        %dma_wait3A_256 = tpu.memref_slice %arg2[%add3A_215] : memref<640000xi32, #tpu.memory_space<hbm>> -> memref<80xi32, #tpu.memory_space<hbm>>
        tpu.wait_dma2 semaphore(%arg25 : memref<!tpu.dma_semaphore, #tpu.memory_space<semaphore_mem>>) src(%dma_wait3A_256 : memref<80xi32, #tpu.memory_space<hbm>>) dst(%arg13 : memref<80xi32, #tpu.memory_space<vmem>>)
        %dma_start3A_257 = arith.constant 0 : i32
        %dma_start3A_258 = arith.constant 0 : i32
        %dma_start3A_259 = tpu.memref_slice %arg3[%dma_start3A_257, %dma_start3A_258] : memref<10000x128xf32, #tpu.memory_space<hbm>> -> memref<10000x128xf32, #tpu.memory_space<hbm>>
        tpu.enqueue_indirect_dma source(%dma_start3A_259 : memref<10000x128xf32, #tpu.memory_space<hbm>>) target(%arg17 : memref<80x128xf32, #tpu.memory_space<vmem>>) offsets(%arg9 : memref<80xi32, #tpu.memory_space<vmem>>) semaphore(%arg29 : memref<!tpu.dma_semaphore, #tpu.memory_space<semaphore_mem>>)
        %dma_wait3A_260 = tpu.memref_slice %arg2[%add3A_225] : memref<640000xi32, #tpu.memory_space<hbm>> -> memref<80xi32, #tpu.memory_space<hbm>>
        %dma_wait3A_261 = tpu.memref_slice %arg2[%add3A_225] : memref<640000xi32, #tpu.memory_space<hbm>> -> memref<80xi32, #tpu.memory_space<hbm>>
        tpu.wait_dma2 semaphore(%arg22 : memref<!tpu.dma_semaphore, #tpu.memory_space<semaphore_mem>>) src(%dma_wait3A_261 : memref<80xi32, #tpu.memory_space<hbm>>) dst(%arg10 : memref<80xi32, #tpu.memory_space<vmem>>)
        %dma_wait3A_262 = tpu.memref_slice %arg2[%add3A_229] : memref<640000xi32, #tpu.memory_space<hbm>> -> memref<80xi32, #tpu.memory_space<hbm>>
        %dma_wait3A_263 = tpu.memref_slice %arg2[%add3A_229] : memref<640000xi32, #tpu.memory_space<hbm>> -> memref<80xi32, #tpu.memory_space<hbm>>
        tpu.wait_dma2 semaphore(%arg26 : memref<!tpu.dma_semaphore, #tpu.memory_space<semaphore_mem>>) src(%dma_wait3A_263 : memref<80xi32, #tpu.memory_space<hbm>>) dst(%arg14 : memref<80xi32, #tpu.memory_space<vmem>>)
        %dma_start3A_264 = arith.constant 0 : i32
        %dma_start3A_265 = arith.constant 0 : i32
        %dma_start3A_266 = tpu.memref_slice %arg3[%dma_start3A_264, %dma_start3A_265] : memref<10000x128xf32, #tpu.memory_space<hbm>> -> memref<10000x128xf32, #tpu.memory_space<hbm>>
        tpu.enqueue_indirect_dma source(%dma_start3A_266 : memref<10000x128xf32, #tpu.memory_space<hbm>>) target(%arg18 : memref<80x128xf32, #tpu.memory_space<vmem>>) offsets(%arg10 : memref<80xi32, #tpu.memory_space<vmem>>) semaphore(%arg30 : memref<!tpu.dma_semaphore, #tpu.memory_space<semaphore_mem>>)
        %dma_wait3A_267 = tpu.memref_slice %arg2[%add3A_239] : memref<640000xi32, #tpu.memory_space<hbm>> -> memref<80xi32, #tpu.memory_space<hbm>>
        %dma_wait3A_268 = tpu.memref_slice %arg2[%add3A_239] : memref<640000xi32, #tpu.memory_space<hbm>> -> memref<80xi32, #tpu.memory_space<hbm>>
        tpu.wait_dma2 semaphore(%arg23 : memref<!tpu.dma_semaphore, #tpu.memory_space<semaphore_mem>>) src(%dma_wait3A_268 : memref<80xi32, #tpu.memory_space<hbm>>) dst(%arg11 : memref<80xi32, #tpu.memory_space<vmem>>)
        %dma_wait3A_269 = tpu.memref_slice %arg2[%add3A_243] : memref<640000xi32, #tpu.memory_space<hbm>> -> memref<80xi32, #tpu.memory_space<hbm>>
        %dma_wait3A_270 = tpu.memref_slice %arg2[%add3A_243] : memref<640000xi32, #tpu.memory_space<hbm>> -> memref<80xi32, #tpu.memory_space<hbm>>
        tpu.wait_dma2 semaphore(%arg27 : memref<!tpu.dma_semaphore, #tpu.memory_space<semaphore_mem>>) src(%dma_wait3A_270 : memref<80xi32, #tpu.memory_space<hbm>>) dst(%arg15 : memref<80xi32, #tpu.memory_space<vmem>>)
        %dma_start3A_271 = arith.constant 0 : i32
        %dma_start3A_272 = arith.constant 0 : i32
        %dma_start3A_273 = tpu.memref_slice %arg3[%dma_start3A_271, %dma_start3A_272] : memref<10000x128xf32, #tpu.memory_space<hbm>> -> memref<10000x128xf32, #tpu.memory_space<hbm>>
        tpu.enqueue_indirect_dma source(%dma_start3A_273 : memref<10000x128xf32, #tpu.memory_space<hbm>>) target(%arg19 : memref<80x128xf32, #tpu.memory_space<vmem>>) offsets(%arg11 : memref<80xi32, #tpu.memory_space<vmem>>) semaphore(%arg31 : memref<!tpu.dma_semaphore, #tpu.memory_space<semaphore_mem>>)
        %dma_wait3A_274 = arith.constant 0 : i32
        %dma_wait3A_275 = arith.constant 0 : i32
        %dma_wait3A_276 = tpu.memref_slice %arg3[%dma_wait3A_274, %dma_wait3A_275] : memref<10000x128xf32, #tpu.memory_space<hbm>> -> memref<10000x128xf32, #tpu.memory_space<hbm>>
        tpu.wait_indirect_dma semaphore(%arg28 : memref<!tpu.dma_semaphore, #tpu.memory_space<semaphore_mem>>) src(%dma_wait3A_276 : memref<10000x128xf32, #tpu.memory_space<hbm>>) dst(%arg16 : memref<80x128xf32, #tpu.memory_space<vmem>>)
        %dma_start3A_277 = arith.constant 0 : i32
        %dma_start3A_278 = arith.constant 0 : i32
        %dma_start3A_279 = tpu.memref_slice %arg7[%dma_start3A_277, %dma_start3A_278] : memref<10240x128xf32, #tpu.memory_space<vmem_shared>> -> memref<10240x128xf32, #tpu.memory_space<vmem_shared>>
        tpu.enqueue_indirect_dma source(%arg16 : memref<80x128xf32, #tpu.memory_space<vmem>>) target(%dma_start3A_279 : memref<10240x128xf32, #tpu.memory_space<vmem_shared>>) offsets(%arg12 : memref<80xi32, #tpu.memory_space<vmem>>) semaphore(%arg32 : memref<!tpu.dma_semaphore, #tpu.memory_space<semaphore_mem>>) {add = true}
        %dma_wait3A_280 = arith.constant 0 : i32
        %dma_wait3A_281 = arith.constant 0 : i32
        %dma_wait3A_282 = tpu.memref_slice %arg3[%dma_wait3A_280, %dma_wait3A_281] : memref<10000x128xf32, #tpu.memory_space<hbm>> -> memref<10000x128xf32, #tpu.memory_space<hbm>>
        tpu.wait_indirect_dma semaphore(%arg29 : memref<!tpu.dma_semaphore, #tpu.memory_space<semaphore_mem>>) src(%dma_wait3A_282 : memref<10000x128xf32, #tpu.memory_space<hbm>>) dst(%arg17 : memref<80x128xf32, #tpu.memory_space<vmem>>)
        %dma_start3A_283 = arith.constant 0 : i32
        %dma_start3A_284 = arith.constant 0 : i32
        %dma_start3A_285 = tpu.memref_slice %arg7[%dma_start3A_283, %dma_start3A_284] : memref<10240x128xf32, #tpu.memory_space<vmem_shared>> -> memref<10240x128xf32, #tpu.memory_space<vmem_shared>>
        tpu.enqueue_indirect_dma source(%arg17 : memref<80x128xf32, #tpu.memory_space<vmem>>) target(%dma_start3A_285 : memref<10240x128xf32, #tpu.memory_space<vmem_shared>>) offsets(%arg13 : memref<80xi32, #tpu.memory_space<vmem>>) semaphore(%arg33 : memref<!tpu.dma_semaphore, #tpu.memory_space<semaphore_mem>>) {add = true}
        %dma_wait3A_286 = arith.constant 0 : i32
        %dma_wait3A_287 = arith.constant 0 : i32
        %dma_wait3A_288 = tpu.memref_slice %arg3[%dma_wait3A_286, %dma_wait3A_287] : memref<10000x128xf32, #tpu.memory_space<hbm>> -> memref<10000x128xf32, #tpu.memory_space<hbm>>
        tpu.wait_indirect_dma semaphore(%arg30 : memref<!tpu.dma_semaphore, #tpu.memory_space<semaphore_mem>>) src(%dma_wait3A_288 : memref<10000x128xf32, #tpu.memory_space<hbm>>) dst(%arg18 : memref<80x128xf32, #tpu.memory_space<vmem>>)
        %dma_start3A_289 = arith.constant 0 : i32
        %dma_start3A_290 = arith.constant 0 : i32
        %dma_start3A_291 = tpu.memref_slice %arg7[%dma_start3A_289, %dma_start3A_290] : memref<10240x128xf32, #tpu.memory_space<vmem_shared>> -> memref<10240x128xf32, #tpu.memory_space<vmem_shared>>
        tpu.enqueue_indirect_dma source(%arg18 : memref<80x128xf32, #tpu.memory_space<vmem>>) target(%dma_start3A_291 : memref<10240x128xf32, #tpu.memory_space<vmem_shared>>) offsets(%arg14 : memref<80xi32, #tpu.memory_space<vmem>>) semaphore(%arg34 : memref<!tpu.dma_semaphore, #tpu.memory_space<semaphore_mem>>) {add = true}
        %dma_wait3A_292 = arith.constant 0 : i32
        %dma_wait3A_293 = arith.constant 0 : i32
        %dma_wait3A_294 = tpu.memref_slice %arg3[%dma_wait3A_292, %dma_wait3A_293] : memref<10000x128xf32, #tpu.memory_space<hbm>> -> memref<10000x128xf32, #tpu.memory_space<hbm>>
        tpu.wait_indirect_dma semaphore(%arg31 : memref<!tpu.dma_semaphore, #tpu.memory_space<semaphore_mem>>) src(%dma_wait3A_294 : memref<10000x128xf32, #tpu.memory_space<hbm>>) dst(%arg19 : memref<80x128xf32, #tpu.memory_space<vmem>>)
        %dma_start3A_295 = arith.constant 0 : i32
        %dma_start3A_296 = arith.constant 0 : i32
        %dma_start3A_297 = tpu.memref_slice %arg7[%dma_start3A_295, %dma_start3A_296] : memref<10240x128xf32, #tpu.memory_space<vmem_shared>> -> memref<10240x128xf32, #tpu.memory_space<vmem_shared>>
        tpu.enqueue_indirect_dma source(%arg19 : memref<80x128xf32, #tpu.memory_space<vmem>>) target(%dma_start3A_297 : memref<10240x128xf32, #tpu.memory_space<vmem_shared>>) offsets(%arg15 : memref<80xi32, #tpu.memory_space<vmem>>) semaphore(%arg35 : memref<!tpu.dma_semaphore, #tpu.memory_space<semaphore_mem>>) {add = true}
      }
      %scan3A_105 = arith.constant 61 : i32
      %add3A_106 = arith.constant 19840 : i32
      %add3A_107 = arith.addi %mul3A_0, %add3A_106 : i32
      %dma_wait3A_108 = arith.constant 0 : i32
      %dma_wait3A_109 = arith.constant 0 : i32
      %dma_wait3A_110 = tpu.memref_slice %arg3[%dma_wait3A_108, %dma_wait3A_109] : memref<10000x128xf32, #tpu.memory_space<hbm>> -> memref<80x128xf32, #tpu.memory_space<hbm>>
      %dma_wait3A_111 = arith.constant 0 : i32
      %dma_wait3A_112 = arith.constant 0 : i32
      %dma_wait3A_113 = tpu.memref_slice %arg3[%dma_wait3A_111, %dma_wait3A_112] : memref<10000x128xf32, #tpu.memory_space<hbm>> -> memref<80x128xf32, #tpu.memory_space<hbm>>
      tpu.wait_dma2 semaphore(%arg32 : memref<!tpu.dma_semaphore, #tpu.memory_space<semaphore_mem>>) src(%dma_wait3A_113 : memref<80x128xf32, #tpu.memory_space<hbm>>) dst(%arg16 : memref<80x128xf32, #tpu.memory_space<vmem>>)
      %add3A_114 = arith.constant 0 : i32
      %add3A_115 = arith.addi %add3A_107, %add3A_114 : i32
      %dma_start3A_116 = tpu.memref_slice %arg2[%add3A_115] : memref<640000xi32, #tpu.memory_space<hbm>> -> memref<80xi32, #tpu.memory_space<hbm>>
      %dma_start3A_117 = tpu.memref_slice %arg2[%add3A_115] : memref<640000xi32, #tpu.memory_space<hbm>> -> memref<80xi32, #tpu.memory_space<hbm>>
      tpu.enqueue_dma source(%dma_start3A_117 : memref<80xi32, #tpu.memory_space<hbm>>) target(%arg8 : memref<80xi32, #tpu.memory_space<vmem>>) target_semaphore(%arg20 : memref<!tpu.dma_semaphore, #tpu.memory_space<semaphore_mem>>)
      %add3A_118 = arith.constant 320000 : i32
      %add3A_119 = arith.addi %add3A_118, %add3A_115 : i32
      %dma_start3A_120 = tpu.memref_slice %arg2[%add3A_119] : memref<640000xi32, #tpu.memory_space<hbm>> -> memref<80xi32, #tpu.memory_space<hbm>>
      %dma_start3A_121 = tpu.memref_slice %arg2[%add3A_119] : memref<640000xi32, #tpu.memory_space<hbm>> -> memref<80xi32, #tpu.memory_space<hbm>>
      tpu.enqueue_dma source(%dma_start3A_121 : memref<80xi32, #tpu.memory_space<hbm>>) target(%arg12 : memref<80xi32, #tpu.memory_space<vmem>>) target_semaphore(%arg24 : memref<!tpu.dma_semaphore, #tpu.memory_space<semaphore_mem>>)
      %dma_wait3A_122 = arith.constant 0 : i32
      %dma_wait3A_123 = arith.constant 0 : i32
      %dma_wait3A_124 = tpu.memref_slice %arg3[%dma_wait3A_122, %dma_wait3A_123] : memref<10000x128xf32, #tpu.memory_space<hbm>> -> memref<80x128xf32, #tpu.memory_space<hbm>>
      %dma_wait3A_125 = arith.constant 0 : i32
      %dma_wait3A_126 = arith.constant 0 : i32
      %dma_wait3A_127 = tpu.memref_slice %arg3[%dma_wait3A_125, %dma_wait3A_126] : memref<10000x128xf32, #tpu.memory_space<hbm>> -> memref<80x128xf32, #tpu.memory_space<hbm>>
      tpu.wait_dma2 semaphore(%arg33 : memref<!tpu.dma_semaphore, #tpu.memory_space<semaphore_mem>>) src(%dma_wait3A_127 : memref<80x128xf32, #tpu.memory_space<hbm>>) dst(%arg17 : memref<80x128xf32, #tpu.memory_space<vmem>>)
      %add3A_128 = arith.constant 80 : i32
      %add3A_129 = arith.addi %add3A_107, %add3A_128 : i32
      %dma_start3A_130 = tpu.memref_slice %arg2[%add3A_129] : memref<640000xi32, #tpu.memory_space<hbm>> -> memref<80xi32, #tpu.memory_space<hbm>>
      %dma_start3A_131 = tpu.memref_slice %arg2[%add3A_129] : memref<640000xi32, #tpu.memory_space<hbm>> -> memref<80xi32, #tpu.memory_space<hbm>>
      tpu.enqueue_dma source(%dma_start3A_131 : memref<80xi32, #tpu.memory_space<hbm>>) target(%arg9 : memref<80xi32, #tpu.memory_space<vmem>>) target_semaphore(%arg21 : memref<!tpu.dma_semaphore, #tpu.memory_space<semaphore_mem>>)
      %add3A_132 = arith.constant 320000 : i32
      %add3A_133 = arith.addi %add3A_132, %add3A_129 : i32
      %dma_start3A_134 = tpu.memref_slice %arg2[%add3A_133] : memref<640000xi32, #tpu.memory_space<hbm>> -> memref<80xi32, #tpu.memory_space<hbm>>
      %dma_start3A_135 = tpu.memref_slice %arg2[%add3A_133] : memref<640000xi32, #tpu.memory_space<hbm>> -> memref<80xi32, #tpu.memory_space<hbm>>
      tpu.enqueue_dma source(%dma_start3A_135 : memref<80xi32, #tpu.memory_space<hbm>>) target(%arg13 : memref<80xi32, #tpu.memory_space<vmem>>) target_semaphore(%arg25 : memref<!tpu.dma_semaphore, #tpu.memory_space<semaphore_mem>>)
      %dma_wait3A_136 = tpu.memref_slice %arg2[%add3A_115] : memref<640000xi32, #tpu.memory_space<hbm>> -> memref<80xi32, #tpu.memory_space<hbm>>
      %dma_wait3A_137 = tpu.memref_slice %arg2[%add3A_115] : memref<640000xi32, #tpu.memory_space<hbm>> -> memref<80xi32, #tpu.memory_space<hbm>>
      tpu.wait_dma2 semaphore(%arg20 : memref<!tpu.dma_semaphore, #tpu.memory_space<semaphore_mem>>) src(%dma_wait3A_137 : memref<80xi32, #tpu.memory_space<hbm>>) dst(%arg8 : memref<80xi32, #tpu.memory_space<vmem>>)
      %dma_wait3A_138 = tpu.memref_slice %arg2[%add3A_119] : memref<640000xi32, #tpu.memory_space<hbm>> -> memref<80xi32, #tpu.memory_space<hbm>>
      %dma_wait3A_139 = tpu.memref_slice %arg2[%add3A_119] : memref<640000xi32, #tpu.memory_space<hbm>> -> memref<80xi32, #tpu.memory_space<hbm>>
      tpu.wait_dma2 semaphore(%arg24 : memref<!tpu.dma_semaphore, #tpu.memory_space<semaphore_mem>>) src(%dma_wait3A_139 : memref<80xi32, #tpu.memory_space<hbm>>) dst(%arg12 : memref<80xi32, #tpu.memory_space<vmem>>)
      %dma_start3A_140 = arith.constant 0 : i32
      %dma_start3A_141 = arith.constant 0 : i32
      %dma_start3A_142 = tpu.memref_slice %arg3[%dma_start3A_140, %dma_start3A_141] : memref<10000x128xf32, #tpu.memory_space<hbm>> -> memref<10000x128xf32, #tpu.memory_space<hbm>>
      tpu.enqueue_indirect_dma source(%dma_start3A_142 : memref<10000x128xf32, #tpu.memory_space<hbm>>) target(%arg16 : memref<80x128xf32, #tpu.memory_space<vmem>>) offsets(%arg8 : memref<80xi32, #tpu.memory_space<vmem>>) semaphore(%arg28 : memref<!tpu.dma_semaphore, #tpu.memory_space<semaphore_mem>>)
      %dma_wait3A_143 = tpu.memref_slice %arg2[%add3A_129] : memref<640000xi32, #tpu.memory_space<hbm>> -> memref<80xi32, #tpu.memory_space<hbm>>
      %dma_wait3A_144 = tpu.memref_slice %arg2[%add3A_129] : memref<640000xi32, #tpu.memory_space<hbm>> -> memref<80xi32, #tpu.memory_space<hbm>>
      tpu.wait_dma2 semaphore(%arg21 : memref<!tpu.dma_semaphore, #tpu.memory_space<semaphore_mem>>) src(%dma_wait3A_144 : memref<80xi32, #tpu.memory_space<hbm>>) dst(%arg9 : memref<80xi32, #tpu.memory_space<vmem>>)
      %dma_wait3A_145 = tpu.memref_slice %arg2[%add3A_133] : memref<640000xi32, #tpu.memory_space<hbm>> -> memref<80xi32, #tpu.memory_space<hbm>>
      %dma_wait3A_146 = tpu.memref_slice %arg2[%add3A_133] : memref<640000xi32, #tpu.memory_space<hbm>> -> memref<80xi32, #tpu.memory_space<hbm>>
      tpu.wait_dma2 semaphore(%arg25 : memref<!tpu.dma_semaphore, #tpu.memory_space<semaphore_mem>>) src(%dma_wait3A_146 : memref<80xi32, #tpu.memory_space<hbm>>) dst(%arg13 : memref<80xi32, #tpu.memory_space<vmem>>)
      %dma_start3A_147 = arith.constant 0 : i32
      %dma_start3A_148 = arith.constant 0 : i32
      %dma_start3A_149 = tpu.memref_slice %arg3[%dma_start3A_147, %dma_start3A_148] : memref<10000x128xf32, #tpu.memory_space<hbm>> -> memref<10000x128xf32, #tpu.memory_space<hbm>>
      tpu.enqueue_indirect_dma source(%dma_start3A_149 : memref<10000x128xf32, #tpu.memory_space<hbm>>) target(%arg17 : memref<80x128xf32, #tpu.memory_space<vmem>>) offsets(%arg9 : memref<80xi32, #tpu.memory_space<vmem>>) semaphore(%arg29 : memref<!tpu.dma_semaphore, #tpu.memory_space<semaphore_mem>>)
      %dma_wait3A_150 = arith.constant 0 : i32
      %dma_wait3A_151 = arith.constant 0 : i32
      %dma_wait3A_152 = tpu.memref_slice %arg3[%dma_wait3A_150, %dma_wait3A_151] : memref<10000x128xf32, #tpu.memory_space<hbm>> -> memref<10000x128xf32, #tpu.memory_space<hbm>>
      tpu.wait_indirect_dma semaphore(%arg28 : memref<!tpu.dma_semaphore, #tpu.memory_space<semaphore_mem>>) src(%dma_wait3A_152 : memref<10000x128xf32, #tpu.memory_space<hbm>>) dst(%arg16 : memref<80x128xf32, #tpu.memory_space<vmem>>)
      %dma_start3A_153 = arith.constant 0 : i32
      %dma_start3A_154 = arith.constant 0 : i32
      %dma_start3A_155 = tpu.memref_slice %arg7[%dma_start3A_153, %dma_start3A_154] : memref<10240x128xf32, #tpu.memory_space<vmem_shared>> -> memref<10240x128xf32, #tpu.memory_space<vmem_shared>>
      tpu.enqueue_indirect_dma source(%arg16 : memref<80x128xf32, #tpu.memory_space<vmem>>) target(%dma_start3A_155 : memref<10240x128xf32, #tpu.memory_space<vmem_shared>>) offsets(%arg12 : memref<80xi32, #tpu.memory_space<vmem>>) semaphore(%arg32 : memref<!tpu.dma_semaphore, #tpu.memory_space<semaphore_mem>>) {add = true}
      %dma_wait3A_156 = arith.constant 0 : i32
      %dma_wait3A_157 = arith.constant 0 : i32
      %dma_wait3A_158 = tpu.memref_slice %arg3[%dma_wait3A_156, %dma_wait3A_157] : memref<10000x128xf32, #tpu.memory_space<hbm>> -> memref<10000x128xf32, #tpu.memory_space<hbm>>
      tpu.wait_indirect_dma semaphore(%arg29 : memref<!tpu.dma_semaphore, #tpu.memory_space<semaphore_mem>>) src(%dma_wait3A_158 : memref<10000x128xf32, #tpu.memory_space<hbm>>) dst(%arg17 : memref<80x128xf32, #tpu.memory_space<vmem>>)
      %dma_start3A_159 = arith.constant 0 : i32
      %dma_start3A_160 = arith.constant 0 : i32
      %dma_start3A_161 = tpu.memref_slice %arg7[%dma_start3A_159, %dma_start3A_160] : memref<10240x128xf32, #tpu.memory_space<vmem_shared>> -> memref<10240x128xf32, #tpu.memory_space<vmem_shared>>
      tpu.enqueue_indirect_dma source(%arg17 : memref<80x128xf32, #tpu.memory_space<vmem>>) target(%dma_start3A_161 : memref<10240x128xf32, #tpu.memory_space<vmem_shared>>) offsets(%arg13 : memref<80xi32, #tpu.memory_space<vmem>>) semaphore(%arg33 : memref<!tpu.dma_semaphore, #tpu.memory_space<semaphore_mem>>) {add = true}
      %dma_wait3A_162 = arith.constant 0 : i32
      %dma_wait3A_163 = arith.constant 0 : i32
      %dma_wait3A_164 = tpu.memref_slice %arg3[%dma_wait3A_162, %dma_wait3A_163] : memref<10000x128xf32, #tpu.memory_space<hbm>> -> memref<80x128xf32, #tpu.memory_space<hbm>>
      %dma_wait3A_165 = arith.constant 0 : i32
      %dma_wait3A_166 = arith.constant 0 : i32
      %dma_wait3A_167 = tpu.memref_slice %arg3[%dma_wait3A_165, %dma_wait3A_166] : memref<10000x128xf32, #tpu.memory_space<hbm>> -> memref<80x128xf32, #tpu.memory_space<hbm>>
      tpu.wait_dma2 semaphore(%arg32 : memref<!tpu.dma_semaphore, #tpu.memory_space<semaphore_mem>>) src(%dma_wait3A_167 : memref<80x128xf32, #tpu.memory_space<hbm>>) dst(%arg16 : memref<80x128xf32, #tpu.memory_space<vmem>>)
      %dma_wait3A_168 = arith.constant 0 : i32
      %dma_wait3A_169 = arith.constant 0 : i32
      %dma_wait3A_170 = tpu.memref_slice %arg3[%dma_wait3A_168, %dma_wait3A_169] : memref<10000x128xf32, #tpu.memory_space<hbm>> -> memref<80x128xf32, #tpu.memory_space<hbm>>
      %dma_wait3A_171 = arith.constant 0 : i32
      %dma_wait3A_172 = arith.constant 0 : i32
      %dma_wait3A_173 = tpu.memref_slice %arg3[%dma_wait3A_171, %dma_wait3A_172] : memref<10000x128xf32, #tpu.memory_space<hbm>> -> memref<80x128xf32, #tpu.memory_space<hbm>>
      tpu.wait_dma2 semaphore(%arg33 : memref<!tpu.dma_semaphore, #tpu.memory_space<semaphore_mem>>) src(%dma_wait3A_173 : memref<80x128xf32, #tpu.memory_space<hbm>>) dst(%arg17 : memref<80x128xf32, #tpu.memory_space<vmem>>)
      %dma_wait3A_174 = arith.constant 0 : i32
      %dma_wait3A_175 = arith.constant 0 : i32
      %dma_wait3A_176 = tpu.memref_slice %arg3[%dma_wait3A_174, %dma_wait3A_175] : memref<10000x128xf32, #tpu.memory_space<hbm>> -> memref<80x128xf32, #tpu.memory_space<hbm>>
      %dma_wait3A_177 = arith.constant 0 : i32
      %dma_wait3A_178 = arith.constant 0 : i32
      %dma_wait3A_179 = tpu.memref_slice %arg3[%dma_wait3A_177, %dma_wait3A_178] : memref<10000x128xf32, #tpu.memory_space<hbm>> -> memref<80x128xf32, #tpu.memory_space<hbm>>
      tpu.wait_dma2 semaphore(%arg34 : memref<!tpu.dma_semaphore, #tpu.memory_space<semaphore_mem>>) src(%dma_wait3A_179 : memref<80x128xf32, #tpu.memory_space<hbm>>) dst(%arg18 : memref<80x128xf32, #tpu.memory_space<vmem>>)
      %dma_wait3A_180 = arith.constant 0 : i32
      %dma_wait3A_181 = arith.constant 0 : i32
      %dma_wait3A_182 = tpu.memref_slice %arg3[%dma_wait3A_180, %dma_wait3A_181] : memref<10000x128xf32, #tpu.memory_space<hbm>> -> memref<80x128xf32, #tpu.memory_space<hbm>>
      %dma_wait3A_183 = arith.constant 0 : i32
      %dma_wait3A_184 = arith.constant 0 : i32
      %dma_wait3A_185 = tpu.memref_slice %arg3[%dma_wait3A_183, %dma_wait3A_184] : memref<10000x128xf32, #tpu.memory_space<hbm>> -> memref<80x128xf32, #tpu.memory_space<hbm>>
      tpu.wait_dma2 semaphore(%arg35 : memref<!tpu.dma_semaphore, #tpu.memory_space<semaphore_mem>>) src(%dma_wait3A_185 : memref<80x128xf32, #tpu.memory_space<hbm>>) dst(%arg19 : memref<80x128xf32, #tpu.memory_space<vmem>>)
    } else {
    }
    %eq3A_35 = arith.constant 1 : i32
    %eq3A_36 = arith.cmpi eq, %arg0, %eq3A_35 : i32
    %convert_element_type3A_37 = arith.extui %eq3A_36 : i1 to i32
    %cond3A_38 = arith.constant 0 : i32
    %cond3A_39 = arith.cmpi ne, %convert_element_type3A_37, %cond3A_38 : i32
    scf.if %cond3A_39 {
      %dma_wait3A = tpu.memref_slice %arg2[%add3A_1] : memref<640000xi32, #tpu.memory_space<hbm>> -> memref<80xi32, #tpu.memory_space<hbm>>
      %dma_wait3A_50 = tpu.memref_slice %arg2[%add3A_1] : memref<640000xi32, #tpu.memory_space<hbm>> -> memref<80xi32, #tpu.memory_space<hbm>>
      tpu.wait_dma2 semaphore(%arg20 : memref<!tpu.dma_semaphore, #tpu.memory_space<semaphore_mem>>) src(%dma_wait3A_50 : memref<80xi32, #tpu.memory_space<hbm>>) dst(%arg8 : memref<80xi32, #tpu.memory_space<vmem>>)
      %dma_wait3A_51 = tpu.memref_slice %arg2[%add3A_4] : memref<640000xi32, #tpu.memory_space<hbm>> -> memref<80xi32, #tpu.memory_space<hbm>>
      %dma_wait3A_52 = tpu.memref_slice %arg2[%add3A_4] : memref<640000xi32, #tpu.memory_space<hbm>> -> memref<80xi32, #tpu.memory_space<hbm>>
      tpu.wait_dma2 semaphore(%arg24 : memref<!tpu.dma_semaphore, #tpu.memory_space<semaphore_mem>>) src(%dma_wait3A_52 : memref<80xi32, #tpu.memory_space<hbm>>) dst(%arg12 : memref<80xi32, #tpu.memory_space<vmem>>)
      %dma_start3A_53 = arith.constant 0 : i32
      %dma_start3A_54 = arith.constant 0 : i32
      %dma_start3A_55 = tpu.memref_slice %arg4[%dma_start3A_53, %dma_start3A_54] : memref<10000x128xf32, #tpu.memory_space<hbm>> -> memref<10000x128xf32, #tpu.memory_space<hbm>>
      tpu.enqueue_indirect_dma source(%dma_start3A_55 : memref<10000x128xf32, #tpu.memory_space<hbm>>) target(%arg16 : memref<80x128xf32, #tpu.memory_space<vmem>>) offsets(%arg8 : memref<80xi32, #tpu.memory_space<vmem>>) semaphore(%arg28 : memref<!tpu.dma_semaphore, #tpu.memory_space<semaphore_mem>>)
      %dma_wait3A_56 = tpu.memref_slice %arg2[%add3A_8] : memref<640000xi32, #tpu.memory_space<hbm>> -> memref<80xi32, #tpu.memory_space<hbm>>
      %dma_wait3A_57 = tpu.memref_slice %arg2[%add3A_8] : memref<640000xi32, #tpu.memory_space<hbm>> -> memref<80xi32, #tpu.memory_space<hbm>>
      tpu.wait_dma2 semaphore(%arg21 : memref<!tpu.dma_semaphore, #tpu.memory_space<semaphore_mem>>) src(%dma_wait3A_57 : memref<80xi32, #tpu.memory_space<hbm>>) dst(%arg9 : memref<80xi32, #tpu.memory_space<vmem>>)
      %dma_wait3A_58 = tpu.memref_slice %arg2[%add3A_12] : memref<640000xi32, #tpu.memory_space<hbm>> -> memref<80xi32, #tpu.memory_space<hbm>>
      %dma_wait3A_59 = tpu.memref_slice %arg2[%add3A_12] : memref<640000xi32, #tpu.memory_space<hbm>> -> memref<80xi32, #tpu.memory_space<hbm>>
      tpu.wait_dma2 semaphore(%arg25 : memref<!tpu.dma_semaphore, #tpu.memory_space<semaphore_mem>>) src(%dma_wait3A_59 : memref<80xi32, #tpu.memory_space<hbm>>) dst(%arg13 : memref<80xi32, #tpu.memory_space<vmem>>)
      %dma_start3A_60 = arith.constant 0 : i32
      %dma_start3A_61 = arith.constant 0 : i32
      %dma_start3A_62 = tpu.memref_slice %arg4[%dma_start3A_60, %dma_start3A_61] : memref<10000x128xf32, #tpu.memory_space<hbm>> -> memref<10000x128xf32, #tpu.memory_space<hbm>>
      tpu.enqueue_indirect_dma source(%dma_start3A_62 : memref<10000x128xf32, #tpu.memory_space<hbm>>) target(%arg17 : memref<80x128xf32, #tpu.memory_space<vmem>>) offsets(%arg9 : memref<80xi32, #tpu.memory_space<vmem>>) semaphore(%arg29 : memref<!tpu.dma_semaphore, #tpu.memory_space<semaphore_mem>>)
      %dma_wait3A_63 = tpu.memref_slice %arg2[%add3A_16] : memref<640000xi32, #tpu.memory_space<hbm>> -> memref<80xi32, #tpu.memory_space<hbm>>
      %dma_wait3A_64 = tpu.memref_slice %arg2[%add3A_16] : memref<640000xi32, #tpu.memory_space<hbm>> -> memref<80xi32, #tpu.memory_space<hbm>>
      tpu.wait_dma2 semaphore(%arg22 : memref<!tpu.dma_semaphore, #tpu.memory_space<semaphore_mem>>) src(%dma_wait3A_64 : memref<80xi32, #tpu.memory_space<hbm>>) dst(%arg10 : memref<80xi32, #tpu.memory_space<vmem>>)
      %dma_wait3A_65 = tpu.memref_slice %arg2[%add3A_20] : memref<640000xi32, #tpu.memory_space<hbm>> -> memref<80xi32, #tpu.memory_space<hbm>>
      %dma_wait3A_66 = tpu.memref_slice %arg2[%add3A_20] : memref<640000xi32, #tpu.memory_space<hbm>> -> memref<80xi32, #tpu.memory_space<hbm>>
      tpu.wait_dma2 semaphore(%arg26 : memref<!tpu.dma_semaphore, #tpu.memory_space<semaphore_mem>>) src(%dma_wait3A_66 : memref<80xi32, #tpu.memory_space<hbm>>) dst(%arg14 : memref<80xi32, #tpu.memory_space<vmem>>)
      %dma_start3A_67 = arith.constant 0 : i32
      %dma_start3A_68 = arith.constant 0 : i32
      %dma_start3A_69 = tpu.memref_slice %arg4[%dma_start3A_67, %dma_start3A_68] : memref<10000x128xf32, #tpu.memory_space<hbm>> -> memref<10000x128xf32, #tpu.memory_space<hbm>>
      tpu.enqueue_indirect_dma source(%dma_start3A_69 : memref<10000x128xf32, #tpu.memory_space<hbm>>) target(%arg18 : memref<80x128xf32, #tpu.memory_space<vmem>>) offsets(%arg10 : memref<80xi32, #tpu.memory_space<vmem>>) semaphore(%arg30 : memref<!tpu.dma_semaphore, #tpu.memory_space<semaphore_mem>>)
      %dma_wait3A_70 = tpu.memref_slice %arg2[%add3A_24] : memref<640000xi32, #tpu.memory_space<hbm>> -> memref<80xi32, #tpu.memory_space<hbm>>
      %dma_wait3A_71 = tpu.memref_slice %arg2[%add3A_24] : memref<640000xi32, #tpu.memory_space<hbm>> -> memref<80xi32, #tpu.memory_space<hbm>>
      tpu.wait_dma2 semaphore(%arg23 : memref<!tpu.dma_semaphore, #tpu.memory_space<semaphore_mem>>) src(%dma_wait3A_71 : memref<80xi32, #tpu.memory_space<hbm>>) dst(%arg11 : memref<80xi32, #tpu.memory_space<vmem>>)
      %dma_wait3A_72 = tpu.memref_slice %arg2[%add3A_28] : memref<640000xi32, #tpu.memory_space<hbm>> -> memref<80xi32, #tpu.memory_space<hbm>>
      %dma_wait3A_73 = tpu.memref_slice %arg2[%add3A_28] : memref<640000xi32, #tpu.memory_space<hbm>> -> memref<80xi32, #tpu.memory_space<hbm>>
      tpu.wait_dma2 semaphore(%arg27 : memref<!tpu.dma_semaphore, #tpu.memory_space<semaphore_mem>>) src(%dma_wait3A_73 : memref<80xi32, #tpu.memory_space<hbm>>) dst(%arg15 : memref<80xi32, #tpu.memory_space<vmem>>)
      %dma_start3A_74 = arith.constant 0 : i32
      %dma_start3A_75 = arith.constant 0 : i32
      %dma_start3A_76 = tpu.memref_slice %arg4[%dma_start3A_74, %dma_start3A_75] : memref<10000x128xf32, #tpu.memory_space<hbm>> -> memref<10000x128xf32, #tpu.memory_space<hbm>>
      tpu.enqueue_indirect_dma source(%dma_start3A_76 : memref<10000x128xf32, #tpu.memory_space<hbm>>) target(%arg19 : memref<80x128xf32, #tpu.memory_space<vmem>>) offsets(%arg11 : memref<80xi32, #tpu.memory_space<vmem>>) semaphore(%arg31 : memref<!tpu.dma_semaphore, #tpu.memory_space<semaphore_mem>>)
      %dma_wait3A_77 = arith.constant 0 : i32
      %dma_wait3A_78 = arith.constant 0 : i32
      %dma_wait3A_79 = tpu.memref_slice %arg4[%dma_wait3A_77, %dma_wait3A_78] : memref<10000x128xf32, #tpu.memory_space<hbm>> -> memref<10000x128xf32, #tpu.memory_space<hbm>>
      tpu.wait_indirect_dma semaphore(%arg28 : memref<!tpu.dma_semaphore, #tpu.memory_space<semaphore_mem>>) src(%dma_wait3A_79 : memref<10000x128xf32, #tpu.memory_space<hbm>>) dst(%arg16 : memref<80x128xf32, #tpu.memory_space<vmem>>)
      %dma_start3A_80 = arith.constant 0 : i32
      %dma_start3A_81 = arith.constant 0 : i32
      %dma_start3A_82 = tpu.memref_slice %arg7[%dma_start3A_80, %dma_start3A_81] : memref<10240x128xf32, #tpu.memory_space<vmem_shared>> -> memref<10240x128xf32, #tpu.memory_space<vmem_shared>>
      tpu.enqueue_indirect_dma source(%arg16 : memref<80x128xf32, #tpu.memory_space<vmem>>) target(%dma_start3A_82 : memref<10240x128xf32, #tpu.memory_space<vmem_shared>>) offsets(%arg12 : memref<80xi32, #tpu.memory_space<vmem>>) semaphore(%arg32 : memref<!tpu.dma_semaphore, #tpu.memory_space<semaphore_mem>>) {add = true}
      %dma_wait3A_83 = arith.constant 0 : i32
      %dma_wait3A_84 = arith.constant 0 : i32
      %dma_wait3A_85 = tpu.memref_slice %arg4[%dma_wait3A_83, %dma_wait3A_84] : memref<10000x128xf32, #tpu.memory_space<hbm>> -> memref<10000x128xf32, #tpu.memory_space<hbm>>
      tpu.wait_indirect_dma semaphore(%arg29 : memref<!tpu.dma_semaphore, #tpu.memory_space<semaphore_mem>>) src(%dma_wait3A_85 : memref<10000x128xf32, #tpu.memory_space<hbm>>) dst(%arg17 : memref<80x128xf32, #tpu.memory_space<vmem>>)
      %dma_start3A_86 = arith.constant 0 : i32
      %dma_start3A_87 = arith.constant 0 : i32
      %dma_start3A_88 = tpu.memref_slice %arg7[%dma_start3A_86, %dma_start3A_87] : memref<10240x128xf32, #tpu.memory_space<vmem_shared>> -> memref<10240x128xf32, #tpu.memory_space<vmem_shared>>
      tpu.enqueue_indirect_dma source(%arg17 : memref<80x128xf32, #tpu.memory_space<vmem>>) target(%dma_start3A_88 : memref<10240x128xf32, #tpu.memory_space<vmem_shared>>) offsets(%arg13 : memref<80xi32, #tpu.memory_space<vmem>>) semaphore(%arg33 : memref<!tpu.dma_semaphore, #tpu.memory_space<semaphore_mem>>) {add = true}
      %dma_wait3A_89 = arith.constant 0 : i32
      %dma_wait3A_90 = arith.constant 0 : i32
      %dma_wait3A_91 = tpu.memref_slice %arg4[%dma_wait3A_89, %dma_wait3A_90] : memref<10000x128xf32, #tpu.memory_space<hbm>> -> memref<10000x128xf32, #tpu.memory_space<hbm>>
      tpu.wait_indirect_dma semaphore(%arg30 : memref<!tpu.dma_semaphore, #tpu.memory_space<semaphore_mem>>) src(%dma_wait3A_91 : memref<10000x128xf32, #tpu.memory_space<hbm>>) dst(%arg18 : memref<80x128xf32, #tpu.memory_space<vmem>>)
      %dma_start3A_92 = arith.constant 0 : i32
      %dma_start3A_93 = arith.constant 0 : i32
      %dma_start3A_94 = tpu.memref_slice %arg7[%dma_start3A_92, %dma_start3A_93] : memref<10240x128xf32, #tpu.memory_space<vmem_shared>> -> memref<10240x128xf32, #tpu.memory_space<vmem_shared>>
      tpu.enqueue_indirect_dma source(%arg18 : memref<80x128xf32, #tpu.memory_space<vmem>>) target(%dma_start3A_94 : memref<10240x128xf32, #tpu.memory_space<vmem_shared>>) offsets(%arg14 : memref<80xi32, #tpu.memory_space<vmem>>) semaphore(%arg34 : memref<!tpu.dma_semaphore, #tpu.memory_space<semaphore_mem>>) {add = true}
      %dma_wait3A_95 = arith.constant 0 : i32
      %dma_wait3A_96 = arith.constant 0 : i32
      %dma_wait3A_97 = tpu.memref_slice %arg4[%dma_wait3A_95, %dma_wait3A_96] : memref<10000x128xf32, #tpu.memory_space<hbm>> -> memref<10000x128xf32, #tpu.memory_space<hbm>>
      tpu.wait_indirect_dma semaphore(%arg31 : memref<!tpu.dma_semaphore, #tpu.memory_space<semaphore_mem>>) src(%dma_wait3A_97 : memref<10000x128xf32, #tpu.memory_space<hbm>>) dst(%arg19 : memref<80x128xf32, #tpu.memory_space<vmem>>)
      %dma_start3A_98 = arith.constant 0 : i32
      %dma_start3A_99 = arith.constant 0 : i32
      %dma_start3A_100 = tpu.memref_slice %arg7[%dma_start3A_98, %dma_start3A_99] : memref<10240x128xf32, #tpu.memory_space<vmem_shared>> -> memref<10240x128xf32, #tpu.memory_space<vmem_shared>>
      tpu.enqueue_indirect_dma source(%arg19 : memref<80x128xf32, #tpu.memory_space<vmem>>) target(%dma_start3A_100 : memref<10240x128xf32, #tpu.memory_space<vmem_shared>>) offsets(%arg15 : memref<80xi32, #tpu.memory_space<vmem>>) semaphore(%arg35 : memref<!tpu.dma_semaphore, #tpu.memory_space<semaphore_mem>>) {add = true}
      %scan3A = arith.constant 0 : i32
      %scan3A_101 = arith.constant 1 : i32
      %scan3A_102 = arith.constant 61 : i32
      %scan3A_103 = arith.addi %scan3A_101, %scan3A_102 : i32
      %scan3A_104 = arith.constant 1 : i32
      scf.for %scan3A_186 = %scan3A_101 to %scan3A_103 step %scan3A_104  : i32 {
        %mul3A_187 = arith.constant 320 : i32
        %mul3A_188 = arith.muli %scan3A_186, %mul3A_187 : i32
        %add3A_189 = arith.addi %mul3A_0, %mul3A_188 : i32
        %dma_wait3A_190 = arith.constant 0 : i32
        %dma_wait3A_191 = arith.constant 0 : i32
        %dma_wait3A_192 = tpu.memref_slice %arg4[%dma_wait3A_190, %dma_wait3A_191] : memref<10000x128xf32, #tpu.memory_space<hbm>> -> memref<80x128xf32, #tpu.memory_space<hbm>>
        %dma_wait3A_193 = arith.constant 0 : i32
        %dma_wait3A_194 = arith.constant 0 : i32
        %dma_wait3A_195 = tpu.memref_slice %arg4[%dma_wait3A_193, %dma_wait3A_194] : memref<10000x128xf32, #tpu.memory_space<hbm>> -> memref<80x128xf32, #tpu.memory_space<hbm>>
        tpu.wait_dma2 semaphore(%arg32 : memref<!tpu.dma_semaphore, #tpu.memory_space<semaphore_mem>>) src(%dma_wait3A_195 : memref<80x128xf32, #tpu.memory_space<hbm>>) dst(%arg16 : memref<80x128xf32, #tpu.memory_space<vmem>>)
        %add3A_196 = arith.constant 0 : i32
        %add3A_197 = arith.addi %add3A_189, %add3A_196 : i32
        %dma_start3A_198 = tpu.memref_slice %arg2[%add3A_197] : memref<640000xi32, #tpu.memory_space<hbm>> -> memref<80xi32, #tpu.memory_space<hbm>>
        %dma_start3A_199 = tpu.memref_slice %arg2[%add3A_197] : memref<640000xi32, #tpu.memory_space<hbm>> -> memref<80xi32, #tpu.memory_space<hbm>>
        tpu.enqueue_dma source(%dma_start3A_199 : memref<80xi32, #tpu.memory_space<hbm>>) target(%arg8 : memref<80xi32, #tpu.memory_space<vmem>>) target_semaphore(%arg20 : memref<!tpu.dma_semaphore, #tpu.memory_space<semaphore_mem>>)
        %add3A_200 = arith.constant 320000 : i32
        %add3A_201 = arith.addi %add3A_200, %add3A_197 : i32
        %dma_start3A_202 = tpu.memref_slice %arg2[%add3A_201] : memref<640000xi32, #tpu.memory_space<hbm>> -> memref<80xi32, #tpu.memory_space<hbm>>
        %dma_start3A_203 = tpu.memref_slice %arg2[%add3A_201] : memref<640000xi32, #tpu.memory_space<hbm>> -> memref<80xi32, #tpu.memory_space<hbm>>
        tpu.enqueue_dma source(%dma_start3A_203 : memref<80xi32, #tpu.memory_space<hbm>>) target(%arg12 : memref<80xi32, #tpu.memory_space<vmem>>) target_semaphore(%arg24 : memref<!tpu.dma_semaphore, #tpu.memory_space<semaphore_mem>>)
        %dma_wait3A_204 = arith.constant 0 : i32
        %dma_wait3A_205 = arith.constant 0 : i32
        %dma_wait3A_206 = tpu.memref_slice %arg4[%dma_wait3A_204, %dma_wait3A_205] : memref<10000x128xf32, #tpu.memory_space<hbm>> -> memref<80x128xf32, #tpu.memory_space<hbm>>
        %dma_wait3A_207 = arith.constant 0 : i32
        %dma_wait3A_208 = arith.constant 0 : i32
        %dma_wait3A_209 = tpu.memref_slice %arg4[%dma_wait3A_207, %dma_wait3A_208] : memref<10000x128xf32, #tpu.memory_space<hbm>> -> memref<80x128xf32, #tpu.memory_space<hbm>>
        tpu.wait_dma2 semaphore(%arg33 : memref<!tpu.dma_semaphore, #tpu.memory_space<semaphore_mem>>) src(%dma_wait3A_209 : memref<80x128xf32, #tpu.memory_space<hbm>>) dst(%arg17 : memref<80x128xf32, #tpu.memory_space<vmem>>)
        %add3A_210 = arith.constant 80 : i32
        %add3A_211 = arith.addi %add3A_189, %add3A_210 : i32
        %dma_start3A_212 = tpu.memref_slice %arg2[%add3A_211] : memref<640000xi32, #tpu.memory_space<hbm>> -> memref<80xi32, #tpu.memory_space<hbm>>
        %dma_start3A_213 = tpu.memref_slice %arg2[%add3A_211] : memref<640000xi32, #tpu.memory_space<hbm>> -> memref<80xi32, #tpu.memory_space<hbm>>
        tpu.enqueue_dma source(%dma_start3A_213 : memref<80xi32, #tpu.memory_space<hbm>>) target(%arg9 : memref<80xi32, #tpu.memory_space<vmem>>) target_semaphore(%arg21 : memref<!tpu.dma_semaphore, #tpu.memory_space<semaphore_mem>>)
        %add3A_214 = arith.constant 320000 : i32
        %add3A_215 = arith.addi %add3A_214, %add3A_211 : i32
        %dma_start3A_216 = tpu.memref_slice %arg2[%add3A_215] : memref<640000xi32, #tpu.memory_space<hbm>> -> memref<80xi32, #tpu.memory_space<hbm>>
        %dma_start3A_217 = tpu.memref_slice %arg2[%add3A_215] : memref<640000xi32, #tpu.memory_space<hbm>> -> memref<80xi32, #tpu.memory_space<hbm>>
        tpu.enqueue_dma source(%dma_start3A_217 : memref<80xi32, #tpu.memory_space<hbm>>) target(%arg13 : memref<80xi32, #tpu.memory_space<vmem>>) target_semaphore(%arg25 : memref<!tpu.dma_semaphore, #tpu.memory_space<semaphore_mem>>)
        %dma_wait3A_218 = arith.constant 0 : i32
        %dma_wait3A_219 = arith.constant 0 : i32
        %dma_wait3A_220 = tpu.memref_slice %arg4[%dma_wait3A_218, %dma_wait3A_219] : memref<10000x128xf32, #tpu.memory_space<hbm>> -> memref<80x128xf32, #tpu.memory_space<hbm>>
        %dma_wait3A_221 = arith.constant 0 : i32
        %dma_wait3A_222 = arith.constant 0 : i32
        %dma_wait3A_223 = tpu.memref_slice %arg4[%dma_wait3A_221, %dma_wait3A_222] : memref<10000x128xf32, #tpu.memory_space<hbm>> -> memref<80x128xf32, #tpu.memory_space<hbm>>
        tpu.wait_dma2 semaphore(%arg34 : memref<!tpu.dma_semaphore, #tpu.memory_space<semaphore_mem>>) src(%dma_wait3A_223 : memref<80x128xf32, #tpu.memory_space<hbm>>) dst(%arg18 : memref<80x128xf32, #tpu.memory_space<vmem>>)
        %add3A_224 = arith.constant 160 : i32
        %add3A_225 = arith.addi %add3A_189, %add3A_224 : i32
        %dma_start3A_226 = tpu.memref_slice %arg2[%add3A_225] : memref<640000xi32, #tpu.memory_space<hbm>> -> memref<80xi32, #tpu.memory_space<hbm>>
        %dma_start3A_227 = tpu.memref_slice %arg2[%add3A_225] : memref<640000xi32, #tpu.memory_space<hbm>> -> memref<80xi32, #tpu.memory_space<hbm>>
        tpu.enqueue_dma source(%dma_start3A_227 : memref<80xi32, #tpu.memory_space<hbm>>) target(%arg10 : memref<80xi32, #tpu.memory_space<vmem>>) target_semaphore(%arg22 : memref<!tpu.dma_semaphore, #tpu.memory_space<semaphore_mem>>)
        %add3A_228 = arith.constant 320000 : i32
        %add3A_229 = arith.addi %add3A_228, %add3A_225 : i32
        %dma_start3A_230 = tpu.memref_slice %arg2[%add3A_229] : memref<640000xi32, #tpu.memory_space<hbm>> -> memref<80xi32, #tpu.memory_space<hbm>>
        %dma_start3A_231 = tpu.memref_slice %arg2[%add3A_229] : memref<640000xi32, #tpu.memory_space<hbm>> -> memref<80xi32, #tpu.memory_space<hbm>>
        tpu.enqueue_dma source(%dma_start3A_231 : memref<80xi32, #tpu.memory_space<hbm>>) target(%arg14 : memref<80xi32, #tpu.memory_space<vmem>>) target_semaphore(%arg26 : memref<!tpu.dma_semaphore, #tpu.memory_space<semaphore_mem>>)
        %dma_wait3A_232 = arith.constant 0 : i32
        %dma_wait3A_233 = arith.constant 0 : i32
        %dma_wait3A_234 = tpu.memref_slice %arg4[%dma_wait3A_232, %dma_wait3A_233] : memref<10000x128xf32, #tpu.memory_space<hbm>> -> memref<80x128xf32, #tpu.memory_space<hbm>>
        %dma_wait3A_235 = arith.constant 0 : i32
        %dma_wait3A_236 = arith.constant 0 : i32
        %dma_wait3A_237 = tpu.memref_slice %arg4[%dma_wait3A_235, %dma_wait3A_236] : memref<10000x128xf32, #tpu.memory_space<hbm>> -> memref<80x128xf32, #tpu.memory_space<hbm>>
        tpu.wait_dma2 semaphore(%arg35 : memref<!tpu.dma_semaphore, #tpu.memory_space<semaphore_mem>>) src(%dma_wait3A_237 : memref<80x128xf32, #tpu.memory_space<hbm>>) dst(%arg19 : memref<80x128xf32, #tpu.memory_space<vmem>>)
        %add3A_238 = arith.constant 240 : i32
        %add3A_239 = arith.addi %add3A_189, %add3A_238 : i32
        %dma_start3A_240 = tpu.memref_slice %arg2[%add3A_239] : memref<640000xi32, #tpu.memory_space<hbm>> -> memref<80xi32, #tpu.memory_space<hbm>>
        %dma_start3A_241 = tpu.memref_slice %arg2[%add3A_239] : memref<640000xi32, #tpu.memory_space<hbm>> -> memref<80xi32, #tpu.memory_space<hbm>>
        tpu.enqueue_dma source(%dma_start3A_241 : memref<80xi32, #tpu.memory_space<hbm>>) target(%arg11 : memref<80xi32, #tpu.memory_space<vmem>>) target_semaphore(%arg23 : memref<!tpu.dma_semaphore, #tpu.memory_space<semaphore_mem>>)
        %add3A_242 = arith.constant 320000 : i32
        %add3A_243 = arith.addi %add3A_242, %add3A_239 : i32
        %dma_start3A_244 = tpu.memref_slice %arg2[%add3A_243] : memref<640000xi32, #tpu.memory_space<hbm>> -> memref<80xi32, #tpu.memory_space<hbm>>
        %dma_start3A_245 = tpu.memref_slice %arg2[%add3A_243] : memref<640000xi32, #tpu.memory_space<hbm>> -> memref<80xi32, #tpu.memory_space<hbm>>
        tpu.enqueue_dma source(%dma_start3A_245 : memref<80xi32, #tpu.memory_space<hbm>>) target(%arg15 : memref<80xi32, #tpu.memory_space<vmem>>) target_semaphore(%arg27 : memref<!tpu.dma_semaphore, #tpu.memory_space<semaphore_mem>>)
        %dma_wait3A_246 = tpu.memref_slice %arg2[%add3A_197] : memref<640000xi32, #tpu.memory_space<hbm>> -> memref<80xi32, #tpu.memory_space<hbm>>
        %dma_wait3A_247 = tpu.memref_slice %arg2[%add3A_197] : memref<640000xi32, #tpu.memory_space<hbm>> -> memref<80xi32, #tpu.memory_space<hbm>>
        tpu.wait_dma2 semaphore(%arg20 : memref<!tpu.dma_semaphore, #tpu.memory_space<semaphore_mem>>) src(%dma_wait3A_247 : memref<80xi32, #tpu.memory_space<hbm>>) dst(%arg8 : memref<80xi32, #tpu.memory_space<vmem>>)
        %dma_wait3A_248 = tpu.memref_slice %arg2[%add3A_201] : memref<640000xi32, #tpu.memory_space<hbm>> -> memref<80xi32, #tpu.memory_space<hbm>>
        %dma_wait3A_249 = tpu.memref_slice %arg2[%add3A_201] : memref<640000xi32, #tpu.memory_space<hbm>> -> memref<80xi32, #tpu.memory_space<hbm>>
        tpu.wait_dma2 semaphore(%arg24 : memref<!tpu.dma_semaphore, #tpu.memory_space<semaphore_mem>>) src(%dma_wait3A_249 : memref<80xi32, #tpu.memory_space<hbm>>) dst(%arg12 : memref<80xi32, #tpu.memory_space<vmem>>)
        %dma_start3A_250 = arith.constant 0 : i32
        %dma_start3A_251 = arith.constant 0 : i32
        %dma_start3A_252 = tpu.memref_slice %arg4[%dma_start3A_250, %dma_start3A_251] : memref<10000x128xf32, #tpu.memory_space<hbm>> -> memref<10000x128xf32, #tpu.memory_space<hbm>>
        tpu.enqueue_indirect_dma source(%dma_start3A_252 : memref<10000x128xf32, #tpu.memory_space<hbm>>) target(%arg16 : memref<80x128xf32, #tpu.memory_space<vmem>>) offsets(%arg8 : memref<80xi32, #tpu.memory_space<vmem>>) semaphore(%arg28 : memref<!tpu.dma_semaphore, #tpu.memory_space<semaphore_mem>>)
        %dma_wait3A_253 = tpu.memref_slice %arg2[%add3A_211] : memref<640000xi32, #tpu.memory_space<hbm>> -> memref<80xi32, #tpu.memory_space<hbm>>
        %dma_wait3A_254 = tpu.memref_slice %arg2[%add3A_211] : memref<640000xi32, #tpu.memory_space<hbm>> -> memref<80xi32, #tpu.memory_space<hbm>>
        tpu.wait_dma2 semaphore(%arg21 : memref<!tpu.dma_semaphore, #tpu.memory_space<semaphore_mem>>) src(%dma_wait3A_254 : memref<80xi32, #tpu.memory_space<hbm>>) dst(%arg9 : memref<80xi32, #tpu.memory_space<vmem>>)
        %dma_wait3A_255 = tpu.memref_slice %arg2[%add3A_215] : memref<640000xi32, #tpu.memory_space<hbm>> -> memref<80xi32, #tpu.memory_space<hbm>>
        %dma_wait3A_256 = tpu.memref_slice %arg2[%add3A_215] : memref<640000xi32, #tpu.memory_space<hbm>> -> memref<80xi32, #tpu.memory_space<hbm>>
        tpu.wait_dma2 semaphore(%arg25 : memref<!tpu.dma_semaphore, #tpu.memory_space<semaphore_mem>>) src(%dma_wait3A_256 : memref<80xi32, #tpu.memory_space<hbm>>) dst(%arg13 : memref<80xi32, #tpu.memory_space<vmem>>)
        %dma_start3A_257 = arith.constant 0 : i32
        %dma_start3A_258 = arith.constant 0 : i32
        %dma_start3A_259 = tpu.memref_slice %arg4[%dma_start3A_257, %dma_start3A_258] : memref<10000x128xf32, #tpu.memory_space<hbm>> -> memref<10000x128xf32, #tpu.memory_space<hbm>>
        tpu.enqueue_indirect_dma source(%dma_start3A_259 : memref<10000x128xf32, #tpu.memory_space<hbm>>) target(%arg17 : memref<80x128xf32, #tpu.memory_space<vmem>>) offsets(%arg9 : memref<80xi32, #tpu.memory_space<vmem>>) semaphore(%arg29 : memref<!tpu.dma_semaphore, #tpu.memory_space<semaphore_mem>>)
        %dma_wait3A_260 = tpu.memref_slice %arg2[%add3A_225] : memref<640000xi32, #tpu.memory_space<hbm>> -> memref<80xi32, #tpu.memory_space<hbm>>
        %dma_wait3A_261 = tpu.memref_slice %arg2[%add3A_225] : memref<640000xi32, #tpu.memory_space<hbm>> -> memref<80xi32, #tpu.memory_space<hbm>>
        tpu.wait_dma2 semaphore(%arg22 : memref<!tpu.dma_semaphore, #tpu.memory_space<semaphore_mem>>) src(%dma_wait3A_261 : memref<80xi32, #tpu.memory_space<hbm>>) dst(%arg10 : memref<80xi32, #tpu.memory_space<vmem>>)
        %dma_wait3A_262 = tpu.memref_slice %arg2[%add3A_229] : memref<640000xi32, #tpu.memory_space<hbm>> -> memref<80xi32, #tpu.memory_space<hbm>>
        %dma_wait3A_263 = tpu.memref_slice %arg2[%add3A_229] : memref<640000xi32, #tpu.memory_space<hbm>> -> memref<80xi32, #tpu.memory_space<hbm>>
        tpu.wait_dma2 semaphore(%arg26 : memref<!tpu.dma_semaphore, #tpu.memory_space<semaphore_mem>>) src(%dma_wait3A_263 : memref<80xi32, #tpu.memory_space<hbm>>) dst(%arg14 : memref<80xi32, #tpu.memory_space<vmem>>)
        %dma_start3A_264 = arith.constant 0 : i32
        %dma_start3A_265 = arith.constant 0 : i32
        %dma_start3A_266 = tpu.memref_slice %arg4[%dma_start3A_264, %dma_start3A_265] : memref<10000x128xf32, #tpu.memory_space<hbm>> -> memref<10000x128xf32, #tpu.memory_space<hbm>>
        tpu.enqueue_indirect_dma source(%dma_start3A_266 : memref<10000x128xf32, #tpu.memory_space<hbm>>) target(%arg18 : memref<80x128xf32, #tpu.memory_space<vmem>>) offsets(%arg10 : memref<80xi32, #tpu.memory_space<vmem>>) semaphore(%arg30 : memref<!tpu.dma_semaphore, #tpu.memory_space<semaphore_mem>>)
        %dma_wait3A_267 = tpu.memref_slice %arg2[%add3A_239] : memref<640000xi32, #tpu.memory_space<hbm>> -> memref<80xi32, #tpu.memory_space<hbm>>
        %dma_wait3A_268 = tpu.memref_slice %arg2[%add3A_239] : memref<640000xi32, #tpu.memory_space<hbm>> -> memref<80xi32, #tpu.memory_space<hbm>>
        tpu.wait_dma2 semaphore(%arg23 : memref<!tpu.dma_semaphore, #tpu.memory_space<semaphore_mem>>) src(%dma_wait3A_268 : memref<80xi32, #tpu.memory_space<hbm>>) dst(%arg11 : memref<80xi32, #tpu.memory_space<vmem>>)
        %dma_wait3A_269 = tpu.memref_slice %arg2[%add3A_243] : memref<640000xi32, #tpu.memory_space<hbm>> -> memref<80xi32, #tpu.memory_space<hbm>>
        %dma_wait3A_270 = tpu.memref_slice %arg2[%add3A_243] : memref<640000xi32, #tpu.memory_space<hbm>> -> memref<80xi32, #tpu.memory_space<hbm>>
        tpu.wait_dma2 semaphore(%arg27 : memref<!tpu.dma_semaphore, #tpu.memory_space<semaphore_mem>>) src(%dma_wait3A_270 : memref<80xi32, #tpu.memory_space<hbm>>) dst(%arg15 : memref<80xi32, #tpu.memory_space<vmem>>)
        %dma_start3A_271 = arith.constant 0 : i32
        %dma_start3A_272 = arith.constant 0 : i32
        %dma_start3A_273 = tpu.memref_slice %arg4[%dma_start3A_271, %dma_start3A_272] : memref<10000x128xf32, #tpu.memory_space<hbm>> -> memref<10000x128xf32, #tpu.memory_space<hbm>>
        tpu.enqueue_indirect_dma source(%dma_start3A_273 : memref<10000x128xf32, #tpu.memory_space<hbm>>) target(%arg19 : memref<80x128xf32, #tpu.memory_space<vmem>>) offsets(%arg11 : memref<80xi32, #tpu.memory_space<vmem>>) semaphore(%arg31 : memref<!tpu.dma_semaphore, #tpu.memory_space<semaphore_mem>>)
        %dma_wait3A_274 = arith.constant 0 : i32
        %dma_wait3A_275 = arith.constant 0 : i32
        %dma_wait3A_276 = tpu.memref_slice %arg4[%dma_wait3A_274, %dma_wait3A_275] : memref<10000x128xf32, #tpu.memory_space<hbm>> -> memref<10000x128xf32, #tpu.memory_space<hbm>>
        tpu.wait_indirect_dma semaphore(%arg28 : memref<!tpu.dma_semaphore, #tpu.memory_space<semaphore_mem>>) src(%dma_wait3A_276 : memref<10000x128xf32, #tpu.memory_space<hbm>>) dst(%arg16 : memref<80x128xf32, #tpu.memory_space<vmem>>)
        %dma_start3A_277 = arith.constant 0 : i32
        %dma_start3A_278 = arith.constant 0 : i32
        %dma_start3A_279 = tpu.memref_slice %arg7[%dma_start3A_277, %dma_start3A_278] : memref<10240x128xf32, #tpu.memory_space<vmem_shared>> -> memref<10240x128xf32, #tpu.memory_space<vmem_shared>>
        tpu.enqueue_indirect_dma source(%arg16 : memref<80x128xf32, #tpu.memory_space<vmem>>) target(%dma_start3A_279 : memref<10240x128xf32, #tpu.memory_space<vmem_shared>>) offsets(%arg12 : memref<80xi32, #tpu.memory_space<vmem>>) semaphore(%arg32 : memref<!tpu.dma_semaphore, #tpu.memory_space<semaphore_mem>>) {add = true}
        %dma_wait3A_280 = arith.constant 0 : i32
        %dma_wait3A_281 = arith.constant 0 : i32
        %dma_wait3A_282 = tpu.memref_slice %arg4[%dma_wait3A_280, %dma_wait3A_281] : memref<10000x128xf32, #tpu.memory_space<hbm>> -> memref<10000x128xf32, #tpu.memory_space<hbm>>
        tpu.wait_indirect_dma semaphore(%arg29 : memref<!tpu.dma_semaphore, #tpu.memory_space<semaphore_mem>>) src(%dma_wait3A_282 : memref<10000x128xf32, #tpu.memory_space<hbm>>) dst(%arg17 : memref<80x128xf32, #tpu.memory_space<vmem>>)
        %dma_start3A_283 = arith.constant 0 : i32
        %dma_start3A_284 = arith.constant 0 : i32
        %dma_start3A_285 = tpu.memref_slice %arg7[%dma_start3A_283, %dma_start3A_284] : memref<10240x128xf32, #tpu.memory_space<vmem_shared>> -> memref<10240x128xf32, #tpu.memory_space<vmem_shared>>
        tpu.enqueue_indirect_dma source(%arg17 : memref<80x128xf32, #tpu.memory_space<vmem>>) target(%dma_start3A_285 : memref<10240x128xf32, #tpu.memory_space<vmem_shared>>) offsets(%arg13 : memref<80xi32, #tpu.memory_space<vmem>>) semaphore(%arg33 : memref<!tpu.dma_semaphore, #tpu.memory_space<semaphore_mem>>) {add = true}
        %dma_wait3A_286 = arith.constant 0 : i32
        %dma_wait3A_287 = arith.constant 0 : i32
        %dma_wait3A_288 = tpu.memref_slice %arg4[%dma_wait3A_286, %dma_wait3A_287] : memref<10000x128xf32, #tpu.memory_space<hbm>> -> memref<10000x128xf32, #tpu.memory_space<hbm>>
        tpu.wait_indirect_dma semaphore(%arg30 : memref<!tpu.dma_semaphore, #tpu.memory_space<semaphore_mem>>) src(%dma_wait3A_288 : memref<10000x128xf32, #tpu.memory_space<hbm>>) dst(%arg18 : memref<80x128xf32, #tpu.memory_space<vmem>>)
        %dma_start3A_289 = arith.constant 0 : i32
        %dma_start3A_290 = arith.constant 0 : i32
        %dma_start3A_291 = tpu.memref_slice %arg7[%dma_start3A_289, %dma_start3A_290] : memref<10240x128xf32, #tpu.memory_space<vmem_shared>> -> memref<10240x128xf32, #tpu.memory_space<vmem_shared>>
        tpu.enqueue_indirect_dma source(%arg18 : memref<80x128xf32, #tpu.memory_space<vmem>>) target(%dma_start3A_291 : memref<10240x128xf32, #tpu.memory_space<vmem_shared>>) offsets(%arg14 : memref<80xi32, #tpu.memory_space<vmem>>) semaphore(%arg34 : memref<!tpu.dma_semaphore, #tpu.memory_space<semaphore_mem>>) {add = true}
        %dma_wait3A_292 = arith.constant 0 : i32
        %dma_wait3A_293 = arith.constant 0 : i32
        %dma_wait3A_294 = tpu.memref_slice %arg4[%dma_wait3A_292, %dma_wait3A_293] : memref<10000x128xf32, #tpu.memory_space<hbm>> -> memref<10000x128xf32, #tpu.memory_space<hbm>>
        tpu.wait_indirect_dma semaphore(%arg31 : memref<!tpu.dma_semaphore, #tpu.memory_space<semaphore_mem>>) src(%dma_wait3A_294 : memref<10000x128xf32, #tpu.memory_space<hbm>>) dst(%arg19 : memref<80x128xf32, #tpu.memory_space<vmem>>)
        %dma_start3A_295 = arith.constant 0 : i32
        %dma_start3A_296 = arith.constant 0 : i32
        %dma_start3A_297 = tpu.memref_slice %arg7[%dma_start3A_295, %dma_start3A_296] : memref<10240x128xf32, #tpu.memory_space<vmem_shared>> -> memref<10240x128xf32, #tpu.memory_space<vmem_shared>>
        tpu.enqueue_indirect_dma source(%arg19 : memref<80x128xf32, #tpu.memory_space<vmem>>) target(%dma_start3A_297 : memref<10240x128xf32, #tpu.memory_space<vmem_shared>>) offsets(%arg15 : memref<80xi32, #tpu.memory_space<vmem>>) semaphore(%arg35 : memref<!tpu.dma_semaphore, #tpu.memory_space<semaphore_mem>>) {add = true}
      }
      %scan3A_105 = arith.constant 61 : i32
      %add3A_106 = arith.constant 19840 : i32
      %add3A_107 = arith.addi %mul3A_0, %add3A_106 : i32
      %dma_wait3A_108 = arith.constant 0 : i32
      %dma_wait3A_109 = arith.constant 0 : i32
      %dma_wait3A_110 = tpu.memref_slice %arg4[%dma_wait3A_108, %dma_wait3A_109] : memref<10000x128xf32, #tpu.memory_space<hbm>> -> memref<80x128xf32, #tpu.memory_space<hbm>>
      %dma_wait3A_111 = arith.constant 0 : i32
      %dma_wait3A_112 = arith.constant 0 : i32
      %dma_wait3A_113 = tpu.memref_slice %arg4[%dma_wait3A_111, %dma_wait3A_112] : memref<10000x128xf32, #tpu.memory_space<hbm>> -> memref<80x128xf32, #tpu.memory_space<hbm>>
      tpu.wait_dma2 semaphore(%arg32 : memref<!tpu.dma_semaphore, #tpu.memory_space<semaphore_mem>>) src(%dma_wait3A_113 : memref<80x128xf32, #tpu.memory_space<hbm>>) dst(%arg16 : memref<80x128xf32, #tpu.memory_space<vmem>>)
      %add3A_114 = arith.constant 0 : i32
      %add3A_115 = arith.addi %add3A_107, %add3A_114 : i32
      %dma_start3A_116 = tpu.memref_slice %arg2[%add3A_115] : memref<640000xi32, #tpu.memory_space<hbm>> -> memref<80xi32, #tpu.memory_space<hbm>>
      %dma_start3A_117 = tpu.memref_slice %arg2[%add3A_115] : memref<640000xi32, #tpu.memory_space<hbm>> -> memref<80xi32, #tpu.memory_space<hbm>>
      tpu.enqueue_dma source(%dma_start3A_117 : memref<80xi32, #tpu.memory_space<hbm>>) target(%arg8 : memref<80xi32, #tpu.memory_space<vmem>>) target_semaphore(%arg20 : memref<!tpu.dma_semaphore, #tpu.memory_space<semaphore_mem>>)
      %add3A_118 = arith.constant 320000 : i32
      %add3A_119 = arith.addi %add3A_118, %add3A_115 : i32
      %dma_start3A_120 = tpu.memref_slice %arg2[%add3A_119] : memref<640000xi32, #tpu.memory_space<hbm>> -> memref<80xi32, #tpu.memory_space<hbm>>
      %dma_start3A_121 = tpu.memref_slice %arg2[%add3A_119] : memref<640000xi32, #tpu.memory_space<hbm>> -> memref<80xi32, #tpu.memory_space<hbm>>
      tpu.enqueue_dma source(%dma_start3A_121 : memref<80xi32, #tpu.memory_space<hbm>>) target(%arg12 : memref<80xi32, #tpu.memory_space<vmem>>) target_semaphore(%arg24 : memref<!tpu.dma_semaphore, #tpu.memory_space<semaphore_mem>>)
      %dma_wait3A_122 = arith.constant 0 : i32
      %dma_wait3A_123 = arith.constant 0 : i32
      %dma_wait3A_124 = tpu.memref_slice %arg4[%dma_wait3A_122, %dma_wait3A_123] : memref<10000x128xf32, #tpu.memory_space<hbm>> -> memref<80x128xf32, #tpu.memory_space<hbm>>
      %dma_wait3A_125 = arith.constant 0 : i32
      %dma_wait3A_126 = arith.constant 0 : i32
      %dma_wait3A_127 = tpu.memref_slice %arg4[%dma_wait3A_125, %dma_wait3A_126] : memref<10000x128xf32, #tpu.memory_space<hbm>> -> memref<80x128xf32, #tpu.memory_space<hbm>>
      tpu.wait_dma2 semaphore(%arg33 : memref<!tpu.dma_semaphore, #tpu.memory_space<semaphore_mem>>) src(%dma_wait3A_127 : memref<80x128xf32, #tpu.memory_space<hbm>>) dst(%arg17 : memref<80x128xf32, #tpu.memory_space<vmem>>)
      %add3A_128 = arith.constant 80 : i32
      %add3A_129 = arith.addi %add3A_107, %add3A_128 : i32
      %dma_start3A_130 = tpu.memref_slice %arg2[%add3A_129] : memref<640000xi32, #tpu.memory_space<hbm>> -> memref<80xi32, #tpu.memory_space<hbm>>
      %dma_start3A_131 = tpu.memref_slice %arg2[%add3A_129] : memref<640000xi32, #tpu.memory_space<hbm>> -> memref<80xi32, #tpu.memory_space<hbm>>
      tpu.enqueue_dma source(%dma_start3A_131 : memref<80xi32, #tpu.memory_space<hbm>>) target(%arg9 : memref<80xi32, #tpu.memory_space<vmem>>) target_semaphore(%arg21 : memref<!tpu.dma_semaphore, #tpu.memory_space<semaphore_mem>>)
      %add3A_132 = arith.constant 320000 : i32
      %add3A_133 = arith.addi %add3A_132, %add3A_129 : i32
      %dma_start3A_134 = tpu.memref_slice %arg2[%add3A_133] : memref<640000xi32, #tpu.memory_space<hbm>> -> memref<80xi32, #tpu.memory_space<hbm>>
      %dma_start3A_135 = tpu.memref_slice %arg2[%add3A_133] : memref<640000xi32, #tpu.memory_space<hbm>> -> memref<80xi32, #tpu.memory_space<hbm>>
      tpu.enqueue_dma source(%dma_start3A_135 : memref<80xi32, #tpu.memory_space<hbm>>) target(%arg13 : memref<80xi32, #tpu.memory_space<vmem>>) target_semaphore(%arg25 : memref<!tpu.dma_semaphore, #tpu.memory_space<semaphore_mem>>)
      %dma_wait3A_136 = tpu.memref_slice %arg2[%add3A_115] : memref<640000xi32, #tpu.memory_space<hbm>> -> memref<80xi32, #tpu.memory_space<hbm>>
      %dma_wait3A_137 = tpu.memref_slice %arg2[%add3A_115] : memref<640000xi32, #tpu.memory_space<hbm>> -> memref<80xi32, #tpu.memory_space<hbm>>
      tpu.wait_dma2 semaphore(%arg20 : memref<!tpu.dma_semaphore, #tpu.memory_space<semaphore_mem>>) src(%dma_wait3A_137 : memref<80xi32, #tpu.memory_space<hbm>>) dst(%arg8 : memref<80xi32, #tpu.memory_space<vmem>>)
      %dma_wait3A_138 = tpu.memref_slice %arg2[%add3A_119] : memref<640000xi32, #tpu.memory_space<hbm>> -> memref<80xi32, #tpu.memory_space<hbm>>
      %dma_wait3A_139 = tpu.memref_slice %arg2[%add3A_119] : memref<640000xi32, #tpu.memory_space<hbm>> -> memref<80xi32, #tpu.memory_space<hbm>>
      tpu.wait_dma2 semaphore(%arg24 : memref<!tpu.dma_semaphore, #tpu.memory_space<semaphore_mem>>) src(%dma_wait3A_139 : memref<80xi32, #tpu.memory_space<hbm>>) dst(%arg12 : memref<80xi32, #tpu.memory_space<vmem>>)
      %dma_start3A_140 = arith.constant 0 : i32
      %dma_start3A_141 = arith.constant 0 : i32
      %dma_start3A_142 = tpu.memref_slice %arg4[%dma_start3A_140, %dma_start3A_141] : memref<10000x128xf32, #tpu.memory_space<hbm>> -> memref<10000x128xf32, #tpu.memory_space<hbm>>
      tpu.enqueue_indirect_dma source(%dma_start3A_142 : memref<10000x128xf32, #tpu.memory_space<hbm>>) target(%arg16 : memref<80x128xf32, #tpu.memory_space<vmem>>) offsets(%arg8 : memref<80xi32, #tpu.memory_space<vmem>>) semaphore(%arg28 : memref<!tpu.dma_semaphore, #tpu.memory_space<semaphore_mem>>)
      %dma_wait3A_143 = tpu.memref_slice %arg2[%add3A_129] : memref<640000xi32, #tpu.memory_space<hbm>> -> memref<80xi32, #tpu.memory_space<hbm>>
      %dma_wait3A_144 = tpu.memref_slice %arg2[%add3A_129] : memref<640000xi32, #tpu.memory_space<hbm>> -> memref<80xi32, #tpu.memory_space<hbm>>
      tpu.wait_dma2 semaphore(%arg21 : memref<!tpu.dma_semaphore, #tpu.memory_space<semaphore_mem>>) src(%dma_wait3A_144 : memref<80xi32, #tpu.memory_space<hbm>>) dst(%arg9 : memref<80xi32, #tpu.memory_space<vmem>>)
      %dma_wait3A_145 = tpu.memref_slice %arg2[%add3A_133] : memref<640000xi32, #tpu.memory_space<hbm>> -> memref<80xi32, #tpu.memory_space<hbm>>
      %dma_wait3A_146 = tpu.memref_slice %arg2[%add3A_133] : memref<640000xi32, #tpu.memory_space<hbm>> -> memref<80xi32, #tpu.memory_space<hbm>>
      tpu.wait_dma2 semaphore(%arg25 : memref<!tpu.dma_semaphore, #tpu.memory_space<semaphore_mem>>) src(%dma_wait3A_146 : memref<80xi32, #tpu.memory_space<hbm>>) dst(%arg13 : memref<80xi32, #tpu.memory_space<vmem>>)
      %dma_start3A_147 = arith.constant 0 : i32
      %dma_start3A_148 = arith.constant 0 : i32
      %dma_start3A_149 = tpu.memref_slice %arg4[%dma_start3A_147, %dma_start3A_148] : memref<10000x128xf32, #tpu.memory_space<hbm>> -> memref<10000x128xf32, #tpu.memory_space<hbm>>
      tpu.enqueue_indirect_dma source(%dma_start3A_149 : memref<10000x128xf32, #tpu.memory_space<hbm>>) target(%arg17 : memref<80x128xf32, #tpu.memory_space<vmem>>) offsets(%arg9 : memref<80xi32, #tpu.memory_space<vmem>>) semaphore(%arg29 : memref<!tpu.dma_semaphore, #tpu.memory_space<semaphore_mem>>)
      %dma_wait3A_150 = arith.constant 0 : i32
      %dma_wait3A_151 = arith.constant 0 : i32
      %dma_wait3A_152 = tpu.memref_slice %arg4[%dma_wait3A_150, %dma_wait3A_151] : memref<10000x128xf32, #tpu.memory_space<hbm>> -> memref<10000x128xf32, #tpu.memory_space<hbm>>
      tpu.wait_indirect_dma semaphore(%arg28 : memref<!tpu.dma_semaphore, #tpu.memory_space<semaphore_mem>>) src(%dma_wait3A_152 : memref<10000x128xf32, #tpu.memory_space<hbm>>) dst(%arg16 : memref<80x128xf32, #tpu.memory_space<vmem>>)
      %dma_start3A_153 = arith.constant 0 : i32
      %dma_start3A_154 = arith.constant 0 : i32
      %dma_start3A_155 = tpu.memref_slice %arg7[%dma_start3A_153, %dma_start3A_154] : memref<10240x128xf32, #tpu.memory_space<vmem_shared>> -> memref<10240x128xf32, #tpu.memory_space<vmem_shared>>
      tpu.enqueue_indirect_dma source(%arg16 : memref<80x128xf32, #tpu.memory_space<vmem>>) target(%dma_start3A_155 : memref<10240x128xf32, #tpu.memory_space<vmem_shared>>) offsets(%arg12 : memref<80xi32, #tpu.memory_space<vmem>>) semaphore(%arg32 : memref<!tpu.dma_semaphore, #tpu.memory_space<semaphore_mem>>) {add = true}
      %dma_wait3A_156 = arith.constant 0 : i32
      %dma_wait3A_157 = arith.constant 0 : i32
      %dma_wait3A_158 = tpu.memref_slice %arg4[%dma_wait3A_156, %dma_wait3A_157] : memref<10000x128xf32, #tpu.memory_space<hbm>> -> memref<10000x128xf32, #tpu.memory_space<hbm>>
      tpu.wait_indirect_dma semaphore(%arg29 : memref<!tpu.dma_semaphore, #tpu.memory_space<semaphore_mem>>) src(%dma_wait3A_158 : memref<10000x128xf32, #tpu.memory_space<hbm>>) dst(%arg17 : memref<80x128xf32, #tpu.memory_space<vmem>>)
      %dma_start3A_159 = arith.constant 0 : i32
      %dma_start3A_160 = arith.constant 0 : i32
      %dma_start3A_161 = tpu.memref_slice %arg7[%dma_start3A_159, %dma_start3A_160] : memref<10240x128xf32, #tpu.memory_space<vmem_shared>> -> memref<10240x128xf32, #tpu.memory_space<vmem_shared>>
      tpu.enqueue_indirect_dma source(%arg17 : memref<80x128xf32, #tpu.memory_space<vmem>>) target(%dma_start3A_161 : memref<10240x128xf32, #tpu.memory_space<vmem_shared>>) offsets(%arg13 : memref<80xi32, #tpu.memory_space<vmem>>) semaphore(%arg33 : memref<!tpu.dma_semaphore, #tpu.memory_space<semaphore_mem>>) {add = true}
      %dma_wait3A_162 = arith.constant 0 : i32
      %dma_wait3A_163 = arith.constant 0 : i32
      %dma_wait3A_164 = tpu.memref_slice %arg4[%dma_wait3A_162, %dma_wait3A_163] : memref<10000x128xf32, #tpu.memory_space<hbm>> -> memref<80x128xf32, #tpu.memory_space<hbm>>
      %dma_wait3A_165 = arith.constant 0 : i32
      %dma_wait3A_166 = arith.constant 0 : i32
      %dma_wait3A_167 = tpu.memref_slice %arg4[%dma_wait3A_165, %dma_wait3A_166] : memref<10000x128xf32, #tpu.memory_space<hbm>> -> memref<80x128xf32, #tpu.memory_space<hbm>>
      tpu.wait_dma2 semaphore(%arg32 : memref<!tpu.dma_semaphore, #tpu.memory_space<semaphore_mem>>) src(%dma_wait3A_167 : memref<80x128xf32, #tpu.memory_space<hbm>>) dst(%arg16 : memref<80x128xf32, #tpu.memory_space<vmem>>)
      %dma_wait3A_168 = arith.constant 0 : i32
      %dma_wait3A_169 = arith.constant 0 : i32
      %dma_wait3A_170 = tpu.memref_slice %arg4[%dma_wait3A_168, %dma_wait3A_169] : memref<10000x128xf32, #tpu.memory_space<hbm>> -> memref<80x128xf32, #tpu.memory_space<hbm>>
      %dma_wait3A_171 = arith.constant 0 : i32
      %dma_wait3A_172 = arith.constant 0 : i32
      %dma_wait3A_173 = tpu.memref_slice %arg4[%dma_wait3A_171, %dma_wait3A_172] : memref<10000x128xf32, #tpu.memory_space<hbm>> -> memref<80x128xf32, #tpu.memory_space<hbm>>
      tpu.wait_dma2 semaphore(%arg33 : memref<!tpu.dma_semaphore, #tpu.memory_space<semaphore_mem>>) src(%dma_wait3A_173 : memref<80x128xf32, #tpu.memory_space<hbm>>) dst(%arg17 : memref<80x128xf32, #tpu.memory_space<vmem>>)
      %dma_wait3A_174 = arith.constant 0 : i32
      %dma_wait3A_175 = arith.constant 0 : i32
      %dma_wait3A_176 = tpu.memref_slice %arg4[%dma_wait3A_174, %dma_wait3A_175] : memref<10000x128xf32, #tpu.memory_space<hbm>> -> memref<80x128xf32, #tpu.memory_space<hbm>>
      %dma_wait3A_177 = arith.constant 0 : i32
      %dma_wait3A_178 = arith.constant 0 : i32
      %dma_wait3A_179 = tpu.memref_slice %arg4[%dma_wait3A_177, %dma_wait3A_178] : memref<10000x128xf32, #tpu.memory_space<hbm>> -> memref<80x128xf32, #tpu.memory_space<hbm>>
      tpu.wait_dma2 semaphore(%arg34 : memref<!tpu.dma_semaphore, #tpu.memory_space<semaphore_mem>>) src(%dma_wait3A_179 : memref<80x128xf32, #tpu.memory_space<hbm>>) dst(%arg18 : memref<80x128xf32, #tpu.memory_space<vmem>>)
      %dma_wait3A_180 = arith.constant 0 : i32
      %dma_wait3A_181 = arith.constant 0 : i32
      %dma_wait3A_182 = tpu.memref_slice %arg4[%dma_wait3A_180, %dma_wait3A_181] : memref<10000x128xf32, #tpu.memory_space<hbm>> -> memref<80x128xf32, #tpu.memory_space<hbm>>
      %dma_wait3A_183 = arith.constant 0 : i32
      %dma_wait3A_184 = arith.constant 0 : i32
      %dma_wait3A_185 = tpu.memref_slice %arg4[%dma_wait3A_183, %dma_wait3A_184] : memref<10000x128xf32, #tpu.memory_space<hbm>> -> memref<80x128xf32, #tpu.memory_space<hbm>>
      tpu.wait_dma2 semaphore(%arg35 : memref<!tpu.dma_semaphore, #tpu.memory_space<semaphore_mem>>) src(%dma_wait3A_185 : memref<80x128xf32, #tpu.memory_space<hbm>>) dst(%arg19 : memref<80x128xf32, #tpu.memory_space<vmem>>)
    } else {
    }
    %barrier3A_40 = arith.constant 0 : index
    tpu.barrier barrier_id(%barrier3A_40)
    %lt3A = arith.constant 15 : i32
    %lt3A_41 = arith.cmpi slt, %arg1, %lt3A : i32
    %convert_element_type3A_42 = arith.extui %lt3A_41 : i1 to i32
    %cond3A_43 = arith.constant 0 : i32
    %cond3A_44 = arith.cmpi ne, %convert_element_type3A_42, %cond3A_43 : i32
    scf.if %cond3A_44 {
      %mul3A_50 = arith.constant 640 : i32
      %mul3A_51 = arith.muli %arg1, %mul3A_50 : i32
      "tpu.region"() ({
        %run_scoped3A = tpu.sem_alloc : memref<!tpu.dma_semaphore, #tpu.memory_space<semaphore_mem>>
        %dma_start3A_52 = arith.constant 0 : i32
        %dma_start3A_53 = tpu.memref_slice %arg6[%arg0, %mul3A_51, %dma_start3A_52] : memref<2x10000x128xf32, #tpu.memory_space<hbm>> -> memref<1x640x128xf32, #tpu.memory_space<hbm>>
        %dma_start3A_54 = tpu.memref_squeeze %dma_start3A_53 : memref<1x640x128xf32, #tpu.memory_space<hbm>> -> memref<640x128xf32, #tpu.memory_space<hbm>>
        %dma_start3A_55 = arith.constant 0 : i32
        %dma_start3A_56 = tpu.memref_slice %arg7[%mul3A_51, %dma_start3A_55] : memref<10240x128xf32, #tpu.memory_space<vmem_shared>> -> memref<640x128xf32, #tpu.memory_space<vmem_shared>>
        tpu.enqueue_dma source(%dma_start3A_56 : memref<640x128xf32, #tpu.memory_space<vmem_shared>>) target(%dma_start3A_54 : memref<640x128xf32, #tpu.memory_space<hbm>>) target_semaphore(%run_scoped3A : memref<!tpu.dma_semaphore, #tpu.memory_space<semaphore_mem>>)
        %dma_wait3A = arith.constant 0 : i32
        %dma_wait3A_57 = tpu.memref_slice %arg6[%arg0, %mul3A_51, %dma_wait3A] : memref<2x10000x128xf32, #tpu.memory_space<hbm>> -> memref<1x640x128xf32, #tpu.memory_space<hbm>>
        %dma_wait3A_58 = tpu.memref_squeeze %dma_wait3A_57 : memref<1x640x128xf32, #tpu.memory_space<hbm>> -> memref<640x128xf32, #tpu.memory_space<hbm>>
        %dma_wait3A_59 = arith.constant 0 : i32
        %dma_wait3A_60 = tpu.memref_slice %arg7[%mul3A_51, %dma_wait3A_59] : memref<10240x128xf32, #tpu.memory_space<vmem_shared>> -> memref<640x128xf32, #tpu.memory_space<vmem_shared>>
        tpu.wait_dma2 semaphore(%run_scoped3A : memref<!tpu.dma_semaphore, #tpu.memory_space<semaphore_mem>>) src(%dma_wait3A_60 : memref<640x128xf32, #tpu.memory_space<vmem_shared>>) dst(%dma_wait3A_58 : memref<640x128xf32, #tpu.memory_space<hbm>>)
        tpu.yield
      }) : () -> ()
    } else {
    }
    %eq3A_45 = arith.constant 15 : i32
    %eq3A_46 = arith.cmpi eq, %arg1, %eq3A_45 : i32
    %convert_element_type3A_47 = arith.extui %eq3A_46 : i1 to i32
    %cond3A_48 = arith.constant 0 : i32
    %cond3A_49 = arith.cmpi ne, %convert_element_type3A_47, %cond3A_48 : i32
    scf.if %cond3A_49 {
      "tpu.region"() ({
        %run_scoped3A = tpu.sem_alloc : memref<!tpu.dma_semaphore, #tpu.memory_space<semaphore_mem>>
        %dma_start3A_50 = arith.constant 9600 : i32
        %dma_start3A_51 = arith.constant 0 : i32
        %dma_start3A_52 = tpu.memref_slice %arg6[%arg0, %dma_start3A_50, %dma_start3A_51] : memref<2x10000x128xf32, #tpu.memory_space<hbm>> -> memref<1x400x128xf32, #tpu.memory_space<hbm>>
        %dma_start3A_53 = tpu.memref_squeeze %dma_start3A_52 : memref<1x400x128xf32, #tpu.memory_space<hbm>> -> memref<400x128xf32, #tpu.memory_space<hbm>>
        %dma_start3A_54 = arith.constant 9600 : i32
        %dma_start3A_55 = arith.constant 0 : i32
        %dma_start3A_56 = tpu.memref_slice %arg7[%dma_start3A_54, %dma_start3A_55] : memref<10240x128xf32, #tpu.memory_space<vmem_shared>> -> memref<400x128xf32, #tpu.memory_space<vmem_shared>>
        tpu.enqueue_dma source(%dma_start3A_56 : memref<400x128xf32, #tpu.memory_space<vmem_shared>>) target(%dma_start3A_53 : memref<400x128xf32, #tpu.memory_space<hbm>>) target_semaphore(%run_scoped3A : memref<!tpu.dma_semaphore, #tpu.memory_space<semaphore_mem>>)
        %dma_wait3A = arith.constant 9600 : i32
        %dma_wait3A_57 = arith.constant 0 : i32
        %dma_wait3A_58 = tpu.memref_slice %arg6[%arg0, %dma_wait3A, %dma_wait3A_57] : memref<2x10000x128xf32, #tpu.memory_space<hbm>> -> memref<1x400x128xf32, #tpu.memory_space<hbm>>
        %dma_wait3A_59 = tpu.memref_squeeze %dma_wait3A_58 : memref<1x400x128xf32, #tpu.memory_space<hbm>> -> memref<400x128xf32, #tpu.memory_space<hbm>>
        %dma_wait3A_60 = arith.constant 9600 : i32
        %dma_wait3A_61 = arith.constant 0 : i32
        %dma_wait3A_62 = tpu.memref_slice %arg7[%dma_wait3A_60, %dma_wait3A_61] : memref<10240x128xf32, #tpu.memory_space<vmem_shared>> -> memref<400x128xf32, #tpu.memory_space<vmem_shared>>
        tpu.wait_dma2 semaphore(%run_scoped3A : memref<!tpu.dma_semaphore, #tpu.memory_space<semaphore_mem>>) src(%dma_wait3A_62 : memref<400x128xf32, #tpu.memory_space<vmem_shared>>) dst(%dma_wait3A_59 : memref<400x128xf32, #tpu.memory_space<hbm>>)
        tpu.yield
      }) : () -> ()
    } else {
    }
    return
  }
}

#map = affine_map<(d0, d1) -> (0)>
#map1 = affine_map<(d0, d1) -> (0, 0)>
#map2 = affine_map<(d0, d1) -> (0, 0, 0)>
module attributes {stable_mosaic.version = 14 : i64} {
  func.func @spmm_edge_split(%arg0: i32, %arg1: i32, %arg2: memref<640000xi32, #tpu.memory_space<hbm>>, %arg3: memref<10000x128xf32, #tpu.memory_space<hbm>>, %arg4: memref<640x128xf32, #tpu.memory_space<hbm>>, %arg5: memref<2x10000x128xf32, #tpu.memory_space<hbm>>, %arg6: memref<10240x128xf32, #tpu.memory_space<vmem_shared>>, %arg7: memref<80xi32, #tpu.memory_space<vmem>>, %arg8: memref<80xi32, #tpu.memory_space<vmem>>, %arg9: memref<80xi32, #tpu.memory_space<vmem>>, %arg10: memref<80xi32, #tpu.memory_space<vmem>>, %arg11: memref<80xi32, #tpu.memory_space<vmem>>, %arg12: memref<80xi32, #tpu.memory_space<vmem>>, %arg13: memref<80xi32, #tpu.memory_space<vmem>>, %arg14: memref<80xi32, #tpu.memory_space<vmem>>, %arg15: memref<80x128xf32, #tpu.memory_space<vmem>>, %arg16: memref<80x128xf32, #tpu.memory_space<vmem>>, %arg17: memref<80x128xf32, #tpu.memory_space<vmem>>, %arg18: memref<80x128xf32, #tpu.memory_space<vmem>>, %arg19: memref<!tpu.dma_semaphore, #tpu.memory_space<semaphore_mem>>, %arg20: memref<!tpu.dma_semaphore, #tpu.memory_space<semaphore_mem>>, %arg21: memref<!tpu.dma_semaphore, #tpu.memory_space<semaphore_mem>>, %arg22: memref<!tpu.dma_semaphore, #tpu.memory_space<semaphore_mem>>, %arg23: memref<!tpu.dma_semaphore, #tpu.memory_space<semaphore_mem>>, %arg24: memref<!tpu.dma_semaphore, #tpu.memory_space<semaphore_mem>>, %arg25: memref<!tpu.dma_semaphore, #tpu.memory_space<semaphore_mem>>, %arg26: memref<!tpu.dma_semaphore, #tpu.memory_space<semaphore_mem>>, %arg27: memref<!tpu.dma_semaphore, #tpu.memory_space<semaphore_mem>>, %arg28: memref<!tpu.dma_semaphore, #tpu.memory_space<semaphore_mem>>, %arg29: memref<!tpu.dma_semaphore, #tpu.memory_space<semaphore_mem>>, %arg30: memref<!tpu.dma_semaphore, #tpu.memory_space<semaphore_mem>>, %arg31: memref<!tpu.dma_semaphore, #tpu.memory_space<semaphore_mem>>, %arg32: memref<!tpu.dma_semaphore, #tpu.memory_space<semaphore_mem>>, %arg33: memref<!tpu.dma_semaphore, #tpu.memory_space<semaphore_mem>>, %arg34: memref<!tpu.dma_semaphore, #tpu.memory_space<semaphore_mem>>) attributes {dimension_semantics = [#tpu.dimension_semantics<core_parallel>, #tpu.dimension_semantics<subcore_parallel>], iteration_bounds = array<i64: 2, 16>, scalar_prefetch = 0 : i64, scratch_operands = 29 : i64, tpu.core_type = #tpu.core_type<sc_vector_subcore>, window_params = [{transform_indices = #map}, {transform_indices = #map1}, {transform_indices = #map1}, {transform_indices = #map2}]} {
    %mul3A = arith.constant 16 : i32
    %mul3A_0 = arith.muli %arg0, %mul3A : i32
    %add3A = arith.addi %mul3A_0, %arg1 : i32
    %mul3A_1 = arith.constant 10000 : i32
    %mul3A_2 = arith.muli %add3A, %mul3A_1 : i32
    %add3A_3 = arith.constant 0 : i32
    %add3A_4 = arith.addi %mul3A_2, %add3A_3 : i32
    %dma_start3A = tpu.memref_slice %arg2[%add3A_4] : memref<640000xi32, #tpu.memory_space<hbm>> -> memref<80xi32, #tpu.memory_space<hbm>>
    %dma_start3A_5 = tpu.memref_slice %arg2[%add3A_4] : memref<640000xi32, #tpu.memory_space<hbm>> -> memref<80xi32, #tpu.memory_space<hbm>>
    tpu.enqueue_dma source(%dma_start3A_5 : memref<80xi32, #tpu.memory_space<hbm>>) target(%arg7 : memref<80xi32, #tpu.memory_space<vmem>>) target_semaphore(%arg19 : memref<!tpu.dma_semaphore, #tpu.memory_space<semaphore_mem>>)
    %add3A_6 = arith.constant 320000 : i32
    %add3A_7 = arith.addi %add3A_6, %add3A_4 : i32
    %dma_start3A_8 = tpu.memref_slice %arg2[%add3A_7] : memref<640000xi32, #tpu.memory_space<hbm>> -> memref<80xi32, #tpu.memory_space<hbm>>
    %dma_start3A_9 = tpu.memref_slice %arg2[%add3A_7] : memref<640000xi32, #tpu.memory_space<hbm>> -> memref<80xi32, #tpu.memory_space<hbm>>
    tpu.enqueue_dma source(%dma_start3A_9 : memref<80xi32, #tpu.memory_space<hbm>>) target(%arg11 : memref<80xi32, #tpu.memory_space<vmem>>) target_semaphore(%arg23 : memref<!tpu.dma_semaphore, #tpu.memory_space<semaphore_mem>>)
    %add3A_10 = arith.constant 80 : i32
    %add3A_11 = arith.addi %mul3A_2, %add3A_10 : i32
    %dma_start3A_12 = tpu.memref_slice %arg2[%add3A_11] : memref<640000xi32, #tpu.memory_space<hbm>> -> memref<80xi32, #tpu.memory_space<hbm>>
    %dma_start3A_13 = tpu.memref_slice %arg2[%add3A_11] : memref<640000xi32, #tpu.memory_space<hbm>> -> memref<80xi32, #tpu.memory_space<hbm>>
    tpu.enqueue_dma source(%dma_start3A_13 : memref<80xi32, #tpu.memory_space<hbm>>) target(%arg8 : memref<80xi32, #tpu.memory_space<vmem>>) target_semaphore(%arg20 : memref<!tpu.dma_semaphore, #tpu.memory_space<semaphore_mem>>)
    %add3A_14 = arith.constant 320000 : i32
    %add3A_15 = arith.addi %add3A_14, %add3A_11 : i32
    %dma_start3A_16 = tpu.memref_slice %arg2[%add3A_15] : memref<640000xi32, #tpu.memory_space<hbm>> -> memref<80xi32, #tpu.memory_space<hbm>>
    %dma_start3A_17 = tpu.memref_slice %arg2[%add3A_15] : memref<640000xi32, #tpu.memory_space<hbm>> -> memref<80xi32, #tpu.memory_space<hbm>>
    tpu.enqueue_dma source(%dma_start3A_17 : memref<80xi32, #tpu.memory_space<hbm>>) target(%arg12 : memref<80xi32, #tpu.memory_space<vmem>>) target_semaphore(%arg24 : memref<!tpu.dma_semaphore, #tpu.memory_space<semaphore_mem>>)
    %add3A_18 = arith.constant 160 : i32
    %add3A_19 = arith.addi %mul3A_2, %add3A_18 : i32
    %dma_start3A_20 = tpu.memref_slice %arg2[%add3A_19] : memref<640000xi32, #tpu.memory_space<hbm>> -> memref<80xi32, #tpu.memory_space<hbm>>
    %dma_start3A_21 = tpu.memref_slice %arg2[%add3A_19] : memref<640000xi32, #tpu.memory_space<hbm>> -> memref<80xi32, #tpu.memory_space<hbm>>
    tpu.enqueue_dma source(%dma_start3A_21 : memref<80xi32, #tpu.memory_space<hbm>>) target(%arg9 : memref<80xi32, #tpu.memory_space<vmem>>) target_semaphore(%arg21 : memref<!tpu.dma_semaphore, #tpu.memory_space<semaphore_mem>>)
    %add3A_22 = arith.constant 320000 : i32
    %add3A_23 = arith.addi %add3A_22, %add3A_19 : i32
    %dma_start3A_24 = tpu.memref_slice %arg2[%add3A_23] : memref<640000xi32, #tpu.memory_space<hbm>> -> memref<80xi32, #tpu.memory_space<hbm>>
    %dma_start3A_25 = tpu.memref_slice %arg2[%add3A_23] : memref<640000xi32, #tpu.memory_space<hbm>> -> memref<80xi32, #tpu.memory_space<hbm>>
    tpu.enqueue_dma source(%dma_start3A_25 : memref<80xi32, #tpu.memory_space<hbm>>) target(%arg13 : memref<80xi32, #tpu.memory_space<vmem>>) target_semaphore(%arg25 : memref<!tpu.dma_semaphore, #tpu.memory_space<semaphore_mem>>)
    %add3A_26 = arith.constant 240 : i32
    %add3A_27 = arith.addi %mul3A_2, %add3A_26 : i32
    %dma_start3A_28 = tpu.memref_slice %arg2[%add3A_27] : memref<640000xi32, #tpu.memory_space<hbm>> -> memref<80xi32, #tpu.memory_space<hbm>>
    %dma_start3A_29 = tpu.memref_slice %arg2[%add3A_27] : memref<640000xi32, #tpu.memory_space<hbm>> -> memref<80xi32, #tpu.memory_space<hbm>>
    tpu.enqueue_dma source(%dma_start3A_29 : memref<80xi32, #tpu.memory_space<hbm>>) target(%arg10 : memref<80xi32, #tpu.memory_space<vmem>>) target_semaphore(%arg22 : memref<!tpu.dma_semaphore, #tpu.memory_space<semaphore_mem>>)
    %add3A_30 = arith.constant 320000 : i32
    %add3A_31 = arith.addi %add3A_30, %add3A_27 : i32
    %dma_start3A_32 = tpu.memref_slice %arg2[%add3A_31] : memref<640000xi32, #tpu.memory_space<hbm>> -> memref<80xi32, #tpu.memory_space<hbm>>
    %dma_start3A_33 = tpu.memref_slice %arg2[%add3A_31] : memref<640000xi32, #tpu.memory_space<hbm>> -> memref<80xi32, #tpu.memory_space<hbm>>
    tpu.enqueue_dma source(%dma_start3A_33 : memref<80xi32, #tpu.memory_space<hbm>>) target(%arg14 : memref<80xi32, #tpu.memory_space<vmem>>) target_semaphore(%arg26 : memref<!tpu.dma_semaphore, #tpu.memory_space<semaphore_mem>>)
    %mul3A_34 = arith.constant 640 : i32
    %mul3A_35 = arith.muli %arg1, %mul3A_34 : i32
    "tpu.region"() ({
      %run_scoped3A = tpu.sem_alloc : memref<!tpu.dma_semaphore, #tpu.memory_space<semaphore_mem>>
      %dma_start3A_152 = arith.constant 0 : i32
      %dma_start3A_153 = tpu.memref_slice %arg6[%mul3A_35, %dma_start3A_152] : memref<10240x128xf32, #tpu.memory_space<vmem_shared>> -> memref<640x128xf32, #tpu.memory_space<vmem_shared>>
      tpu.enqueue_dma source(%arg4 : memref<640x128xf32, #tpu.memory_space<hbm>>) target(%dma_start3A_153 : memref<640x128xf32, #tpu.memory_space<vmem_shared>>) target_semaphore(%run_scoped3A : memref<!tpu.dma_semaphore, #tpu.memory_space<semaphore_mem>>)
      %dma_wait3A_154 = arith.constant 0 : i32
      %dma_wait3A_155 = tpu.memref_slice %arg6[%mul3A_35, %dma_wait3A_154] : memref<10240x128xf32, #tpu.memory_space<vmem_shared>> -> memref<640x128xf32, #tpu.memory_space<vmem_shared>>
      tpu.wait_dma2 semaphore(%run_scoped3A : memref<!tpu.dma_semaphore, #tpu.memory_space<semaphore_mem>>) src(%arg4 : memref<640x128xf32, #tpu.memory_space<hbm>>) dst(%dma_wait3A_155 : memref<640x128xf32, #tpu.memory_space<vmem_shared>>)
      tpu.yield
    }) : () -> ()
    %barrier3A = arith.constant 0 : index
    tpu.barrier barrier_id(%barrier3A)
    %dma_wait3A = tpu.memref_slice %arg2[%add3A_4] : memref<640000xi32, #tpu.memory_space<hbm>> -> memref<80xi32, #tpu.memory_space<hbm>>
    %dma_wait3A_36 = tpu.memref_slice %arg2[%add3A_4] : memref<640000xi32, #tpu.memory_space<hbm>> -> memref<80xi32, #tpu.memory_space<hbm>>
    tpu.wait_dma2 semaphore(%arg19 : memref<!tpu.dma_semaphore, #tpu.memory_space<semaphore_mem>>) src(%dma_wait3A_36 : memref<80xi32, #tpu.memory_space<hbm>>) dst(%arg7 : memref<80xi32, #tpu.memory_space<vmem>>)
    %dma_wait3A_37 = tpu.memref_slice %arg2[%add3A_7] : memref<640000xi32, #tpu.memory_space<hbm>> -> memref<80xi32, #tpu.memory_space<hbm>>
    %dma_wait3A_38 = tpu.memref_slice %arg2[%add3A_7] : memref<640000xi32, #tpu.memory_space<hbm>> -> memref<80xi32, #tpu.memory_space<hbm>>
    tpu.wait_dma2 semaphore(%arg23 : memref<!tpu.dma_semaphore, #tpu.memory_space<semaphore_mem>>) src(%dma_wait3A_38 : memref<80xi32, #tpu.memory_space<hbm>>) dst(%arg11 : memref<80xi32, #tpu.memory_space<vmem>>)
    %dma_start3A_39 = arith.constant 0 : i32
    %dma_start3A_40 = arith.constant 0 : i32
    %dma_start3A_41 = tpu.memref_slice %arg3[%dma_start3A_39, %dma_start3A_40] : memref<10000x128xf32, #tpu.memory_space<hbm>> -> memref<10000x128xf32, #tpu.memory_space<hbm>>
    tpu.enqueue_indirect_dma source(%dma_start3A_41 : memref<10000x128xf32, #tpu.memory_space<hbm>>) target(%arg15 : memref<80x128xf32, #tpu.memory_space<vmem>>) offsets(%arg7 : memref<80xi32, #tpu.memory_space<vmem>>) semaphore(%arg27 : memref<!tpu.dma_semaphore, #tpu.memory_space<semaphore_mem>>)
    %dma_wait3A_42 = tpu.memref_slice %arg2[%add3A_11] : memref<640000xi32, #tpu.memory_space<hbm>> -> memref<80xi32, #tpu.memory_space<hbm>>
    %dma_wait3A_43 = tpu.memref_slice %arg2[%add3A_11] : memref<640000xi32, #tpu.memory_space<hbm>> -> memref<80xi32, #tpu.memory_space<hbm>>
    tpu.wait_dma2 semaphore(%arg20 : memref<!tpu.dma_semaphore, #tpu.memory_space<semaphore_mem>>) src(%dma_wait3A_43 : memref<80xi32, #tpu.memory_space<hbm>>) dst(%arg8 : memref<80xi32, #tpu.memory_space<vmem>>)
    %dma_wait3A_44 = tpu.memref_slice %arg2[%add3A_15] : memref<640000xi32, #tpu.memory_space<hbm>> -> memref<80xi32, #tpu.memory_space<hbm>>
    %dma_wait3A_45 = tpu.memref_slice %arg2[%add3A_15] : memref<640000xi32, #tpu.memory_space<hbm>> -> memref<80xi32, #tpu.memory_space<hbm>>
    tpu.wait_dma2 semaphore(%arg24 : memref<!tpu.dma_semaphore, #tpu.memory_space<semaphore_mem>>) src(%dma_wait3A_45 : memref<80xi32, #tpu.memory_space<hbm>>) dst(%arg12 : memref<80xi32, #tpu.memory_space<vmem>>)
    %dma_start3A_46 = arith.constant 0 : i32
    %dma_start3A_47 = arith.constant 0 : i32
    %dma_start3A_48 = tpu.memref_slice %arg3[%dma_start3A_46, %dma_start3A_47] : memref<10000x128xf32, #tpu.memory_space<hbm>> -> memref<10000x128xf32, #tpu.memory_space<hbm>>
    tpu.enqueue_indirect_dma source(%dma_start3A_48 : memref<10000x128xf32, #tpu.memory_space<hbm>>) target(%arg16 : memref<80x128xf32, #tpu.memory_space<vmem>>) offsets(%arg8 : memref<80xi32, #tpu.memory_space<vmem>>) semaphore(%arg28 : memref<!tpu.dma_semaphore, #tpu.memory_space<semaphore_mem>>)
    %dma_wait3A_49 = tpu.memref_slice %arg2[%add3A_19] : memref<640000xi32, #tpu.memory_space<hbm>> -> memref<80xi32, #tpu.memory_space<hbm>>
    %dma_wait3A_50 = tpu.memref_slice %arg2[%add3A_19] : memref<640000xi32, #tpu.memory_space<hbm>> -> memref<80xi32, #tpu.memory_space<hbm>>
    tpu.wait_dma2 semaphore(%arg21 : memref<!tpu.dma_semaphore, #tpu.memory_space<semaphore_mem>>) src(%dma_wait3A_50 : memref<80xi32, #tpu.memory_space<hbm>>) dst(%arg9 : memref<80xi32, #tpu.memory_space<vmem>>)
    %dma_wait3A_51 = tpu.memref_slice %arg2[%add3A_23] : memref<640000xi32, #tpu.memory_space<hbm>> -> memref<80xi32, #tpu.memory_space<hbm>>
    %dma_wait3A_52 = tpu.memref_slice %arg2[%add3A_23] : memref<640000xi32, #tpu.memory_space<hbm>> -> memref<80xi32, #tpu.memory_space<hbm>>
    tpu.wait_dma2 semaphore(%arg25 : memref<!tpu.dma_semaphore, #tpu.memory_space<semaphore_mem>>) src(%dma_wait3A_52 : memref<80xi32, #tpu.memory_space<hbm>>) dst(%arg13 : memref<80xi32, #tpu.memory_space<vmem>>)
    %dma_start3A_53 = arith.constant 0 : i32
    %dma_start3A_54 = arith.constant 0 : i32
    %dma_start3A_55 = tpu.memref_slice %arg3[%dma_start3A_53, %dma_start3A_54] : memref<10000x128xf32, #tpu.memory_space<hbm>> -> memref<10000x128xf32, #tpu.memory_space<hbm>>
    tpu.enqueue_indirect_dma source(%dma_start3A_55 : memref<10000x128xf32, #tpu.memory_space<hbm>>) target(%arg17 : memref<80x128xf32, #tpu.memory_space<vmem>>) offsets(%arg9 : memref<80xi32, #tpu.memory_space<vmem>>) semaphore(%arg29 : memref<!tpu.dma_semaphore, #tpu.memory_space<semaphore_mem>>)
    %dma_wait3A_56 = tpu.memref_slice %arg2[%add3A_27] : memref<640000xi32, #tpu.memory_space<hbm>> -> memref<80xi32, #tpu.memory_space<hbm>>
    %dma_wait3A_57 = tpu.memref_slice %arg2[%add3A_27] : memref<640000xi32, #tpu.memory_space<hbm>> -> memref<80xi32, #tpu.memory_space<hbm>>
    tpu.wait_dma2 semaphore(%arg22 : memref<!tpu.dma_semaphore, #tpu.memory_space<semaphore_mem>>) src(%dma_wait3A_57 : memref<80xi32, #tpu.memory_space<hbm>>) dst(%arg10 : memref<80xi32, #tpu.memory_space<vmem>>)
    %dma_wait3A_58 = tpu.memref_slice %arg2[%add3A_31] : memref<640000xi32, #tpu.memory_space<hbm>> -> memref<80xi32, #tpu.memory_space<hbm>>
    %dma_wait3A_59 = tpu.memref_slice %arg2[%add3A_31] : memref<640000xi32, #tpu.memory_space<hbm>> -> memref<80xi32, #tpu.memory_space<hbm>>
    tpu.wait_dma2 semaphore(%arg26 : memref<!tpu.dma_semaphore, #tpu.memory_space<semaphore_mem>>) src(%dma_wait3A_59 : memref<80xi32, #tpu.memory_space<hbm>>) dst(%arg14 : memref<80xi32, #tpu.memory_space<vmem>>)
    %dma_start3A_60 = arith.constant 0 : i32
    %dma_start3A_61 = arith.constant 0 : i32
    %dma_start3A_62 = tpu.memref_slice %arg3[%dma_start3A_60, %dma_start3A_61] : memref<10000x128xf32, #tpu.memory_space<hbm>> -> memref<10000x128xf32, #tpu.memory_space<hbm>>
    tpu.enqueue_indirect_dma source(%dma_start3A_62 : memref<10000x128xf32, #tpu.memory_space<hbm>>) target(%arg18 : memref<80x128xf32, #tpu.memory_space<vmem>>) offsets(%arg10 : memref<80xi32, #tpu.memory_space<vmem>>) semaphore(%arg30 : memref<!tpu.dma_semaphore, #tpu.memory_space<semaphore_mem>>)
    %dma_wait3A_63 = arith.constant 0 : i32
    %dma_wait3A_64 = arith.constant 0 : i32
    %dma_wait3A_65 = tpu.memref_slice %arg3[%dma_wait3A_63, %dma_wait3A_64] : memref<10000x128xf32, #tpu.memory_space<hbm>> -> memref<10000x128xf32, #tpu.memory_space<hbm>>
    tpu.wait_indirect_dma semaphore(%arg27 : memref<!tpu.dma_semaphore, #tpu.memory_space<semaphore_mem>>) src(%dma_wait3A_65 : memref<10000x128xf32, #tpu.memory_space<hbm>>) dst(%arg15 : memref<80x128xf32, #tpu.memory_space<vmem>>)
    %dma_start3A_66 = arith.constant 0 : i32
    %dma_start3A_67 = arith.constant 0 : i32
    %dma_start3A_68 = tpu.memref_slice %arg6[%dma_start3A_66, %dma_start3A_67] : memref<10240x128xf32, #tpu.memory_space<vmem_shared>> -> memref<10240x128xf32, #tpu.memory_space<vmem_shared>>
    tpu.enqueue_indirect_dma source(%arg15 : memref<80x128xf32, #tpu.memory_space<vmem>>) target(%dma_start3A_68 : memref<10240x128xf32, #tpu.memory_space<vmem_shared>>) offsets(%arg11 : memref<80xi32, #tpu.memory_space<vmem>>) semaphore(%arg31 : memref<!tpu.dma_semaphore, #tpu.memory_space<semaphore_mem>>) {add = true}
    %dma_wait3A_69 = arith.constant 0 : i32
    %dma_wait3A_70 = arith.constant 0 : i32
    %dma_wait3A_71 = tpu.memref_slice %arg3[%dma_wait3A_69, %dma_wait3A_70] : memref<10000x128xf32, #tpu.memory_space<hbm>> -> memref<10000x128xf32, #tpu.memory_space<hbm>>
    tpu.wait_indirect_dma semaphore(%arg28 : memref<!tpu.dma_semaphore, #tpu.memory_space<semaphore_mem>>) src(%dma_wait3A_71 : memref<10000x128xf32, #tpu.memory_space<hbm>>) dst(%arg16 : memref<80x128xf32, #tpu.memory_space<vmem>>)
    %dma_start3A_72 = arith.constant 0 : i32
    %dma_start3A_73 = arith.constant 0 : i32
    %dma_start3A_74 = tpu.memref_slice %arg6[%dma_start3A_72, %dma_start3A_73] : memref<10240x128xf32, #tpu.memory_space<vmem_shared>> -> memref<10240x128xf32, #tpu.memory_space<vmem_shared>>
    tpu.enqueue_indirect_dma source(%arg16 : memref<80x128xf32, #tpu.memory_space<vmem>>) target(%dma_start3A_74 : memref<10240x128xf32, #tpu.memory_space<vmem_shared>>) offsets(%arg12 : memref<80xi32, #tpu.memory_space<vmem>>) semaphore(%arg32 : memref<!tpu.dma_semaphore, #tpu.memory_space<semaphore_mem>>) {add = true}
    %dma_wait3A_75 = arith.constant 0 : i32
    %dma_wait3A_76 = arith.constant 0 : i32
    %dma_wait3A_77 = tpu.memref_slice %arg3[%dma_wait3A_75, %dma_wait3A_76] : memref<10000x128xf32, #tpu.memory_space<hbm>> -> memref<10000x128xf32, #tpu.memory_space<hbm>>
    tpu.wait_indirect_dma semaphore(%arg29 : memref<!tpu.dma_semaphore, #tpu.memory_space<semaphore_mem>>) src(%dma_wait3A_77 : memref<10000x128xf32, #tpu.memory_space<hbm>>) dst(%arg17 : memref<80x128xf32, #tpu.memory_space<vmem>>)
    %dma_start3A_78 = arith.constant 0 : i32
    %dma_start3A_79 = arith.constant 0 : i32
    %dma_start3A_80 = tpu.memref_slice %arg6[%dma_start3A_78, %dma_start3A_79] : memref<10240x128xf32, #tpu.memory_space<vmem_shared>> -> memref<10240x128xf32, #tpu.memory_space<vmem_shared>>
    tpu.enqueue_indirect_dma source(%arg17 : memref<80x128xf32, #tpu.memory_space<vmem>>) target(%dma_start3A_80 : memref<10240x128xf32, #tpu.memory_space<vmem_shared>>) offsets(%arg13 : memref<80xi32, #tpu.memory_space<vmem>>) semaphore(%arg33 : memref<!tpu.dma_semaphore, #tpu.memory_space<semaphore_mem>>) {add = true}
    %dma_wait3A_81 = arith.constant 0 : i32
    %dma_wait3A_82 = arith.constant 0 : i32
    %dma_wait3A_83 = tpu.memref_slice %arg3[%dma_wait3A_81, %dma_wait3A_82] : memref<10000x128xf32, #tpu.memory_space<hbm>> -> memref<10000x128xf32, #tpu.memory_space<hbm>>
    tpu.wait_indirect_dma semaphore(%arg30 : memref<!tpu.dma_semaphore, #tpu.memory_space<semaphore_mem>>) src(%dma_wait3A_83 : memref<10000x128xf32, #tpu.memory_space<hbm>>) dst(%arg18 : memref<80x128xf32, #tpu.memory_space<vmem>>)
    %dma_start3A_84 = arith.constant 0 : i32
    %dma_start3A_85 = arith.constant 0 : i32
    %dma_start3A_86 = tpu.memref_slice %arg6[%dma_start3A_84, %dma_start3A_85] : memref<10240x128xf32, #tpu.memory_space<vmem_shared>> -> memref<10240x128xf32, #tpu.memory_space<vmem_shared>>
    tpu.enqueue_indirect_dma source(%arg18 : memref<80x128xf32, #tpu.memory_space<vmem>>) target(%dma_start3A_86 : memref<10240x128xf32, #tpu.memory_space<vmem_shared>>) offsets(%arg14 : memref<80xi32, #tpu.memory_space<vmem>>) semaphore(%arg34 : memref<!tpu.dma_semaphore, #tpu.memory_space<semaphore_mem>>) {add = true}
    %scan3A = arith.constant 0 : i32
    %scan3A_87 = arith.constant 1 : i32
    %scan3A_88 = arith.constant 30 : i32
    %scan3A_89 = arith.addi %scan3A_87, %scan3A_88 : i32
    %scan3A_90 = arith.constant 1 : i32
    scf.for %scan3A_152 = %scan3A_87 to %scan3A_89 step %scan3A_90  : i32 {
      %mul3A_153 = arith.constant 320 : i32
      %mul3A_154 = arith.muli %scan3A_152, %mul3A_153 : i32
      %add3A_155 = arith.addi %mul3A_2, %mul3A_154 : i32
      %dma_wait3A_156 = arith.constant 0 : i32
      %dma_wait3A_157 = arith.constant 0 : i32
      %dma_wait3A_158 = tpu.memref_slice %arg3[%dma_wait3A_156, %dma_wait3A_157] : memref<10000x128xf32, #tpu.memory_space<hbm>> -> memref<80x128xf32, #tpu.memory_space<hbm>>
      %dma_wait3A_159 = arith.constant 0 : i32
      %dma_wait3A_160 = arith.constant 0 : i32
      %dma_wait3A_161 = tpu.memref_slice %arg3[%dma_wait3A_159, %dma_wait3A_160] : memref<10000x128xf32, #tpu.memory_space<hbm>> -> memref<80x128xf32, #tpu.memory_space<hbm>>
      tpu.wait_dma2 semaphore(%arg31 : memref<!tpu.dma_semaphore, #tpu.memory_space<semaphore_mem>>) src(%dma_wait3A_161 : memref<80x128xf32, #tpu.memory_space<hbm>>) dst(%arg15 : memref<80x128xf32, #tpu.memory_space<vmem>>)
      %add3A_162 = arith.constant 0 : i32
      %add3A_163 = arith.addi %add3A_155, %add3A_162 : i32
      %dma_start3A_164 = tpu.memref_slice %arg2[%add3A_163] : memref<640000xi32, #tpu.memory_space<hbm>> -> memref<80xi32, #tpu.memory_space<hbm>>
      %dma_start3A_165 = tpu.memref_slice %arg2[%add3A_163] : memref<640000xi32, #tpu.memory_space<hbm>> -> memref<80xi32, #tpu.memory_space<hbm>>
      tpu.enqueue_dma source(%dma_start3A_165 : memref<80xi32, #tpu.memory_space<hbm>>) target(%arg7 : memref<80xi32, #tpu.memory_space<vmem>>) target_semaphore(%arg19 : memref<!tpu.dma_semaphore, #tpu.memory_space<semaphore_mem>>)
      %add3A_166 = arith.constant 320000 : i32
      %add3A_167 = arith.addi %add3A_166, %add3A_163 : i32
      %dma_start3A_168 = tpu.memref_slice %arg2[%add3A_167] : memref<640000xi32, #tpu.memory_space<hbm>> -> memref<80xi32, #tpu.memory_space<hbm>>
      %dma_start3A_169 = tpu.memref_slice %arg2[%add3A_167] : memref<640000xi32, #tpu.memory_space<hbm>> -> memref<80xi32, #tpu.memory_space<hbm>>
      tpu.enqueue_dma source(%dma_start3A_169 : memref<80xi32, #tpu.memory_space<hbm>>) target(%arg11 : memref<80xi32, #tpu.memory_space<vmem>>) target_semaphore(%arg23 : memref<!tpu.dma_semaphore, #tpu.memory_space<semaphore_mem>>)
      %dma_wait3A_170 = arith.constant 0 : i32
      %dma_wait3A_171 = arith.constant 0 : i32
      %dma_wait3A_172 = tpu.memref_slice %arg3[%dma_wait3A_170, %dma_wait3A_171] : memref<10000x128xf32, #tpu.memory_space<hbm>> -> memref<80x128xf32, #tpu.memory_space<hbm>>
      %dma_wait3A_173 = arith.constant 0 : i32
      %dma_wait3A_174 = arith.constant 0 : i32
      %dma_wait3A_175 = tpu.memref_slice %arg3[%dma_wait3A_173, %dma_wait3A_174] : memref<10000x128xf32, #tpu.memory_space<hbm>> -> memref<80x128xf32, #tpu.memory_space<hbm>>
      tpu.wait_dma2 semaphore(%arg32 : memref<!tpu.dma_semaphore, #tpu.memory_space<semaphore_mem>>) src(%dma_wait3A_175 : memref<80x128xf32, #tpu.memory_space<hbm>>) dst(%arg16 : memref<80x128xf32, #tpu.memory_space<vmem>>)
      %add3A_176 = arith.constant 80 : i32
      %add3A_177 = arith.addi %add3A_155, %add3A_176 : i32
      %dma_start3A_178 = tpu.memref_slice %arg2[%add3A_177] : memref<640000xi32, #tpu.memory_space<hbm>> -> memref<80xi32, #tpu.memory_space<hbm>>
      %dma_start3A_179 = tpu.memref_slice %arg2[%add3A_177] : memref<640000xi32, #tpu.memory_space<hbm>> -> memref<80xi32, #tpu.memory_space<hbm>>
      tpu.enqueue_dma source(%dma_start3A_179 : memref<80xi32, #tpu.memory_space<hbm>>) target(%arg8 : memref<80xi32, #tpu.memory_space<vmem>>) target_semaphore(%arg20 : memref<!tpu.dma_semaphore, #tpu.memory_space<semaphore_mem>>)
      %add3A_180 = arith.constant 320000 : i32
      %add3A_181 = arith.addi %add3A_180, %add3A_177 : i32
      %dma_start3A_182 = tpu.memref_slice %arg2[%add3A_181] : memref<640000xi32, #tpu.memory_space<hbm>> -> memref<80xi32, #tpu.memory_space<hbm>>
      %dma_start3A_183 = tpu.memref_slice %arg2[%add3A_181] : memref<640000xi32, #tpu.memory_space<hbm>> -> memref<80xi32, #tpu.memory_space<hbm>>
      tpu.enqueue_dma source(%dma_start3A_183 : memref<80xi32, #tpu.memory_space<hbm>>) target(%arg12 : memref<80xi32, #tpu.memory_space<vmem>>) target_semaphore(%arg24 : memref<!tpu.dma_semaphore, #tpu.memory_space<semaphore_mem>>)
      %dma_wait3A_184 = arith.constant 0 : i32
      %dma_wait3A_185 = arith.constant 0 : i32
      %dma_wait3A_186 = tpu.memref_slice %arg3[%dma_wait3A_184, %dma_wait3A_185] : memref<10000x128xf32, #tpu.memory_space<hbm>> -> memref<80x128xf32, #tpu.memory_space<hbm>>
      %dma_wait3A_187 = arith.constant 0 : i32
      %dma_wait3A_188 = arith.constant 0 : i32
      %dma_wait3A_189 = tpu.memref_slice %arg3[%dma_wait3A_187, %dma_wait3A_188] : memref<10000x128xf32, #tpu.memory_space<hbm>> -> memref<80x128xf32, #tpu.memory_space<hbm>>
      tpu.wait_dma2 semaphore(%arg33 : memref<!tpu.dma_semaphore, #tpu.memory_space<semaphore_mem>>) src(%dma_wait3A_189 : memref<80x128xf32, #tpu.memory_space<hbm>>) dst(%arg17 : memref<80x128xf32, #tpu.memory_space<vmem>>)
      %add3A_190 = arith.constant 160 : i32
      %add3A_191 = arith.addi %add3A_155, %add3A_190 : i32
      %dma_start3A_192 = tpu.memref_slice %arg2[%add3A_191] : memref<640000xi32, #tpu.memory_space<hbm>> -> memref<80xi32, #tpu.memory_space<hbm>>
      %dma_start3A_193 = tpu.memref_slice %arg2[%add3A_191] : memref<640000xi32, #tpu.memory_space<hbm>> -> memref<80xi32, #tpu.memory_space<hbm>>
      tpu.enqueue_dma source(%dma_start3A_193 : memref<80xi32, #tpu.memory_space<hbm>>) target(%arg9 : memref<80xi32, #tpu.memory_space<vmem>>) target_semaphore(%arg21 : memref<!tpu.dma_semaphore, #tpu.memory_space<semaphore_mem>>)
      %add3A_194 = arith.constant 320000 : i32
      %add3A_195 = arith.addi %add3A_194, %add3A_191 : i32
      %dma_start3A_196 = tpu.memref_slice %arg2[%add3A_195] : memref<640000xi32, #tpu.memory_space<hbm>> -> memref<80xi32, #tpu.memory_space<hbm>>
      %dma_start3A_197 = tpu.memref_slice %arg2[%add3A_195] : memref<640000xi32, #tpu.memory_space<hbm>> -> memref<80xi32, #tpu.memory_space<hbm>>
      tpu.enqueue_dma source(%dma_start3A_197 : memref<80xi32, #tpu.memory_space<hbm>>) target(%arg13 : memref<80xi32, #tpu.memory_space<vmem>>) target_semaphore(%arg25 : memref<!tpu.dma_semaphore, #tpu.memory_space<semaphore_mem>>)
      %dma_wait3A_198 = arith.constant 0 : i32
      %dma_wait3A_199 = arith.constant 0 : i32
      %dma_wait3A_200 = tpu.memref_slice %arg3[%dma_wait3A_198, %dma_wait3A_199] : memref<10000x128xf32, #tpu.memory_space<hbm>> -> memref<80x128xf32, #tpu.memory_space<hbm>>
      %dma_wait3A_201 = arith.constant 0 : i32
      %dma_wait3A_202 = arith.constant 0 : i32
      %dma_wait3A_203 = tpu.memref_slice %arg3[%dma_wait3A_201, %dma_wait3A_202] : memref<10000x128xf32, #tpu.memory_space<hbm>> -> memref<80x128xf32, #tpu.memory_space<hbm>>
      tpu.wait_dma2 semaphore(%arg34 : memref<!tpu.dma_semaphore, #tpu.memory_space<semaphore_mem>>) src(%dma_wait3A_203 : memref<80x128xf32, #tpu.memory_space<hbm>>) dst(%arg18 : memref<80x128xf32, #tpu.memory_space<vmem>>)
      %add3A_204 = arith.constant 240 : i32
      %add3A_205 = arith.addi %add3A_155, %add3A_204 : i32
      %dma_start3A_206 = tpu.memref_slice %arg2[%add3A_205] : memref<640000xi32, #tpu.memory_space<hbm>> -> memref<80xi32, #tpu.memory_space<hbm>>
      %dma_start3A_207 = tpu.memref_slice %arg2[%add3A_205] : memref<640000xi32, #tpu.memory_space<hbm>> -> memref<80xi32, #tpu.memory_space<hbm>>
      tpu.enqueue_dma source(%dma_start3A_207 : memref<80xi32, #tpu.memory_space<hbm>>) target(%arg10 : memref<80xi32, #tpu.memory_space<vmem>>) target_semaphore(%arg22 : memref<!tpu.dma_semaphore, #tpu.memory_space<semaphore_mem>>)
      %add3A_208 = arith.constant 320000 : i32
      %add3A_209 = arith.addi %add3A_208, %add3A_205 : i32
      %dma_start3A_210 = tpu.memref_slice %arg2[%add3A_209] : memref<640000xi32, #tpu.memory_space<hbm>> -> memref<80xi32, #tpu.memory_space<hbm>>
      %dma_start3A_211 = tpu.memref_slice %arg2[%add3A_209] : memref<640000xi32, #tpu.memory_space<hbm>> -> memref<80xi32, #tpu.memory_space<hbm>>
      tpu.enqueue_dma source(%dma_start3A_211 : memref<80xi32, #tpu.memory_space<hbm>>) target(%arg14 : memref<80xi32, #tpu.memory_space<vmem>>) target_semaphore(%arg26 : memref<!tpu.dma_semaphore, #tpu.memory_space<semaphore_mem>>)
      %dma_wait3A_212 = tpu.memref_slice %arg2[%add3A_163] : memref<640000xi32, #tpu.memory_space<hbm>> -> memref<80xi32, #tpu.memory_space<hbm>>
      %dma_wait3A_213 = tpu.memref_slice %arg2[%add3A_163] : memref<640000xi32, #tpu.memory_space<hbm>> -> memref<80xi32, #tpu.memory_space<hbm>>
      tpu.wait_dma2 semaphore(%arg19 : memref<!tpu.dma_semaphore, #tpu.memory_space<semaphore_mem>>) src(%dma_wait3A_213 : memref<80xi32, #tpu.memory_space<hbm>>) dst(%arg7 : memref<80xi32, #tpu.memory_space<vmem>>)
      %dma_wait3A_214 = tpu.memref_slice %arg2[%add3A_167] : memref<640000xi32, #tpu.memory_space<hbm>> -> memref<80xi32, #tpu.memory_space<hbm>>
      %dma_wait3A_215 = tpu.memref_slice %arg2[%add3A_167] : memref<640000xi32, #tpu.memory_space<hbm>> -> memref<80xi32, #tpu.memory_space<hbm>>
      tpu.wait_dma2 semaphore(%arg23 : memref<!tpu.dma_semaphore, #tpu.memory_space<semaphore_mem>>) src(%dma_wait3A_215 : memref<80xi32, #tpu.memory_space<hbm>>) dst(%arg11 : memref<80xi32, #tpu.memory_space<vmem>>)
      %dma_start3A_216 = arith.constant 0 : i32
      %dma_start3A_217 = arith.constant 0 : i32
      %dma_start3A_218 = tpu.memref_slice %arg3[%dma_start3A_216, %dma_start3A_217] : memref<10000x128xf32, #tpu.memory_space<hbm>> -> memref<10000x128xf32, #tpu.memory_space<hbm>>
      tpu.enqueue_indirect_dma source(%dma_start3A_218 : memref<10000x128xf32, #tpu.memory_space<hbm>>) target(%arg15 : memref<80x128xf32, #tpu.memory_space<vmem>>) offsets(%arg7 : memref<80xi32, #tpu.memory_space<vmem>>) semaphore(%arg27 : memref<!tpu.dma_semaphore, #tpu.memory_space<semaphore_mem>>)
      %dma_wait3A_219 = tpu.memref_slice %arg2[%add3A_177] : memref<640000xi32, #tpu.memory_space<hbm>> -> memref<80xi32, #tpu.memory_space<hbm>>
      %dma_wait3A_220 = tpu.memref_slice %arg2[%add3A_177] : memref<640000xi32, #tpu.memory_space<hbm>> -> memref<80xi32, #tpu.memory_space<hbm>>
      tpu.wait_dma2 semaphore(%arg20 : memref<!tpu.dma_semaphore, #tpu.memory_space<semaphore_mem>>) src(%dma_wait3A_220 : memref<80xi32, #tpu.memory_space<hbm>>) dst(%arg8 : memref<80xi32, #tpu.memory_space<vmem>>)
      %dma_wait3A_221 = tpu.memref_slice %arg2[%add3A_181] : memref<640000xi32, #tpu.memory_space<hbm>> -> memref<80xi32, #tpu.memory_space<hbm>>
      %dma_wait3A_222 = tpu.memref_slice %arg2[%add3A_181] : memref<640000xi32, #tpu.memory_space<hbm>> -> memref<80xi32, #tpu.memory_space<hbm>>
      tpu.wait_dma2 semaphore(%arg24 : memref<!tpu.dma_semaphore, #tpu.memory_space<semaphore_mem>>) src(%dma_wait3A_222 : memref<80xi32, #tpu.memory_space<hbm>>) dst(%arg12 : memref<80xi32, #tpu.memory_space<vmem>>)
      %dma_start3A_223 = arith.constant 0 : i32
      %dma_start3A_224 = arith.constant 0 : i32
      %dma_start3A_225 = tpu.memref_slice %arg3[%dma_start3A_223, %dma_start3A_224] : memref<10000x128xf32, #tpu.memory_space<hbm>> -> memref<10000x128xf32, #tpu.memory_space<hbm>>
      tpu.enqueue_indirect_dma source(%dma_start3A_225 : memref<10000x128xf32, #tpu.memory_space<hbm>>) target(%arg16 : memref<80x128xf32, #tpu.memory_space<vmem>>) offsets(%arg8 : memref<80xi32, #tpu.memory_space<vmem>>) semaphore(%arg28 : memref<!tpu.dma_semaphore, #tpu.memory_space<semaphore_mem>>)
      %dma_wait3A_226 = tpu.memref_slice %arg2[%add3A_191] : memref<640000xi32, #tpu.memory_space<hbm>> -> memref<80xi32, #tpu.memory_space<hbm>>
      %dma_wait3A_227 = tpu.memref_slice %arg2[%add3A_191] : memref<640000xi32, #tpu.memory_space<hbm>> -> memref<80xi32, #tpu.memory_space<hbm>>
      tpu.wait_dma2 semaphore(%arg21 : memref<!tpu.dma_semaphore, #tpu.memory_space<semaphore_mem>>) src(%dma_wait3A_227 : memref<80xi32, #tpu.memory_space<hbm>>) dst(%arg9 : memref<80xi32, #tpu.memory_space<vmem>>)
      %dma_wait3A_228 = tpu.memref_slice %arg2[%add3A_195] : memref<640000xi32, #tpu.memory_space<hbm>> -> memref<80xi32, #tpu.memory_space<hbm>>
      %dma_wait3A_229 = tpu.memref_slice %arg2[%add3A_195] : memref<640000xi32, #tpu.memory_space<hbm>> -> memref<80xi32, #tpu.memory_space<hbm>>
      tpu.wait_dma2 semaphore(%arg25 : memref<!tpu.dma_semaphore, #tpu.memory_space<semaphore_mem>>) src(%dma_wait3A_229 : memref<80xi32, #tpu.memory_space<hbm>>) dst(%arg13 : memref<80xi32, #tpu.memory_space<vmem>>)
      %dma_start3A_230 = arith.constant 0 : i32
      %dma_start3A_231 = arith.constant 0 : i32
      %dma_start3A_232 = tpu.memref_slice %arg3[%dma_start3A_230, %dma_start3A_231] : memref<10000x128xf32, #tpu.memory_space<hbm>> -> memref<10000x128xf32, #tpu.memory_space<hbm>>
      tpu.enqueue_indirect_dma source(%dma_start3A_232 : memref<10000x128xf32, #tpu.memory_space<hbm>>) target(%arg17 : memref<80x128xf32, #tpu.memory_space<vmem>>) offsets(%arg9 : memref<80xi32, #tpu.memory_space<vmem>>) semaphore(%arg29 : memref<!tpu.dma_semaphore, #tpu.memory_space<semaphore_mem>>)
      %dma_wait3A_233 = tpu.memref_slice %arg2[%add3A_205] : memref<640000xi32, #tpu.memory_space<hbm>> -> memref<80xi32, #tpu.memory_space<hbm>>
      %dma_wait3A_234 = tpu.memref_slice %arg2[%add3A_205] : memref<640000xi32, #tpu.memory_space<hbm>> -> memref<80xi32, #tpu.memory_space<hbm>>
      tpu.wait_dma2 semaphore(%arg22 : memref<!tpu.dma_semaphore, #tpu.memory_space<semaphore_mem>>) src(%dma_wait3A_234 : memref<80xi32, #tpu.memory_space<hbm>>) dst(%arg10 : memref<80xi32, #tpu.memory_space<vmem>>)
      %dma_wait3A_235 = tpu.memref_slice %arg2[%add3A_209] : memref<640000xi32, #tpu.memory_space<hbm>> -> memref<80xi32, #tpu.memory_space<hbm>>
      %dma_wait3A_236 = tpu.memref_slice %arg2[%add3A_209] : memref<640000xi32, #tpu.memory_space<hbm>> -> memref<80xi32, #tpu.memory_space<hbm>>
      tpu.wait_dma2 semaphore(%arg26 : memref<!tpu.dma_semaphore, #tpu.memory_space<semaphore_mem>>) src(%dma_wait3A_236 : memref<80xi32, #tpu.memory_space<hbm>>) dst(%arg14 : memref<80xi32, #tpu.memory_space<vmem>>)
      %dma_start3A_237 = arith.constant 0 : i32
      %dma_start3A_238 = arith.constant 0 : i32
      %dma_start3A_239 = tpu.memref_slice %arg3[%dma_start3A_237, %dma_start3A_238] : memref<10000x128xf32, #tpu.memory_space<hbm>> -> memref<10000x128xf32, #tpu.memory_space<hbm>>
      tpu.enqueue_indirect_dma source(%dma_start3A_239 : memref<10000x128xf32, #tpu.memory_space<hbm>>) target(%arg18 : memref<80x128xf32, #tpu.memory_space<vmem>>) offsets(%arg10 : memref<80xi32, #tpu.memory_space<vmem>>) semaphore(%arg30 : memref<!tpu.dma_semaphore, #tpu.memory_space<semaphore_mem>>)
      %dma_wait3A_240 = arith.constant 0 : i32
      %dma_wait3A_241 = arith.constant 0 : i32
      %dma_wait3A_242 = tpu.memref_slice %arg3[%dma_wait3A_240, %dma_wait3A_241] : memref<10000x128xf32, #tpu.memory_space<hbm>> -> memref<10000x128xf32, #tpu.memory_space<hbm>>
      tpu.wait_indirect_dma semaphore(%arg27 : memref<!tpu.dma_semaphore, #tpu.memory_space<semaphore_mem>>) src(%dma_wait3A_242 : memref<10000x128xf32, #tpu.memory_space<hbm>>) dst(%arg15 : memref<80x128xf32, #tpu.memory_space<vmem>>)
      %dma_start3A_243 = arith.constant 0 : i32
      %dma_start3A_244 = arith.constant 0 : i32
      %dma_start3A_245 = tpu.memref_slice %arg6[%dma_start3A_243, %dma_start3A_244] : memref<10240x128xf32, #tpu.memory_space<vmem_shared>> -> memref<10240x128xf32, #tpu.memory_space<vmem_shared>>
      tpu.enqueue_indirect_dma source(%arg15 : memref<80x128xf32, #tpu.memory_space<vmem>>) target(%dma_start3A_245 : memref<10240x128xf32, #tpu.memory_space<vmem_shared>>) offsets(%arg11 : memref<80xi32, #tpu.memory_space<vmem>>) semaphore(%arg31 : memref<!tpu.dma_semaphore, #tpu.memory_space<semaphore_mem>>) {add = true}
      %dma_wait3A_246 = arith.constant 0 : i32
      %dma_wait3A_247 = arith.constant 0 : i32
      %dma_wait3A_248 = tpu.memref_slice %arg3[%dma_wait3A_246, %dma_wait3A_247] : memref<10000x128xf32, #tpu.memory_space<hbm>> -> memref<10000x128xf32, #tpu.memory_space<hbm>>
      tpu.wait_indirect_dma semaphore(%arg28 : memref<!tpu.dma_semaphore, #tpu.memory_space<semaphore_mem>>) src(%dma_wait3A_248 : memref<10000x128xf32, #tpu.memory_space<hbm>>) dst(%arg16 : memref<80x128xf32, #tpu.memory_space<vmem>>)
      %dma_start3A_249 = arith.constant 0 : i32
      %dma_start3A_250 = arith.constant 0 : i32
      %dma_start3A_251 = tpu.memref_slice %arg6[%dma_start3A_249, %dma_start3A_250] : memref<10240x128xf32, #tpu.memory_space<vmem_shared>> -> memref<10240x128xf32, #tpu.memory_space<vmem_shared>>
      tpu.enqueue_indirect_dma source(%arg16 : memref<80x128xf32, #tpu.memory_space<vmem>>) target(%dma_start3A_251 : memref<10240x128xf32, #tpu.memory_space<vmem_shared>>) offsets(%arg12 : memref<80xi32, #tpu.memory_space<vmem>>) semaphore(%arg32 : memref<!tpu.dma_semaphore, #tpu.memory_space<semaphore_mem>>) {add = true}
      %dma_wait3A_252 = arith.constant 0 : i32
      %dma_wait3A_253 = arith.constant 0 : i32
      %dma_wait3A_254 = tpu.memref_slice %arg3[%dma_wait3A_252, %dma_wait3A_253] : memref<10000x128xf32, #tpu.memory_space<hbm>> -> memref<10000x128xf32, #tpu.memory_space<hbm>>
      tpu.wait_indirect_dma semaphore(%arg29 : memref<!tpu.dma_semaphore, #tpu.memory_space<semaphore_mem>>) src(%dma_wait3A_254 : memref<10000x128xf32, #tpu.memory_space<hbm>>) dst(%arg17 : memref<80x128xf32, #tpu.memory_space<vmem>>)
      %dma_start3A_255 = arith.constant 0 : i32
      %dma_start3A_256 = arith.constant 0 : i32
      %dma_start3A_257 = tpu.memref_slice %arg6[%dma_start3A_255, %dma_start3A_256] : memref<10240x128xf32, #tpu.memory_space<vmem_shared>> -> memref<10240x128xf32, #tpu.memory_space<vmem_shared>>
      tpu.enqueue_indirect_dma source(%arg17 : memref<80x128xf32, #tpu.memory_space<vmem>>) target(%dma_start3A_257 : memref<10240x128xf32, #tpu.memory_space<vmem_shared>>) offsets(%arg13 : memref<80xi32, #tpu.memory_space<vmem>>) semaphore(%arg33 : memref<!tpu.dma_semaphore, #tpu.memory_space<semaphore_mem>>) {add = true}
      %dma_wait3A_258 = arith.constant 0 : i32
      %dma_wait3A_259 = arith.constant 0 : i32
      %dma_wait3A_260 = tpu.memref_slice %arg3[%dma_wait3A_258, %dma_wait3A_259] : memref<10000x128xf32, #tpu.memory_space<hbm>> -> memref<10000x128xf32, #tpu.memory_space<hbm>>
      tpu.wait_indirect_dma semaphore(%arg30 : memref<!tpu.dma_semaphore, #tpu.memory_space<semaphore_mem>>) src(%dma_wait3A_260 : memref<10000x128xf32, #tpu.memory_space<hbm>>) dst(%arg18 : memref<80x128xf32, #tpu.memory_space<vmem>>)
      %dma_start3A_261 = arith.constant 0 : i32
      %dma_start3A_262 = arith.constant 0 : i32
      %dma_start3A_263 = tpu.memref_slice %arg6[%dma_start3A_261, %dma_start3A_262] : memref<10240x128xf32, #tpu.memory_space<vmem_shared>> -> memref<10240x128xf32, #tpu.memory_space<vmem_shared>>
      tpu.enqueue_indirect_dma source(%arg18 : memref<80x128xf32, #tpu.memory_space<vmem>>) target(%dma_start3A_263 : memref<10240x128xf32, #tpu.memory_space<vmem_shared>>) offsets(%arg14 : memref<80xi32, #tpu.memory_space<vmem>>) semaphore(%arg34 : memref<!tpu.dma_semaphore, #tpu.memory_space<semaphore_mem>>) {add = true}
    }
    %scan3A_91 = arith.constant 30 : i32
    %add3A_92 = arith.constant 9920 : i32
    %add3A_93 = arith.addi %mul3A_2, %add3A_92 : i32
    %dma_wait3A_94 = arith.constant 0 : i32
    %dma_wait3A_95 = arith.constant 0 : i32
    %dma_wait3A_96 = tpu.memref_slice %arg3[%dma_wait3A_94, %dma_wait3A_95] : memref<10000x128xf32, #tpu.memory_space<hbm>> -> memref<80x128xf32, #tpu.memory_space<hbm>>
    %dma_wait3A_97 = arith.constant 0 : i32
    %dma_wait3A_98 = arith.constant 0 : i32
    %dma_wait3A_99 = tpu.memref_slice %arg3[%dma_wait3A_97, %dma_wait3A_98] : memref<10000x128xf32, #tpu.memory_space<hbm>> -> memref<80x128xf32, #tpu.memory_space<hbm>>
    tpu.wait_dma2 semaphore(%arg31 : memref<!tpu.dma_semaphore, #tpu.memory_space<semaphore_mem>>) src(%dma_wait3A_99 : memref<80x128xf32, #tpu.memory_space<hbm>>) dst(%arg15 : memref<80x128xf32, #tpu.memory_space<vmem>>)
    %add3A_100 = arith.constant 0 : i32
    %add3A_101 = arith.addi %add3A_93, %add3A_100 : i32
    %dma_start3A_102 = tpu.memref_slice %arg2[%add3A_101] : memref<640000xi32, #tpu.memory_space<hbm>> -> memref<80xi32, #tpu.memory_space<hbm>>
    %dma_start3A_103 = tpu.memref_slice %arg2[%add3A_101] : memref<640000xi32, #tpu.memory_space<hbm>> -> memref<80xi32, #tpu.memory_space<hbm>>
    tpu.enqueue_dma source(%dma_start3A_103 : memref<80xi32, #tpu.memory_space<hbm>>) target(%arg7 : memref<80xi32, #tpu.memory_space<vmem>>) target_semaphore(%arg19 : memref<!tpu.dma_semaphore, #tpu.memory_space<semaphore_mem>>)
    %add3A_104 = arith.constant 320000 : i32
    %add3A_105 = arith.addi %add3A_104, %add3A_101 : i32
    %dma_start3A_106 = tpu.memref_slice %arg2[%add3A_105] : memref<640000xi32, #tpu.memory_space<hbm>> -> memref<80xi32, #tpu.memory_space<hbm>>
    %dma_start3A_107 = tpu.memref_slice %arg2[%add3A_105] : memref<640000xi32, #tpu.memory_space<hbm>> -> memref<80xi32, #tpu.memory_space<hbm>>
    tpu.enqueue_dma source(%dma_start3A_107 : memref<80xi32, #tpu.memory_space<hbm>>) target(%arg11 : memref<80xi32, #tpu.memory_space<vmem>>) target_semaphore(%arg23 : memref<!tpu.dma_semaphore, #tpu.memory_space<semaphore_mem>>)
    %dma_wait3A_108 = tpu.memref_slice %arg2[%add3A_101] : memref<640000xi32, #tpu.memory_space<hbm>> -> memref<80xi32, #tpu.memory_space<hbm>>
    %dma_wait3A_109 = tpu.memref_slice %arg2[%add3A_101] : memref<640000xi32, #tpu.memory_space<hbm>> -> memref<80xi32, #tpu.memory_space<hbm>>
    tpu.wait_dma2 semaphore(%arg19 : memref<!tpu.dma_semaphore, #tpu.memory_space<semaphore_mem>>) src(%dma_wait3A_109 : memref<80xi32, #tpu.memory_space<hbm>>) dst(%arg7 : memref<80xi32, #tpu.memory_space<vmem>>)
    %dma_wait3A_110 = tpu.memref_slice %arg2[%add3A_105] : memref<640000xi32, #tpu.memory_space<hbm>> -> memref<80xi32, #tpu.memory_space<hbm>>
    %dma_wait3A_111 = tpu.memref_slice %arg2[%add3A_105] : memref<640000xi32, #tpu.memory_space<hbm>> -> memref<80xi32, #tpu.memory_space<hbm>>
    tpu.wait_dma2 semaphore(%arg23 : memref<!tpu.dma_semaphore, #tpu.memory_space<semaphore_mem>>) src(%dma_wait3A_111 : memref<80xi32, #tpu.memory_space<hbm>>) dst(%arg11 : memref<80xi32, #tpu.memory_space<vmem>>)
    %dma_start3A_112 = arith.constant 0 : i32
    %dma_start3A_113 = arith.constant 0 : i32
    %dma_start3A_114 = tpu.memref_slice %arg3[%dma_start3A_112, %dma_start3A_113] : memref<10000x128xf32, #tpu.memory_space<hbm>> -> memref<10000x128xf32, #tpu.memory_space<hbm>>
    tpu.enqueue_indirect_dma source(%dma_start3A_114 : memref<10000x128xf32, #tpu.memory_space<hbm>>) target(%arg15 : memref<80x128xf32, #tpu.memory_space<vmem>>) offsets(%arg7 : memref<80xi32, #tpu.memory_space<vmem>>) semaphore(%arg27 : memref<!tpu.dma_semaphore, #tpu.memory_space<semaphore_mem>>)
    %dma_wait3A_115 = arith.constant 0 : i32
    %dma_wait3A_116 = arith.constant 0 : i32
    %dma_wait3A_117 = tpu.memref_slice %arg3[%dma_wait3A_115, %dma_wait3A_116] : memref<10000x128xf32, #tpu.memory_space<hbm>> -> memref<10000x128xf32, #tpu.memory_space<hbm>>
    tpu.wait_indirect_dma semaphore(%arg27 : memref<!tpu.dma_semaphore, #tpu.memory_space<semaphore_mem>>) src(%dma_wait3A_117 : memref<10000x128xf32, #tpu.memory_space<hbm>>) dst(%arg15 : memref<80x128xf32, #tpu.memory_space<vmem>>)
    %dma_start3A_118 = arith.constant 0 : i32
    %dma_start3A_119 = arith.constant 0 : i32
    %dma_start3A_120 = tpu.memref_slice %arg6[%dma_start3A_118, %dma_start3A_119] : memref<10240x128xf32, #tpu.memory_space<vmem_shared>> -> memref<10240x128xf32, #tpu.memory_space<vmem_shared>>
    tpu.enqueue_indirect_dma source(%arg15 : memref<80x128xf32, #tpu.memory_space<vmem>>) target(%dma_start3A_120 : memref<10240x128xf32, #tpu.memory_space<vmem_shared>>) offsets(%arg11 : memref<80xi32, #tpu.memory_space<vmem>>) semaphore(%arg31 : memref<!tpu.dma_semaphore, #tpu.memory_space<semaphore_mem>>) {add = true}
    %dma_wait3A_121 = arith.constant 0 : i32
    %dma_wait3A_122 = arith.constant 0 : i32
    %dma_wait3A_123 = tpu.memref_slice %arg3[%dma_wait3A_121, %dma_wait3A_122] : memref<10000x128xf32, #tpu.memory_space<hbm>> -> memref<80x128xf32, #tpu.memory_space<hbm>>
    %dma_wait3A_124 = arith.constant 0 : i32
    %dma_wait3A_125 = arith.constant 0 : i32
    %dma_wait3A_126 = tpu.memref_slice %arg3[%dma_wait3A_124, %dma_wait3A_125] : memref<10000x128xf32, #tpu.memory_space<hbm>> -> memref<80x128xf32, #tpu.memory_space<hbm>>
    tpu.wait_dma2 semaphore(%arg31 : memref<!tpu.dma_semaphore, #tpu.memory_space<semaphore_mem>>) src(%dma_wait3A_126 : memref<80x128xf32, #tpu.memory_space<hbm>>) dst(%arg15 : memref<80x128xf32, #tpu.memory_space<vmem>>)
    %dma_wait3A_127 = arith.constant 0 : i32
    %dma_wait3A_128 = arith.constant 0 : i32
    %dma_wait3A_129 = tpu.memref_slice %arg3[%dma_wait3A_127, %dma_wait3A_128] : memref<10000x128xf32, #tpu.memory_space<hbm>> -> memref<80x128xf32, #tpu.memory_space<hbm>>
    %dma_wait3A_130 = arith.constant 0 : i32
    %dma_wait3A_131 = arith.constant 0 : i32
    %dma_wait3A_132 = tpu.memref_slice %arg3[%dma_wait3A_130, %dma_wait3A_131] : memref<10000x128xf32, #tpu.memory_space<hbm>> -> memref<80x128xf32, #tpu.memory_space<hbm>>
    tpu.wait_dma2 semaphore(%arg32 : memref<!tpu.dma_semaphore, #tpu.memory_space<semaphore_mem>>) src(%dma_wait3A_132 : memref<80x128xf32, #tpu.memory_space<hbm>>) dst(%arg16 : memref<80x128xf32, #tpu.memory_space<vmem>>)
    %dma_wait3A_133 = arith.constant 0 : i32
    %dma_wait3A_134 = arith.constant 0 : i32
    %dma_wait3A_135 = tpu.memref_slice %arg3[%dma_wait3A_133, %dma_wait3A_134] : memref<10000x128xf32, #tpu.memory_space<hbm>> -> memref<80x128xf32, #tpu.memory_space<hbm>>
    %dma_wait3A_136 = arith.constant 0 : i32
    %dma_wait3A_137 = arith.constant 0 : i32
    %dma_wait3A_138 = tpu.memref_slice %arg3[%dma_wait3A_136, %dma_wait3A_137] : memref<10000x128xf32, #tpu.memory_space<hbm>> -> memref<80x128xf32, #tpu.memory_space<hbm>>
    tpu.wait_dma2 semaphore(%arg33 : memref<!tpu.dma_semaphore, #tpu.memory_space<semaphore_mem>>) src(%dma_wait3A_138 : memref<80x128xf32, #tpu.memory_space<hbm>>) dst(%arg17 : memref<80x128xf32, #tpu.memory_space<vmem>>)
    %dma_wait3A_139 = arith.constant 0 : i32
    %dma_wait3A_140 = arith.constant 0 : i32
    %dma_wait3A_141 = tpu.memref_slice %arg3[%dma_wait3A_139, %dma_wait3A_140] : memref<10000x128xf32, #tpu.memory_space<hbm>> -> memref<80x128xf32, #tpu.memory_space<hbm>>
    %dma_wait3A_142 = arith.constant 0 : i32
    %dma_wait3A_143 = arith.constant 0 : i32
    %dma_wait3A_144 = tpu.memref_slice %arg3[%dma_wait3A_142, %dma_wait3A_143] : memref<10000x128xf32, #tpu.memory_space<hbm>> -> memref<80x128xf32, #tpu.memory_space<hbm>>
    tpu.wait_dma2 semaphore(%arg34 : memref<!tpu.dma_semaphore, #tpu.memory_space<semaphore_mem>>) src(%dma_wait3A_144 : memref<80x128xf32, #tpu.memory_space<hbm>>) dst(%arg18 : memref<80x128xf32, #tpu.memory_space<vmem>>)
    %barrier3A_145 = arith.constant 0 : index
    tpu.barrier barrier_id(%barrier3A_145)
    %lt3A = arith.constant 15 : i32
    %lt3A_146 = arith.cmpi slt, %arg1, %lt3A : i32
    %convert_element_type3A = arith.extui %lt3A_146 : i1 to i32
    %cond3A = arith.constant 0 : i32
    %cond3A_147 = arith.cmpi ne, %convert_element_type3A, %cond3A : i32
    scf.if %cond3A_147 {
      %mul3A_152 = arith.constant 640 : i32
      %mul3A_153 = arith.muli %arg1, %mul3A_152 : i32
      "tpu.region"() ({
        %run_scoped3A = tpu.sem_alloc : memref<!tpu.dma_semaphore, #tpu.memory_space<semaphore_mem>>
        %dma_start3A_154 = arith.constant 0 : i32
        %dma_start3A_155 = tpu.memref_slice %arg5[%arg0, %mul3A_153, %dma_start3A_154] : memref<2x10000x128xf32, #tpu.memory_space<hbm>> -> memref<1x640x128xf32, #tpu.memory_space<hbm>>
        %dma_start3A_156 = tpu.memref_squeeze %dma_start3A_155 : memref<1x640x128xf32, #tpu.memory_space<hbm>> -> memref<640x128xf32, #tpu.memory_space<hbm>>
        %dma_start3A_157 = arith.constant 0 : i32
        %dma_start3A_158 = tpu.memref_slice %arg6[%mul3A_153, %dma_start3A_157] : memref<10240x128xf32, #tpu.memory_space<vmem_shared>> -> memref<640x128xf32, #tpu.memory_space<vmem_shared>>
        tpu.enqueue_dma source(%dma_start3A_158 : memref<640x128xf32, #tpu.memory_space<vmem_shared>>) target(%dma_start3A_156 : memref<640x128xf32, #tpu.memory_space<hbm>>) target_semaphore(%run_scoped3A : memref<!tpu.dma_semaphore, #tpu.memory_space<semaphore_mem>>)
        %dma_wait3A_159 = arith.constant 0 : i32
        %dma_wait3A_160 = tpu.memref_slice %arg5[%arg0, %mul3A_153, %dma_wait3A_159] : memref<2x10000x128xf32, #tpu.memory_space<hbm>> -> memref<1x640x128xf32, #tpu.memory_space<hbm>>
        %dma_wait3A_161 = tpu.memref_squeeze %dma_wait3A_160 : memref<1x640x128xf32, #tpu.memory_space<hbm>> -> memref<640x128xf32, #tpu.memory_space<hbm>>
        %dma_wait3A_162 = arith.constant 0 : i32
        %dma_wait3A_163 = tpu.memref_slice %arg6[%mul3A_153, %dma_wait3A_162] : memref<10240x128xf32, #tpu.memory_space<vmem_shared>> -> memref<640x128xf32, #tpu.memory_space<vmem_shared>>
        tpu.wait_dma2 semaphore(%run_scoped3A : memref<!tpu.dma_semaphore, #tpu.memory_space<semaphore_mem>>) src(%dma_wait3A_163 : memref<640x128xf32, #tpu.memory_space<vmem_shared>>) dst(%dma_wait3A_161 : memref<640x128xf32, #tpu.memory_space<hbm>>)
        tpu.yield
      }) : () -> ()
    } else {
    }
    %eq3A = arith.constant 15 : i32
    %eq3A_148 = arith.cmpi eq, %arg1, %eq3A : i32
    %convert_element_type3A_149 = arith.extui %eq3A_148 : i1 to i32
    %cond3A_150 = arith.constant 0 : i32
    %cond3A_151 = arith.cmpi ne, %convert_element_type3A_149, %cond3A_150 : i32
    scf.if %cond3A_151 {
      "tpu.region"() ({
        %run_scoped3A = tpu.sem_alloc : memref<!tpu.dma_semaphore, #tpu.memory_space<semaphore_mem>>
        %dma_start3A_152 = arith.constant 9600 : i32
        %dma_start3A_153 = arith.constant 0 : i32
        %dma_start3A_154 = tpu.memref_slice %arg5[%arg0, %dma_start3A_152, %dma_start3A_153] : memref<2x10000x128xf32, #tpu.memory_space<hbm>> -> memref<1x400x128xf32, #tpu.memory_space<hbm>>
        %dma_start3A_155 = tpu.memref_squeeze %dma_start3A_154 : memref<1x400x128xf32, #tpu.memory_space<hbm>> -> memref<400x128xf32, #tpu.memory_space<hbm>>
        %dma_start3A_156 = arith.constant 9600 : i32
        %dma_start3A_157 = arith.constant 0 : i32
        %dma_start3A_158 = tpu.memref_slice %arg6[%dma_start3A_156, %dma_start3A_157] : memref<10240x128xf32, #tpu.memory_space<vmem_shared>> -> memref<400x128xf32, #tpu.memory_space<vmem_shared>>
        tpu.enqueue_dma source(%dma_start3A_158 : memref<400x128xf32, #tpu.memory_space<vmem_shared>>) target(%dma_start3A_155 : memref<400x128xf32, #tpu.memory_space<hbm>>) target_semaphore(%run_scoped3A : memref<!tpu.dma_semaphore, #tpu.memory_space<semaphore_mem>>)
        %dma_wait3A_159 = arith.constant 9600 : i32
        %dma_wait3A_160 = arith.constant 0 : i32
        %dma_wait3A_161 = tpu.memref_slice %arg5[%arg0, %dma_wait3A_159, %dma_wait3A_160] : memref<2x10000x128xf32, #tpu.memory_space<hbm>> -> memref<1x400x128xf32, #tpu.memory_space<hbm>>
        %dma_wait3A_162 = tpu.memref_squeeze %dma_wait3A_161 : memref<1x400x128xf32, #tpu.memory_space<hbm>> -> memref<400x128xf32, #tpu.memory_space<hbm>>
        %dma_wait3A_163 = arith.constant 9600 : i32
        %dma_wait3A_164 = arith.constant 0 : i32
        %dma_wait3A_165 = tpu.memref_slice %arg6[%dma_wait3A_163, %dma_wait3A_164] : memref<10240x128xf32, #tpu.memory_space<vmem_shared>> -> memref<400x128xf32, #tpu.memory_space<vmem_shared>>
        tpu.wait_dma2 semaphore(%run_scoped3A : memref<!tpu.dma_semaphore, #tpu.memory_space<semaphore_mem>>) src(%dma_wait3A_165 : memref<400x128xf32, #tpu.memory_space<vmem_shared>>) dst(%dma_wait3A_162 : memref<400x128xf32, #tpu.memory_space<hbm>>)
        tpu.yield
      }) : () -> ()
    } else {
    }
    return
  }
}

#map = affine_map<(d0, d1) -> (0)>
#map1 = affine_map<(d0, d1) -> (0, 0)>
#map2 = affine_map<(d0, d1) -> (0, 0, 0)>
module attributes {stable_mosaic.version = 14 : i64} {
  func.func @spmm_feat_split(%arg0: i32, %arg1: i32, %arg2: memref<640000xi32, #tpu.memory_space<hbm>>, %arg3: memref<10000x128xf32, #tpu.memory_space<hbm>>, %arg4: memref<10000x128xf32, #tpu.memory_space<hbm>>, %arg5: memref<640x128xf32, #tpu.memory_space<hbm>>, %arg6: memref<2x10000x128xf32, #tpu.memory_space<hbm>>, %arg7: memref<10240x128xf32, #tpu.memory_space<vmem_shared>>, %arg8: memref<80xi32, #tpu.memory_space<vmem>>, %arg9: memref<80xi32, #tpu.memory_space<vmem>>, %arg10: memref<80xi32, #tpu.memory_space<vmem>>, %arg11: memref<80xi32, #tpu.memory_space<vmem>>, %arg12: memref<80xi32, #tpu.memory_space<vmem>>, %arg13: memref<80xi32, #tpu.memory_space<vmem>>, %arg14: memref<80xi32, #tpu.memory_space<vmem>>, %arg15: memref<80xi32, #tpu.memory_space<vmem>>, %arg16: memref<80x128xf32, #tpu.memory_space<vmem>>, %arg17: memref<80x128xf32, #tpu.memory_space<vmem>>, %arg18: memref<80x128xf32, #tpu.memory_space<vmem>>, %arg19: memref<80x128xf32, #tpu.memory_space<vmem>>, %arg20: memref<!tpu.dma_semaphore, #tpu.memory_space<semaphore_mem>>, %arg21: memref<!tpu.dma_semaphore, #tpu.memory_space<semaphore_mem>>, %arg22: memref<!tpu.dma_semaphore, #tpu.memory_space<semaphore_mem>>, %arg23: memref<!tpu.dma_semaphore, #tpu.memory_space<semaphore_mem>>, %arg24: memref<!tpu.dma_semaphore, #tpu.memory_space<semaphore_mem>>, %arg25: memref<!tpu.dma_semaphore, #tpu.memory_space<semaphore_mem>>, %arg26: memref<!tpu.dma_semaphore, #tpu.memory_space<semaphore_mem>>, %arg27: memref<!tpu.dma_semaphore, #tpu.memory_space<semaphore_mem>>, %arg28: memref<!tpu.dma_semaphore, #tpu.memory_space<semaphore_mem>>, %arg29: memref<!tpu.dma_semaphore, #tpu.memory_space<semaphore_mem>>, %arg30: memref<!tpu.dma_semaphore, #tpu.memory_space<semaphore_mem>>, %arg31: memref<!tpu.dma_semaphore, #tpu.memory_space<semaphore_mem>>, %arg32: memref<!tpu.dma_semaphore, #tpu.memory_space<semaphore_mem>>, %arg33: memref<!tpu.dma_semaphore, #tpu.memory_space<semaphore_mem>>, %arg34: memref<!tpu.dma_semaphore, #tpu.memory_space<semaphore_mem>>, %arg35: memref<!tpu.dma_semaphore, #tpu.memory_space<semaphore_mem>>) attributes {dimension_semantics = [#tpu.dimension_semantics<core_parallel>, #tpu.dimension_semantics<subcore_parallel>], iteration_bounds = array<i64: 2, 16>, scalar_prefetch = 0 : i64, scratch_operands = 29 : i64, tpu.core_type = #tpu.core_type<sc_vector_subcore>, window_params = [{transform_indices = #map}, {transform_indices = #map1}, {transform_indices = #map1}, {transform_indices = #map1}, {transform_indices = #map2}]} {
    %mul3A = arith.constant 20000 : i32
    %mul3A_0 = arith.muli %arg1, %mul3A : i32
    %add3A = arith.constant 0 : i32
    %add3A_1 = arith.addi %mul3A_0, %add3A : i32
    %dma_start3A = tpu.memref_slice %arg2[%add3A_1] : memref<640000xi32, #tpu.memory_space<hbm>> -> memref<80xi32, #tpu.memory_space<hbm>>
    %dma_start3A_2 = tpu.memref_slice %arg2[%add3A_1] : memref<640000xi32, #tpu.memory_space<hbm>> -> memref<80xi32, #tpu.memory_space<hbm>>
    tpu.enqueue_dma source(%dma_start3A_2 : memref<80xi32, #tpu.memory_space<hbm>>) target(%arg8 : memref<80xi32, #tpu.memory_space<vmem>>) target_semaphore(%arg20 : memref<!tpu.dma_semaphore, #tpu.memory_space<semaphore_mem>>)
    %add3A_3 = arith.constant 320000 : i32
    %add3A_4 = arith.addi %add3A_3, %add3A_1 : i32
    %dma_start3A_5 = tpu.memref_slice %arg2[%add3A_4] : memref<640000xi32, #tpu.memory_space<hbm>> -> memref<80xi32, #tpu.memory_space<hbm>>
    %dma_start3A_6 = tpu.memref_slice %arg2[%add3A_4] : memref<640000xi32, #tpu.memory_space<hbm>> -> memref<80xi32, #tpu.memory_space<hbm>>
    tpu.enqueue_dma source(%dma_start3A_6 : memref<80xi32, #tpu.memory_space<hbm>>) target(%arg12 : memref<80xi32, #tpu.memory_space<vmem>>) target_semaphore(%arg24 : memref<!tpu.dma_semaphore, #tpu.memory_space<semaphore_mem>>)
    %add3A_7 = arith.constant 80 : i32
    %add3A_8 = arith.addi %mul3A_0, %add3A_7 : i32
    %dma_start3A_9 = tpu.memref_slice %arg2[%add3A_8] : memref<640000xi32, #tpu.memory_space<hbm>> -> memref<80xi32, #tpu.memory_space<hbm>>
    %dma_start3A_10 = tpu.memref_slice %arg2[%add3A_8] : memref<640000xi32, #tpu.memory_space<hbm>> -> memref<80xi32, #tpu.memory_space<hbm>>
    tpu.enqueue_dma source(%dma_start3A_10 : memref<80xi32, #tpu.memory_space<hbm>>) target(%arg9 : memref<80xi32, #tpu.memory_space<vmem>>) target_semaphore(%arg21 : memref<!tpu.dma_semaphore, #tpu.memory_space<semaphore_mem>>)
    %add3A_11 = arith.constant 320000 : i32
    %add3A_12 = arith.addi %add3A_11, %add3A_8 : i32
    %dma_start3A_13 = tpu.memref_slice %arg2[%add3A_12] : memref<640000xi32, #tpu.memory_space<hbm>> -> memref<80xi32, #tpu.memory_space<hbm>>
    %dma_start3A_14 = tpu.memref_slice %arg2[%add3A_12] : memref<640000xi32, #tpu.memory_space<hbm>> -> memref<80xi32, #tpu.memory_space<hbm>>
    tpu.enqueue_dma source(%dma_start3A_14 : memref<80xi32, #tpu.memory_space<hbm>>) target(%arg13 : memref<80xi32, #tpu.memory_space<vmem>>) target_semaphore(%arg25 : memref<!tpu.dma_semaphore, #tpu.memory_space<semaphore_mem>>)
    %add3A_15 = arith.constant 160 : i32
    %add3A_16 = arith.addi %mul3A_0, %add3A_15 : i32
    %dma_start3A_17 = tpu.memref_slice %arg2[%add3A_16] : memref<640000xi32, #tpu.memory_space<hbm>> -> memref<80xi32, #tpu.memory_space<hbm>>
    %dma_start3A_18 = tpu.memref_slice %arg2[%add3A_16] : memref<640000xi32, #tpu.memory_space<hbm>> -> memref<80xi32, #tpu.memory_space<hbm>>
    tpu.enqueue_dma source(%dma_start3A_18 : memref<80xi32, #tpu.memory_space<hbm>>) target(%arg10 : memref<80xi32, #tpu.memory_space<vmem>>) target_semaphore(%arg22 : memref<!tpu.dma_semaphore, #tpu.memory_space<semaphore_mem>>)
    %add3A_19 = arith.constant 320000 : i32
    %add3A_20 = arith.addi %add3A_19, %add3A_16 : i32
    %dma_start3A_21 = tpu.memref_slice %arg2[%add3A_20] : memref<640000xi32, #tpu.memory_space<hbm>> -> memref<80xi32, #tpu.memory_space<hbm>>
    %dma_start3A_22 = tpu.memref_slice %arg2[%add3A_20] : memref<640000xi32, #tpu.memory_space<hbm>> -> memref<80xi32, #tpu.memory_space<hbm>>
    tpu.enqueue_dma source(%dma_start3A_22 : memref<80xi32, #tpu.memory_space<hbm>>) target(%arg14 : memref<80xi32, #tpu.memory_space<vmem>>) target_semaphore(%arg26 : memref<!tpu.dma_semaphore, #tpu.memory_space<semaphore_mem>>)
    %add3A_23 = arith.constant 240 : i32
    %add3A_24 = arith.addi %mul3A_0, %add3A_23 : i32
    %dma_start3A_25 = tpu.memref_slice %arg2[%add3A_24] : memref<640000xi32, #tpu.memory_space<hbm>> -> memref<80xi32, #tpu.memory_space<hbm>>
    %dma_start3A_26 = tpu.memref_slice %arg2[%add3A_24] : memref<640000xi32, #tpu.memory_space<hbm>> -> memref<80xi32, #tpu.memory_space<hbm>>
    tpu.enqueue_dma source(%dma_start3A_26 : memref<80xi32, #tpu.memory_space<hbm>>) target(%arg11 : memref<80xi32, #tpu.memory_space<vmem>>) target_semaphore(%arg23 : memref<!tpu.dma_semaphore, #tpu.memory_space<semaphore_mem>>)
    %add3A_27 = arith.constant 320000 : i32
    %add3A_28 = arith.addi %add3A_27, %add3A_24 : i32
    %dma_start3A_29 = tpu.memref_slice %arg2[%add3A_28] : memref<640000xi32, #tpu.memory_space<hbm>> -> memref<80xi32, #tpu.memory_space<hbm>>
    %dma_start3A_30 = tpu.memref_slice %arg2[%add3A_28] : memref<640000xi32, #tpu.memory_space<hbm>> -> memref<80xi32, #tpu.memory_space<hbm>>
    tpu.enqueue_dma source(%dma_start3A_30 : memref<80xi32, #tpu.memory_space<hbm>>) target(%arg15 : memref<80xi32, #tpu.memory_space<vmem>>) target_semaphore(%arg27 : memref<!tpu.dma_semaphore, #tpu.memory_space<semaphore_mem>>)
    %mul3A_31 = arith.constant 640 : i32
    %mul3A_32 = arith.muli %arg1, %mul3A_31 : i32
    "tpu.region"() ({
      %run_scoped3A = tpu.sem_alloc : memref<!tpu.dma_semaphore, #tpu.memory_space<semaphore_mem>>
      %dma_start3A_50 = arith.constant 0 : i32
      %dma_start3A_51 = tpu.memref_slice %arg7[%mul3A_32, %dma_start3A_50] : memref<10240x128xf32, #tpu.memory_space<vmem_shared>> -> memref<640x128xf32, #tpu.memory_space<vmem_shared>>
      tpu.enqueue_dma source(%arg5 : memref<640x128xf32, #tpu.memory_space<hbm>>) target(%dma_start3A_51 : memref<640x128xf32, #tpu.memory_space<vmem_shared>>) target_semaphore(%run_scoped3A : memref<!tpu.dma_semaphore, #tpu.memory_space<semaphore_mem>>)
      %dma_wait3A = arith.constant 0 : i32
      %dma_wait3A_52 = tpu.memref_slice %arg7[%mul3A_32, %dma_wait3A] : memref<10240x128xf32, #tpu.memory_space<vmem_shared>> -> memref<640x128xf32, #tpu.memory_space<vmem_shared>>
      tpu.wait_dma2 semaphore(%run_scoped3A : memref<!tpu.dma_semaphore, #tpu.memory_space<semaphore_mem>>) src(%arg5 : memref<640x128xf32, #tpu.memory_space<hbm>>) dst(%dma_wait3A_52 : memref<640x128xf32, #tpu.memory_space<vmem_shared>>)
      tpu.yield
    }) : () -> ()
    %barrier3A = arith.constant 0 : index
    tpu.barrier barrier_id(%barrier3A)
    %eq3A = arith.constant 0 : i32
    %eq3A_33 = arith.cmpi eq, %arg0, %eq3A : i32
    %convert_element_type3A = arith.extui %eq3A_33 : i1 to i32
    %cond3A = arith.constant 0 : i32
    %cond3A_34 = arith.cmpi ne, %convert_element_type3A, %cond3A : i32
    scf.if %cond3A_34 {
      %dma_wait3A = tpu.memref_slice %arg2[%add3A_1] : memref<640000xi32, #tpu.memory_space<hbm>> -> memref<80xi32, #tpu.memory_space<hbm>>
      %dma_wait3A_50 = tpu.memref_slice %arg2[%add3A_1] : memref<640000xi32, #tpu.memory_space<hbm>> -> memref<80xi32, #tpu.memory_space<hbm>>
      tpu.wait_dma2 semaphore(%arg20 : memref<!tpu.dma_semaphore, #tpu.memory_space<semaphore_mem>>) src(%dma_wait3A_50 : memref<80xi32, #tpu.memory_space<hbm>>) dst(%arg8 : memref<80xi32, #tpu.memory_space<vmem>>)
      %dma_wait3A_51 = tpu.memref_slice %arg2[%add3A_4] : memref<640000xi32, #tpu.memory_space<hbm>> -> memref<80xi32, #tpu.memory_space<hbm>>
      %dma_wait3A_52 = tpu.memref_slice %arg2[%add3A_4] : memref<640000xi32, #tpu.memory_space<hbm>> -> memref<80xi32, #tpu.memory_space<hbm>>
      tpu.wait_dma2 semaphore(%arg24 : memref<!tpu.dma_semaphore, #tpu.memory_space<semaphore_mem>>) src(%dma_wait3A_52 : memref<80xi32, #tpu.memory_space<hbm>>) dst(%arg12 : memref<80xi32, #tpu.memory_space<vmem>>)
      %dma_start3A_53 = arith.constant 0 : i32
      %dma_start3A_54 = arith.constant 0 : i32
      %dma_start3A_55 = tpu.memref_slice %arg3[%dma_start3A_53, %dma_start3A_54] : memref<10000x128xf32, #tpu.memory_space<hbm>> -> memref<10000x128xf32, #tpu.memory_space<hbm>>
      tpu.enqueue_indirect_dma source(%dma_start3A_55 : memref<10000x128xf32, #tpu.memory_space<hbm>>) target(%arg16 : memref<80x128xf32, #tpu.memory_space<vmem>>) offsets(%arg8 : memref<80xi32, #tpu.memory_space<vmem>>) semaphore(%arg28 : memref<!tpu.dma_semaphore, #tpu.memory_space<semaphore_mem>>)
      %dma_wait3A_56 = tpu.memref_slice %arg2[%add3A_8] : memref<640000xi32, #tpu.memory_space<hbm>> -> memref<80xi32, #tpu.memory_space<hbm>>
      %dma_wait3A_57 = tpu.memref_slice %arg2[%add3A_8] : memref<640000xi32, #tpu.memory_space<hbm>> -> memref<80xi32, #tpu.memory_space<hbm>>
      tpu.wait_dma2 semaphore(%arg21 : memref<!tpu.dma_semaphore, #tpu.memory_space<semaphore_mem>>) src(%dma_wait3A_57 : memref<80xi32, #tpu.memory_space<hbm>>) dst(%arg9 : memref<80xi32, #tpu.memory_space<vmem>>)
      %dma_wait3A_58 = tpu.memref_slice %arg2[%add3A_12] : memref<640000xi32, #tpu.memory_space<hbm>> -> memref<80xi32, #tpu.memory_space<hbm>>
      %dma_wait3A_59 = tpu.memref_slice %arg2[%add3A_12] : memref<640000xi32, #tpu.memory_space<hbm>> -> memref<80xi32, #tpu.memory_space<hbm>>
      tpu.wait_dma2 semaphore(%arg25 : memref<!tpu.dma_semaphore, #tpu.memory_space<semaphore_mem>>) src(%dma_wait3A_59 : memref<80xi32, #tpu.memory_space<hbm>>) dst(%arg13 : memref<80xi32, #tpu.memory_space<vmem>>)
      %dma_start3A_60 = arith.constant 0 : i32
      %dma_start3A_61 = arith.constant 0 : i32
      %dma_start3A_62 = tpu.memref_slice %arg3[%dma_start3A_60, %dma_start3A_61] : memref<10000x128xf32, #tpu.memory_space<hbm>> -> memref<10000x128xf32, #tpu.memory_space<hbm>>
      tpu.enqueue_indirect_dma source(%dma_start3A_62 : memref<10000x128xf32, #tpu.memory_space<hbm>>) target(%arg17 : memref<80x128xf32, #tpu.memory_space<vmem>>) offsets(%arg9 : memref<80xi32, #tpu.memory_space<vmem>>) semaphore(%arg29 : memref<!tpu.dma_semaphore, #tpu.memory_space<semaphore_mem>>)
      %dma_wait3A_63 = tpu.memref_slice %arg2[%add3A_16] : memref<640000xi32, #tpu.memory_space<hbm>> -> memref<80xi32, #tpu.memory_space<hbm>>
      %dma_wait3A_64 = tpu.memref_slice %arg2[%add3A_16] : memref<640000xi32, #tpu.memory_space<hbm>> -> memref<80xi32, #tpu.memory_space<hbm>>
      tpu.wait_dma2 semaphore(%arg22 : memref<!tpu.dma_semaphore, #tpu.memory_space<semaphore_mem>>) src(%dma_wait3A_64 : memref<80xi32, #tpu.memory_space<hbm>>) dst(%arg10 : memref<80xi32, #tpu.memory_space<vmem>>)
      %dma_wait3A_65 = tpu.memref_slice %arg2[%add3A_20] : memref<640000xi32, #tpu.memory_space<hbm>> -> memref<80xi32, #tpu.memory_space<hbm>>
      %dma_wait3A_66 = tpu.memref_slice %arg2[%add3A_20] : memref<640000xi32, #tpu.memory_space<hbm>> -> memref<80xi32, #tpu.memory_space<hbm>>
      tpu.wait_dma2 semaphore(%arg26 : memref<!tpu.dma_semaphore, #tpu.memory_space<semaphore_mem>>) src(%dma_wait3A_66 : memref<80xi32, #tpu.memory_space<hbm>>) dst(%arg14 : memref<80xi32, #tpu.memory_space<vmem>>)
      %dma_start3A_67 = arith.constant 0 : i32
      %dma_start3A_68 = arith.constant 0 : i32
      %dma_start3A_69 = tpu.memref_slice %arg3[%dma_start3A_67, %dma_start3A_68] : memref<10000x128xf32, #tpu.memory_space<hbm>> -> memref<10000x128xf32, #tpu.memory_space<hbm>>
      tpu.enqueue_indirect_dma source(%dma_start3A_69 : memref<10000x128xf32, #tpu.memory_space<hbm>>) target(%arg18 : memref<80x128xf32, #tpu.memory_space<vmem>>) offsets(%arg10 : memref<80xi32, #tpu.memory_space<vmem>>) semaphore(%arg30 : memref<!tpu.dma_semaphore, #tpu.memory_space<semaphore_mem>>)
      %dma_wait3A_70 = tpu.memref_slice %arg2[%add3A_24] : memref<640000xi32, #tpu.memory_space<hbm>> -> memref<80xi32, #tpu.memory_space<hbm>>
      %dma_wait3A_71 = tpu.memref_slice %arg2[%add3A_24] : memref<640000xi32, #tpu.memory_space<hbm>> -> memref<80xi32, #tpu.memory_space<hbm>>
      tpu.wait_dma2 semaphore(%arg23 : memref<!tpu.dma_semaphore, #tpu.memory_space<semaphore_mem>>) src(%dma_wait3A_71 : memref<80xi32, #tpu.memory_space<hbm>>) dst(%arg11 : memref<80xi32, #tpu.memory_space<vmem>>)
      %dma_wait3A_72 = tpu.memref_slice %arg2[%add3A_28] : memref<640000xi32, #tpu.memory_space<hbm>> -> memref<80xi32, #tpu.memory_space<hbm>>
      %dma_wait3A_73 = tpu.memref_slice %arg2[%add3A_28] : memref<640000xi32, #tpu.memory_space<hbm>> -> memref<80xi32, #tpu.memory_space<hbm>>
      tpu.wait_dma2 semaphore(%arg27 : memref<!tpu.dma_semaphore, #tpu.memory_space<semaphore_mem>>) src(%dma_wait3A_73 : memref<80xi32, #tpu.memory_space<hbm>>) dst(%arg15 : memref<80xi32, #tpu.memory_space<vmem>>)
      %dma_start3A_74 = arith.constant 0 : i32
      %dma_start3A_75 = arith.constant 0 : i32
      %dma_start3A_76 = tpu.memref_slice %arg3[%dma_start3A_74, %dma_start3A_75] : memref<10000x128xf32, #tpu.memory_space<hbm>> -> memref<10000x128xf32, #tpu.memory_space<hbm>>
      tpu.enqueue_indirect_dma source(%dma_start3A_76 : memref<10000x128xf32, #tpu.memory_space<hbm>>) target(%arg19 : memref<80x128xf32, #tpu.memory_space<vmem>>) offsets(%arg11 : memref<80xi32, #tpu.memory_space<vmem>>) semaphore(%arg31 : memref<!tpu.dma_semaphore, #tpu.memory_space<semaphore_mem>>)
      %dma_wait3A_77 = arith.constant 0 : i32
      %dma_wait3A_78 = arith.constant 0 : i32
      %dma_wait3A_79 = tpu.memref_slice %arg3[%dma_wait3A_77, %dma_wait3A_78] : memref<10000x128xf32, #tpu.memory_space<hbm>> -> memref<10000x128xf32, #tpu.memory_space<hbm>>
      tpu.wait_indirect_dma semaphore(%arg28 : memref<!tpu.dma_semaphore, #tpu.memory_space<semaphore_mem>>) src(%dma_wait3A_79 : memref<10000x128xf32, #tpu.memory_space<hbm>>) dst(%arg16 : memref<80x128xf32, #tpu.memory_space<vmem>>)
      %dma_start3A_80 = arith.constant 0 : i32
      %dma_start3A_81 = arith.constant 0 : i32
      %dma_start3A_82 = tpu.memref_slice %arg7[%dma_start3A_80, %dma_start3A_81] : memref<10240x128xf32, #tpu.memory_space<vmem_shared>> -> memref<10240x128xf32, #tpu.memory_space<vmem_shared>>
      tpu.enqueue_indirect_dma source(%arg16 : memref<80x128xf32, #tpu.memory_space<vmem>>) target(%dma_start3A_82 : memref<10240x128xf32, #tpu.memory_space<vmem_shared>>) offsets(%arg12 : memref<80xi32, #tpu.memory_space<vmem>>) semaphore(%arg32 : memref<!tpu.dma_semaphore, #tpu.memory_space<semaphore_mem>>) {add = true}
      %dma_wait3A_83 = arith.constant 0 : i32
      %dma_wait3A_84 = arith.constant 0 : i32
      %dma_wait3A_85 = tpu.memref_slice %arg3[%dma_wait3A_83, %dma_wait3A_84] : memref<10000x128xf32, #tpu.memory_space<hbm>> -> memref<10000x128xf32, #tpu.memory_space<hbm>>
      tpu.wait_indirect_dma semaphore(%arg29 : memref<!tpu.dma_semaphore, #tpu.memory_space<semaphore_mem>>) src(%dma_wait3A_85 : memref<10000x128xf32, #tpu.memory_space<hbm>>) dst(%arg17 : memref<80x128xf32, #tpu.memory_space<vmem>>)
      %dma_start3A_86 = arith.constant 0 : i32
      %dma_start3A_87 = arith.constant 0 : i32
      %dma_start3A_88 = tpu.memref_slice %arg7[%dma_start3A_86, %dma_start3A_87] : memref<10240x128xf32, #tpu.memory_space<vmem_shared>> -> memref<10240x128xf32, #tpu.memory_space<vmem_shared>>
      tpu.enqueue_indirect_dma source(%arg17 : memref<80x128xf32, #tpu.memory_space<vmem>>) target(%dma_start3A_88 : memref<10240x128xf32, #tpu.memory_space<vmem_shared>>) offsets(%arg13 : memref<80xi32, #tpu.memory_space<vmem>>) semaphore(%arg33 : memref<!tpu.dma_semaphore, #tpu.memory_space<semaphore_mem>>) {add = true}
      %dma_wait3A_89 = arith.constant 0 : i32
      %dma_wait3A_90 = arith.constant 0 : i32
      %dma_wait3A_91 = tpu.memref_slice %arg3[%dma_wait3A_89, %dma_wait3A_90] : memref<10000x128xf32, #tpu.memory_space<hbm>> -> memref<10000x128xf32, #tpu.memory_space<hbm>>
      tpu.wait_indirect_dma semaphore(%arg30 : memref<!tpu.dma_semaphore, #tpu.memory_space<semaphore_mem>>) src(%dma_wait3A_91 : memref<10000x128xf32, #tpu.memory_space<hbm>>) dst(%arg18 : memref<80x128xf32, #tpu.memory_space<vmem>>)
      %dma_start3A_92 = arith.constant 0 : i32
      %dma_start3A_93 = arith.constant 0 : i32
      %dma_start3A_94 = tpu.memref_slice %arg7[%dma_start3A_92, %dma_start3A_93] : memref<10240x128xf32, #tpu.memory_space<vmem_shared>> -> memref<10240x128xf32, #tpu.memory_space<vmem_shared>>
      tpu.enqueue_indirect_dma source(%arg18 : memref<80x128xf32, #tpu.memory_space<vmem>>) target(%dma_start3A_94 : memref<10240x128xf32, #tpu.memory_space<vmem_shared>>) offsets(%arg14 : memref<80xi32, #tpu.memory_space<vmem>>) semaphore(%arg34 : memref<!tpu.dma_semaphore, #tpu.memory_space<semaphore_mem>>) {add = true}
      %dma_wait3A_95 = arith.constant 0 : i32
      %dma_wait3A_96 = arith.constant 0 : i32
      %dma_wait3A_97 = tpu.memref_slice %arg3[%dma_wait3A_95, %dma_wait3A_96] : memref<10000x128xf32, #tpu.memory_space<hbm>> -> memref<10000x128xf32, #tpu.memory_space<hbm>>
      tpu.wait_indirect_dma semaphore(%arg31 : memref<!tpu.dma_semaphore, #tpu.memory_space<semaphore_mem>>) src(%dma_wait3A_97 : memref<10000x128xf32, #tpu.memory_space<hbm>>) dst(%arg19 : memref<80x128xf32, #tpu.memory_space<vmem>>)
      %dma_start3A_98 = arith.constant 0 : i32
      %dma_start3A_99 = arith.constant 0 : i32
      %dma_start3A_100 = tpu.memref_slice %arg7[%dma_start3A_98, %dma_start3A_99] : memref<10240x128xf32, #tpu.memory_space<vmem_shared>> -> memref<10240x128xf32, #tpu.memory_space<vmem_shared>>
      tpu.enqueue_indirect_dma source(%arg19 : memref<80x128xf32, #tpu.memory_space<vmem>>) target(%dma_start3A_100 : memref<10240x128xf32, #tpu.memory_space<vmem_shared>>) offsets(%arg15 : memref<80xi32, #tpu.memory_space<vmem>>) semaphore(%arg35 : memref<!tpu.dma_semaphore, #tpu.memory_space<semaphore_mem>>) {add = true}
      %scan3A = arith.constant 0 : i32
      %scan3A_101 = arith.constant 1 : i32
      %scan3A_102 = arith.constant 61 : i32
      %scan3A_103 = arith.addi %scan3A_101, %scan3A_102 : i32
      %scan3A_104 = arith.constant 1 : i32
      scf.for %scan3A_186 = %scan3A_101 to %scan3A_103 step %scan3A_104  : i32 {
        %mul3A_187 = arith.constant 320 : i32
        %mul3A_188 = arith.muli %scan3A_186, %mul3A_187 : i32
        %add3A_189 = arith.addi %mul3A_0, %mul3A_188 : i32
        %dma_wait3A_190 = arith.constant 0 : i32
        %dma_wait3A_191 = arith.constant 0 : i32
        %dma_wait3A_192 = tpu.memref_slice %arg3[%dma_wait3A_190, %dma_wait3A_191] : memref<10000x128xf32, #tpu.memory_space<hbm>> -> memref<80x128xf32, #tpu.memory_space<hbm>>
        %dma_wait3A_193 = arith.constant 0 : i32
        %dma_wait3A_194 = arith.constant 0 : i32
        %dma_wait3A_195 = tpu.memref_slice %arg3[%dma_wait3A_193, %dma_wait3A_194] : memref<10000x128xf32, #tpu.memory_space<hbm>> -> memref<80x128xf32, #tpu.memory_space<hbm>>
        tpu.wait_dma2 semaphore(%arg32 : memref<!tpu.dma_semaphore, #tpu.memory_space<semaphore_mem>>) src(%dma_wait3A_195 : memref<80x128xf32, #tpu.memory_space<hbm>>) dst(%arg16 : memref<80x128xf32, #tpu.memory_space<vmem>>)
        %add3A_196 = arith.constant 0 : i32
        %add3A_197 = arith.addi %add3A_189, %add3A_196 : i32
        %dma_start3A_198 = tpu.memref_slice %arg2[%add3A_197] : memref<640000xi32, #tpu.memory_space<hbm>> -> memref<80xi32, #tpu.memory_space<hbm>>
        %dma_start3A_199 = tpu.memref_slice %arg2[%add3A_197] : memref<640000xi32, #tpu.memory_space<hbm>> -> memref<80xi32, #tpu.memory_space<hbm>>
        tpu.enqueue_dma source(%dma_start3A_199 : memref<80xi32, #tpu.memory_space<hbm>>) target(%arg8 : memref<80xi32, #tpu.memory_space<vmem>>) target_semaphore(%arg20 : memref<!tpu.dma_semaphore, #tpu.memory_space<semaphore_mem>>)
        %add3A_200 = arith.constant 320000 : i32
        %add3A_201 = arith.addi %add3A_200, %add3A_197 : i32
        %dma_start3A_202 = tpu.memref_slice %arg2[%add3A_201] : memref<640000xi32, #tpu.memory_space<hbm>> -> memref<80xi32, #tpu.memory_space<hbm>>
        %dma_start3A_203 = tpu.memref_slice %arg2[%add3A_201] : memref<640000xi32, #tpu.memory_space<hbm>> -> memref<80xi32, #tpu.memory_space<hbm>>
        tpu.enqueue_dma source(%dma_start3A_203 : memref<80xi32, #tpu.memory_space<hbm>>) target(%arg12 : memref<80xi32, #tpu.memory_space<vmem>>) target_semaphore(%arg24 : memref<!tpu.dma_semaphore, #tpu.memory_space<semaphore_mem>>)
        %dma_wait3A_204 = arith.constant 0 : i32
        %dma_wait3A_205 = arith.constant 0 : i32
        %dma_wait3A_206 = tpu.memref_slice %arg3[%dma_wait3A_204, %dma_wait3A_205] : memref<10000x128xf32, #tpu.memory_space<hbm>> -> memref<80x128xf32, #tpu.memory_space<hbm>>
        %dma_wait3A_207 = arith.constant 0 : i32
        %dma_wait3A_208 = arith.constant 0 : i32
        %dma_wait3A_209 = tpu.memref_slice %arg3[%dma_wait3A_207, %dma_wait3A_208] : memref<10000x128xf32, #tpu.memory_space<hbm>> -> memref<80x128xf32, #tpu.memory_space<hbm>>
        tpu.wait_dma2 semaphore(%arg33 : memref<!tpu.dma_semaphore, #tpu.memory_space<semaphore_mem>>) src(%dma_wait3A_209 : memref<80x128xf32, #tpu.memory_space<hbm>>) dst(%arg17 : memref<80x128xf32, #tpu.memory_space<vmem>>)
        %add3A_210 = arith.constant 80 : i32
        %add3A_211 = arith.addi %add3A_189, %add3A_210 : i32
        %dma_start3A_212 = tpu.memref_slice %arg2[%add3A_211] : memref<640000xi32, #tpu.memory_space<hbm>> -> memref<80xi32, #tpu.memory_space<hbm>>
        %dma_start3A_213 = tpu.memref_slice %arg2[%add3A_211] : memref<640000xi32, #tpu.memory_space<hbm>> -> memref<80xi32, #tpu.memory_space<hbm>>
        tpu.enqueue_dma source(%dma_start3A_213 : memref<80xi32, #tpu.memory_space<hbm>>) target(%arg9 : memref<80xi32, #tpu.memory_space<vmem>>) target_semaphore(%arg21 : memref<!tpu.dma_semaphore, #tpu.memory_space<semaphore_mem>>)
        %add3A_214 = arith.constant 320000 : i32
        %add3A_215 = arith.addi %add3A_214, %add3A_211 : i32
        %dma_start3A_216 = tpu.memref_slice %arg2[%add3A_215] : memref<640000xi32, #tpu.memory_space<hbm>> -> memref<80xi32, #tpu.memory_space<hbm>>
        %dma_start3A_217 = tpu.memref_slice %arg2[%add3A_215] : memref<640000xi32, #tpu.memory_space<hbm>> -> memref<80xi32, #tpu.memory_space<hbm>>
        tpu.enqueue_dma source(%dma_start3A_217 : memref<80xi32, #tpu.memory_space<hbm>>) target(%arg13 : memref<80xi32, #tpu.memory_space<vmem>>) target_semaphore(%arg25 : memref<!tpu.dma_semaphore, #tpu.memory_space<semaphore_mem>>)
        %dma_wait3A_218 = arith.constant 0 : i32
        %dma_wait3A_219 = arith.constant 0 : i32
        %dma_wait3A_220 = tpu.memref_slice %arg3[%dma_wait3A_218, %dma_wait3A_219] : memref<10000x128xf32, #tpu.memory_space<hbm>> -> memref<80x128xf32, #tpu.memory_space<hbm>>
        %dma_wait3A_221 = arith.constant 0 : i32
        %dma_wait3A_222 = arith.constant 0 : i32
        %dma_wait3A_223 = tpu.memref_slice %arg3[%dma_wait3A_221, %dma_wait3A_222] : memref<10000x128xf32, #tpu.memory_space<hbm>> -> memref<80x128xf32, #tpu.memory_space<hbm>>
        tpu.wait_dma2 semaphore(%arg34 : memref<!tpu.dma_semaphore, #tpu.memory_space<semaphore_mem>>) src(%dma_wait3A_223 : memref<80x128xf32, #tpu.memory_space<hbm>>) dst(%arg18 : memref<80x128xf32, #tpu.memory_space<vmem>>)
        %add3A_224 = arith.constant 160 : i32
        %add3A_225 = arith.addi %add3A_189, %add3A_224 : i32
        %dma_start3A_226 = tpu.memref_slice %arg2[%add3A_225] : memref<640000xi32, #tpu.memory_space<hbm>> -> memref<80xi32, #tpu.memory_space<hbm>>
        %dma_start3A_227 = tpu.memref_slice %arg2[%add3A_225] : memref<640000xi32, #tpu.memory_space<hbm>> -> memref<80xi32, #tpu.memory_space<hbm>>
        tpu.enqueue_dma source(%dma_start3A_227 : memref<80xi32, #tpu.memory_space<hbm>>) target(%arg10 : memref<80xi32, #tpu.memory_space<vmem>>) target_semaphore(%arg22 : memref<!tpu.dma_semaphore, #tpu.memory_space<semaphore_mem>>)
        %add3A_228 = arith.constant 320000 : i32
        %add3A_229 = arith.addi %add3A_228, %add3A_225 : i32
        %dma_start3A_230 = tpu.memref_slice %arg2[%add3A_229] : memref<640000xi32, #tpu.memory_space<hbm>> -> memref<80xi32, #tpu.memory_space<hbm>>
        %dma_start3A_231 = tpu.memref_slice %arg2[%add3A_229] : memref<640000xi32, #tpu.memory_space<hbm>> -> memref<80xi32, #tpu.memory_space<hbm>>
        tpu.enqueue_dma source(%dma_start3A_231 : memref<80xi32, #tpu.memory_space<hbm>>) target(%arg14 : memref<80xi32, #tpu.memory_space<vmem>>) target_semaphore(%arg26 : memref<!tpu.dma_semaphore, #tpu.memory_space<semaphore_mem>>)
        %dma_wait3A_232 = arith.constant 0 : i32
        %dma_wait3A_233 = arith.constant 0 : i32
        %dma_wait3A_234 = tpu.memref_slice %arg3[%dma_wait3A_232, %dma_wait3A_233] : memref<10000x128xf32, #tpu.memory_space<hbm>> -> memref<80x128xf32, #tpu.memory_space<hbm>>
        %dma_wait3A_235 = arith.constant 0 : i32
        %dma_wait3A_236 = arith.constant 0 : i32
        %dma_wait3A_237 = tpu.memref_slice %arg3[%dma_wait3A_235, %dma_wait3A_236] : memref<10000x128xf32, #tpu.memory_space<hbm>> -> memref<80x128xf32, #tpu.memory_space<hbm>>
        tpu.wait_dma2 semaphore(%arg35 : memref<!tpu.dma_semaphore, #tpu.memory_space<semaphore_mem>>) src(%dma_wait3A_237 : memref<80x128xf32, #tpu.memory_space<hbm>>) dst(%arg19 : memref<80x128xf32, #tpu.memory_space<vmem>>)
        %add3A_238 = arith.constant 240 : i32
        %add3A_239 = arith.addi %add3A_189, %add3A_238 : i32
        %dma_start3A_240 = tpu.memref_slice %arg2[%add3A_239] : memref<640000xi32, #tpu.memory_space<hbm>> -> memref<80xi32, #tpu.memory_space<hbm>>
        %dma_start3A_241 = tpu.memref_slice %arg2[%add3A_239] : memref<640000xi32, #tpu.memory_space<hbm>> -> memref<80xi32, #tpu.memory_space<hbm>>
        tpu.enqueue_dma source(%dma_start3A_241 : memref<80xi32, #tpu.memory_space<hbm>>) target(%arg11 : memref<80xi32, #tpu.memory_space<vmem>>) target_semaphore(%arg23 : memref<!tpu.dma_semaphore, #tpu.memory_space<semaphore_mem>>)
        %add3A_242 = arith.constant 320000 : i32
        %add3A_243 = arith.addi %add3A_242, %add3A_239 : i32
        %dma_start3A_244 = tpu.memref_slice %arg2[%add3A_243] : memref<640000xi32, #tpu.memory_space<hbm>> -> memref<80xi32, #tpu.memory_space<hbm>>
        %dma_start3A_245 = tpu.memref_slice %arg2[%add3A_243] : memref<640000xi32, #tpu.memory_space<hbm>> -> memref<80xi32, #tpu.memory_space<hbm>>
        tpu.enqueue_dma source(%dma_start3A_245 : memref<80xi32, #tpu.memory_space<hbm>>) target(%arg15 : memref<80xi32, #tpu.memory_space<vmem>>) target_semaphore(%arg27 : memref<!tpu.dma_semaphore, #tpu.memory_space<semaphore_mem>>)
        %dma_wait3A_246 = tpu.memref_slice %arg2[%add3A_197] : memref<640000xi32, #tpu.memory_space<hbm>> -> memref<80xi32, #tpu.memory_space<hbm>>
        %dma_wait3A_247 = tpu.memref_slice %arg2[%add3A_197] : memref<640000xi32, #tpu.memory_space<hbm>> -> memref<80xi32, #tpu.memory_space<hbm>>
        tpu.wait_dma2 semaphore(%arg20 : memref<!tpu.dma_semaphore, #tpu.memory_space<semaphore_mem>>) src(%dma_wait3A_247 : memref<80xi32, #tpu.memory_space<hbm>>) dst(%arg8 : memref<80xi32, #tpu.memory_space<vmem>>)
        %dma_wait3A_248 = tpu.memref_slice %arg2[%add3A_201] : memref<640000xi32, #tpu.memory_space<hbm>> -> memref<80xi32, #tpu.memory_space<hbm>>
        %dma_wait3A_249 = tpu.memref_slice %arg2[%add3A_201] : memref<640000xi32, #tpu.memory_space<hbm>> -> memref<80xi32, #tpu.memory_space<hbm>>
        tpu.wait_dma2 semaphore(%arg24 : memref<!tpu.dma_semaphore, #tpu.memory_space<semaphore_mem>>) src(%dma_wait3A_249 : memref<80xi32, #tpu.memory_space<hbm>>) dst(%arg12 : memref<80xi32, #tpu.memory_space<vmem>>)
        %dma_start3A_250 = arith.constant 0 : i32
        %dma_start3A_251 = arith.constant 0 : i32
        %dma_start3A_252 = tpu.memref_slice %arg3[%dma_start3A_250, %dma_start3A_251] : memref<10000x128xf32, #tpu.memory_space<hbm>> -> memref<10000x128xf32, #tpu.memory_space<hbm>>
        tpu.enqueue_indirect_dma source(%dma_start3A_252 : memref<10000x128xf32, #tpu.memory_space<hbm>>) target(%arg16 : memref<80x128xf32, #tpu.memory_space<vmem>>) offsets(%arg8 : memref<80xi32, #tpu.memory_space<vmem>>) semaphore(%arg28 : memref<!tpu.dma_semaphore, #tpu.memory_space<semaphore_mem>>)
        %dma_wait3A_253 = tpu.memref_slice %arg2[%add3A_211] : memref<640000xi32, #tpu.memory_space<hbm>> -> memref<80xi32, #tpu.memory_space<hbm>>
        %dma_wait3A_254 = tpu.memref_slice %arg2[%add3A_211] : memref<640000xi32, #tpu.memory_space<hbm>> -> memref<80xi32, #tpu.memory_space<hbm>>
        tpu.wait_dma2 semaphore(%arg21 : memref<!tpu.dma_semaphore, #tpu.memory_space<semaphore_mem>>) src(%dma_wait3A_254 : memref<80xi32, #tpu.memory_space<hbm>>) dst(%arg9 : memref<80xi32, #tpu.memory_space<vmem>>)
        %dma_wait3A_255 = tpu.memref_slice %arg2[%add3A_215] : memref<640000xi32, #tpu.memory_space<hbm>> -> memref<80xi32, #tpu.memory_space<hbm>>
        %dma_wait3A_256 = tpu.memref_slice %arg2[%add3A_215] : memref<640000xi32, #tpu.memory_space<hbm>> -> memref<80xi32, #tpu.memory_space<hbm>>
        tpu.wait_dma2 semaphore(%arg25 : memref<!tpu.dma_semaphore, #tpu.memory_space<semaphore_mem>>) src(%dma_wait3A_256 : memref<80xi32, #tpu.memory_space<hbm>>) dst(%arg13 : memref<80xi32, #tpu.memory_space<vmem>>)
        %dma_start3A_257 = arith.constant 0 : i32
        %dma_start3A_258 = arith.constant 0 : i32
        %dma_start3A_259 = tpu.memref_slice %arg3[%dma_start3A_257, %dma_start3A_258] : memref<10000x128xf32, #tpu.memory_space<hbm>> -> memref<10000x128xf32, #tpu.memory_space<hbm>>
        tpu.enqueue_indirect_dma source(%dma_start3A_259 : memref<10000x128xf32, #tpu.memory_space<hbm>>) target(%arg17 : memref<80x128xf32, #tpu.memory_space<vmem>>) offsets(%arg9 : memref<80xi32, #tpu.memory_space<vmem>>) semaphore(%arg29 : memref<!tpu.dma_semaphore, #tpu.memory_space<semaphore_mem>>)
        %dma_wait3A_260 = tpu.memref_slice %arg2[%add3A_225] : memref<640000xi32, #tpu.memory_space<hbm>> -> memref<80xi32, #tpu.memory_space<hbm>>
        %dma_wait3A_261 = tpu.memref_slice %arg2[%add3A_225] : memref<640000xi32, #tpu.memory_space<hbm>> -> memref<80xi32, #tpu.memory_space<hbm>>
        tpu.wait_dma2 semaphore(%arg22 : memref<!tpu.dma_semaphore, #tpu.memory_space<semaphore_mem>>) src(%dma_wait3A_261 : memref<80xi32, #tpu.memory_space<hbm>>) dst(%arg10 : memref<80xi32, #tpu.memory_space<vmem>>)
        %dma_wait3A_262 = tpu.memref_slice %arg2[%add3A_229] : memref<640000xi32, #tpu.memory_space<hbm>> -> memref<80xi32, #tpu.memory_space<hbm>>
        %dma_wait3A_263 = tpu.memref_slice %arg2[%add3A_229] : memref<640000xi32, #tpu.memory_space<hbm>> -> memref<80xi32, #tpu.memory_space<hbm>>
        tpu.wait_dma2 semaphore(%arg26 : memref<!tpu.dma_semaphore, #tpu.memory_space<semaphore_mem>>) src(%dma_wait3A_263 : memref<80xi32, #tpu.memory_space<hbm>>) dst(%arg14 : memref<80xi32, #tpu.memory_space<vmem>>)
        %dma_start3A_264 = arith.constant 0 : i32
        %dma_start3A_265 = arith.constant 0 : i32
        %dma_start3A_266 = tpu.memref_slice %arg3[%dma_start3A_264, %dma_start3A_265] : memref<10000x128xf32, #tpu.memory_space<hbm>> -> memref<10000x128xf32, #tpu.memory_space<hbm>>
        tpu.enqueue_indirect_dma source(%dma_start3A_266 : memref<10000x128xf32, #tpu.memory_space<hbm>>) target(%arg18 : memref<80x128xf32, #tpu.memory_space<vmem>>) offsets(%arg10 : memref<80xi32, #tpu.memory_space<vmem>>) semaphore(%arg30 : memref<!tpu.dma_semaphore, #tpu.memory_space<semaphore_mem>>)
        %dma_wait3A_267 = tpu.memref_slice %arg2[%add3A_239] : memref<640000xi32, #tpu.memory_space<hbm>> -> memref<80xi32, #tpu.memory_space<hbm>>
        %dma_wait3A_268 = tpu.memref_slice %arg2[%add3A_239] : memref<640000xi32, #tpu.memory_space<hbm>> -> memref<80xi32, #tpu.memory_space<hbm>>
        tpu.wait_dma2 semaphore(%arg23 : memref<!tpu.dma_semaphore, #tpu.memory_space<semaphore_mem>>) src(%dma_wait3A_268 : memref<80xi32, #tpu.memory_space<hbm>>) dst(%arg11 : memref<80xi32, #tpu.memory_space<vmem>>)
        %dma_wait3A_269 = tpu.memref_slice %arg2[%add3A_243] : memref<640000xi32, #tpu.memory_space<hbm>> -> memref<80xi32, #tpu.memory_space<hbm>>
        %dma_wait3A_270 = tpu.memref_slice %arg2[%add3A_243] : memref<640000xi32, #tpu.memory_space<hbm>> -> memref<80xi32, #tpu.memory_space<hbm>>
        tpu.wait_dma2 semaphore(%arg27 : memref<!tpu.dma_semaphore, #tpu.memory_space<semaphore_mem>>) src(%dma_wait3A_270 : memref<80xi32, #tpu.memory_space<hbm>>) dst(%arg15 : memref<80xi32, #tpu.memory_space<vmem>>)
        %dma_start3A_271 = arith.constant 0 : i32
        %dma_start3A_272 = arith.constant 0 : i32
        %dma_start3A_273 = tpu.memref_slice %arg3[%dma_start3A_271, %dma_start3A_272] : memref<10000x128xf32, #tpu.memory_space<hbm>> -> memref<10000x128xf32, #tpu.memory_space<hbm>>
        tpu.enqueue_indirect_dma source(%dma_start3A_273 : memref<10000x128xf32, #tpu.memory_space<hbm>>) target(%arg19 : memref<80x128xf32, #tpu.memory_space<vmem>>) offsets(%arg11 : memref<80xi32, #tpu.memory_space<vmem>>) semaphore(%arg31 : memref<!tpu.dma_semaphore, #tpu.memory_space<semaphore_mem>>)
        %dma_wait3A_274 = arith.constant 0 : i32
        %dma_wait3A_275 = arith.constant 0 : i32
        %dma_wait3A_276 = tpu.memref_slice %arg3[%dma_wait3A_274, %dma_wait3A_275] : memref<10000x128xf32, #tpu.memory_space<hbm>> -> memref<10000x128xf32, #tpu.memory_space<hbm>>
        tpu.wait_indirect_dma semaphore(%arg28 : memref<!tpu.dma_semaphore, #tpu.memory_space<semaphore_mem>>) src(%dma_wait3A_276 : memref<10000x128xf32, #tpu.memory_space<hbm>>) dst(%arg16 : memref<80x128xf32, #tpu.memory_space<vmem>>)
        %dma_start3A_277 = arith.constant 0 : i32
        %dma_start3A_278 = arith.constant 0 : i32
        %dma_start3A_279 = tpu.memref_slice %arg7[%dma_start3A_277, %dma_start3A_278] : memref<10240x128xf32, #tpu.memory_space<vmem_shared>> -> memref<10240x128xf32, #tpu.memory_space<vmem_shared>>
        tpu.enqueue_indirect_dma source(%arg16 : memref<80x128xf32, #tpu.memory_space<vmem>>) target(%dma_start3A_279 : memref<10240x128xf32, #tpu.memory_space<vmem_shared>>) offsets(%arg12 : memref<80xi32, #tpu.memory_space<vmem>>) semaphore(%arg32 : memref<!tpu.dma_semaphore, #tpu.memory_space<semaphore_mem>>) {add = true}
        %dma_wait3A_280 = arith.constant 0 : i32
        %dma_wait3A_281 = arith.constant 0 : i32
        %dma_wait3A_282 = tpu.memref_slice %arg3[%dma_wait3A_280, %dma_wait3A_281] : memref<10000x128xf32, #tpu.memory_space<hbm>> -> memref<10000x128xf32, #tpu.memory_space<hbm>>
        tpu.wait_indirect_dma semaphore(%arg29 : memref<!tpu.dma_semaphore, #tpu.memory_space<semaphore_mem>>) src(%dma_wait3A_282 : memref<10000x128xf32, #tpu.memory_space<hbm>>) dst(%arg17 : memref<80x128xf32, #tpu.memory_space<vmem>>)
        %dma_start3A_283 = arith.constant 0 : i32
        %dma_start3A_284 = arith.constant 0 : i32
        %dma_start3A_285 = tpu.memref_slice %arg7[%dma_start3A_283, %dma_start3A_284] : memref<10240x128xf32, #tpu.memory_space<vmem_shared>> -> memref<10240x128xf32, #tpu.memory_space<vmem_shared>>
        tpu.enqueue_indirect_dma source(%arg17 : memref<80x128xf32, #tpu.memory_space<vmem>>) target(%dma_start3A_285 : memref<10240x128xf32, #tpu.memory_space<vmem_shared>>) offsets(%arg13 : memref<80xi32, #tpu.memory_space<vmem>>) semaphore(%arg33 : memref<!tpu.dma_semaphore, #tpu.memory_space<semaphore_mem>>) {add = true}
        %dma_wait3A_286 = arith.constant 0 : i32
        %dma_wait3A_287 = arith.constant 0 : i32
        %dma_wait3A_288 = tpu.memref_slice %arg3[%dma_wait3A_286, %dma_wait3A_287] : memref<10000x128xf32, #tpu.memory_space<hbm>> -> memref<10000x128xf32, #tpu.memory_space<hbm>>
        tpu.wait_indirect_dma semaphore(%arg30 : memref<!tpu.dma_semaphore, #tpu.memory_space<semaphore_mem>>) src(%dma_wait3A_288 : memref<10000x128xf32, #tpu.memory_space<hbm>>) dst(%arg18 : memref<80x128xf32, #tpu.memory_space<vmem>>)
        %dma_start3A_289 = arith.constant 0 : i32
        %dma_start3A_290 = arith.constant 0 : i32
        %dma_start3A_291 = tpu.memref_slice %arg7[%dma_start3A_289, %dma_start3A_290] : memref<10240x128xf32, #tpu.memory_space<vmem_shared>> -> memref<10240x128xf32, #tpu.memory_space<vmem_shared>>
        tpu.enqueue_indirect_dma source(%arg18 : memref<80x128xf32, #tpu.memory_space<vmem>>) target(%dma_start3A_291 : memref<10240x128xf32, #tpu.memory_space<vmem_shared>>) offsets(%arg14 : memref<80xi32, #tpu.memory_space<vmem>>) semaphore(%arg34 : memref<!tpu.dma_semaphore, #tpu.memory_space<semaphore_mem>>) {add = true}
        %dma_wait3A_292 = arith.constant 0 : i32
        %dma_wait3A_293 = arith.constant 0 : i32
        %dma_wait3A_294 = tpu.memref_slice %arg3[%dma_wait3A_292, %dma_wait3A_293] : memref<10000x128xf32, #tpu.memory_space<hbm>> -> memref<10000x128xf32, #tpu.memory_space<hbm>>
        tpu.wait_indirect_dma semaphore(%arg31 : memref<!tpu.dma_semaphore, #tpu.memory_space<semaphore_mem>>) src(%dma_wait3A_294 : memref<10000x128xf32, #tpu.memory_space<hbm>>) dst(%arg19 : memref<80x128xf32, #tpu.memory_space<vmem>>)
        %dma_start3A_295 = arith.constant 0 : i32
        %dma_start3A_296 = arith.constant 0 : i32
        %dma_start3A_297 = tpu.memref_slice %arg7[%dma_start3A_295, %dma_start3A_296] : memref<10240x128xf32, #tpu.memory_space<vmem_shared>> -> memref<10240x128xf32, #tpu.memory_space<vmem_shared>>
        tpu.enqueue_indirect_dma source(%arg19 : memref<80x128xf32, #tpu.memory_space<vmem>>) target(%dma_start3A_297 : memref<10240x128xf32, #tpu.memory_space<vmem_shared>>) offsets(%arg15 : memref<80xi32, #tpu.memory_space<vmem>>) semaphore(%arg35 : memref<!tpu.dma_semaphore, #tpu.memory_space<semaphore_mem>>) {add = true}
      }
      %scan3A_105 = arith.constant 61 : i32
      %add3A_106 = arith.constant 19840 : i32
      %add3A_107 = arith.addi %mul3A_0, %add3A_106 : i32
      %dma_wait3A_108 = arith.constant 0 : i32
      %dma_wait3A_109 = arith.constant 0 : i32
      %dma_wait3A_110 = tpu.memref_slice %arg3[%dma_wait3A_108, %dma_wait3A_109] : memref<10000x128xf32, #tpu.memory_space<hbm>> -> memref<80x128xf32, #tpu.memory_space<hbm>>
      %dma_wait3A_111 = arith.constant 0 : i32
      %dma_wait3A_112 = arith.constant 0 : i32
      %dma_wait3A_113 = tpu.memref_slice %arg3[%dma_wait3A_111, %dma_wait3A_112] : memref<10000x128xf32, #tpu.memory_space<hbm>> -> memref<80x128xf32, #tpu.memory_space<hbm>>
      tpu.wait_dma2 semaphore(%arg32 : memref<!tpu.dma_semaphore, #tpu.memory_space<semaphore_mem>>) src(%dma_wait3A_113 : memref<80x128xf32, #tpu.memory_space<hbm>>) dst(%arg16 : memref<80x128xf32, #tpu.memory_space<vmem>>)
      %add3A_114 = arith.constant 0 : i32
      %add3A_115 = arith.addi %add3A_107, %add3A_114 : i32
      %dma_start3A_116 = tpu.memref_slice %arg2[%add3A_115] : memref<640000xi32, #tpu.memory_space<hbm>> -> memref<80xi32, #tpu.memory_space<hbm>>
      %dma_start3A_117 = tpu.memref_slice %arg2[%add3A_115] : memref<640000xi32, #tpu.memory_space<hbm>> -> memref<80xi32, #tpu.memory_space<hbm>>
      tpu.enqueue_dma source(%dma_start3A_117 : memref<80xi32, #tpu.memory_space<hbm>>) target(%arg8 : memref<80xi32, #tpu.memory_space<vmem>>) target_semaphore(%arg20 : memref<!tpu.dma_semaphore, #tpu.memory_space<semaphore_mem>>)
      %add3A_118 = arith.constant 320000 : i32
      %add3A_119 = arith.addi %add3A_118, %add3A_115 : i32
      %dma_start3A_120 = tpu.memref_slice %arg2[%add3A_119] : memref<640000xi32, #tpu.memory_space<hbm>> -> memref<80xi32, #tpu.memory_space<hbm>>
      %dma_start3A_121 = tpu.memref_slice %arg2[%add3A_119] : memref<640000xi32, #tpu.memory_space<hbm>> -> memref<80xi32, #tpu.memory_space<hbm>>
      tpu.enqueue_dma source(%dma_start3A_121 : memref<80xi32, #tpu.memory_space<hbm>>) target(%arg12 : memref<80xi32, #tpu.memory_space<vmem>>) target_semaphore(%arg24 : memref<!tpu.dma_semaphore, #tpu.memory_space<semaphore_mem>>)
      %dma_wait3A_122 = arith.constant 0 : i32
      %dma_wait3A_123 = arith.constant 0 : i32
      %dma_wait3A_124 = tpu.memref_slice %arg3[%dma_wait3A_122, %dma_wait3A_123] : memref<10000x128xf32, #tpu.memory_space<hbm>> -> memref<80x128xf32, #tpu.memory_space<hbm>>
      %dma_wait3A_125 = arith.constant 0 : i32
      %dma_wait3A_126 = arith.constant 0 : i32
      %dma_wait3A_127 = tpu.memref_slice %arg3[%dma_wait3A_125, %dma_wait3A_126] : memref<10000x128xf32, #tpu.memory_space<hbm>> -> memref<80x128xf32, #tpu.memory_space<hbm>>
      tpu.wait_dma2 semaphore(%arg33 : memref<!tpu.dma_semaphore, #tpu.memory_space<semaphore_mem>>) src(%dma_wait3A_127 : memref<80x128xf32, #tpu.memory_space<hbm>>) dst(%arg17 : memref<80x128xf32, #tpu.memory_space<vmem>>)
      %add3A_128 = arith.constant 80 : i32
      %add3A_129 = arith.addi %add3A_107, %add3A_128 : i32
      %dma_start3A_130 = tpu.memref_slice %arg2[%add3A_129] : memref<640000xi32, #tpu.memory_space<hbm>> -> memref<80xi32, #tpu.memory_space<hbm>>
      %dma_start3A_131 = tpu.memref_slice %arg2[%add3A_129] : memref<640000xi32, #tpu.memory_space<hbm>> -> memref<80xi32, #tpu.memory_space<hbm>>
      tpu.enqueue_dma source(%dma_start3A_131 : memref<80xi32, #tpu.memory_space<hbm>>) target(%arg9 : memref<80xi32, #tpu.memory_space<vmem>>) target_semaphore(%arg21 : memref<!tpu.dma_semaphore, #tpu.memory_space<semaphore_mem>>)
      %add3A_132 = arith.constant 320000 : i32
      %add3A_133 = arith.addi %add3A_132, %add3A_129 : i32
      %dma_start3A_134 = tpu.memref_slice %arg2[%add3A_133] : memref<640000xi32, #tpu.memory_space<hbm>> -> memref<80xi32, #tpu.memory_space<hbm>>
      %dma_start3A_135 = tpu.memref_slice %arg2[%add3A_133] : memref<640000xi32, #tpu.memory_space<hbm>> -> memref<80xi32, #tpu.memory_space<hbm>>
      tpu.enqueue_dma source(%dma_start3A_135 : memref<80xi32, #tpu.memory_space<hbm>>) target(%arg13 : memref<80xi32, #tpu.memory_space<vmem>>) target_semaphore(%arg25 : memref<!tpu.dma_semaphore, #tpu.memory_space<semaphore_mem>>)
      %dma_wait3A_136 = tpu.memref_slice %arg2[%add3A_115] : memref<640000xi32, #tpu.memory_space<hbm>> -> memref<80xi32, #tpu.memory_space<hbm>>
      %dma_wait3A_137 = tpu.memref_slice %arg2[%add3A_115] : memref<640000xi32, #tpu.memory_space<hbm>> -> memref<80xi32, #tpu.memory_space<hbm>>
      tpu.wait_dma2 semaphore(%arg20 : memref<!tpu.dma_semaphore, #tpu.memory_space<semaphore_mem>>) src(%dma_wait3A_137 : memref<80xi32, #tpu.memory_space<hbm>>) dst(%arg8 : memref<80xi32, #tpu.memory_space<vmem>>)
      %dma_wait3A_138 = tpu.memref_slice %arg2[%add3A_119] : memref<640000xi32, #tpu.memory_space<hbm>> -> memref<80xi32, #tpu.memory_space<hbm>>
      %dma_wait3A_139 = tpu.memref_slice %arg2[%add3A_119] : memref<640000xi32, #tpu.memory_space<hbm>> -> memref<80xi32, #tpu.memory_space<hbm>>
      tpu.wait_dma2 semaphore(%arg24 : memref<!tpu.dma_semaphore, #tpu.memory_space<semaphore_mem>>) src(%dma_wait3A_139 : memref<80xi32, #tpu.memory_space<hbm>>) dst(%arg12 : memref<80xi32, #tpu.memory_space<vmem>>)
      %dma_start3A_140 = arith.constant 0 : i32
      %dma_start3A_141 = arith.constant 0 : i32
      %dma_start3A_142 = tpu.memref_slice %arg3[%dma_start3A_140, %dma_start3A_141] : memref<10000x128xf32, #tpu.memory_space<hbm>> -> memref<10000x128xf32, #tpu.memory_space<hbm>>
      tpu.enqueue_indirect_dma source(%dma_start3A_142 : memref<10000x128xf32, #tpu.memory_space<hbm>>) target(%arg16 : memref<80x128xf32, #tpu.memory_space<vmem>>) offsets(%arg8 : memref<80xi32, #tpu.memory_space<vmem>>) semaphore(%arg28 : memref<!tpu.dma_semaphore, #tpu.memory_space<semaphore_mem>>)
      %dma_wait3A_143 = tpu.memref_slice %arg2[%add3A_129] : memref<640000xi32, #tpu.memory_space<hbm>> -> memref<80xi32, #tpu.memory_space<hbm>>
      %dma_wait3A_144 = tpu.memref_slice %arg2[%add3A_129] : memref<640000xi32, #tpu.memory_space<hbm>> -> memref<80xi32, #tpu.memory_space<hbm>>
      tpu.wait_dma2 semaphore(%arg21 : memref<!tpu.dma_semaphore, #tpu.memory_space<semaphore_mem>>) src(%dma_wait3A_144 : memref<80xi32, #tpu.memory_space<hbm>>) dst(%arg9 : memref<80xi32, #tpu.memory_space<vmem>>)
      %dma_wait3A_145 = tpu.memref_slice %arg2[%add3A_133] : memref<640000xi32, #tpu.memory_space<hbm>> -> memref<80xi32, #tpu.memory_space<hbm>>
      %dma_wait3A_146 = tpu.memref_slice %arg2[%add3A_133] : memref<640000xi32, #tpu.memory_space<hbm>> -> memref<80xi32, #tpu.memory_space<hbm>>
      tpu.wait_dma2 semaphore(%arg25 : memref<!tpu.dma_semaphore, #tpu.memory_space<semaphore_mem>>) src(%dma_wait3A_146 : memref<80xi32, #tpu.memory_space<hbm>>) dst(%arg13 : memref<80xi32, #tpu.memory_space<vmem>>)
      %dma_start3A_147 = arith.constant 0 : i32
      %dma_start3A_148 = arith.constant 0 : i32
      %dma_start3A_149 = tpu.memref_slice %arg3[%dma_start3A_147, %dma_start3A_148] : memref<10000x128xf32, #tpu.memory_space<hbm>> -> memref<10000x128xf32, #tpu.memory_space<hbm>>
      tpu.enqueue_indirect_dma source(%dma_start3A_149 : memref<10000x128xf32, #tpu.memory_space<hbm>>) target(%arg17 : memref<80x128xf32, #tpu.memory_space<vmem>>) offsets(%arg9 : memref<80xi32, #tpu.memory_space<vmem>>) semaphore(%arg29 : memref<!tpu.dma_semaphore, #tpu.memory_space<semaphore_mem>>)
      %dma_wait3A_150 = arith.constant 0 : i32
      %dma_wait3A_151 = arith.constant 0 : i32
      %dma_wait3A_152 = tpu.memref_slice %arg3[%dma_wait3A_150, %dma_wait3A_151] : memref<10000x128xf32, #tpu.memory_space<hbm>> -> memref<10000x128xf32, #tpu.memory_space<hbm>>
      tpu.wait_indirect_dma semaphore(%arg28 : memref<!tpu.dma_semaphore, #tpu.memory_space<semaphore_mem>>) src(%dma_wait3A_152 : memref<10000x128xf32, #tpu.memory_space<hbm>>) dst(%arg16 : memref<80x128xf32, #tpu.memory_space<vmem>>)
      %dma_start3A_153 = arith.constant 0 : i32
      %dma_start3A_154 = arith.constant 0 : i32
      %dma_start3A_155 = tpu.memref_slice %arg7[%dma_start3A_153, %dma_start3A_154] : memref<10240x128xf32, #tpu.memory_space<vmem_shared>> -> memref<10240x128xf32, #tpu.memory_space<vmem_shared>>
      tpu.enqueue_indirect_dma source(%arg16 : memref<80x128xf32, #tpu.memory_space<vmem>>) target(%dma_start3A_155 : memref<10240x128xf32, #tpu.memory_space<vmem_shared>>) offsets(%arg12 : memref<80xi32, #tpu.memory_space<vmem>>) semaphore(%arg32 : memref<!tpu.dma_semaphore, #tpu.memory_space<semaphore_mem>>) {add = true}
      %dma_wait3A_156 = arith.constant 0 : i32
      %dma_wait3A_157 = arith.constant 0 : i32
      %dma_wait3A_158 = tpu.memref_slice %arg3[%dma_wait3A_156, %dma_wait3A_157] : memref<10000x128xf32, #tpu.memory_space<hbm>> -> memref<10000x128xf32, #tpu.memory_space<hbm>>
      tpu.wait_indirect_dma semaphore(%arg29 : memref<!tpu.dma_semaphore, #tpu.memory_space<semaphore_mem>>) src(%dma_wait3A_158 : memref<10000x128xf32, #tpu.memory_space<hbm>>) dst(%arg17 : memref<80x128xf32, #tpu.memory_space<vmem>>)
      %dma_start3A_159 = arith.constant 0 : i32
      %dma_start3A_160 = arith.constant 0 : i32
      %dma_start3A_161 = tpu.memref_slice %arg7[%dma_start3A_159, %dma_start3A_160] : memref<10240x128xf32, #tpu.memory_space<vmem_shared>> -> memref<10240x128xf32, #tpu.memory_space<vmem_shared>>
      tpu.enqueue_indirect_dma source(%arg17 : memref<80x128xf32, #tpu.memory_space<vmem>>) target(%dma_start3A_161 : memref<10240x128xf32, #tpu.memory_space<vmem_shared>>) offsets(%arg13 : memref<80xi32, #tpu.memory_space<vmem>>) semaphore(%arg33 : memref<!tpu.dma_semaphore, #tpu.memory_space<semaphore_mem>>) {add = true}
      %dma_wait3A_162 = arith.constant 0 : i32
      %dma_wait3A_163 = arith.constant 0 : i32
      %dma_wait3A_164 = tpu.memref_slice %arg3[%dma_wait3A_162, %dma_wait3A_163] : memref<10000x128xf32, #tpu.memory_space<hbm>> -> memref<80x128xf32, #tpu.memory_space<hbm>>
      %dma_wait3A_165 = arith.constant 0 : i32
      %dma_wait3A_166 = arith.constant 0 : i32
      %dma_wait3A_167 = tpu.memref_slice %arg3[%dma_wait3A_165, %dma_wait3A_166] : memref<10000x128xf32, #tpu.memory_space<hbm>> -> memref<80x128xf32, #tpu.memory_space<hbm>>
      tpu.wait_dma2 semaphore(%arg32 : memref<!tpu.dma_semaphore, #tpu.memory_space<semaphore_mem>>) src(%dma_wait3A_167 : memref<80x128xf32, #tpu.memory_space<hbm>>) dst(%arg16 : memref<80x128xf32, #tpu.memory_space<vmem>>)
      %dma_wait3A_168 = arith.constant 0 : i32
      %dma_wait3A_169 = arith.constant 0 : i32
      %dma_wait3A_170 = tpu.memref_slice %arg3[%dma_wait3A_168, %dma_wait3A_169] : memref<10000x128xf32, #tpu.memory_space<hbm>> -> memref<80x128xf32, #tpu.memory_space<hbm>>
      %dma_wait3A_171 = arith.constant 0 : i32
      %dma_wait3A_172 = arith.constant 0 : i32
      %dma_wait3A_173 = tpu.memref_slice %arg3[%dma_wait3A_171, %dma_wait3A_172] : memref<10000x128xf32, #tpu.memory_space<hbm>> -> memref<80x128xf32, #tpu.memory_space<hbm>>
      tpu.wait_dma2 semaphore(%arg33 : memref<!tpu.dma_semaphore, #tpu.memory_space<semaphore_mem>>) src(%dma_wait3A_173 : memref<80x128xf32, #tpu.memory_space<hbm>>) dst(%arg17 : memref<80x128xf32, #tpu.memory_space<vmem>>)
      %dma_wait3A_174 = arith.constant 0 : i32
      %dma_wait3A_175 = arith.constant 0 : i32
      %dma_wait3A_176 = tpu.memref_slice %arg3[%dma_wait3A_174, %dma_wait3A_175] : memref<10000x128xf32, #tpu.memory_space<hbm>> -> memref<80x128xf32, #tpu.memory_space<hbm>>
      %dma_wait3A_177 = arith.constant 0 : i32
      %dma_wait3A_178 = arith.constant 0 : i32
      %dma_wait3A_179 = tpu.memref_slice %arg3[%dma_wait3A_177, %dma_wait3A_178] : memref<10000x128xf32, #tpu.memory_space<hbm>> -> memref<80x128xf32, #tpu.memory_space<hbm>>
      tpu.wait_dma2 semaphore(%arg34 : memref<!tpu.dma_semaphore, #tpu.memory_space<semaphore_mem>>) src(%dma_wait3A_179 : memref<80x128xf32, #tpu.memory_space<hbm>>) dst(%arg18 : memref<80x128xf32, #tpu.memory_space<vmem>>)
      %dma_wait3A_180 = arith.constant 0 : i32
      %dma_wait3A_181 = arith.constant 0 : i32
      %dma_wait3A_182 = tpu.memref_slice %arg3[%dma_wait3A_180, %dma_wait3A_181] : memref<10000x128xf32, #tpu.memory_space<hbm>> -> memref<80x128xf32, #tpu.memory_space<hbm>>
      %dma_wait3A_183 = arith.constant 0 : i32
      %dma_wait3A_184 = arith.constant 0 : i32
      %dma_wait3A_185 = tpu.memref_slice %arg3[%dma_wait3A_183, %dma_wait3A_184] : memref<10000x128xf32, #tpu.memory_space<hbm>> -> memref<80x128xf32, #tpu.memory_space<hbm>>
      tpu.wait_dma2 semaphore(%arg35 : memref<!tpu.dma_semaphore, #tpu.memory_space<semaphore_mem>>) src(%dma_wait3A_185 : memref<80x128xf32, #tpu.memory_space<hbm>>) dst(%arg19 : memref<80x128xf32, #tpu.memory_space<vmem>>)
    } else {
    }
    %eq3A_35 = arith.constant 1 : i32
    %eq3A_36 = arith.cmpi eq, %arg0, %eq3A_35 : i32
    %convert_element_type3A_37 = arith.extui %eq3A_36 : i1 to i32
    %cond3A_38 = arith.constant 0 : i32
    %cond3A_39 = arith.cmpi ne, %convert_element_type3A_37, %cond3A_38 : i32
    scf.if %cond3A_39 {
      %dma_wait3A = tpu.memref_slice %arg2[%add3A_1] : memref<640000xi32, #tpu.memory_space<hbm>> -> memref<80xi32, #tpu.memory_space<hbm>>
      %dma_wait3A_50 = tpu.memref_slice %arg2[%add3A_1] : memref<640000xi32, #tpu.memory_space<hbm>> -> memref<80xi32, #tpu.memory_space<hbm>>
      tpu.wait_dma2 semaphore(%arg20 : memref<!tpu.dma_semaphore, #tpu.memory_space<semaphore_mem>>) src(%dma_wait3A_50 : memref<80xi32, #tpu.memory_space<hbm>>) dst(%arg8 : memref<80xi32, #tpu.memory_space<vmem>>)
      %dma_wait3A_51 = tpu.memref_slice %arg2[%add3A_4] : memref<640000xi32, #tpu.memory_space<hbm>> -> memref<80xi32, #tpu.memory_space<hbm>>
      %dma_wait3A_52 = tpu.memref_slice %arg2[%add3A_4] : memref<640000xi32, #tpu.memory_space<hbm>> -> memref<80xi32, #tpu.memory_space<hbm>>
      tpu.wait_dma2 semaphore(%arg24 : memref<!tpu.dma_semaphore, #tpu.memory_space<semaphore_mem>>) src(%dma_wait3A_52 : memref<80xi32, #tpu.memory_space<hbm>>) dst(%arg12 : memref<80xi32, #tpu.memory_space<vmem>>)
      %dma_start3A_53 = arith.constant 0 : i32
      %dma_start3A_54 = arith.constant 0 : i32
      %dma_start3A_55 = tpu.memref_slice %arg4[%dma_start3A_53, %dma_start3A_54] : memref<10000x128xf32, #tpu.memory_space<hbm>> -> memref<10000x128xf32, #tpu.memory_space<hbm>>
      tpu.enqueue_indirect_dma source(%dma_start3A_55 : memref<10000x128xf32, #tpu.memory_space<hbm>>) target(%arg16 : memref<80x128xf32, #tpu.memory_space<vmem>>) offsets(%arg8 : memref<80xi32, #tpu.memory_space<vmem>>) semaphore(%arg28 : memref<!tpu.dma_semaphore, #tpu.memory_space<semaphore_mem>>)
      %dma_wait3A_56 = tpu.memref_slice %arg2[%add3A_8] : memref<640000xi32, #tpu.memory_space<hbm>> -> memref<80xi32, #tpu.memory_space<hbm>>
      %dma_wait3A_57 = tpu.memref_slice %arg2[%add3A_8] : memref<640000xi32, #tpu.memory_space<hbm>> -> memref<80xi32, #tpu.memory_space<hbm>>
      tpu.wait_dma2 semaphore(%arg21 : memref<!tpu.dma_semaphore, #tpu.memory_space<semaphore_mem>>) src(%dma_wait3A_57 : memref<80xi32, #tpu.memory_space<hbm>>) dst(%arg9 : memref<80xi32, #tpu.memory_space<vmem>>)
      %dma_wait3A_58 = tpu.memref_slice %arg2[%add3A_12] : memref<640000xi32, #tpu.memory_space<hbm>> -> memref<80xi32, #tpu.memory_space<hbm>>
      %dma_wait3A_59 = tpu.memref_slice %arg2[%add3A_12] : memref<640000xi32, #tpu.memory_space<hbm>> -> memref<80xi32, #tpu.memory_space<hbm>>
      tpu.wait_dma2 semaphore(%arg25 : memref<!tpu.dma_semaphore, #tpu.memory_space<semaphore_mem>>) src(%dma_wait3A_59 : memref<80xi32, #tpu.memory_space<hbm>>) dst(%arg13 : memref<80xi32, #tpu.memory_space<vmem>>)
      %dma_start3A_60 = arith.constant 0 : i32
      %dma_start3A_61 = arith.constant 0 : i32
      %dma_start3A_62 = tpu.memref_slice %arg4[%dma_start3A_60, %dma_start3A_61] : memref<10000x128xf32, #tpu.memory_space<hbm>> -> memref<10000x128xf32, #tpu.memory_space<hbm>>
      tpu.enqueue_indirect_dma source(%dma_start3A_62 : memref<10000x128xf32, #tpu.memory_space<hbm>>) target(%arg17 : memref<80x128xf32, #tpu.memory_space<vmem>>) offsets(%arg9 : memref<80xi32, #tpu.memory_space<vmem>>) semaphore(%arg29 : memref<!tpu.dma_semaphore, #tpu.memory_space<semaphore_mem>>)
      %dma_wait3A_63 = tpu.memref_slice %arg2[%add3A_16] : memref<640000xi32, #tpu.memory_space<hbm>> -> memref<80xi32, #tpu.memory_space<hbm>>
      %dma_wait3A_64 = tpu.memref_slice %arg2[%add3A_16] : memref<640000xi32, #tpu.memory_space<hbm>> -> memref<80xi32, #tpu.memory_space<hbm>>
      tpu.wait_dma2 semaphore(%arg22 : memref<!tpu.dma_semaphore, #tpu.memory_space<semaphore_mem>>) src(%dma_wait3A_64 : memref<80xi32, #tpu.memory_space<hbm>>) dst(%arg10 : memref<80xi32, #tpu.memory_space<vmem>>)
      %dma_wait3A_65 = tpu.memref_slice %arg2[%add3A_20] : memref<640000xi32, #tpu.memory_space<hbm>> -> memref<80xi32, #tpu.memory_space<hbm>>
      %dma_wait3A_66 = tpu.memref_slice %arg2[%add3A_20] : memref<640000xi32, #tpu.memory_space<hbm>> -> memref<80xi32, #tpu.memory_space<hbm>>
      tpu.wait_dma2 semaphore(%arg26 : memref<!tpu.dma_semaphore, #tpu.memory_space<semaphore_mem>>) src(%dma_wait3A_66 : memref<80xi32, #tpu.memory_space<hbm>>) dst(%arg14 : memref<80xi32, #tpu.memory_space<vmem>>)
      %dma_start3A_67 = arith.constant 0 : i32
      %dma_start3A_68 = arith.constant 0 : i32
      %dma_start3A_69 = tpu.memref_slice %arg4[%dma_start3A_67, %dma_start3A_68] : memref<10000x128xf32, #tpu.memory_space<hbm>> -> memref<10000x128xf32, #tpu.memory_space<hbm>>
      tpu.enqueue_indirect_dma source(%dma_start3A_69 : memref<10000x128xf32, #tpu.memory_space<hbm>>) target(%arg18 : memref<80x128xf32, #tpu.memory_space<vmem>>) offsets(%arg10 : memref<80xi32, #tpu.memory_space<vmem>>) semaphore(%arg30 : memref<!tpu.dma_semaphore, #tpu.memory_space<semaphore_mem>>)
      %dma_wait3A_70 = tpu.memref_slice %arg2[%add3A_24] : memref<640000xi32, #tpu.memory_space<hbm>> -> memref<80xi32, #tpu.memory_space<hbm>>
      %dma_wait3A_71 = tpu.memref_slice %arg2[%add3A_24] : memref<640000xi32, #tpu.memory_space<hbm>> -> memref<80xi32, #tpu.memory_space<hbm>>
      tpu.wait_dma2 semaphore(%arg23 : memref<!tpu.dma_semaphore, #tpu.memory_space<semaphore_mem>>) src(%dma_wait3A_71 : memref<80xi32, #tpu.memory_space<hbm>>) dst(%arg11 : memref<80xi32, #tpu.memory_space<vmem>>)
      %dma_wait3A_72 = tpu.memref_slice %arg2[%add3A_28] : memref<640000xi32, #tpu.memory_space<hbm>> -> memref<80xi32, #tpu.memory_space<hbm>>
      %dma_wait3A_73 = tpu.memref_slice %arg2[%add3A_28] : memref<640000xi32, #tpu.memory_space<hbm>> -> memref<80xi32, #tpu.memory_space<hbm>>
      tpu.wait_dma2 semaphore(%arg27 : memref<!tpu.dma_semaphore, #tpu.memory_space<semaphore_mem>>) src(%dma_wait3A_73 : memref<80xi32, #tpu.memory_space<hbm>>) dst(%arg15 : memref<80xi32, #tpu.memory_space<vmem>>)
      %dma_start3A_74 = arith.constant 0 : i32
      %dma_start3A_75 = arith.constant 0 : i32
      %dma_start3A_76 = tpu.memref_slice %arg4[%dma_start3A_74, %dma_start3A_75] : memref<10000x128xf32, #tpu.memory_space<hbm>> -> memref<10000x128xf32, #tpu.memory_space<hbm>>
      tpu.enqueue_indirect_dma source(%dma_start3A_76 : memref<10000x128xf32, #tpu.memory_space<hbm>>) target(%arg19 : memref<80x128xf32, #tpu.memory_space<vmem>>) offsets(%arg11 : memref<80xi32, #tpu.memory_space<vmem>>) semaphore(%arg31 : memref<!tpu.dma_semaphore, #tpu.memory_space<semaphore_mem>>)
      %dma_wait3A_77 = arith.constant 0 : i32
      %dma_wait3A_78 = arith.constant 0 : i32
      %dma_wait3A_79 = tpu.memref_slice %arg4[%dma_wait3A_77, %dma_wait3A_78] : memref<10000x128xf32, #tpu.memory_space<hbm>> -> memref<10000x128xf32, #tpu.memory_space<hbm>>
      tpu.wait_indirect_dma semaphore(%arg28 : memref<!tpu.dma_semaphore, #tpu.memory_space<semaphore_mem>>) src(%dma_wait3A_79 : memref<10000x128xf32, #tpu.memory_space<hbm>>) dst(%arg16 : memref<80x128xf32, #tpu.memory_space<vmem>>)
      %dma_start3A_80 = arith.constant 0 : i32
      %dma_start3A_81 = arith.constant 0 : i32
      %dma_start3A_82 = tpu.memref_slice %arg7[%dma_start3A_80, %dma_start3A_81] : memref<10240x128xf32, #tpu.memory_space<vmem_shared>> -> memref<10240x128xf32, #tpu.memory_space<vmem_shared>>
      tpu.enqueue_indirect_dma source(%arg16 : memref<80x128xf32, #tpu.memory_space<vmem>>) target(%dma_start3A_82 : memref<10240x128xf32, #tpu.memory_space<vmem_shared>>) offsets(%arg12 : memref<80xi32, #tpu.memory_space<vmem>>) semaphore(%arg32 : memref<!tpu.dma_semaphore, #tpu.memory_space<semaphore_mem>>) {add = true}
      %dma_wait3A_83 = arith.constant 0 : i32
      %dma_wait3A_84 = arith.constant 0 : i32
      %dma_wait3A_85 = tpu.memref_slice %arg4[%dma_wait3A_83, %dma_wait3A_84] : memref<10000x128xf32, #tpu.memory_space<hbm>> -> memref<10000x128xf32, #tpu.memory_space<hbm>>
      tpu.wait_indirect_dma semaphore(%arg29 : memref<!tpu.dma_semaphore, #tpu.memory_space<semaphore_mem>>) src(%dma_wait3A_85 : memref<10000x128xf32, #tpu.memory_space<hbm>>) dst(%arg17 : memref<80x128xf32, #tpu.memory_space<vmem>>)
      %dma_start3A_86 = arith.constant 0 : i32
      %dma_start3A_87 = arith.constant 0 : i32
      %dma_start3A_88 = tpu.memref_slice %arg7[%dma_start3A_86, %dma_start3A_87] : memref<10240x128xf32, #tpu.memory_space<vmem_shared>> -> memref<10240x128xf32, #tpu.memory_space<vmem_shared>>
      tpu.enqueue_indirect_dma source(%arg17 : memref<80x128xf32, #tpu.memory_space<vmem>>) target(%dma_start3A_88 : memref<10240x128xf32, #tpu.memory_space<vmem_shared>>) offsets(%arg13 : memref<80xi32, #tpu.memory_space<vmem>>) semaphore(%arg33 : memref<!tpu.dma_semaphore, #tpu.memory_space<semaphore_mem>>) {add = true}
      %dma_wait3A_89 = arith.constant 0 : i32
      %dma_wait3A_90 = arith.constant 0 : i32
      %dma_wait3A_91 = tpu.memref_slice %arg4[%dma_wait3A_89, %dma_wait3A_90] : memref<10000x128xf32, #tpu.memory_space<hbm>> -> memref<10000x128xf32, #tpu.memory_space<hbm>>
      tpu.wait_indirect_dma semaphore(%arg30 : memref<!tpu.dma_semaphore, #tpu.memory_space<semaphore_mem>>) src(%dma_wait3A_91 : memref<10000x128xf32, #tpu.memory_space<hbm>>) dst(%arg18 : memref<80x128xf32, #tpu.memory_space<vmem>>)
      %dma_start3A_92 = arith.constant 0 : i32
      %dma_start3A_93 = arith.constant 0 : i32
      %dma_start3A_94 = tpu.memref_slice %arg7[%dma_start3A_92, %dma_start3A_93] : memref<10240x128xf32, #tpu.memory_space<vmem_shared>> -> memref<10240x128xf32, #tpu.memory_space<vmem_shared>>
      tpu.enqueue_indirect_dma source(%arg18 : memref<80x128xf32, #tpu.memory_space<vmem>>) target(%dma_start3A_94 : memref<10240x128xf32, #tpu.memory_space<vmem_shared>>) offsets(%arg14 : memref<80xi32, #tpu.memory_space<vmem>>) semaphore(%arg34 : memref<!tpu.dma_semaphore, #tpu.memory_space<semaphore_mem>>) {add = true}
      %dma_wait3A_95 = arith.constant 0 : i32
      %dma_wait3A_96 = arith.constant 0 : i32
      %dma_wait3A_97 = tpu.memref_slice %arg4[%dma_wait3A_95, %dma_wait3A_96] : memref<10000x128xf32, #tpu.memory_space<hbm>> -> memref<10000x128xf32, #tpu.memory_space<hbm>>
      tpu.wait_indirect_dma semaphore(%arg31 : memref<!tpu.dma_semaphore, #tpu.memory_space<semaphore_mem>>) src(%dma_wait3A_97 : memref<10000x128xf32, #tpu.memory_space<hbm>>) dst(%arg19 : memref<80x128xf32, #tpu.memory_space<vmem>>)
      %dma_start3A_98 = arith.constant 0 : i32
      %dma_start3A_99 = arith.constant 0 : i32
      %dma_start3A_100 = tpu.memref_slice %arg7[%dma_start3A_98, %dma_start3A_99] : memref<10240x128xf32, #tpu.memory_space<vmem_shared>> -> memref<10240x128xf32, #tpu.memory_space<vmem_shared>>
      tpu.enqueue_indirect_dma source(%arg19 : memref<80x128xf32, #tpu.memory_space<vmem>>) target(%dma_start3A_100 : memref<10240x128xf32, #tpu.memory_space<vmem_shared>>) offsets(%arg15 : memref<80xi32, #tpu.memory_space<vmem>>) semaphore(%arg35 : memref<!tpu.dma_semaphore, #tpu.memory_space<semaphore_mem>>) {add = true}
      %scan3A = arith.constant 0 : i32
      %scan3A_101 = arith.constant 1 : i32
      %scan3A_102 = arith.constant 61 : i32
      %scan3A_103 = arith.addi %scan3A_101, %scan3A_102 : i32
      %scan3A_104 = arith.constant 1 : i32
      scf.for %scan3A_186 = %scan3A_101 to %scan3A_103 step %scan3A_104  : i32 {
        %mul3A_187 = arith.constant 320 : i32
        %mul3A_188 = arith.muli %scan3A_186, %mul3A_187 : i32
        %add3A_189 = arith.addi %mul3A_0, %mul3A_188 : i32
        %dma_wait3A_190 = arith.constant 0 : i32
        %dma_wait3A_191 = arith.constant 0 : i32
        %dma_wait3A_192 = tpu.memref_slice %arg4[%dma_wait3A_190, %dma_wait3A_191] : memref<10000x128xf32, #tpu.memory_space<hbm>> -> memref<80x128xf32, #tpu.memory_space<hbm>>
        %dma_wait3A_193 = arith.constant 0 : i32
        %dma_wait3A_194 = arith.constant 0 : i32
        %dma_wait3A_195 = tpu.memref_slice %arg4[%dma_wait3A_193, %dma_wait3A_194] : memref<10000x128xf32, #tpu.memory_space<hbm>> -> memref<80x128xf32, #tpu.memory_space<hbm>>
        tpu.wait_dma2 semaphore(%arg32 : memref<!tpu.dma_semaphore, #tpu.memory_space<semaphore_mem>>) src(%dma_wait3A_195 : memref<80x128xf32, #tpu.memory_space<hbm>>) dst(%arg16 : memref<80x128xf32, #tpu.memory_space<vmem>>)
        %add3A_196 = arith.constant 0 : i32
        %add3A_197 = arith.addi %add3A_189, %add3A_196 : i32
        %dma_start3A_198 = tpu.memref_slice %arg2[%add3A_197] : memref<640000xi32, #tpu.memory_space<hbm>> -> memref<80xi32, #tpu.memory_space<hbm>>
        %dma_start3A_199 = tpu.memref_slice %arg2[%add3A_197] : memref<640000xi32, #tpu.memory_space<hbm>> -> memref<80xi32, #tpu.memory_space<hbm>>
        tpu.enqueue_dma source(%dma_start3A_199 : memref<80xi32, #tpu.memory_space<hbm>>) target(%arg8 : memref<80xi32, #tpu.memory_space<vmem>>) target_semaphore(%arg20 : memref<!tpu.dma_semaphore, #tpu.memory_space<semaphore_mem>>)
        %add3A_200 = arith.constant 320000 : i32
        %add3A_201 = arith.addi %add3A_200, %add3A_197 : i32
        %dma_start3A_202 = tpu.memref_slice %arg2[%add3A_201] : memref<640000xi32, #tpu.memory_space<hbm>> -> memref<80xi32, #tpu.memory_space<hbm>>
        %dma_start3A_203 = tpu.memref_slice %arg2[%add3A_201] : memref<640000xi32, #tpu.memory_space<hbm>> -> memref<80xi32, #tpu.memory_space<hbm>>
        tpu.enqueue_dma source(%dma_start3A_203 : memref<80xi32, #tpu.memory_space<hbm>>) target(%arg12 : memref<80xi32, #tpu.memory_space<vmem>>) target_semaphore(%arg24 : memref<!tpu.dma_semaphore, #tpu.memory_space<semaphore_mem>>)
        %dma_wait3A_204 = arith.constant 0 : i32
        %dma_wait3A_205 = arith.constant 0 : i32
        %dma_wait3A_206 = tpu.memref_slice %arg4[%dma_wait3A_204, %dma_wait3A_205] : memref<10000x128xf32, #tpu.memory_space<hbm>> -> memref<80x128xf32, #tpu.memory_space<hbm>>
        %dma_wait3A_207 = arith.constant 0 : i32
        %dma_wait3A_208 = arith.constant 0 : i32
        %dma_wait3A_209 = tpu.memref_slice %arg4[%dma_wait3A_207, %dma_wait3A_208] : memref<10000x128xf32, #tpu.memory_space<hbm>> -> memref<80x128xf32, #tpu.memory_space<hbm>>
        tpu.wait_dma2 semaphore(%arg33 : memref<!tpu.dma_semaphore, #tpu.memory_space<semaphore_mem>>) src(%dma_wait3A_209 : memref<80x128xf32, #tpu.memory_space<hbm>>) dst(%arg17 : memref<80x128xf32, #tpu.memory_space<vmem>>)
        %add3A_210 = arith.constant 80 : i32
        %add3A_211 = arith.addi %add3A_189, %add3A_210 : i32
        %dma_start3A_212 = tpu.memref_slice %arg2[%add3A_211] : memref<640000xi32, #tpu.memory_space<hbm>> -> memref<80xi32, #tpu.memory_space<hbm>>
        %dma_start3A_213 = tpu.memref_slice %arg2[%add3A_211] : memref<640000xi32, #tpu.memory_space<hbm>> -> memref<80xi32, #tpu.memory_space<hbm>>
        tpu.enqueue_dma source(%dma_start3A_213 : memref<80xi32, #tpu.memory_space<hbm>>) target(%arg9 : memref<80xi32, #tpu.memory_space<vmem>>) target_semaphore(%arg21 : memref<!tpu.dma_semaphore, #tpu.memory_space<semaphore_mem>>)
        %add3A_214 = arith.constant 320000 : i32
        %add3A_215 = arith.addi %add3A_214, %add3A_211 : i32
        %dma_start3A_216 = tpu.memref_slice %arg2[%add3A_215] : memref<640000xi32, #tpu.memory_space<hbm>> -> memref<80xi32, #tpu.memory_space<hbm>>
        %dma_start3A_217 = tpu.memref_slice %arg2[%add3A_215] : memref<640000xi32, #tpu.memory_space<hbm>> -> memref<80xi32, #tpu.memory_space<hbm>>
        tpu.enqueue_dma source(%dma_start3A_217 : memref<80xi32, #tpu.memory_space<hbm>>) target(%arg13 : memref<80xi32, #tpu.memory_space<vmem>>) target_semaphore(%arg25 : memref<!tpu.dma_semaphore, #tpu.memory_space<semaphore_mem>>)
        %dma_wait3A_218 = arith.constant 0 : i32
        %dma_wait3A_219 = arith.constant 0 : i32
        %dma_wait3A_220 = tpu.memref_slice %arg4[%dma_wait3A_218, %dma_wait3A_219] : memref<10000x128xf32, #tpu.memory_space<hbm>> -> memref<80x128xf32, #tpu.memory_space<hbm>>
        %dma_wait3A_221 = arith.constant 0 : i32
        %dma_wait3A_222 = arith.constant 0 : i32
        %dma_wait3A_223 = tpu.memref_slice %arg4[%dma_wait3A_221, %dma_wait3A_222] : memref<10000x128xf32, #tpu.memory_space<hbm>> -> memref<80x128xf32, #tpu.memory_space<hbm>>
        tpu.wait_dma2 semaphore(%arg34 : memref<!tpu.dma_semaphore, #tpu.memory_space<semaphore_mem>>) src(%dma_wait3A_223 : memref<80x128xf32, #tpu.memory_space<hbm>>) dst(%arg18 : memref<80x128xf32, #tpu.memory_space<vmem>>)
        %add3A_224 = arith.constant 160 : i32
        %add3A_225 = arith.addi %add3A_189, %add3A_224 : i32
        %dma_start3A_226 = tpu.memref_slice %arg2[%add3A_225] : memref<640000xi32, #tpu.memory_space<hbm>> -> memref<80xi32, #tpu.memory_space<hbm>>
        %dma_start3A_227 = tpu.memref_slice %arg2[%add3A_225] : memref<640000xi32, #tpu.memory_space<hbm>> -> memref<80xi32, #tpu.memory_space<hbm>>
        tpu.enqueue_dma source(%dma_start3A_227 : memref<80xi32, #tpu.memory_space<hbm>>) target(%arg10 : memref<80xi32, #tpu.memory_space<vmem>>) target_semaphore(%arg22 : memref<!tpu.dma_semaphore, #tpu.memory_space<semaphore_mem>>)
        %add3A_228 = arith.constant 320000 : i32
        %add3A_229 = arith.addi %add3A_228, %add3A_225 : i32
        %dma_start3A_230 = tpu.memref_slice %arg2[%add3A_229] : memref<640000xi32, #tpu.memory_space<hbm>> -> memref<80xi32, #tpu.memory_space<hbm>>
        %dma_start3A_231 = tpu.memref_slice %arg2[%add3A_229] : memref<640000xi32, #tpu.memory_space<hbm>> -> memref<80xi32, #tpu.memory_space<hbm>>
        tpu.enqueue_dma source(%dma_start3A_231 : memref<80xi32, #tpu.memory_space<hbm>>) target(%arg14 : memref<80xi32, #tpu.memory_space<vmem>>) target_semaphore(%arg26 : memref<!tpu.dma_semaphore, #tpu.memory_space<semaphore_mem>>)
        %dma_wait3A_232 = arith.constant 0 : i32
        %dma_wait3A_233 = arith.constant 0 : i32
        %dma_wait3A_234 = tpu.memref_slice %arg4[%dma_wait3A_232, %dma_wait3A_233] : memref<10000x128xf32, #tpu.memory_space<hbm>> -> memref<80x128xf32, #tpu.memory_space<hbm>>
        %dma_wait3A_235 = arith.constant 0 : i32
        %dma_wait3A_236 = arith.constant 0 : i32
        %dma_wait3A_237 = tpu.memref_slice %arg4[%dma_wait3A_235, %dma_wait3A_236] : memref<10000x128xf32, #tpu.memory_space<hbm>> -> memref<80x128xf32, #tpu.memory_space<hbm>>
        tpu.wait_dma2 semaphore(%arg35 : memref<!tpu.dma_semaphore, #tpu.memory_space<semaphore_mem>>) src(%dma_wait3A_237 : memref<80x128xf32, #tpu.memory_space<hbm>>) dst(%arg19 : memref<80x128xf32, #tpu.memory_space<vmem>>)
        %add3A_238 = arith.constant 240 : i32
        %add3A_239 = arith.addi %add3A_189, %add3A_238 : i32
        %dma_start3A_240 = tpu.memref_slice %arg2[%add3A_239] : memref<640000xi32, #tpu.memory_space<hbm>> -> memref<80xi32, #tpu.memory_space<hbm>>
        %dma_start3A_241 = tpu.memref_slice %arg2[%add3A_239] : memref<640000xi32, #tpu.memory_space<hbm>> -> memref<80xi32, #tpu.memory_space<hbm>>
        tpu.enqueue_dma source(%dma_start3A_241 : memref<80xi32, #tpu.memory_space<hbm>>) target(%arg11 : memref<80xi32, #tpu.memory_space<vmem>>) target_semaphore(%arg23 : memref<!tpu.dma_semaphore, #tpu.memory_space<semaphore_mem>>)
        %add3A_242 = arith.constant 320000 : i32
        %add3A_243 = arith.addi %add3A_242, %add3A_239 : i32
        %dma_start3A_244 = tpu.memref_slice %arg2[%add3A_243] : memref<640000xi32, #tpu.memory_space<hbm>> -> memref<80xi32, #tpu.memory_space<hbm>>
        %dma_start3A_245 = tpu.memref_slice %arg2[%add3A_243] : memref<640000xi32, #tpu.memory_space<hbm>> -> memref<80xi32, #tpu.memory_space<hbm>>
        tpu.enqueue_dma source(%dma_start3A_245 : memref<80xi32, #tpu.memory_space<hbm>>) target(%arg15 : memref<80xi32, #tpu.memory_space<vmem>>) target_semaphore(%arg27 : memref<!tpu.dma_semaphore, #tpu.memory_space<semaphore_mem>>)
        %dma_wait3A_246 = tpu.memref_slice %arg2[%add3A_197] : memref<640000xi32, #tpu.memory_space<hbm>> -> memref<80xi32, #tpu.memory_space<hbm>>
        %dma_wait3A_247 = tpu.memref_slice %arg2[%add3A_197] : memref<640000xi32, #tpu.memory_space<hbm>> -> memref<80xi32, #tpu.memory_space<hbm>>
        tpu.wait_dma2 semaphore(%arg20 : memref<!tpu.dma_semaphore, #tpu.memory_space<semaphore_mem>>) src(%dma_wait3A_247 : memref<80xi32, #tpu.memory_space<hbm>>) dst(%arg8 : memref<80xi32, #tpu.memory_space<vmem>>)
        %dma_wait3A_248 = tpu.memref_slice %arg2[%add3A_201] : memref<640000xi32, #tpu.memory_space<hbm>> -> memref<80xi32, #tpu.memory_space<hbm>>
        %dma_wait3A_249 = tpu.memref_slice %arg2[%add3A_201] : memref<640000xi32, #tpu.memory_space<hbm>> -> memref<80xi32, #tpu.memory_space<hbm>>
        tpu.wait_dma2 semaphore(%arg24 : memref<!tpu.dma_semaphore, #tpu.memory_space<semaphore_mem>>) src(%dma_wait3A_249 : memref<80xi32, #tpu.memory_space<hbm>>) dst(%arg12 : memref<80xi32, #tpu.memory_space<vmem>>)
        %dma_start3A_250 = arith.constant 0 : i32
        %dma_start3A_251 = arith.constant 0 : i32
        %dma_start3A_252 = tpu.memref_slice %arg4[%dma_start3A_250, %dma_start3A_251] : memref<10000x128xf32, #tpu.memory_space<hbm>> -> memref<10000x128xf32, #tpu.memory_space<hbm>>
        tpu.enqueue_indirect_dma source(%dma_start3A_252 : memref<10000x128xf32, #tpu.memory_space<hbm>>) target(%arg16 : memref<80x128xf32, #tpu.memory_space<vmem>>) offsets(%arg8 : memref<80xi32, #tpu.memory_space<vmem>>) semaphore(%arg28 : memref<!tpu.dma_semaphore, #tpu.memory_space<semaphore_mem>>)
        %dma_wait3A_253 = tpu.memref_slice %arg2[%add3A_211] : memref<640000xi32, #tpu.memory_space<hbm>> -> memref<80xi32, #tpu.memory_space<hbm>>
        %dma_wait3A_254 = tpu.memref_slice %arg2[%add3A_211] : memref<640000xi32, #tpu.memory_space<hbm>> -> memref<80xi32, #tpu.memory_space<hbm>>
        tpu.wait_dma2 semaphore(%arg21 : memref<!tpu.dma_semaphore, #tpu.memory_space<semaphore_mem>>) src(%dma_wait3A_254 : memref<80xi32, #tpu.memory_space<hbm>>) dst(%arg9 : memref<80xi32, #tpu.memory_space<vmem>>)
        %dma_wait3A_255 = tpu.memref_slice %arg2[%add3A_215] : memref<640000xi32, #tpu.memory_space<hbm>> -> memref<80xi32, #tpu.memory_space<hbm>>
        %dma_wait3A_256 = tpu.memref_slice %arg2[%add3A_215] : memref<640000xi32, #tpu.memory_space<hbm>> -> memref<80xi32, #tpu.memory_space<hbm>>
        tpu.wait_dma2 semaphore(%arg25 : memref<!tpu.dma_semaphore, #tpu.memory_space<semaphore_mem>>) src(%dma_wait3A_256 : memref<80xi32, #tpu.memory_space<hbm>>) dst(%arg13 : memref<80xi32, #tpu.memory_space<vmem>>)
        %dma_start3A_257 = arith.constant 0 : i32
        %dma_start3A_258 = arith.constant 0 : i32
        %dma_start3A_259 = tpu.memref_slice %arg4[%dma_start3A_257, %dma_start3A_258] : memref<10000x128xf32, #tpu.memory_space<hbm>> -> memref<10000x128xf32, #tpu.memory_space<hbm>>
        tpu.enqueue_indirect_dma source(%dma_start3A_259 : memref<10000x128xf32, #tpu.memory_space<hbm>>) target(%arg17 : memref<80x128xf32, #tpu.memory_space<vmem>>) offsets(%arg9 : memref<80xi32, #tpu.memory_space<vmem>>) semaphore(%arg29 : memref<!tpu.dma_semaphore, #tpu.memory_space<semaphore_mem>>)
        %dma_wait3A_260 = tpu.memref_slice %arg2[%add3A_225] : memref<640000xi32, #tpu.memory_space<hbm>> -> memref<80xi32, #tpu.memory_space<hbm>>
        %dma_wait3A_261 = tpu.memref_slice %arg2[%add3A_225] : memref<640000xi32, #tpu.memory_space<hbm>> -> memref<80xi32, #tpu.memory_space<hbm>>
        tpu.wait_dma2 semaphore(%arg22 : memref<!tpu.dma_semaphore, #tpu.memory_space<semaphore_mem>>) src(%dma_wait3A_261 : memref<80xi32, #tpu.memory_space<hbm>>) dst(%arg10 : memref<80xi32, #tpu.memory_space<vmem>>)
        %dma_wait3A_262 = tpu.memref_slice %arg2[%add3A_229] : memref<640000xi32, #tpu.memory_space<hbm>> -> memref<80xi32, #tpu.memory_space<hbm>>
        %dma_wait3A_263 = tpu.memref_slice %arg2[%add3A_229] : memref<640000xi32, #tpu.memory_space<hbm>> -> memref<80xi32, #tpu.memory_space<hbm>>
        tpu.wait_dma2 semaphore(%arg26 : memref<!tpu.dma_semaphore, #tpu.memory_space<semaphore_mem>>) src(%dma_wait3A_263 : memref<80xi32, #tpu.memory_space<hbm>>) dst(%arg14 : memref<80xi32, #tpu.memory_space<vmem>>)
        %dma_start3A_264 = arith.constant 0 : i32
        %dma_start3A_265 = arith.constant 0 : i32
        %dma_start3A_266 = tpu.memref_slice %arg4[%dma_start3A_264, %dma_start3A_265] : memref<10000x128xf32, #tpu.memory_space<hbm>> -> memref<10000x128xf32, #tpu.memory_space<hbm>>
        tpu.enqueue_indirect_dma source(%dma_start3A_266 : memref<10000x128xf32, #tpu.memory_space<hbm>>) target(%arg18 : memref<80x128xf32, #tpu.memory_space<vmem>>) offsets(%arg10 : memref<80xi32, #tpu.memory_space<vmem>>) semaphore(%arg30 : memref<!tpu.dma_semaphore, #tpu.memory_space<semaphore_mem>>)
        %dma_wait3A_267 = tpu.memref_slice %arg2[%add3A_239] : memref<640000xi32, #tpu.memory_space<hbm>> -> memref<80xi32, #tpu.memory_space<hbm>>
        %dma_wait3A_268 = tpu.memref_slice %arg2[%add3A_239] : memref<640000xi32, #tpu.memory_space<hbm>> -> memref<80xi32, #tpu.memory_space<hbm>>
        tpu.wait_dma2 semaphore(%arg23 : memref<!tpu.dma_semaphore, #tpu.memory_space<semaphore_mem>>) src(%dma_wait3A_268 : memref<80xi32, #tpu.memory_space<hbm>>) dst(%arg11 : memref<80xi32, #tpu.memory_space<vmem>>)
        %dma_wait3A_269 = tpu.memref_slice %arg2[%add3A_243] : memref<640000xi32, #tpu.memory_space<hbm>> -> memref<80xi32, #tpu.memory_space<hbm>>
        %dma_wait3A_270 = tpu.memref_slice %arg2[%add3A_243] : memref<640000xi32, #tpu.memory_space<hbm>> -> memref<80xi32, #tpu.memory_space<hbm>>
        tpu.wait_dma2 semaphore(%arg27 : memref<!tpu.dma_semaphore, #tpu.memory_space<semaphore_mem>>) src(%dma_wait3A_270 : memref<80xi32, #tpu.memory_space<hbm>>) dst(%arg15 : memref<80xi32, #tpu.memory_space<vmem>>)
        %dma_start3A_271 = arith.constant 0 : i32
        %dma_start3A_272 = arith.constant 0 : i32
        %dma_start3A_273 = tpu.memref_slice %arg4[%dma_start3A_271, %dma_start3A_272] : memref<10000x128xf32, #tpu.memory_space<hbm>> -> memref<10000x128xf32, #tpu.memory_space<hbm>>
        tpu.enqueue_indirect_dma source(%dma_start3A_273 : memref<10000x128xf32, #tpu.memory_space<hbm>>) target(%arg19 : memref<80x128xf32, #tpu.memory_space<vmem>>) offsets(%arg11 : memref<80xi32, #tpu.memory_space<vmem>>) semaphore(%arg31 : memref<!tpu.dma_semaphore, #tpu.memory_space<semaphore_mem>>)
        %dma_wait3A_274 = arith.constant 0 : i32
        %dma_wait3A_275 = arith.constant 0 : i32
        %dma_wait3A_276 = tpu.memref_slice %arg4[%dma_wait3A_274, %dma_wait3A_275] : memref<10000x128xf32, #tpu.memory_space<hbm>> -> memref<10000x128xf32, #tpu.memory_space<hbm>>
        tpu.wait_indirect_dma semaphore(%arg28 : memref<!tpu.dma_semaphore, #tpu.memory_space<semaphore_mem>>) src(%dma_wait3A_276 : memref<10000x128xf32, #tpu.memory_space<hbm>>) dst(%arg16 : memref<80x128xf32, #tpu.memory_space<vmem>>)
        %dma_start3A_277 = arith.constant 0 : i32
        %dma_start3A_278 = arith.constant 0 : i32
        %dma_start3A_279 = tpu.memref_slice %arg7[%dma_start3A_277, %dma_start3A_278] : memref<10240x128xf32, #tpu.memory_space<vmem_shared>> -> memref<10240x128xf32, #tpu.memory_space<vmem_shared>>
        tpu.enqueue_indirect_dma source(%arg16 : memref<80x128xf32, #tpu.memory_space<vmem>>) target(%dma_start3A_279 : memref<10240x128xf32, #tpu.memory_space<vmem_shared>>) offsets(%arg12 : memref<80xi32, #tpu.memory_space<vmem>>) semaphore(%arg32 : memref<!tpu.dma_semaphore, #tpu.memory_space<semaphore_mem>>) {add = true}
        %dma_wait3A_280 = arith.constant 0 : i32
        %dma_wait3A_281 = arith.constant 0 : i32
        %dma_wait3A_282 = tpu.memref_slice %arg4[%dma_wait3A_280, %dma_wait3A_281] : memref<10000x128xf32, #tpu.memory_space<hbm>> -> memref<10000x128xf32, #tpu.memory_space<hbm>>
        tpu.wait_indirect_dma semaphore(%arg29 : memref<!tpu.dma_semaphore, #tpu.memory_space<semaphore_mem>>) src(%dma_wait3A_282 : memref<10000x128xf32, #tpu.memory_space<hbm>>) dst(%arg17 : memref<80x128xf32, #tpu.memory_space<vmem>>)
        %dma_start3A_283 = arith.constant 0 : i32
        %dma_start3A_284 = arith.constant 0 : i32
        %dma_start3A_285 = tpu.memref_slice %arg7[%dma_start3A_283, %dma_start3A_284] : memref<10240x128xf32, #tpu.memory_space<vmem_shared>> -> memref<10240x128xf32, #tpu.memory_space<vmem_shared>>
        tpu.enqueue_indirect_dma source(%arg17 : memref<80x128xf32, #tpu.memory_space<vmem>>) target(%dma_start3A_285 : memref<10240x128xf32, #tpu.memory_space<vmem_shared>>) offsets(%arg13 : memref<80xi32, #tpu.memory_space<vmem>>) semaphore(%arg33 : memref<!tpu.dma_semaphore, #tpu.memory_space<semaphore_mem>>) {add = true}
        %dma_wait3A_286 = arith.constant 0 : i32
        %dma_wait3A_287 = arith.constant 0 : i32
        %dma_wait3A_288 = tpu.memref_slice %arg4[%dma_wait3A_286, %dma_wait3A_287] : memref<10000x128xf32, #tpu.memory_space<hbm>> -> memref<10000x128xf32, #tpu.memory_space<hbm>>
        tpu.wait_indirect_dma semaphore(%arg30 : memref<!tpu.dma_semaphore, #tpu.memory_space<semaphore_mem>>) src(%dma_wait3A_288 : memref<10000x128xf32, #tpu.memory_space<hbm>>) dst(%arg18 : memref<80x128xf32, #tpu.memory_space<vmem>>)
        %dma_start3A_289 = arith.constant 0 : i32
        %dma_start3A_290 = arith.constant 0 : i32
        %dma_start3A_291 = tpu.memref_slice %arg7[%dma_start3A_289, %dma_start3A_290] : memref<10240x128xf32, #tpu.memory_space<vmem_shared>> -> memref<10240x128xf32, #tpu.memory_space<vmem_shared>>
        tpu.enqueue_indirect_dma source(%arg18 : memref<80x128xf32, #tpu.memory_space<vmem>>) target(%dma_start3A_291 : memref<10240x128xf32, #tpu.memory_space<vmem_shared>>) offsets(%arg14 : memref<80xi32, #tpu.memory_space<vmem>>) semaphore(%arg34 : memref<!tpu.dma_semaphore, #tpu.memory_space<semaphore_mem>>) {add = true}
        %dma_wait3A_292 = arith.constant 0 : i32
        %dma_wait3A_293 = arith.constant 0 : i32
        %dma_wait3A_294 = tpu.memref_slice %arg4[%dma_wait3A_292, %dma_wait3A_293] : memref<10000x128xf32, #tpu.memory_space<hbm>> -> memref<10000x128xf32, #tpu.memory_space<hbm>>
        tpu.wait_indirect_dma semaphore(%arg31 : memref<!tpu.dma_semaphore, #tpu.memory_space<semaphore_mem>>) src(%dma_wait3A_294 : memref<10000x128xf32, #tpu.memory_space<hbm>>) dst(%arg19 : memref<80x128xf32, #tpu.memory_space<vmem>>)
        %dma_start3A_295 = arith.constant 0 : i32
        %dma_start3A_296 = arith.constant 0 : i32
        %dma_start3A_297 = tpu.memref_slice %arg7[%dma_start3A_295, %dma_start3A_296] : memref<10240x128xf32, #tpu.memory_space<vmem_shared>> -> memref<10240x128xf32, #tpu.memory_space<vmem_shared>>
        tpu.enqueue_indirect_dma source(%arg19 : memref<80x128xf32, #tpu.memory_space<vmem>>) target(%dma_start3A_297 : memref<10240x128xf32, #tpu.memory_space<vmem_shared>>) offsets(%arg15 : memref<80xi32, #tpu.memory_space<vmem>>) semaphore(%arg35 : memref<!tpu.dma_semaphore, #tpu.memory_space<semaphore_mem>>) {add = true}
      }
      %scan3A_105 = arith.constant 61 : i32
      %add3A_106 = arith.constant 19840 : i32
      %add3A_107 = arith.addi %mul3A_0, %add3A_106 : i32
      %dma_wait3A_108 = arith.constant 0 : i32
      %dma_wait3A_109 = arith.constant 0 : i32
      %dma_wait3A_110 = tpu.memref_slice %arg4[%dma_wait3A_108, %dma_wait3A_109] : memref<10000x128xf32, #tpu.memory_space<hbm>> -> memref<80x128xf32, #tpu.memory_space<hbm>>
      %dma_wait3A_111 = arith.constant 0 : i32
      %dma_wait3A_112 = arith.constant 0 : i32
      %dma_wait3A_113 = tpu.memref_slice %arg4[%dma_wait3A_111, %dma_wait3A_112] : memref<10000x128xf32, #tpu.memory_space<hbm>> -> memref<80x128xf32, #tpu.memory_space<hbm>>
      tpu.wait_dma2 semaphore(%arg32 : memref<!tpu.dma_semaphore, #tpu.memory_space<semaphore_mem>>) src(%dma_wait3A_113 : memref<80x128xf32, #tpu.memory_space<hbm>>) dst(%arg16 : memref<80x128xf32, #tpu.memory_space<vmem>>)
      %add3A_114 = arith.constant 0 : i32
      %add3A_115 = arith.addi %add3A_107, %add3A_114 : i32
      %dma_start3A_116 = tpu.memref_slice %arg2[%add3A_115] : memref<640000xi32, #tpu.memory_space<hbm>> -> memref<80xi32, #tpu.memory_space<hbm>>
      %dma_start3A_117 = tpu.memref_slice %arg2[%add3A_115] : memref<640000xi32, #tpu.memory_space<hbm>> -> memref<80xi32, #tpu.memory_space<hbm>>
      tpu.enqueue_dma source(%dma_start3A_117 : memref<80xi32, #tpu.memory_space<hbm>>) target(%arg8 : memref<80xi32, #tpu.memory_space<vmem>>) target_semaphore(%arg20 : memref<!tpu.dma_semaphore, #tpu.memory_space<semaphore_mem>>)
      %add3A_118 = arith.constant 320000 : i32
      %add3A_119 = arith.addi %add3A_118, %add3A_115 : i32
      %dma_start3A_120 = tpu.memref_slice %arg2[%add3A_119] : memref<640000xi32, #tpu.memory_space<hbm>> -> memref<80xi32, #tpu.memory_space<hbm>>
      %dma_start3A_121 = tpu.memref_slice %arg2[%add3A_119] : memref<640000xi32, #tpu.memory_space<hbm>> -> memref<80xi32, #tpu.memory_space<hbm>>
      tpu.enqueue_dma source(%dma_start3A_121 : memref<80xi32, #tpu.memory_space<hbm>>) target(%arg12 : memref<80xi32, #tpu.memory_space<vmem>>) target_semaphore(%arg24 : memref<!tpu.dma_semaphore, #tpu.memory_space<semaphore_mem>>)
      %dma_wait3A_122 = arith.constant 0 : i32
      %dma_wait3A_123 = arith.constant 0 : i32
      %dma_wait3A_124 = tpu.memref_slice %arg4[%dma_wait3A_122, %dma_wait3A_123] : memref<10000x128xf32, #tpu.memory_space<hbm>> -> memref<80x128xf32, #tpu.memory_space<hbm>>
      %dma_wait3A_125 = arith.constant 0 : i32
      %dma_wait3A_126 = arith.constant 0 : i32
      %dma_wait3A_127 = tpu.memref_slice %arg4[%dma_wait3A_125, %dma_wait3A_126] : memref<10000x128xf32, #tpu.memory_space<hbm>> -> memref<80x128xf32, #tpu.memory_space<hbm>>
      tpu.wait_dma2 semaphore(%arg33 : memref<!tpu.dma_semaphore, #tpu.memory_space<semaphore_mem>>) src(%dma_wait3A_127 : memref<80x128xf32, #tpu.memory_space<hbm>>) dst(%arg17 : memref<80x128xf32, #tpu.memory_space<vmem>>)
      %add3A_128 = arith.constant 80 : i32
      %add3A_129 = arith.addi %add3A_107, %add3A_128 : i32
      %dma_start3A_130 = tpu.memref_slice %arg2[%add3A_129] : memref<640000xi32, #tpu.memory_space<hbm>> -> memref<80xi32, #tpu.memory_space<hbm>>
      %dma_start3A_131 = tpu.memref_slice %arg2[%add3A_129] : memref<640000xi32, #tpu.memory_space<hbm>> -> memref<80xi32, #tpu.memory_space<hbm>>
      tpu.enqueue_dma source(%dma_start3A_131 : memref<80xi32, #tpu.memory_space<hbm>>) target(%arg9 : memref<80xi32, #tpu.memory_space<vmem>>) target_semaphore(%arg21 : memref<!tpu.dma_semaphore, #tpu.memory_space<semaphore_mem>>)
      %add3A_132 = arith.constant 320000 : i32
      %add3A_133 = arith.addi %add3A_132, %add3A_129 : i32
      %dma_start3A_134 = tpu.memref_slice %arg2[%add3A_133] : memref<640000xi32, #tpu.memory_space<hbm>> -> memref<80xi32, #tpu.memory_space<hbm>>
      %dma_start3A_135 = tpu.memref_slice %arg2[%add3A_133] : memref<640000xi32, #tpu.memory_space<hbm>> -> memref<80xi32, #tpu.memory_space<hbm>>
      tpu.enqueue_dma source(%dma_start3A_135 : memref<80xi32, #tpu.memory_space<hbm>>) target(%arg13 : memref<80xi32, #tpu.memory_space<vmem>>) target_semaphore(%arg25 : memref<!tpu.dma_semaphore, #tpu.memory_space<semaphore_mem>>)
      %dma_wait3A_136 = tpu.memref_slice %arg2[%add3A_115] : memref<640000xi32, #tpu.memory_space<hbm>> -> memref<80xi32, #tpu.memory_space<hbm>>
      %dma_wait3A_137 = tpu.memref_slice %arg2[%add3A_115] : memref<640000xi32, #tpu.memory_space<hbm>> -> memref<80xi32, #tpu.memory_space<hbm>>
      tpu.wait_dma2 semaphore(%arg20 : memref<!tpu.dma_semaphore, #tpu.memory_space<semaphore_mem>>) src(%dma_wait3A_137 : memref<80xi32, #tpu.memory_space<hbm>>) dst(%arg8 : memref<80xi32, #tpu.memory_space<vmem>>)
      %dma_wait3A_138 = tpu.memref_slice %arg2[%add3A_119] : memref<640000xi32, #tpu.memory_space<hbm>> -> memref<80xi32, #tpu.memory_space<hbm>>
      %dma_wait3A_139 = tpu.memref_slice %arg2[%add3A_119] : memref<640000xi32, #tpu.memory_space<hbm>> -> memref<80xi32, #tpu.memory_space<hbm>>
      tpu.wait_dma2 semaphore(%arg24 : memref<!tpu.dma_semaphore, #tpu.memory_space<semaphore_mem>>) src(%dma_wait3A_139 : memref<80xi32, #tpu.memory_space<hbm>>) dst(%arg12 : memref<80xi32, #tpu.memory_space<vmem>>)
      %dma_start3A_140 = arith.constant 0 : i32
      %dma_start3A_141 = arith.constant 0 : i32
      %dma_start3A_142 = tpu.memref_slice %arg4[%dma_start3A_140, %dma_start3A_141] : memref<10000x128xf32, #tpu.memory_space<hbm>> -> memref<10000x128xf32, #tpu.memory_space<hbm>>
      tpu.enqueue_indirect_dma source(%dma_start3A_142 : memref<10000x128xf32, #tpu.memory_space<hbm>>) target(%arg16 : memref<80x128xf32, #tpu.memory_space<vmem>>) offsets(%arg8 : memref<80xi32, #tpu.memory_space<vmem>>) semaphore(%arg28 : memref<!tpu.dma_semaphore, #tpu.memory_space<semaphore_mem>>)
      %dma_wait3A_143 = tpu.memref_slice %arg2[%add3A_129] : memref<640000xi32, #tpu.memory_space<hbm>> -> memref<80xi32, #tpu.memory_space<hbm>>
      %dma_wait3A_144 = tpu.memref_slice %arg2[%add3A_129] : memref<640000xi32, #tpu.memory_space<hbm>> -> memref<80xi32, #tpu.memory_space<hbm>>
      tpu.wait_dma2 semaphore(%arg21 : memref<!tpu.dma_semaphore, #tpu.memory_space<semaphore_mem>>) src(%dma_wait3A_144 : memref<80xi32, #tpu.memory_space<hbm>>) dst(%arg9 : memref<80xi32, #tpu.memory_space<vmem>>)
      %dma_wait3A_145 = tpu.memref_slice %arg2[%add3A_133] : memref<640000xi32, #tpu.memory_space<hbm>> -> memref<80xi32, #tpu.memory_space<hbm>>
      %dma_wait3A_146 = tpu.memref_slice %arg2[%add3A_133] : memref<640000xi32, #tpu.memory_space<hbm>> -> memref<80xi32, #tpu.memory_space<hbm>>
      tpu.wait_dma2 semaphore(%arg25 : memref<!tpu.dma_semaphore, #tpu.memory_space<semaphore_mem>>) src(%dma_wait3A_146 : memref<80xi32, #tpu.memory_space<hbm>>) dst(%arg13 : memref<80xi32, #tpu.memory_space<vmem>>)
      %dma_start3A_147 = arith.constant 0 : i32
      %dma_start3A_148 = arith.constant 0 : i32
      %dma_start3A_149 = tpu.memref_slice %arg4[%dma_start3A_147, %dma_start3A_148] : memref<10000x128xf32, #tpu.memory_space<hbm>> -> memref<10000x128xf32, #tpu.memory_space<hbm>>
      tpu.enqueue_indirect_dma source(%dma_start3A_149 : memref<10000x128xf32, #tpu.memory_space<hbm>>) target(%arg17 : memref<80x128xf32, #tpu.memory_space<vmem>>) offsets(%arg9 : memref<80xi32, #tpu.memory_space<vmem>>) semaphore(%arg29 : memref<!tpu.dma_semaphore, #tpu.memory_space<semaphore_mem>>)
      %dma_wait3A_150 = arith.constant 0 : i32
      %dma_wait3A_151 = arith.constant 0 : i32
      %dma_wait3A_152 = tpu.memref_slice %arg4[%dma_wait3A_150, %dma_wait3A_151] : memref<10000x128xf32, #tpu.memory_space<hbm>> -> memref<10000x128xf32, #tpu.memory_space<hbm>>
      tpu.wait_indirect_dma semaphore(%arg28 : memref<!tpu.dma_semaphore, #tpu.memory_space<semaphore_mem>>) src(%dma_wait3A_152 : memref<10000x128xf32, #tpu.memory_space<hbm>>) dst(%arg16 : memref<80x128xf32, #tpu.memory_space<vmem>>)
      %dma_start3A_153 = arith.constant 0 : i32
      %dma_start3A_154 = arith.constant 0 : i32
      %dma_start3A_155 = tpu.memref_slice %arg7[%dma_start3A_153, %dma_start3A_154] : memref<10240x128xf32, #tpu.memory_space<vmem_shared>> -> memref<10240x128xf32, #tpu.memory_space<vmem_shared>>
      tpu.enqueue_indirect_dma source(%arg16 : memref<80x128xf32, #tpu.memory_space<vmem>>) target(%dma_start3A_155 : memref<10240x128xf32, #tpu.memory_space<vmem_shared>>) offsets(%arg12 : memref<80xi32, #tpu.memory_space<vmem>>) semaphore(%arg32 : memref<!tpu.dma_semaphore, #tpu.memory_space<semaphore_mem>>) {add = true}
      %dma_wait3A_156 = arith.constant 0 : i32
      %dma_wait3A_157 = arith.constant 0 : i32
      %dma_wait3A_158 = tpu.memref_slice %arg4[%dma_wait3A_156, %dma_wait3A_157] : memref<10000x128xf32, #tpu.memory_space<hbm>> -> memref<10000x128xf32, #tpu.memory_space<hbm>>
      tpu.wait_indirect_dma semaphore(%arg29 : memref<!tpu.dma_semaphore, #tpu.memory_space<semaphore_mem>>) src(%dma_wait3A_158 : memref<10000x128xf32, #tpu.memory_space<hbm>>) dst(%arg17 : memref<80x128xf32, #tpu.memory_space<vmem>>)
      %dma_start3A_159 = arith.constant 0 : i32
      %dma_start3A_160 = arith.constant 0 : i32
      %dma_start3A_161 = tpu.memref_slice %arg7[%dma_start3A_159, %dma_start3A_160] : memref<10240x128xf32, #tpu.memory_space<vmem_shared>> -> memref<10240x128xf32, #tpu.memory_space<vmem_shared>>
      tpu.enqueue_indirect_dma source(%arg17 : memref<80x128xf32, #tpu.memory_space<vmem>>) target(%dma_start3A_161 : memref<10240x128xf32, #tpu.memory_space<vmem_shared>>) offsets(%arg13 : memref<80xi32, #tpu.memory_space<vmem>>) semaphore(%arg33 : memref<!tpu.dma_semaphore, #tpu.memory_space<semaphore_mem>>) {add = true}
      %dma_wait3A_162 = arith.constant 0 : i32
      %dma_wait3A_163 = arith.constant 0 : i32
      %dma_wait3A_164 = tpu.memref_slice %arg4[%dma_wait3A_162, %dma_wait3A_163] : memref<10000x128xf32, #tpu.memory_space<hbm>> -> memref<80x128xf32, #tpu.memory_space<hbm>>
      %dma_wait3A_165 = arith.constant 0 : i32
      %dma_wait3A_166 = arith.constant 0 : i32
      %dma_wait3A_167 = tpu.memref_slice %arg4[%dma_wait3A_165, %dma_wait3A_166] : memref<10000x128xf32, #tpu.memory_space<hbm>> -> memref<80x128xf32, #tpu.memory_space<hbm>>
      tpu.wait_dma2 semaphore(%arg32 : memref<!tpu.dma_semaphore, #tpu.memory_space<semaphore_mem>>) src(%dma_wait3A_167 : memref<80x128xf32, #tpu.memory_space<hbm>>) dst(%arg16 : memref<80x128xf32, #tpu.memory_space<vmem>>)
      %dma_wait3A_168 = arith.constant 0 : i32
      %dma_wait3A_169 = arith.constant 0 : i32
      %dma_wait3A_170 = tpu.memref_slice %arg4[%dma_wait3A_168, %dma_wait3A_169] : memref<10000x128xf32, #tpu.memory_space<hbm>> -> memref<80x128xf32, #tpu.memory_space<hbm>>
      %dma_wait3A_171 = arith.constant 0 : i32
      %dma_wait3A_172 = arith.constant 0 : i32
      %dma_wait3A_173 = tpu.memref_slice %arg4[%dma_wait3A_171, %dma_wait3A_172] : memref<10000x128xf32, #tpu.memory_space<hbm>> -> memref<80x128xf32, #tpu.memory_space<hbm>>
      tpu.wait_dma2 semaphore(%arg33 : memref<!tpu.dma_semaphore, #tpu.memory_space<semaphore_mem>>) src(%dma_wait3A_173 : memref<80x128xf32, #tpu.memory_space<hbm>>) dst(%arg17 : memref<80x128xf32, #tpu.memory_space<vmem>>)
      %dma_wait3A_174 = arith.constant 0 : i32
      %dma_wait3A_175 = arith.constant 0 : i32
      %dma_wait3A_176 = tpu.memref_slice %arg4[%dma_wait3A_174, %dma_wait3A_175] : memref<10000x128xf32, #tpu.memory_space<hbm>> -> memref<80x128xf32, #tpu.memory_space<hbm>>
      %dma_wait3A_177 = arith.constant 0 : i32
      %dma_wait3A_178 = arith.constant 0 : i32
      %dma_wait3A_179 = tpu.memref_slice %arg4[%dma_wait3A_177, %dma_wait3A_178] : memref<10000x128xf32, #tpu.memory_space<hbm>> -> memref<80x128xf32, #tpu.memory_space<hbm>>
      tpu.wait_dma2 semaphore(%arg34 : memref<!tpu.dma_semaphore, #tpu.memory_space<semaphore_mem>>) src(%dma_wait3A_179 : memref<80x128xf32, #tpu.memory_space<hbm>>) dst(%arg18 : memref<80x128xf32, #tpu.memory_space<vmem>>)
      %dma_wait3A_180 = arith.constant 0 : i32
      %dma_wait3A_181 = arith.constant 0 : i32
      %dma_wait3A_182 = tpu.memref_slice %arg4[%dma_wait3A_180, %dma_wait3A_181] : memref<10000x128xf32, #tpu.memory_space<hbm>> -> memref<80x128xf32, #tpu.memory_space<hbm>>
      %dma_wait3A_183 = arith.constant 0 : i32
      %dma_wait3A_184 = arith.constant 0 : i32
      %dma_wait3A_185 = tpu.memref_slice %arg4[%dma_wait3A_183, %dma_wait3A_184] : memref<10000x128xf32, #tpu.memory_space<hbm>> -> memref<80x128xf32, #tpu.memory_space<hbm>>
      tpu.wait_dma2 semaphore(%arg35 : memref<!tpu.dma_semaphore, #tpu.memory_space<semaphore_mem>>) src(%dma_wait3A_185 : memref<80x128xf32, #tpu.memory_space<hbm>>) dst(%arg19 : memref<80x128xf32, #tpu.memory_space<vmem>>)
    } else {
    }
    %barrier3A_40 = arith.constant 0 : index
    tpu.barrier barrier_id(%barrier3A_40)
    %lt3A = arith.constant 15 : i32
    %lt3A_41 = arith.cmpi slt, %arg1, %lt3A : i32
    %convert_element_type3A_42 = arith.extui %lt3A_41 : i1 to i32
    %cond3A_43 = arith.constant 0 : i32
    %cond3A_44 = arith.cmpi ne, %convert_element_type3A_42, %cond3A_43 : i32
    scf.if %cond3A_44 {
      %mul3A_50 = arith.constant 640 : i32
      %mul3A_51 = arith.muli %arg1, %mul3A_50 : i32
      "tpu.region"() ({
        %run_scoped3A = tpu.sem_alloc : memref<!tpu.dma_semaphore, #tpu.memory_space<semaphore_mem>>
        %dma_start3A_52 = arith.constant 0 : i32
        %dma_start3A_53 = tpu.memref_slice %arg6[%arg0, %mul3A_51, %dma_start3A_52] : memref<2x10000x128xf32, #tpu.memory_space<hbm>> -> memref<1x640x128xf32, #tpu.memory_space<hbm>>
        %dma_start3A_54 = tpu.memref_squeeze %dma_start3A_53 : memref<1x640x128xf32, #tpu.memory_space<hbm>> -> memref<640x128xf32, #tpu.memory_space<hbm>>
        %dma_start3A_55 = arith.constant 0 : i32
        %dma_start3A_56 = tpu.memref_slice %arg7[%mul3A_51, %dma_start3A_55] : memref<10240x128xf32, #tpu.memory_space<vmem_shared>> -> memref<640x128xf32, #tpu.memory_space<vmem_shared>>
        tpu.enqueue_dma source(%dma_start3A_56 : memref<640x128xf32, #tpu.memory_space<vmem_shared>>) target(%dma_start3A_54 : memref<640x128xf32, #tpu.memory_space<hbm>>) target_semaphore(%run_scoped3A : memref<!tpu.dma_semaphore, #tpu.memory_space<semaphore_mem>>)
        %dma_wait3A = arith.constant 0 : i32
        %dma_wait3A_57 = tpu.memref_slice %arg6[%arg0, %mul3A_51, %dma_wait3A] : memref<2x10000x128xf32, #tpu.memory_space<hbm>> -> memref<1x640x128xf32, #tpu.memory_space<hbm>>
        %dma_wait3A_58 = tpu.memref_squeeze %dma_wait3A_57 : memref<1x640x128xf32, #tpu.memory_space<hbm>> -> memref<640x128xf32, #tpu.memory_space<hbm>>
        %dma_wait3A_59 = arith.constant 0 : i32
        %dma_wait3A_60 = tpu.memref_slice %arg7[%mul3A_51, %dma_wait3A_59] : memref<10240x128xf32, #tpu.memory_space<vmem_shared>> -> memref<640x128xf32, #tpu.memory_space<vmem_shared>>
        tpu.wait_dma2 semaphore(%run_scoped3A : memref<!tpu.dma_semaphore, #tpu.memory_space<semaphore_mem>>) src(%dma_wait3A_60 : memref<640x128xf32, #tpu.memory_space<vmem_shared>>) dst(%dma_wait3A_58 : memref<640x128xf32, #tpu.memory_space<hbm>>)
        tpu.yield
      }) : () -> ()
    } else {
    }
    %eq3A_45 = arith.constant 15 : i32
    %eq3A_46 = arith.cmpi eq, %arg1, %eq3A_45 : i32
    %convert_element_type3A_47 = arith.extui %eq3A_46 : i1 to i32
    %cond3A_48 = arith.constant 0 : i32
    %cond3A_49 = arith.cmpi ne, %convert_element_type3A_47, %cond3A_48 : i32
    scf.if %cond3A_49 {
      "tpu.region"() ({
        %run_scoped3A = tpu.sem_alloc : memref<!tpu.dma_semaphore, #tpu.memory_space<semaphore_mem>>
        %dma_start3A_50 = arith.constant 9600 : i32
        %dma_start3A_51 = arith.constant 0 : i32
        %dma_start3A_52 = tpu.memref_slice %arg6[%arg0, %dma_start3A_50, %dma_start3A_51] : memref<2x10000x128xf32, #tpu.memory_space<hbm>> -> memref<1x400x128xf32, #tpu.memory_space<hbm>>
        %dma_start3A_53 = tpu.memref_squeeze %dma_start3A_52 : memref<1x400x128xf32, #tpu.memory_space<hbm>> -> memref<400x128xf32, #tpu.memory_space<hbm>>
        %dma_start3A_54 = arith.constant 9600 : i32
        %dma_start3A_55 = arith.constant 0 : i32
        %dma_start3A_56 = tpu.memref_slice %arg7[%dma_start3A_54, %dma_start3A_55] : memref<10240x128xf32, #tpu.memory_space<vmem_shared>> -> memref<400x128xf32, #tpu.memory_space<vmem_shared>>
        tpu.enqueue_dma source(%dma_start3A_56 : memref<400x128xf32, #tpu.memory_space<vmem_shared>>) target(%dma_start3A_53 : memref<400x128xf32, #tpu.memory_space<hbm>>) target_semaphore(%run_scoped3A : memref<!tpu.dma_semaphore, #tpu.memory_space<semaphore_mem>>)
        %dma_wait3A = arith.constant 9600 : i32
        %dma_wait3A_57 = arith.constant 0 : i32
        %dma_wait3A_58 = tpu.memref_slice %arg6[%arg0, %dma_wait3A, %dma_wait3A_57] : memref<2x10000x128xf32, #tpu.memory_space<hbm>> -> memref<1x400x128xf32, #tpu.memory_space<hbm>>
        %dma_wait3A_59 = tpu.memref_squeeze %dma_wait3A_58 : memref<1x400x128xf32, #tpu.memory_space<hbm>> -> memref<400x128xf32, #tpu.memory_space<hbm>>
        %dma_wait3A_60 = arith.constant 9600 : i32
        %dma_wait3A_61 = arith.constant 0 : i32
        %dma_wait3A_62 = tpu.memref_slice %arg7[%dma_wait3A_60, %dma_wait3A_61] : memref<10240x128xf32, #tpu.memory_space<vmem_shared>> -> memref<400x128xf32, #tpu.memory_space<vmem_shared>>
        tpu.wait_dma2 semaphore(%run_scoped3A : memref<!tpu.dma_semaphore, #tpu.memory_space<semaphore_mem>>) src(%dma_wait3A_62 : memref<400x128xf32, #tpu.memory_space<vmem_shared>>) dst(%dma_wait3A_59 : memref<400x128xf32, #tpu.memory_space<hbm>>)
        tpu.yield
      }) : () -> ()
    } else {
    }
    return
  }
}

module attributes {stable_mosaic.version = 14 : i64} {
  func.func @_layer_body(%arg0: i32, %arg1: memref<1x400x128xf32, #tpu.memory_space<vmem>>, %arg2: memref<1x400x128xf32, #tpu.memory_space<vmem>>, %arg3: memref<400x256xf32, #tpu.memory_space<vmem>>, %arg4: memref<128x256xf32, #tpu.memory_space<vmem>>, %arg5: memref<1x256xf32, #tpu.memory_space<vmem>>, %arg6: memref<1x256xf32, #tpu.memory_space<vmem>>, %arg7: memref<256x256xf32, #tpu.memory_space<vmem>>, %arg8: memref<1x256xf32, #tpu.memory_space<vmem>>, %arg9: memref<400x128xf32, #tpu.memory_space<vmem>>, %arg10: memref<400x128xf32, #tpu.memory_space<vmem>>, %arg11: memref<400x256xf32, #tpu.memory_space<vmem>>, %arg12: memref<10000x256xf32, #tpu.memory_space<vmem>>, %arg13: memref<2x256xf32, #tpu.memory_space<vmem>>) attributes {dimension_semantics = [#tpu.dimension_semantics<arbitrary>], iteration_bounds = array<i64: 50>, scalar_prefetch = 0 : i64, scratch_operands = 2 : i64, tpu.core_type = #tpu.core_type<tc>, window_params = [{transform_indices = @transform_0, window_bounds = array<i64: 1, 400, 128>}, {transform_indices = @transform_1, window_bounds = array<i64: 1, 400, 128>}, {transform_indices = @transform_2, window_bounds = array<i64: 400, 256>}, {pipeline_mode = #tpu.pipeline_mode<synchronous>, transform_indices = @transform_3, window_bounds = array<i64: 128, 256>}, {pipeline_mode = #tpu.pipeline_mode<synchronous>, transform_indices = @transform_4, window_bounds = array<i64: 1, 256>}, {pipeline_mode = #tpu.pipeline_mode<synchronous>, transform_indices = @transform_5, window_bounds = array<i64: 1, 256>}, {pipeline_mode = #tpu.pipeline_mode<synchronous>, transform_indices = @transform_6, window_bounds = array<i64: 256, 256>}, {pipeline_mode = #tpu.pipeline_mode<synchronous>, transform_indices = @transform_7, window_bounds = array<i64: 1, 256>}, {transform_indices = @transform_8, window_bounds = array<i64: 400, 128>}, {transform_indices = @transform_9, window_bounds = array<i64: 400, 128>}, {transform_indices = @transform_10, window_bounds = array<i64: 400, 256>}]} {
    %lt3A = arith.constant 25 : i32
    %lt3A_0 = arith.cmpi slt, %arg0, %lt3A : i32
    %convert_element_type3A = arith.extui %lt3A_0 : i1 to i32
    %cond3A = arith.constant 0 : i32
    %cond3A_1 = arith.cmpi ne, %convert_element_type3A, %cond3A : i32
    scf.if %cond3A_1 {
      %get3A = arith.constant 0 : index
      %get3A_6 = arith.constant 0 : index
      %get3A_7 = arith.constant 0 : index
      %get3A_8 = vector.load %arg1[%get3A, %get3A_6, %get3A_7] : memref<1x400x128xf32, #tpu.memory_space<vmem>>, vector<1x400x128xf32>
      %get3A_9 = vector.shape_cast %get3A_8 : vector<1x400x128xf32> to vector<400x128xf32>
      %get3A_10 = arith.constant 0 : index
      %get3A_11 = arith.constant 0 : index
      %get3A_12 = arith.constant 0 : index
      %get3A_13 = vector.load %arg2[%get3A_10, %get3A_11, %get3A_12] : memref<1x400x128xf32, #tpu.memory_space<vmem>>, vector<1x400x128xf32>
      %get3A_14 = vector.shape_cast %get3A_13 : vector<1x400x128xf32> to vector<400x128xf32>
      %add3A = arith.addf %get3A_9, %get3A_14 : vector<400x128xf32>
      %get3A_15 = arith.constant 0 : index
      %get3A_16 = arith.constant 0 : index
      %get3A_17 = vector.load %arg4[%get3A_15, %get3A_16] : memref<128x256xf32, #tpu.memory_space<vmem>>, vector<128x256xf32>
      %dot_general3A = arith.constant dense<0.000000e+00> : vector<400x256xf32>
      %dot_general3A_18 = tpu.matmul %add3A, %get3A_17, %dot_general3A {dimension_numbers = #tpu.dot_dimension_numbers<[1], [0], [0], [1], [0, 0, 1, 1], [], []>, precision = #tpu.contract_precision<fp32>, transpose_lhs_hint = false} : vector<400x128xf32>, vector<128x256xf32>, vector<400x256xf32> -> vector<400x256xf32>
      %get3A_19 = arith.constant 0 : index
      %get3A_20 = arith.constant 0 : index
      %get3A_21 = vector.load %arg3[%get3A_19, %get3A_20] : memref<400x256xf32, #tpu.memory_space<vmem>>, vector<400x256xf32>
      %add3A_22 = arith.addf %dot_general3A_18, %get3A_21 : vector<400x256xf32>
      %mul3A = arith.constant 400 : i32
      %mul3A_23 = arith.muli %arg0, %mul3A : i32
      %swap3A = arith.index_cast %mul3A_23 : i32 to index
      %swap3A_24 = arith.constant 0 : index
      %swap3A_25 = vector.load %arg12[%swap3A, %swap3A_24] : memref<10000x256xf32, #tpu.memory_space<vmem>>, vector<400x256xf32>
      tpu.vector_store %arg12[%swap3A, %swap3A_24], %add3A_22 {strides = array<i32>} : memref<10000x256xf32, #tpu.memory_space<vmem>>, vector<400x256xf32>,
      %reduce_sum3A = arith.constant dense<0.000000e+00> : vector<256xf32>
      %reduce_sum3A_26 = vector.multi_reduction <add>, %add3A_22, %reduce_sum3A [0] : vector<400x256xf32> to vector<256xf32>
      %broadcast_in_dim3A = vector.shape_cast %reduce_sum3A_26 : vector<256xf32> to vector<1x256xf32>
      %mul3A_27 = arith.mulf %add3A_22, %add3A_22 : vector<400x256xf32>
      %reduce_sum3A_28 = arith.constant dense<0.000000e+00> : vector<256xf32>
      %reduce_sum3A_29 = vector.multi_reduction <add>, %mul3A_27, %reduce_sum3A_28 [0] : vector<400x256xf32> to vector<256xf32>
      %broadcast_in_dim3A_30 = vector.shape_cast %reduce_sum3A_29 : vector<256xf32> to vector<1x256xf32>
      %concatenate3A = tpu.concatenate %broadcast_in_dim3A, %broadcast_in_dim3A_30 in 0 : vector<1x256xf32>, vector<1x256xf32> -> vector<2x256xf32>
      %eq3A = arith.constant 0 : i32
      %eq3A_31 = arith.cmpi eq, %arg0, %eq3A : i32
      %convert_element_type3A_32 = arith.extui %eq3A_31 : i1 to i32
      %cond3A_33 = arith.constant 0 : i32
      %cond3A_34 = arith.cmpi ne, %convert_element_type3A_32, %cond3A_33 : i32
      scf.if %cond3A_34 {
        %swap3A_39 = arith.constant 0 : index
        %swap3A_40 = arith.constant 0 : index
        %swap3A_41 = vector.load %arg13[%swap3A_39, %swap3A_40] : memref<2x256xf32, #tpu.memory_space<vmem>>, vector<2x256xf32>
        tpu.vector_store %arg13[%swap3A_39, %swap3A_40], %concatenate3A {strides = array<i32>} : memref<2x256xf32, #tpu.memory_space<vmem>>, vector<2x256xf32>,
      } else {
      }
      %gt3A = arith.constant 0 : i32
      %gt3A_35 = arith.cmpi sgt, %arg0, %gt3A : i32
      %convert_element_type3A_36 = arith.extui %gt3A_35 : i1 to i32
      %cond3A_37 = arith.constant 0 : i32
      %cond3A_38 = arith.cmpi ne, %convert_element_type3A_36, %cond3A_37 : i32
      scf.if %cond3A_38 {
        %get3A_39 = arith.constant 0 : index
        %get3A_40 = arith.constant 0 : index
        %get3A_41 = vector.load %arg13[%get3A_39, %get3A_40] : memref<2x256xf32, #tpu.memory_space<vmem>>, vector<2x256xf32>
        %add3A_42 = arith.addf %get3A_41, %concatenate3A : vector<2x256xf32>
        %swap3A_43 = arith.constant 0 : index
        %swap3A_44 = arith.constant 0 : index
        %swap3A_45 = vector.load %arg13[%swap3A_43, %swap3A_44] : memref<2x256xf32, #tpu.memory_space<vmem>>, vector<2x256xf32>
        tpu.vector_store %arg13[%swap3A_43, %swap3A_44], %add3A_42 {strides = array<i32>} : memref<2x256xf32, #tpu.memory_space<vmem>>, vector<2x256xf32>,
      } else {
      }
    } else {
    }
    %ge3A = arith.constant 25 : i32
    %ge3A_2 = arith.cmpi sge, %arg0, %ge3A : i32
    %convert_element_type3A_3 = arith.extui %ge3A_2 : i1 to i32
    %cond3A_4 = arith.constant 0 : i32
    %cond3A_5 = arith.cmpi ne, %convert_element_type3A_3, %cond3A_4 : i32
    scf.if %cond3A_5 {
      %sub3A = arith.constant 25 : i32
      %sub3A_6 = arith.subi %arg0, %sub3A : i32
      %mul3A = arith.constant 400 : i32
      %mul3A_7 = arith.muli %sub3A_6, %mul3A : i32
      %get3A = arith.index_cast %mul3A_7 : i32 to index
      %get3A_8 = arith.constant 0 : index
      %get3A_9 = vector.load %arg12[%get3A, %get3A_8] : memref<10000x256xf32, #tpu.memory_space<vmem>>, vector<400x256xf32>
      %get3A_10 = arith.constant 0 : index
      %get3A_11 = arith.constant 0 : index
      %get3A_12 = vector.load %arg13[%get3A_10, %get3A_11] : memref<2x256xf32, #tpu.memory_space<vmem>>, vector<1x256xf32>
      %div3A = arith.constant 1.000000e+04 : f32
      %div3A_13 = vector.broadcast %div3A : f32 to vector<1x256xf32>
      %div3A_14 = arith.divf %get3A_12, %div3A_13 : vector<1x256xf32>
      %get3A_15 = arith.constant 1 : index
      %get3A_16 = arith.constant 0 : index
      %get3A_17 = vector.load %arg13[%get3A_15, %get3A_16] : memref<2x256xf32, #tpu.memory_space<vmem>>, vector<1x256xf32>
      %div3A_18 = arith.constant 1.000000e+04 : f32
      %div3A_19 = vector.broadcast %div3A_18 : f32 to vector<1x256xf32>
      %div3A_20 = arith.divf %get3A_17, %div3A_19 : vector<1x256xf32>
      %mul3A_21 = arith.mulf %div3A_14, %div3A_14 : vector<1x256xf32>
      %sub3A_22 = arith.subf %div3A_20, %mul3A_21 : vector<1x256xf32>
      %get3A_23 = arith.constant 0 : index
      %get3A_24 = arith.constant 0 : index
      %get3A_25 = vector.load %arg5[%get3A_23, %get3A_24] : memref<1x256xf32, #tpu.memory_space<vmem>>, vector<1x256xf32>
      %add3A = arith.constant 9.99999974E-6 : f32
      %add3A_26 = vector.broadcast %add3A : f32 to vector<1x256xf32>
      %add3A_27 = arith.addf %sub3A_22, %add3A_26 : vector<1x256xf32>
      %rsqrt3A = math.rsqrt %add3A_27 : vector<1x256xf32>
      %mul3A_28 = arith.mulf %get3A_25, %rsqrt3A : vector<1x256xf32>
      %sub3A_29 = vector.broadcast %div3A_14 : vector<1x256xf32> to vector<400x256xf32>
      %sub3A_30 = arith.subf %get3A_9, %sub3A_29 : vector<400x256xf32>
      %mul3A_31 = vector.broadcast %mul3A_28 : vector<1x256xf32> to vector<400x256xf32>
      %mul3A_32 = arith.mulf %sub3A_30, %mul3A_31 : vector<400x256xf32>
      %get3A_33 = arith.constant 0 : index
      %get3A_34 = arith.constant 0 : index
      %get3A_35 = vector.load %arg6[%get3A_33, %get3A_34] : memref<1x256xf32, #tpu.memory_space<vmem>>, vector<1x256xf32>
      %add3A_36 = vector.broadcast %get3A_35 : vector<1x256xf32> to vector<400x256xf32>
      %add3A_37 = arith.addf %mul3A_32, %add3A_36 : vector<400x256xf32>
      %max3A = arith.constant 0.000000e+00 : f32
      %max3A_38 = vector.broadcast %max3A : f32 to vector<400x256xf32>
      %max3A_39 = arith.maximumf %add3A_37, %max3A_38 : vector<400x256xf32>
      %slice3A = vector.extract_strided_slice %max3A_39 {offsets = [0, 0], sizes = [400, 128], strides = [1, 1]} : vector<400x256xf32> to vector<400x128xf32>
      %swap3A = arith.constant 0 : index
      %swap3A_40 = arith.constant 0 : index
      %swap3A_41 = vector.load %arg9[%swap3A, %swap3A_40] : memref<400x128xf32, #tpu.memory_space<vmem>>, vector<400x128xf32>
      tpu.vector_store %arg9[%swap3A, %swap3A_40], %slice3A {strides = array<i32>} : memref<400x128xf32, #tpu.memory_space<vmem>>, vector<400x128xf32>,
      %slice3A_42 = vector.extract_strided_slice %max3A_39 {offsets = [0, 128], sizes = [400, 128], strides = [1, 1]} : vector<400x256xf32> to vector<400x128xf32>
      %swap3A_43 = arith.constant 0 : index
      %swap3A_44 = arith.constant 0 : index
      %swap3A_45 = vector.load %arg10[%swap3A_43, %swap3A_44] : memref<400x128xf32, #tpu.memory_space<vmem>>, vector<400x128xf32>
      tpu.vector_store %arg10[%swap3A_43, %swap3A_44], %slice3A_42 {strides = array<i32>} : memref<400x128xf32, #tpu.memory_space<vmem>>, vector<400x128xf32>,
      %get3A_46 = arith.constant 0 : index
      %get3A_47 = arith.constant 0 : index
      %get3A_48 = vector.load %arg7[%get3A_46, %get3A_47] : memref<256x256xf32, #tpu.memory_space<vmem>>, vector<256x256xf32>
      %dot_general3A = arith.constant dense<0.000000e+00> : vector<400x256xf32>
      %dot_general3A_49 = tpu.matmul %max3A_39, %get3A_48, %dot_general3A {dimension_numbers = #tpu.dot_dimension_numbers<[1], [0], [0], [1], [0, 0, 1, 1], [], []>, precision = #tpu.contract_precision<fp32>, transpose_lhs_hint = false} : vector<400x256xf32>, vector<256x256xf32>, vector<400x256xf32> -> vector<400x256xf32>
      %get3A_50 = arith.constant 0 : index
      %get3A_51 = arith.constant 0 : index
      %get3A_52 = vector.load %arg8[%get3A_50, %get3A_51] : memref<1x256xf32, #tpu.memory_space<vmem>>, vector<1x256xf32>
      %add3A_53 = vector.broadcast %get3A_52 : vector<1x256xf32> to vector<400x256xf32>
      %add3A_54 = arith.addf %dot_general3A_49, %add3A_53 : vector<400x256xf32>
      %swap3A_55 = arith.constant 0 : index
      %swap3A_56 = arith.constant 0 : index
      %swap3A_57 = vector.load %arg11[%swap3A_55, %swap3A_56] : memref<400x256xf32, #tpu.memory_space<vmem>>, vector<400x256xf32>
      tpu.vector_store %arg11[%swap3A_55, %swap3A_56], %add3A_54 {strides = array<i32>} : memref<400x256xf32, #tpu.memory_space<vmem>>, vector<400x256xf32>,
    } else {
    }
    return
  }
  func.func @transform_0(%arg0: i32) -> (i32, i32, i32) {
    %lt3A = arith.constant 25 : i32
    %lt3A_0 = arith.cmpi slt, %arg0, %lt3A : i32
    %jit3A = arith.constant 0 : i32
    %select_n3A = arith.select %lt3A_0, %arg0, %jit3A : i32
    %c0_i32 = arith.constant 0 : i32
    %c0_i32_1 = arith.constant 0 : i32
    %c0_i32_2 = arith.constant 0 : i32
    return %c0_i32, %select_n3A, %c0_i32_1 : i32, i32, i32
  }
  func.func @transform_1(%arg0: i32) -> (i32, i32, i32) {
    %lt3A = arith.constant 25 : i32
    %lt3A_0 = arith.cmpi slt, %arg0, %lt3A : i32
    %jit3A = arith.constant 0 : i32
    %select_n3A = arith.select %lt3A_0, %arg0, %jit3A : i32
    %c1_i32 = arith.constant 1 : i32
    %c0_i32 = arith.constant 0 : i32
    %c0_i32_1 = arith.constant 0 : i32
    return %c1_i32, %select_n3A, %c0_i32 : i32, i32, i32
  }
  func.func @transform_2(%arg0: i32) -> (i32, i32) {
    %lt3A = arith.constant 25 : i32
    %lt3A_0 = arith.cmpi slt, %arg0, %lt3A : i32
    %jit3A = arith.constant 0 : i32
    %select_n3A = arith.select %lt3A_0, %arg0, %jit3A : i32
    %c0_i32 = arith.constant 0 : i32
    %c0_i32_1 = arith.constant 0 : i32
    return %select_n3A, %c0_i32 : i32, i32
  }
  func.func @transform_3(%arg0: i32) -> (i32, i32) {
    %c0_i32 = arith.constant 0 : i32
    %c0_i32_0 = arith.constant 0 : i32
    %c0_i32_1 = arith.constant 0 : i32
    return %c0_i32, %c0_i32_0 : i32, i32
  }
  func.func @transform_4(%arg0: i32) -> (i32, i32) {
    %c0_i32 = arith.constant 0 : i32
    %c0_i32_0 = arith.constant 0 : i32
    %c0_i32_1 = arith.constant 0 : i32
    return %c0_i32, %c0_i32_0 : i32, i32
  }
  func.func @transform_5(%arg0: i32) -> (i32, i32) {
    %c0_i32 = arith.constant 0 : i32
    %c0_i32_0 = arith.constant 0 : i32
    %c0_i32_1 = arith.constant 0 : i32
    return %c0_i32, %c0_i32_0 : i32, i32
  }
  func.func @transform_6(%arg0: i32) -> (i32, i32) {
    %c0_i32 = arith.constant 0 : i32
    %c0_i32_0 = arith.constant 0 : i32
    %c0_i32_1 = arith.constant 0 : i32
    return %c0_i32, %c0_i32_0 : i32, i32
  }
  func.func @transform_7(%arg0: i32) -> (i32, i32) {
    %c0_i32 = arith.constant 0 : i32
    %c0_i32_0 = arith.constant 0 : i32
    %c0_i32_1 = arith.constant 0 : i32
    return %c0_i32, %c0_i32_0 : i32, i32
  }
  func.func @transform_8(%arg0: i32) -> (i32, i32) {
    %lt3A = arith.constant 25 : i32
    %lt3A_0 = arith.cmpi slt, %arg0, %lt3A : i32
    %sub3A = arith.constant 25 : i32
    %sub3A_1 = arith.subi %arg0, %sub3A : i32
    %jit3A = arith.constant 0 : i32
    %select_n3A = arith.select %lt3A_0, %jit3A, %sub3A_1 : i32
    %c0_i32 = arith.constant 0 : i32
    %c0_i32_2 = arith.constant 0 : i32
    return %select_n3A, %c0_i32 : i32, i32
  }
  func.func @transform_9(%arg0: i32) -> (i32, i32) {
    %lt3A = arith.constant 25 : i32
    %lt3A_0 = arith.cmpi slt, %arg0, %lt3A : i32
    %sub3A = arith.constant 25 : i32
    %sub3A_1 = arith.subi %arg0, %sub3A : i32
    %jit3A = arith.constant 0 : i32
    %select_n3A = arith.select %lt3A_0, %jit3A, %sub3A_1 : i32
    %c0_i32 = arith.constant 0 : i32
    %c0_i32_2 = arith.constant 0 : i32
    return %select_n3A, %c0_i32 : i32, i32
  }
  func.func @transform_10(%arg0: i32) -> (i32, i32) {
    %lt3A = arith.constant 25 : i32
    %lt3A_0 = arith.cmpi slt, %arg0, %lt3A : i32
    %sub3A = arith.constant 25 : i32
    %sub3A_1 = arith.subi %arg0, %sub3A : i32
    %jit3A = arith.constant 0 : i32
    %select_n3A = arith.select %lt3A_0, %jit3A, %sub3A_1 : i32
    %c0_i32 = arith.constant 0 : i32
    %c0_i32_2 = arith.constant 0 : i32
    return %select_n3A, %c0_i32 : i32, i32
  }
}

module attributes {stable_mosaic.version = 14 : i64} {
  func.func @_root1_body(%arg0: i32, %arg1: memref<400x128xf32, #tpu.memory_space<vmem>>, %arg2: memref<128x256xf32, #tpu.memory_space<vmem>>, %arg3: memref<1x256xf32, #tpu.memory_space<vmem>>, %arg4: memref<400x256xf32, #tpu.memory_space<vmem>>) attributes {dimension_semantics = [#tpu.dimension_semantics<arbitrary>], iteration_bounds = array<i64: 25>, scalar_prefetch = 0 : i64, scratch_operands = 0 : i64, tpu.core_type = #tpu.core_type<tc>, window_params = [{transform_indices = @transform_0, window_bounds = array<i64: 400, 128>}, {pipeline_mode = #tpu.pipeline_mode<synchronous>, transform_indices = @transform_1, window_bounds = array<i64: 128, 256>}, {pipeline_mode = #tpu.pipeline_mode<synchronous>, transform_indices = @transform_2, window_bounds = array<i64: 1, 256>}, {transform_indices = @transform_3, window_bounds = array<i64: 400, 256>}]} {
    %get3A = arith.constant 0 : index
    %get3A_0 = arith.constant 0 : index
    %get3A_1 = vector.load %arg1[%get3A, %get3A_0] : memref<400x128xf32, #tpu.memory_space<vmem>>, vector<400x128xf32>
    %get3A_2 = arith.constant 0 : index
    %get3A_3 = arith.constant 0 : index
    %get3A_4 = vector.load %arg2[%get3A_2, %get3A_3] : memref<128x256xf32, #tpu.memory_space<vmem>>, vector<128x256xf32>
    %dot_general3A = arith.constant dense<0.000000e+00> : vector<400x256xf32>
    %dot_general3A_5 = tpu.matmul %get3A_1, %get3A_4, %dot_general3A {dimension_numbers = #tpu.dot_dimension_numbers<[1], [0], [0], [1], [0, 0, 1, 1], [], []>, precision = #tpu.contract_precision<fp32>, transpose_lhs_hint = false} : vector<400x128xf32>, vector<128x256xf32>, vector<400x256xf32> -> vector<400x256xf32>
    %get3A_6 = arith.constant 0 : index
    %get3A_7 = arith.constant 0 : index
    %get3A_8 = vector.load %arg3[%get3A_6, %get3A_7] : memref<1x256xf32, #tpu.memory_space<vmem>>, vector<1x256xf32>
    %add3A = vector.broadcast %get3A_8 : vector<1x256xf32> to vector<400x256xf32>
    %add3A_9 = arith.addf %dot_general3A_5, %add3A : vector<400x256xf32>
    %swap3A = arith.constant 0 : index
    %swap3A_10 = arith.constant 0 : index
    %swap3A_11 = vector.load %arg4[%swap3A, %swap3A_10] : memref<400x256xf32, #tpu.memory_space<vmem>>, vector<400x256xf32>
    tpu.vector_store %arg4[%swap3A, %swap3A_10], %add3A_9 {strides = array<i32>} : memref<400x256xf32, #tpu.memory_space<vmem>>, vector<400x256xf32>,
    return
  }
  func.func @transform_0(%arg0: i32) -> (i32, i32) {
    %c0_i32 = arith.constant 0 : i32
    %c0_i32_0 = arith.constant 0 : i32
    return %arg0, %c0_i32 : i32, i32
  }
  func.func @transform_1(%arg0: i32) -> (i32, i32) {
    %c0_i32 = arith.constant 0 : i32
    %c0_i32_0 = arith.constant 0 : i32
    %c0_i32_1 = arith.constant 0 : i32
    return %c0_i32, %c0_i32_0 : i32, i32
  }
  func.func @transform_2(%arg0: i32) -> (i32, i32) {
    %c0_i32 = arith.constant 0 : i32
    %c0_i32_0 = arith.constant 0 : i32
    %c0_i32_1 = arith.constant 0 : i32
    return %c0_i32, %c0_i32_0 : i32, i32
  }
  func.func @transform_3(%arg0: i32) -> (i32, i32) {
    %c0_i32 = arith.constant 0 : i32
    %c0_i32_0 = arith.constant 0 : i32
    return %arg0, %c0_i32 : i32, i32
  }
}

module attributes {stable_mosaic.version = 14 : i64} {
  func.func @_layer_body(%arg0: i32, %arg1: memref<1x400x128xf32, #tpu.memory_space<vmem>>, %arg2: memref<1x400x128xf32, #tpu.memory_space<vmem>>, %arg3: memref<400x256xf32, #tpu.memory_space<vmem>>, %arg4: memref<256x256xf32, #tpu.memory_space<vmem>>, %arg5: memref<1x256xf32, #tpu.memory_space<vmem>>, %arg6: memref<1x256xf32, #tpu.memory_space<vmem>>, %arg7: memref<256x256xf32, #tpu.memory_space<vmem>>, %arg8: memref<1x256xf32, #tpu.memory_space<vmem>>, %arg9: memref<400x128xf32, #tpu.memory_space<vmem>>, %arg10: memref<400x128xf32, #tpu.memory_space<vmem>>, %arg11: memref<400x256xf32, #tpu.memory_space<vmem>>, %arg12: memref<10000x256xf32, #tpu.memory_space<vmem>>, %arg13: memref<2x256xf32, #tpu.memory_space<vmem>>) attributes {dimension_semantics = [#tpu.dimension_semantics<arbitrary>], iteration_bounds = array<i64: 50>, scalar_prefetch = 0 : i64, scratch_operands = 2 : i64, tpu.core_type = #tpu.core_type<tc>, window_params = [{transform_indices = @transform_0, window_bounds = array<i64: 1, 400, 128>}, {transform_indices = @transform_1, window_bounds = array<i64: 1, 400, 128>}, {transform_indices = @transform_2, window_bounds = array<i64: 400, 256>}, {pipeline_mode = #tpu.pipeline_mode<synchronous>, transform_indices = @transform_3, window_bounds = array<i64: 256, 256>}, {pipeline_mode = #tpu.pipeline_mode<synchronous>, transform_indices = @transform_4, window_bounds = array<i64: 1, 256>}, {pipeline_mode = #tpu.pipeline_mode<synchronous>, transform_indices = @transform_5, window_bounds = array<i64: 1, 256>}, {pipeline_mode = #tpu.pipeline_mode<synchronous>, transform_indices = @transform_6, window_bounds = array<i64: 256, 256>}, {pipeline_mode = #tpu.pipeline_mode<synchronous>, transform_indices = @transform_7, window_bounds = array<i64: 1, 256>}, {transform_indices = @transform_8, window_bounds = array<i64: 400, 128>}, {transform_indices = @transform_9, window_bounds = array<i64: 400, 128>}, {transform_indices = @transform_10, window_bounds = array<i64: 400, 256>}]} {
    %lt3A = arith.constant 25 : i32
    %lt3A_0 = arith.cmpi slt, %arg0, %lt3A : i32
    %convert_element_type3A = arith.extui %lt3A_0 : i1 to i32
    %cond3A = arith.constant 0 : i32
    %cond3A_1 = arith.cmpi ne, %convert_element_type3A, %cond3A : i32
    scf.if %cond3A_1 {
      %get3A = arith.constant 0 : index
      %get3A_6 = arith.constant 0 : index
      %get3A_7 = arith.constant 0 : index
      %get3A_8 = vector.load %arg1[%get3A, %get3A_6, %get3A_7] : memref<1x400x128xf32, #tpu.memory_space<vmem>>, vector<1x400x128xf32>
      %get3A_9 = vector.shape_cast %get3A_8 : vector<1x400x128xf32> to vector<400x128xf32>
      %get3A_10 = arith.constant 0 : index
      %get3A_11 = arith.constant 0 : index
      %get3A_12 = vector.load %arg4[%get3A_10, %get3A_11] : memref<256x256xf32, #tpu.memory_space<vmem>>, vector<128x256xf32>
      %dot_general3A = arith.constant dense<0.000000e+00> : vector<400x256xf32>
      %dot_general3A_13 = tpu.matmul %get3A_9, %get3A_12, %dot_general3A {dimension_numbers = #tpu.dot_dimension_numbers<[1], [0], [0], [1], [0, 0, 1, 1], [], []>, precision = #tpu.contract_precision<fp32>, transpose_lhs_hint = false} : vector<400x128xf32>, vector<128x256xf32>, vector<400x256xf32> -> vector<400x256xf32>
      %get3A_14 = arith.constant 0 : index
      %get3A_15 = arith.constant 0 : index
      %get3A_16 = arith.constant 0 : index
      %get3A_17 = vector.load %arg2[%get3A_14, %get3A_15, %get3A_16] : memref<1x400x128xf32, #tpu.memory_space<vmem>>, vector<1x400x128xf32>
      %get3A_18 = vector.shape_cast %get3A_17 : vector<1x400x128xf32> to vector<400x128xf32>
      %get3A_19 = arith.constant 128 : index
      %get3A_20 = arith.constant 0 : index
      %get3A_21 = vector.load %arg4[%get3A_19, %get3A_20] : memref<256x256xf32, #tpu.memory_space<vmem>>, vector<128x256xf32>
      %dot_general3A_22 = arith.constant dense<0.000000e+00> : vector<400x256xf32>
      %dot_general3A_23 = tpu.matmul %get3A_18, %get3A_21, %dot_general3A_22 {dimension_numbers = #tpu.dot_dimension_numbers<[1], [0], [0], [1], [0, 0, 1, 1], [], []>, precision = #tpu.contract_precision<fp32>, transpose_lhs_hint = false} : vector<400x128xf32>, vector<128x256xf32>, vector<400x256xf32> -> vector<400x256xf32>
      %add3A = arith.addf %dot_general3A_13, %dot_general3A_23 : vector<400x256xf32>
      %get3A_24 = arith.constant 0 : index
      %get3A_25 = arith.constant 0 : index
      %get3A_26 = vector.load %arg3[%get3A_24, %get3A_25] : memref<400x256xf32, #tpu.memory_space<vmem>>, vector<400x256xf32>
      %add3A_27 = arith.addf %add3A, %get3A_26 : vector<400x256xf32>
      %mul3A = arith.constant 400 : i32
      %mul3A_28 = arith.muli %arg0, %mul3A : i32
      %swap3A = arith.index_cast %mul3A_28 : i32 to index
      %swap3A_29 = arith.constant 0 : index
      %swap3A_30 = vector.load %arg12[%swap3A, %swap3A_29] : memref<10000x256xf32, #tpu.memory_space<vmem>>, vector<400x256xf32>
      tpu.vector_store %arg12[%swap3A, %swap3A_29], %add3A_27 {strides = array<i32>} : memref<10000x256xf32, #tpu.memory_space<vmem>>, vector<400x256xf32>,
      %reduce_sum3A = arith.constant dense<0.000000e+00> : vector<256xf32>
      %reduce_sum3A_31 = vector.multi_reduction <add>, %add3A_27, %reduce_sum3A [0] : vector<400x256xf32> to vector<256xf32>
      %broadcast_in_dim3A = vector.shape_cast %reduce_sum3A_31 : vector<256xf32> to vector<1x256xf32>
      %mul3A_32 = arith.mulf %add3A_27, %add3A_27 : vector<400x256xf32>
      %reduce_sum3A_33 = arith.constant dense<0.000000e+00> : vector<256xf32>
      %reduce_sum3A_34 = vector.multi_reduction <add>, %mul3A_32, %reduce_sum3A_33 [0] : vector<400x256xf32> to vector<256xf32>
      %broadcast_in_dim3A_35 = vector.shape_cast %reduce_sum3A_34 : vector<256xf32> to vector<1x256xf32>
      %concatenate3A = tpu.concatenate %broadcast_in_dim3A, %broadcast_in_dim3A_35 in 0 : vector<1x256xf32>, vector<1x256xf32> -> vector<2x256xf32>
      %eq3A = arith.constant 0 : i32
      %eq3A_36 = arith.cmpi eq, %arg0, %eq3A : i32
      %convert_element_type3A_37 = arith.extui %eq3A_36 : i1 to i32
      %cond3A_38 = arith.constant 0 : i32
      %cond3A_39 = arith.cmpi ne, %convert_element_type3A_37, %cond3A_38 : i32
      scf.if %cond3A_39 {
        %swap3A_44 = arith.constant 0 : index
        %swap3A_45 = arith.constant 0 : index
        %swap3A_46 = vector.load %arg13[%swap3A_44, %swap3A_45] : memref<2x256xf32, #tpu.memory_space<vmem>>, vector<2x256xf32>
        tpu.vector_store %arg13[%swap3A_44, %swap3A_45], %concatenate3A {strides = array<i32>} : memref<2x256xf32, #tpu.memory_space<vmem>>, vector<2x256xf32>,
      } else {
      }
      %gt3A = arith.constant 0 : i32
      %gt3A_40 = arith.cmpi sgt, %arg0, %gt3A : i32
      %convert_element_type3A_41 = arith.extui %gt3A_40 : i1 to i32
      %cond3A_42 = arith.constant 0 : i32
      %cond3A_43 = arith.cmpi ne, %convert_element_type3A_41, %cond3A_42 : i32
      scf.if %cond3A_43 {
        %get3A_44 = arith.constant 0 : index
        %get3A_45 = arith.constant 0 : index
        %get3A_46 = vector.load %arg13[%get3A_44, %get3A_45] : memref<2x256xf32, #tpu.memory_space<vmem>>, vector<2x256xf32>
        %add3A_47 = arith.addf %get3A_46, %concatenate3A : vector<2x256xf32>
        %swap3A_48 = arith.constant 0 : index
        %swap3A_49 = arith.constant 0 : index
        %swap3A_50 = vector.load %arg13[%swap3A_48, %swap3A_49] : memref<2x256xf32, #tpu.memory_space<vmem>>, vector<2x256xf32>
        tpu.vector_store %arg13[%swap3A_48, %swap3A_49], %add3A_47 {strides = array<i32>} : memref<2x256xf32, #tpu.memory_space<vmem>>, vector<2x256xf32>,
      } else {
      }
    } else {
    }
    %ge3A = arith.constant 25 : i32
    %ge3A_2 = arith.cmpi sge, %arg0, %ge3A : i32
    %convert_element_type3A_3 = arith.extui %ge3A_2 : i1 to i32
    %cond3A_4 = arith.constant 0 : i32
    %cond3A_5 = arith.cmpi ne, %convert_element_type3A_3, %cond3A_4 : i32
    scf.if %cond3A_5 {
      %sub3A = arith.constant 25 : i32
      %sub3A_6 = arith.subi %arg0, %sub3A : i32
      %mul3A = arith.constant 400 : i32
      %mul3A_7 = arith.muli %sub3A_6, %mul3A : i32
      %get3A = arith.index_cast %mul3A_7 : i32 to index
      %get3A_8 = arith.constant 0 : index
      %get3A_9 = vector.load %arg12[%get3A, %get3A_8] : memref<10000x256xf32, #tpu.memory_space<vmem>>, vector<400x256xf32>
      %get3A_10 = arith.constant 0 : index
      %get3A_11 = arith.constant 0 : index
      %get3A_12 = vector.load %arg13[%get3A_10, %get3A_11] : memref<2x256xf32, #tpu.memory_space<vmem>>, vector<1x256xf32>
      %div3A = arith.constant 1.000000e+04 : f32
      %div3A_13 = vector.broadcast %div3A : f32 to vector<1x256xf32>
      %div3A_14 = arith.divf %get3A_12, %div3A_13 : vector<1x256xf32>
      %get3A_15 = arith.constant 1 : index
      %get3A_16 = arith.constant 0 : index
      %get3A_17 = vector.load %arg13[%get3A_15, %get3A_16] : memref<2x256xf32, #tpu.memory_space<vmem>>, vector<1x256xf32>
      %div3A_18 = arith.constant 1.000000e+04 : f32
      %div3A_19 = vector.broadcast %div3A_18 : f32 to vector<1x256xf32>
      %div3A_20 = arith.divf %get3A_17, %div3A_19 : vector<1x256xf32>
      %mul3A_21 = arith.mulf %div3A_14, %div3A_14 : vector<1x256xf32>
      %sub3A_22 = arith.subf %div3A_20, %mul3A_21 : vector<1x256xf32>
      %get3A_23 = arith.constant 0 : index
      %get3A_24 = arith.constant 0 : index
      %get3A_25 = vector.load %arg5[%get3A_23, %get3A_24] : memref<1x256xf32, #tpu.memory_space<vmem>>, vector<1x256xf32>
      %add3A = arith.constant 9.99999974E-6 : f32
      %add3A_26 = vector.broadcast %add3A : f32 to vector<1x256xf32>
      %add3A_27 = arith.addf %sub3A_22, %add3A_26 : vector<1x256xf32>
      %rsqrt3A = math.rsqrt %add3A_27 : vector<1x256xf32>
      %mul3A_28 = arith.mulf %get3A_25, %rsqrt3A : vector<1x256xf32>
      %sub3A_29 = vector.broadcast %div3A_14 : vector<1x256xf32> to vector<400x256xf32>
      %sub3A_30 = arith.subf %get3A_9, %sub3A_29 : vector<400x256xf32>
      %mul3A_31 = vector.broadcast %mul3A_28 : vector<1x256xf32> to vector<400x256xf32>
      %mul3A_32 = arith.mulf %sub3A_30, %mul3A_31 : vector<400x256xf32>
      %get3A_33 = arith.constant 0 : index
      %get3A_34 = arith.constant 0 : index
      %get3A_35 = vector.load %arg6[%get3A_33, %get3A_34] : memref<1x256xf32, #tpu.memory_space<vmem>>, vector<1x256xf32>
      %add3A_36 = vector.broadcast %get3A_35 : vector<1x256xf32> to vector<400x256xf32>
      %add3A_37 = arith.addf %mul3A_32, %add3A_36 : vector<400x256xf32>
      %max3A = arith.constant 0.000000e+00 : f32
      %max3A_38 = vector.broadcast %max3A : f32 to vector<400x256xf32>
      %max3A_39 = arith.maximumf %add3A_37, %max3A_38 : vector<400x256xf32>
      %slice3A = vector.extract_strided_slice %max3A_39 {offsets = [0, 0], sizes = [400, 128], strides = [1, 1]} : vector<400x256xf32> to vector<400x128xf32>
      %swap3A = arith.constant 0 : index
      %swap3A_40 = arith.constant 0 : index
      %swap3A_41 = vector.load %arg9[%swap3A, %swap3A_40] : memref<400x128xf32, #tpu.memory_space<vmem>>, vector<400x128xf32>
      tpu.vector_store %arg9[%swap3A, %swap3A_40], %slice3A {strides = array<i32>} : memref<400x128xf32, #tpu.memory_space<vmem>>, vector<400x128xf32>,
      %slice3A_42 = vector.extract_strided_slice %max3A_39 {offsets = [0, 128], sizes = [400, 128], strides = [1, 1]} : vector<400x256xf32> to vector<400x128xf32>
      %swap3A_43 = arith.constant 0 : index
      %swap3A_44 = arith.constant 0 : index
      %swap3A_45 = vector.load %arg10[%swap3A_43, %swap3A_44] : memref<400x128xf32, #tpu.memory_space<vmem>>, vector<400x128xf32>
      tpu.vector_store %arg10[%swap3A_43, %swap3A_44], %slice3A_42 {strides = array<i32>} : memref<400x128xf32, #tpu.memory_space<vmem>>, vector<400x128xf32>,
      %get3A_46 = arith.constant 0 : index
      %get3A_47 = arith.constant 0 : index
      %get3A_48 = vector.load %arg7[%get3A_46, %get3A_47] : memref<256x256xf32, #tpu.memory_space<vmem>>, vector<256x256xf32>
      %dot_general3A = arith.constant dense<0.000000e+00> : vector<400x256xf32>
      %dot_general3A_49 = tpu.matmul %max3A_39, %get3A_48, %dot_general3A {dimension_numbers = #tpu.dot_dimension_numbers<[1], [0], [0], [1], [0, 0, 1, 1], [], []>, precision = #tpu.contract_precision<fp32>, transpose_lhs_hint = false} : vector<400x256xf32>, vector<256x256xf32>, vector<400x256xf32> -> vector<400x256xf32>
      %get3A_50 = arith.constant 0 : index
      %get3A_51 = arith.constant 0 : index
      %get3A_52 = vector.load %arg8[%get3A_50, %get3A_51] : memref<1x256xf32, #tpu.memory_space<vmem>>, vector<1x256xf32>
      %add3A_53 = vector.broadcast %get3A_52 : vector<1x256xf32> to vector<400x256xf32>
      %add3A_54 = arith.addf %dot_general3A_49, %add3A_53 : vector<400x256xf32>
      %swap3A_55 = arith.constant 0 : index
      %swap3A_56 = arith.constant 0 : index
      %swap3A_57 = vector.load %arg11[%swap3A_55, %swap3A_56] : memref<400x256xf32, #tpu.memory_space<vmem>>, vector<400x256xf32>
      tpu.vector_store %arg11[%swap3A_55, %swap3A_56], %add3A_54 {strides = array<i32>} : memref<400x256xf32, #tpu.memory_space<vmem>>, vector<400x256xf32>,
    } else {
    }
    return
  }
  func.func @transform_0(%arg0: i32) -> (i32, i32, i32) {
    %lt3A = arith.constant 25 : i32
    %lt3A_0 = arith.cmpi slt, %arg0, %lt3A : i32
    %jit3A = arith.constant 0 : i32
    %select_n3A = arith.select %lt3A_0, %arg0, %jit3A : i32
    %c0_i32 = arith.constant 0 : i32
    %c0_i32_1 = arith.constant 0 : i32
    %c0_i32_2 = arith.constant 0 : i32
    return %c0_i32, %select_n3A, %c0_i32_1 : i32, i32, i32
  }
  func.func @transform_1(%arg0: i32) -> (i32, i32, i32) {
    %lt3A = arith.constant 25 : i32
    %lt3A_0 = arith.cmpi slt, %arg0, %lt3A : i32
    %jit3A = arith.constant 0 : i32
    %select_n3A = arith.select %lt3A_0, %arg0, %jit3A : i32
    %c1_i32 = arith.constant 1 : i32
    %c0_i32 = arith.constant 0 : i32
    %c0_i32_1 = arith.constant 0 : i32
    return %c1_i32, %select_n3A, %c0_i32 : i32, i32, i32
  }
  func.func @transform_2(%arg0: i32) -> (i32, i32) {
    %lt3A = arith.constant 25 : i32
    %lt3A_0 = arith.cmpi slt, %arg0, %lt3A : i32
    %jit3A = arith.constant 0 : i32
    %select_n3A = arith.select %lt3A_0, %arg0, %jit3A : i32
    %c0_i32 = arith.constant 0 : i32
    %c0_i32_1 = arith.constant 0 : i32
    return %select_n3A, %c0_i32 : i32, i32
  }
  func.func @transform_3(%arg0: i32) -> (i32, i32) {
    %c0_i32 = arith.constant 0 : i32
    %c0_i32_0 = arith.constant 0 : i32
    %c0_i32_1 = arith.constant 0 : i32
    return %c0_i32, %c0_i32_0 : i32, i32
  }
  func.func @transform_4(%arg0: i32) -> (i32, i32) {
    %c0_i32 = arith.constant 0 : i32
    %c0_i32_0 = arith.constant 0 : i32
    %c0_i32_1 = arith.constant 0 : i32
    return %c0_i32, %c0_i32_0 : i32, i32
  }
  func.func @transform_5(%arg0: i32) -> (i32, i32) {
    %c0_i32 = arith.constant 0 : i32
    %c0_i32_0 = arith.constant 0 : i32
    %c0_i32_1 = arith.constant 0 : i32
    return %c0_i32, %c0_i32_0 : i32, i32
  }
  func.func @transform_6(%arg0: i32) -> (i32, i32) {
    %c0_i32 = arith.constant 0 : i32
    %c0_i32_0 = arith.constant 0 : i32
    %c0_i32_1 = arith.constant 0 : i32
    return %c0_i32, %c0_i32_0 : i32, i32
  }
  func.func @transform_7(%arg0: i32) -> (i32, i32) {
    %c0_i32 = arith.constant 0 : i32
    %c0_i32_0 = arith.constant 0 : i32
    %c0_i32_1 = arith.constant 0 : i32
    return %c0_i32, %c0_i32_0 : i32, i32
  }
  func.func @transform_8(%arg0: i32) -> (i32, i32) {
    %lt3A = arith.constant 25 : i32
    %lt3A_0 = arith.cmpi slt, %arg0, %lt3A : i32
    %sub3A = arith.constant 25 : i32
    %sub3A_1 = arith.subi %arg0, %sub3A : i32
    %jit3A = arith.constant 0 : i32
    %select_n3A = arith.select %lt3A_0, %jit3A, %sub3A_1 : i32
    %c0_i32 = arith.constant 0 : i32
    %c0_i32_2 = arith.constant 0 : i32
    return %select_n3A, %c0_i32 : i32, i32
  }
  func.func @transform_9(%arg0: i32) -> (i32, i32) {
    %lt3A = arith.constant 25 : i32
    %lt3A_0 = arith.cmpi slt, %arg0, %lt3A : i32
    %sub3A = arith.constant 25 : i32
    %sub3A_1 = arith.subi %arg0, %sub3A : i32
    %jit3A = arith.constant 0 : i32
    %select_n3A = arith.select %lt3A_0, %jit3A, %sub3A_1 : i32
    %c0_i32 = arith.constant 0 : i32
    %c0_i32_2 = arith.constant 0 : i32
    return %select_n3A, %c0_i32 : i32, i32
  }
  func.func @transform_10(%arg0: i32) -> (i32, i32) {
    %lt3A = arith.constant 25 : i32
    %lt3A_0 = arith.cmpi slt, %arg0, %lt3A : i32
    %sub3A = arith.constant 25 : i32
    %sub3A_1 = arith.subi %arg0, %sub3A : i32
    %jit3A = arith.constant 0 : i32
    %select_n3A = arith.select %lt3A_0, %jit3A, %sub3A_1 : i32
    %c0_i32 = arith.constant 0 : i32
    %c0_i32_2 = arith.constant 0 : i32
    return %select_n3A, %c0_i32 : i32, i32
  }
}

module attributes {stable_mosaic.version = 14 : i64} {
  func.func @_final_body(%arg0: i32, %arg1: memref<1x400x128xf32, #tpu.memory_space<vmem>>, %arg2: memref<1x400x128xf32, #tpu.memory_space<vmem>>, %arg3: memref<400x256xf32, #tpu.memory_space<vmem>>, %arg4: memref<256x256xf32, #tpu.memory_space<vmem>>, %arg5: memref<400x1xi32, #tpu.memory_space<vmem>>, %arg6: memref<256x256xf32, #tpu.memory_space<vmem>>, %arg7: memref<1x256xf32, #tpu.memory_space<vmem>>, %arg8: memref<256x2xf32, #tpu.memory_space<vmem>>, %arg9: memref<1x2xf32, #tpu.memory_space<vmem>>, %arg10: memref<128x2xf32, #tpu.memory_space<vmem>>, %arg11: memref<128x256xf32, #tpu.memory_space<vmem>>, %arg12: memref<128x1xf32, #tpu.memory_space<vmem>>) attributes {dimension_semantics = [#tpu.dimension_semantics<arbitrary>], iteration_bounds = array<i64: 25>, scalar_prefetch = 0 : i64, scratch_operands = 2 : i64, tpu.core_type = #tpu.core_type<tc>, window_params = [{transform_indices = @transform_0, window_bounds = array<i64: 1, 400, 128>}, {transform_indices = @transform_1, window_bounds = array<i64: 1, 400, 128>}, {transform_indices = @transform_2, window_bounds = array<i64: 400, 256>}, {pipeline_mode = #tpu.pipeline_mode<synchronous>, transform_indices = @transform_3, window_bounds = array<i64: 256, 256>}, {transform_indices = @transform_4, window_bounds = array<i64: 400, 1>}, {pipeline_mode = #tpu.pipeline_mode<synchronous>, transform_indices = @transform_5, window_bounds = array<i64: 256, 256>}, {pipeline_mode = #tpu.pipeline_mode<synchronous>, transform_indices = @transform_6, window_bounds = array<i64: 1, 256>}, {pipeline_mode = #tpu.pipeline_mode<synchronous>, transform_indices = @transform_7, window_bounds = array<i64: 256, 2>}, {pipeline_mode = #tpu.pipeline_mode<synchronous>, transform_indices = @transform_8, window_bounds = array<i64: 1, 2>}, {pipeline_mode = #tpu.pipeline_mode<synchronous>, transform_indices = @transform_9, window_bounds = array<i64: 128, 2>}]} {
    %get3A = arith.constant 0 : index
    %get3A_0 = arith.constant 0 : index
    %get3A_1 = arith.constant 0 : index
    %get3A_2 = vector.load %arg1[%get3A, %get3A_0, %get3A_1] : memref<1x400x128xf32, #tpu.memory_space<vmem>>, vector<1x400x128xf32>
    %get3A_3 = vector.shape_cast %get3A_2 : vector<1x400x128xf32> to vector<400x128xf32>
    %get3A_4 = arith.constant 0 : index
    %get3A_5 = arith.constant 0 : index
    %get3A_6 = vector.load %arg4[%get3A_4, %get3A_5] : memref<256x256xf32, #tpu.memory_space<vmem>>, vector<128x256xf32>
    %dot_general3A = arith.constant dense<0.000000e+00> : vector<400x256xf32>
    %dot_general3A_7 = tpu.matmul %get3A_3, %get3A_6, %dot_general3A {dimension_numbers = #tpu.dot_dimension_numbers<[1], [0], [0], [1], [0, 0, 1, 1], [], []>, precision = #tpu.contract_precision<fp32>, transpose_lhs_hint = false} : vector<400x128xf32>, vector<128x256xf32>, vector<400x256xf32> -> vector<400x256xf32>
    %get3A_8 = arith.constant 0 : index
    %get3A_9 = arith.constant 0 : index
    %get3A_10 = arith.constant 0 : index
    %get3A_11 = vector.load %arg2[%get3A_8, %get3A_9, %get3A_10] : memref<1x400x128xf32, #tpu.memory_space<vmem>>, vector<1x400x128xf32>
    %get3A_12 = vector.shape_cast %get3A_11 : vector<1x400x128xf32> to vector<400x128xf32>
    %get3A_13 = arith.constant 128 : index
    %get3A_14 = arith.constant 0 : index
    %get3A_15 = vector.load %arg4[%get3A_13, %get3A_14] : memref<256x256xf32, #tpu.memory_space<vmem>>, vector<128x256xf32>
    %dot_general3A_16 = arith.constant dense<0.000000e+00> : vector<400x256xf32>
    %dot_general3A_17 = tpu.matmul %get3A_12, %get3A_15, %dot_general3A_16 {dimension_numbers = #tpu.dot_dimension_numbers<[1], [0], [0], [1], [0, 0, 1, 1], [], []>, precision = #tpu.contract_precision<fp32>, transpose_lhs_hint = false} : vector<400x128xf32>, vector<128x256xf32>, vector<400x256xf32> -> vector<400x256xf32>
    %add3A = arith.addf %dot_general3A_7, %dot_general3A_17 : vector<400x256xf32>
    %get3A_18 = arith.constant 0 : index
    %get3A_19 = arith.constant 0 : index
    %get3A_20 = vector.load %arg3[%get3A_18, %get3A_19] : memref<400x256xf32, #tpu.memory_space<vmem>>, vector<400x256xf32>
    %add3A_21 = arith.addf %add3A, %get3A_20 : vector<400x256xf32>
    %max3A = arith.constant 0.000000e+00 : f32
    %max3A_22 = vector.broadcast %max3A : f32 to vector<400x256xf32>
    %max3A_23 = arith.maximumf %add3A_21, %max3A_22 : vector<400x256xf32>
    %iota3A = tpu.iota {dimensions = array<i32: 1>} : vector<1x128xi32>
    %get3A_24 = arith.constant 0 : index
    %get3A_25 = arith.constant 0 : index
    %get3A_26 = vector.load %arg5[%get3A_24, %get3A_25] : memref<400x1xi32, #tpu.memory_space<vmem>>, vector<400x1xi32>
    %eq3A = vector.broadcast %get3A_26 : vector<400x1xi32> to vector<400x128xi32>
    %eq3A_27 = vector.broadcast %iota3A : vector<1x128xi32> to vector<400x128xi32>
    %eq3A_28 = arith.cmpi eq, %eq3A, %eq3A_27 : vector<400x128xi32>
    %convert_element_type3A = arith.extui %eq3A_28 : vector<400x128xi1> to vector<400x128xi32>
    %convert_element_type3A_29 = arith.sitofp %convert_element_type3A : vector<400x128xi32> to vector<400x128xf32>
    %dot_general3A_30 = arith.constant dense<0.000000e+00> : vector<128x256xf32>
    %dot_general3A_31 = tpu.matmul %convert_element_type3A_29, %max3A_23, %dot_general3A_30 {dimension_numbers = #tpu.dot_dimension_numbers<[0], [0], [1], [1], [0, 1, 1, 1], [], []>, transpose_lhs_hint = false} : vector<400x128xf32>, vector<400x256xf32>, vector<128x256xf32> -> vector<128x256xf32>
    %broadcast_in_dim3A = arith.constant 1.000000e+00 : f32
    %broadcast_in_dim3A_32 = vector.broadcast %broadcast_in_dim3A : f32 to vector<400x1xf32>
    %dot_general3A_33 = arith.constant dense<0.000000e+00> : vector<128x1xf32>
    %dot_general3A_34 = tpu.matmul %convert_element_type3A_29, %broadcast_in_dim3A_32, %dot_general3A_33 {dimension_numbers = #tpu.dot_dimension_numbers<[0], [0], [1], [1], [0, 1, 1, 1], [], []>, transpose_lhs_hint = false} : vector<400x128xf32>, vector<400x1xf32>, vector<128x1xf32> -> vector<128x1xf32>
    %eq3A_35 = arith.constant 0 : i32
    %eq3A_36 = arith.cmpi eq, %arg0, %eq3A_35 : i32
    %convert_element_type3A_37 = arith.extui %eq3A_36 : i1 to i32
    %cond3A = arith.constant 0 : i32
    %cond3A_38 = arith.cmpi ne, %convert_element_type3A_37, %cond3A : i32
    scf.if %cond3A_38 {
      %swap3A = arith.constant 0 : index
      %swap3A_58 = arith.constant 0 : index
      %swap3A_59 = vector.load %arg11[%swap3A, %swap3A_58] : memref<128x256xf32, #tpu.memory_space<vmem>>, vector<128x256xf32>
      tpu.vector_store %arg11[%swap3A, %swap3A_58], %dot_general3A_31 {strides = array<i32>} : memref<128x256xf32, #tpu.memory_space<vmem>>, vector<128x256xf32>,
    } else {
    }
    %gt3A = arith.constant 0 : i32
    %gt3A_39 = arith.cmpi sgt, %arg0, %gt3A : i32
    %convert_element_type3A_40 = arith.extui %gt3A_39 : i1 to i32
    %cond3A_41 = arith.constant 0 : i32
    %cond3A_42 = arith.cmpi ne, %convert_element_type3A_40, %cond3A_41 : i32
    scf.if %cond3A_42 {
      %get3A_58 = arith.constant 0 : index
      %get3A_59 = arith.constant 0 : index
      %get3A_60 = vector.load %arg11[%get3A_58, %get3A_59] : memref<128x256xf32, #tpu.memory_space<vmem>>, vector<128x256xf32>
      %add3A_61 = arith.addf %get3A_60, %dot_general3A_31 : vector<128x256xf32>
      %swap3A = arith.constant 0 : index
      %swap3A_62 = arith.constant 0 : index
      %swap3A_63 = vector.load %arg11[%swap3A, %swap3A_62] : memref<128x256xf32, #tpu.memory_space<vmem>>, vector<128x256xf32>
      tpu.vector_store %arg11[%swap3A, %swap3A_62], %add3A_61 {strides = array<i32>} : memref<128x256xf32, #tpu.memory_space<vmem>>, vector<128x256xf32>,
    } else {
    }
    %eq3A_43 = arith.constant 0 : i32
    %eq3A_44 = arith.cmpi eq, %arg0, %eq3A_43 : i32
    %convert_element_type3A_45 = arith.extui %eq3A_44 : i1 to i32
    %cond3A_46 = arith.constant 0 : i32
    %cond3A_47 = arith.cmpi ne, %convert_element_type3A_45, %cond3A_46 : i32
    scf.if %cond3A_47 {
      %swap3A = arith.constant 0 : index
      %swap3A_58 = arith.constant 0 : index
      %swap3A_59 = vector.load %arg12[%swap3A, %swap3A_58] : memref<128x1xf32, #tpu.memory_space<vmem>>, vector<128x1xf32>
      tpu.vector_store %arg12[%swap3A, %swap3A_58], %dot_general3A_34 {strides = array<i32>} : memref<128x1xf32, #tpu.memory_space<vmem>>, vector<128x1xf32>,
    } else {
    }
    %gt3A_48 = arith.constant 0 : i32
    %gt3A_49 = arith.cmpi sgt, %arg0, %gt3A_48 : i32
    %convert_element_type3A_50 = arith.extui %gt3A_49 : i1 to i32
    %cond3A_51 = arith.constant 0 : i32
    %cond3A_52 = arith.cmpi ne, %convert_element_type3A_50, %cond3A_51 : i32
    scf.if %cond3A_52 {
      %get3A_58 = arith.constant 0 : index
      %get3A_59 = arith.constant 0 : index
      %get3A_60 = vector.load %arg12[%get3A_58, %get3A_59] : memref<128x1xf32, #tpu.memory_space<vmem>>, vector<128x1xf32>
      %add3A_61 = arith.addf %get3A_60, %dot_general3A_34 : vector<128x1xf32>
      %swap3A = arith.constant 0 : index
      %swap3A_62 = arith.constant 0 : index
      %swap3A_63 = vector.load %arg12[%swap3A, %swap3A_62] : memref<128x1xf32, #tpu.memory_space<vmem>>, vector<128x1xf32>
      tpu.vector_store %arg12[%swap3A, %swap3A_62], %add3A_61 {strides = array<i32>} : memref<128x1xf32, #tpu.memory_space<vmem>>, vector<128x1xf32>,
    } else {
    }
    %eq3A_53 = arith.constant 24 : i32
    %eq3A_54 = arith.cmpi eq, %arg0, %eq3A_53 : i32
    %convert_element_type3A_55 = arith.extui %eq3A_54 : i1 to i32
    %cond3A_56 = arith.constant 0 : i32
    %cond3A_57 = arith.cmpi ne, %convert_element_type3A_55, %cond3A_56 : i32
    scf.if %cond3A_57 {
      %get3A_58 = arith.constant 0 : index
      %get3A_59 = arith.constant 0 : index
      %get3A_60 = vector.load %arg11[%get3A_58, %get3A_59] : memref<128x256xf32, #tpu.memory_space<vmem>>, vector<128x256xf32>
      %get3A_61 = arith.constant 0 : index
      %get3A_62 = arith.constant 0 : index
      %get3A_63 = vector.load %arg12[%get3A_61, %get3A_62] : memref<128x1xf32, #tpu.memory_space<vmem>>, vector<128x1xf32>
      %max3A_64 = arith.constant 1.000000e+00 : f32
      %max3A_65 = vector.broadcast %max3A_64 : f32 to vector<128x1xf32>
      %max3A_66 = arith.maximumf %get3A_63, %max3A_65 : vector<128x1xf32>
      %div3A = vector.broadcast %max3A_66 : vector<128x1xf32> to vector<128x256xf32>
      %div3A_67 = arith.divf %get3A_60, %div3A : vector<128x256xf32>
      %get3A_68 = arith.constant 0 : index
      %get3A_69 = arith.constant 0 : index
      %get3A_70 = vector.load %arg6[%get3A_68, %get3A_69] : memref<256x256xf32, #tpu.memory_space<vmem>>, vector<256x256xf32>
      %dot_general3A_71 = arith.constant dense<0.000000e+00> : vector<128x256xf32>
      %dot_general3A_72 = tpu.matmul %div3A_67, %get3A_70, %dot_general3A_71 {dimension_numbers = #tpu.dot_dimension_numbers<[1], [0], [0], [1], [0, 0, 1, 1], [], []>, precision = #tpu.contract_precision<fp32>, transpose_lhs_hint = false} : vector<128x256xf32>, vector<256x256xf32>, vector<128x256xf32> -> vector<128x256xf32>
      %get3A_73 = arith.constant 0 : index
      %get3A_74 = arith.constant 0 : index
      %get3A_75 = vector.load %arg7[%get3A_73, %get3A_74] : memref<1x256xf32, #tpu.memory_space<vmem>>, vector<1x256xf32>
      %add3A_76 = vector.broadcast %get3A_75 : vector<1x256xf32> to vector<128x256xf32>
      %add3A_77 = arith.addf %dot_general3A_72, %add3A_76 : vector<128x256xf32>
      %max3A_78 = arith.constant 0.000000e+00 : f32
      %max3A_79 = vector.broadcast %max3A_78 : f32 to vector<128x256xf32>
      %max3A_80 = arith.maximumf %add3A_77, %max3A_79 : vector<128x256xf32>
      %get3A_81 = arith.constant 0 : index
      %get3A_82 = arith.constant 0 : index
      %get3A_83 = vector.load %arg8[%get3A_81, %get3A_82] : memref<256x2xf32, #tpu.memory_space<vmem>>, vector<256x2xf32>
      %dot_general3A_84 = arith.constant dense<0.000000e+00> : vector<128x2xf32>
      %dot_general3A_85 = tpu.matmul %max3A_80, %get3A_83, %dot_general3A_84 {dimension_numbers = #tpu.dot_dimension_numbers<[1], [0], [0], [1], [0, 0, 1, 1], [], []>, precision = #tpu.contract_precision<fp32>, transpose_lhs_hint = false} : vector<128x256xf32>, vector<256x2xf32>, vector<128x2xf32> -> vector<128x2xf32>
      %get3A_86 = arith.constant 0 : index
      %get3A_87 = arith.constant 0 : index
      %get3A_88 = vector.load %arg9[%get3A_86, %get3A_87] : memref<1x2xf32, #tpu.memory_space<vmem>>, vector<1x2xf32>
      %add3A_89 = vector.broadcast %get3A_88 : vector<1x2xf32> to vector<128x2xf32>
      %add3A_90 = arith.addf %dot_general3A_85, %add3A_89 : vector<128x2xf32>
      %swap3A = arith.constant 0 : index
      %swap3A_91 = arith.constant 0 : index
      %swap3A_92 = vector.load %arg10[%swap3A, %swap3A_91] : memref<128x2xf32, #tpu.memory_space<vmem>>, vector<128x2xf32>
      tpu.vector_store %arg10[%swap3A, %swap3A_91], %add3A_90 {strides = array<i32>} : memref<128x2xf32, #tpu.memory_space<vmem>>, vector<128x2xf32>,
    } else {
    }
    return
  }
  func.func @transform_0(%arg0: i32) -> (i32, i32, i32) {
    %c0_i32 = arith.constant 0 : i32
    %c0_i32_0 = arith.constant 0 : i32
    %c0_i32_1 = arith.constant 0 : i32
    return %c0_i32, %arg0, %c0_i32_0 : i32, i32, i32
  }
  func.func @transform_1(%arg0: i32) -> (i32, i32, i32) {
    %c1_i32 = arith.constant 1 : i32
    %c0_i32 = arith.constant 0 : i32
    %c0_i32_0 = arith.constant 0 : i32
    return %c1_i32, %arg0, %c0_i32 : i32, i32, i32
  }
  func.func @transform_2(%arg0: i32) -> (i32, i32) {
    %c0_i32 = arith.constant 0 : i32
    %c0_i32_0 = arith.constant 0 : i32
    return %arg0, %c0_i32 : i32, i32
  }
  func.func @transform_3(%arg0: i32) -> (i32, i32) {
    %c0_i32 = arith.constant 0 : i32
    %c0_i32_0 = arith.constant 0 : i32
    %c0_i32_1 = arith.constant 0 : i32
    return %c0_i32, %c0_i32_0 : i32, i32
  }
  func.func @transform_4(%arg0: i32) -> (i32, i32) {
    %c0_i32 = arith.constant 0 : i32
    %c0_i32_0 = arith.constant 0 : i32
    return %arg0, %c0_i32 : i32, i32
  }
  func.func @transform_5(%arg0: i32) -> (i32, i32) {
    %c0_i32 = arith.constant 0 : i32
    %c0_i32_0 = arith.constant 0 : i32
    %c0_i32_1 = arith.constant 0 : i32
    return %c0_i32, %c0_i32_0 : i32, i32
  }
  func.func @transform_6(%arg0: i32) -> (i32, i32) {
    %c0_i32 = arith.constant 0 : i32
    %c0_i32_0 = arith.constant 0 : i32
    %c0_i32_1 = arith.constant 0 : i32
    return %c0_i32, %c0_i32_0 : i32, i32
  }
  func.func @transform_7(%arg0: i32) -> (i32, i32) {
    %c0_i32 = arith.constant 0 : i32
    %c0_i32_0 = arith.constant 0 : i32
    %c0_i32_1 = arith.constant 0 : i32
    return %c0_i32, %c0_i32_0 : i32, i32
  }
  func.func @transform_8(%arg0: i32) -> (i32, i32) {
    %c0_i32 = arith.constant 0 : i32
    %c0_i32_0 = arith.constant 0 : i32
    %c0_i32_1 = arith.constant 0 : i32
    return %c0_i32, %c0_i32_0 : i32, i32
  }
  func.func @transform_9(%arg0: i32) -> (i32, i32) {
    %c0_i32 = arith.constant 0 : i32
    %c0_i32_0 = arith.constant 0 : i32
    %c0_i32_1 = arith.constant 0 : i32
    return %c0_i32, %c0_i32_0 : i32, i32
  }
}

</mosaic_0001>

<sc_bundles>
// kernel: kernel.12.cloned.1.call-start
scs
__scs_entry_jumppad:
0x0: {  	(pc) =	sbr.rel $0x88, $3  }
0x1: {  	(tag) =	ssettag $0x0;
	lr =	simm.s32 $0x1  }
0x2: {  	[smem:$0x3F8D] =	sst lr;
	_ =	strace $0xD0000000  }
0x3: {  	_ = 	snop  }
0x4: {  	_ = 	snop  }
0x5: {  	_ = 	snop  }
0x6: {  	_ = 	snop  }
0x7: {  	_ = 	snop  }
__scs_overlays_trampoline_lowered:
0x8: {  	[smem:$0x3F9C] =	sst s0  }
0x9: {  	[smem:$0x3F9D] =	sst s1  }
0xa: {  	[smem:$0x3F9E] =	sst s2  }
0xb: {  	[smem:$0x3F9F] =	sst s3  }
0xc: {  	[smem:$0x3FA0] =	sst s4  }
0xd: {  	[smem:$0x3FA1] =	sst s5  }
0xe: {  	[smem:$0x3FA2] =	sst s6  }
0xf: {  	[smem:$0x3FA3] =	sst s7  }
0x10: {  	[smem:$0x3FA4] =	sst s8  }
0x11: {  	[smem:$0x3FA5] =	sst s9;
	s0 =	simm.s32 @!p0 $0x0  }
0x12: {  	s1 =	sld [smem:$0x3F8B];
	s0 =	simm.s32 @p0 $0x1  }
0x13: {  	[smem:$0x3FA6] =	sst s0;
	s0 =	simm.s32 @!p1 $0x0  }
0x14: {  	s2 =	sld [smem:$0x3F8A];
	s0 =	simm.s32 @p1 $0x1  }
0x15: {  	[smem:$0x3FA7] =	sst s0;
	s0 =	simm.s32 @!p2 $0x0  }
0x16: {  	s3 =	sld [smem:$0x3FDB];
	s0 =	simm.s32 @p2 $0x1  }
0x17: {  	s4 =	simm.s32 $0x1BF5;
	[smem:$0x3FA9] =	sst s0  }
0x18: {  	s0 =	sld [smem:$0x3F8C];
	_ =	swait.ge [sflag:s4], $0x0  }
0x19: {  	s7 =	sld [smem:$0x3F8D]  }
0x1a: {  	s8 =	sadd.s32 $0xFFFFE003, lr  }
0x1b: {  	s9 =	sadd.s32 $0xFFFFFEF7, lr;
	s5 =	simm.s32 $0xFFFFFFFF;
	p2 =	slt.u32 s8, $0xFFFFF086  }
0x1c: {  	p1 =	slt.u32 s9, $0xF7A;
	s5 =	simm.s32 @!p2 $0x0  }
0x1d: {  	s5 =	simm.s32 @p1 $0x1;
	p0 =	seq.s32 s7, s2  }
0x1e: {  	s7 =	smul.u32 @!p0 $0xF7A, s2;
	p2 =	seq.s32 @!p0 s5, $0x0  }
0x1f: {  	s9 =	smul.u32 $0xF7A, s1;
	s8 =	simm.s32 @!p0 $0x1BF5;
	p2 =	por !p2, p0  }
0x20: {  	[sflag:s8] =	ssyncset.s32 @!p0 $0xFFFFF086;
	s6 =	sadd.s32 @!p0 s3, s7;
	s7 =	simm.s32 @!p0 $0x108  }
0x21: {  	s3 =	sadd.s32 s3, s9;
	s6 =	sadd.s32 @!p0 $0x88, s6;
	s7 =	simm.s32 @p2 $0x1082  }
0x22: {  	[simem:s7], [sflag:s8] =	dma.local @!p0 [hbm:s6], $0xF7A  }
0x23: {  	s9 =	sor.u32 $0xD0000000, s2;
	s6 =	simm.s32 $0x108;
	_ =	swait.ge @!p0 [sflag:s8], $0x0  }
0x24: {  	s3 =	sadd.s32 $0x88, s3;
	s6 =	simm.s32 @!p1 $0x1082;
	[sflag:s4] =	ssyncset.s32 $0xFFFFF086  }
0x25: {  	[simem:s6], [sflag:s4] =	dma.local [hbm:s3], $0xF7A  }
0x26: {  	[smem:$0x3F8D] =	sst s1;
	(tag) =	ssettag s2;
	_ =	strace s9  }
0x27: {  	s1 =	sld [smem:$0x3F9D]  }
0x28: {  	s2 =	sld [smem:$0x3F9E]  }
0x29: {  	s4 =	sld [smem:$0x3FA0]  }
0x2a: {  	p0 =	seq.s32 s5, $0x0;
	s5 =	sld [smem:$0x3FA1]  }
0x2b: {  	s6 =	sld [smem:$0x3FA2]  }
0x2c: {  	s7 =	sld [smem:$0x3FA3]  }
0x2d: {  	s3 =	simm.s32 $0x108;
	s8 =	sld [smem:$0x3FA4]  }
0x2e: {  	s3 =	simm.s32 @!p0 $0x1082;
	s9 =	sld [smem:$0x3FA5]  }
0x2f: {  	lr =	sadd.s32 s0, s3;
	s0 =	sld [smem:$0x3F9C]  }
0x30: {  	s3 =	sld [smem:$0x3F9F]  }
0x31: {  	[smem:$0x3FA8] =	sst s10  }
0x32: {  	s10 =	sld [smem:$0x3FA6];
	_ =	sdelay $0x3  }
0x33: {  	p0 =	seq.s32 s10, $0x1;
	s10 =	sld [smem:$0x3FA8];
	_ =	sdelay $0x3  }
0x34: {  	[smem:$0x3FA8] =	sst s10  }
0x35: {  	s10 =	sld [smem:$0x3FA7];
	_ =	sdelay $0x3  }
0x36: {  	p1 =	seq.s32 s10, $0x1;
	s10 =	sld [smem:$0x3FA8];
	_ =	sdelay $0x3  }
0x37: {  	[smem:$0x3FA8] =	sst s10  }
0x38: {  	s10 =	sld [smem:$0x3FA9]  }
0x39: {  	_ = 	snop;
	(pc) =	sbr.ind lr, $3  }
0x3a: {  	_ = 	snop  }
0x3b: {  	_ = 	snop  }
0x3c: {  	p2 =	seq.s32 s10, $0x1;
	s10 =	sld [smem:$0x3FA8]  }
0x3d: {  	_ =	shalt  }
0x3e: {  	_ =	shalt  }
0x3f: {  	_ =	shalt  }
0x40: {  	_ =	shalt  }
0x41: {  	_ =	shalt  }
0x42: {  	_ =	shalt  }
0x43: {  	_ =	shalt  }
0x44: {  	_ =	shalt  }
0x45: {  	_ =	shalt  }
0x46: {  	_ =	shalt  }
0x47: {  	_ =	shalt  }
0x48: {  	_ =	shalt  }
0x49: {  	_ =	shalt  }
0x4a: {  	_ =	shalt  }
0x4b: {  	_ =	shalt  }
0x4c: {  	_ =	shalt  }
0x4d: {  	_ =	shalt  }
0x4e: {  	_ =	shalt  }
0x4f: {  	_ =	shalt  }
0x50: {  	_ =	shalt  }
0x51: {  	_ =	shalt  }
0x52: {  	_ =	shalt  }
0x53: {  	_ =	shalt  }
0x54: {  	_ =	shalt  }
0x55: {  	_ =	shalt  }
0x56: {  	_ =	shalt  }
0x57: {  	_ =	shalt  }
0x58: {  	_ =	shalt  }
0x59: {  	_ =	shalt  }
0x5a: {  	_ =	shalt  }
0x5b: {  	_ =	shalt  }
0x5c: {  	_ =	shalt  }
0x5d: {  	_ =	shalt  }
0x5e: {  	_ =	shalt  }
0x5f: {  	_ =	shalt  }
0x60: {  	_ =	shalt  }
0x61: {  	_ =	shalt  }
0x62: {  	_ =	shalt  }
0x63: {  	_ =	shalt  }
0x64: {  	_ =	shalt  }
0x65: {  	_ =	shalt  }
0x66: {  	_ =	shalt  }
0x67: {  	_ =	shalt  }
0x68: {  	_ =	shalt  }
0x69: {  	_ =	shalt  }
0x6a: {  	_ =	shalt  }
0x6b: {  	_ =	shalt  }
0x6c: {  	_ =	shalt  }
0x6d: {  	_ =	shalt  }
0x6e: {  	_ =	shalt  }
0x6f: {  	_ =	shalt  }
0x70: {  	_ =	shalt  }
0x71: {  	_ =	shalt  }
0x72: {  	_ =	shalt  }
0x73: {  	_ =	shalt  }
0x74: {  	_ =	shalt  }
0x75: {  	_ =	shalt  }
0x76: {  	_ =	shalt  }
0x77: {  	_ =	shalt  }
0x78: {  	_ =	shalt  }
0x79: {  	_ =	shalt  }
0x7a: {  	_ =	shalt  }
0x7b: {  	_ =	shalt  }
0x7c: {  	_ =	shalt  }
0x7d: {  	_ =	shalt  }
0x7e: {  	_ =	shalt  }
0x7f: {  	_ =	shalt  }
0x80: {  	_ =	shalt  }
0x81: {  	_ =	shalt  }
0x82: {  	_ =	shalt  }
0x83: {  	_ =	shalt  }
0x84: {  	_ =	shalt  }
0x85: {  	_ =	shalt  }
0x86: {  	_ =	shalt  }
0x87: {  	_ =	shalt  }
.Lfunc_end0:
.L_simem_size_0:
called_computation.1_lowered:
.L_overlay_start_0:
0x88: {  	s2 =	sld [smem:$0x3FD9]  }
0x89: {  	s3 =	sld [smem:$0x3FFE];
	_ =	sdelay $0x1  }
0x8a: {  	s1 =	srdreg.scid  }
0x8b: {  	s0 =	sand.u32 $0x1, s1  }
0x8c: {  	s16 =	sshll.u32 s0, $0xA;
	s2 =	sadd.s32 s3, s2  }
0x8d: {  	s2 =	sadd.s32 s2, s16  }
0x8e: {  	[smem:$0x3FB4] =	sst s2  }
0x8f: {  	_ = 	snop  }
0x90: {  	(tm) =	ssettm $0x1  }
0x91: {  	s17 =	sld [smem:$0x3FFB];
	_ =	sdelay $0x3  }
0x92: {  	_ =	strace s17  }
0x93: {  	s2 =	sld [smem:$0x3FFC];
	_ =	sdelay $0x3  }
0x94: {  	_ =	strace s2  }
0x95: {  	s2 =	sld [smem:$0x3FFD];
	_ =	sdelay $0x3  }
0x96: {  	_ =	strace s2  }
0x97: {  	_ =	strace $0x8FFFFFFF  }
0x98: {  	s18 =	sld [smem:$0x3FDB];
	_ =	sdelay $0x1  }
0x99: {  	s19 =	simm.s32 $_scs_section_size  }
0x9a: {  	s4 =	simm.s32 $_size__tile_overlayer_lowered;
	s5 =	simm.s32 $_tile_overlayer_lowered  }
0x9b: {  	s22 =	simm.s32 $0x1BFF;
	s21 =	sshll.u32 s5, $0x1;
	s2 =	sadd.s32 s19, s18  }
0x9c: {  	s6 =	simm.s32 $0x0;
	s20 =	sshll.u32 s4, $0x1;
	s4 =	sadd.s32 s21, s2  }
0x9d: {  	[timem:s6], [sflag:s22] =	dma.local [hbm:s4], s20  }
0x9e: {  	_ =	swait.ge [sflag:s22], s20  }
0x9f: {  	s3 =	ssub.s32 $0x0, s20;
	[sflag:s22] =	ssyncset.done $0x0  }
0xa0: {  	[sflag:s22] =	ssyncadd.s32 s3;
	_ =	sdelay $0x1  }
0xa1: {  	s23 =	simm.s32 $0x1B8B  }
0xa2: {  	_ =	swait.ge [sflag:s23], $0x1  }
0xa3: {  	[sflag:s23] =	ssyncset.done $0x0  }
0xa4: {  	s25 =	simm.s32 $0x1B8E;
	s24 =	sld [smem:$0x3FFE];
	[sflag:s23] =	ssyncadd.s32 $0xFFFFFFFF  }
0xa5: {  	s26 =	simm.s32 $execute0_lowered;
	[smem:$0x3FD2] =	sst s25  }
0xa6: {  	s4 =	sshll.u32 s26, $0x1;
	_ =	strace $0x80000049;
	[dreg:$0x1] =	wrdreg $0xFFFFFFFF  }
0xa7: {  	s28 =	simm.s32 $_size_execute0_lowered;
	s2 =	sadd.s32 s2, s4;
	[dreg:$0x0] =	wrdreg $0x0  }
0xa8: {  	s4 =	sshll.u32 s28, $0x1;
	[dreg:$0x2] =	wrdreg s2  }
0xa9: {  	[dreg:$0x3] =	wrdreg s4  }
0xaa: {  	[dreg:$0x4] =	wrdreg $0xC0  }
0xab: {  	_ =	task [dreg:s6], $0x5FFFF  }
0xac: {  	[dreg:$0x1] =	wrdreg $0xFFFFFFFF  }
0xad: {  	[dreg:$0x0] =	wrdreg $0x60  }
0xae: {  	[dreg:$0x2] =	wrdreg s24  }
0xaf: {  	[dreg:$0x3] =	wrdreg $0x0  }
0xb0: {  	[dreg:$0x4] =	wrdreg $0x9  }
0xb1: {  	_ =	task.clear_ibuf [dreg:s6], $0x5FFFF;
	_ =	strace $0x90000049  }
0xb2: {  	s29 =	simm.s32 $0x9;
	_ =	strace $0x8000004B  }
0xb3: {  	_ =	swait.ge [sflag:s29], $0x1  }
0xb4: {  	[sflag:s29] =	ssyncadd.s32 $0xFFFFFFFF  }
0xb5: {  	_ =	strace $0x9000004B  }
0xb6: {  	_ =	sfence  }
0xb7: {  	s30 =	sld [smem:$0x0];
	_ =	sdelay $0x2  }
0xb8: {  	s31 =	sshll.u32 s1, $0xD;
	s1 =	sshrl.u32 s1, $0x2  }
0xb9: {  	s3 =	sand.u32 $0x4000, s31;
	s1 =	sadd.s32 s1, s30  }
0xba: {  	s0 =	sor.u32 s3, s0;
	s1 =	sshll.u32 s1, $0x11  }
0xbb: {  	s0 =	sor.u32 s1, s0  }
0xbc: {  	s0 =	sadd.s32 $0x8F2B, s0  }
0xbd: {  	[sflag:s0] =	ssyncadd.remote.s32 $0x1  }
0xbe: {  	_ =	sfence.sel $0xFFFF  }
0xbf: {  	[dreg:$0x0] =	wrdreg $0xFFFFFFFF;
	(pc) =	sbr.abs _section_cstart, $3  }
0xc0: {  	[dreg:$0x1] =	wrdreg $0xFFFFFFFF  }
0xc1: {  	_ =	task.clear_ibuf [dreg:s6], $0x2FFFF;
	_ =	strace $0x9FFFFFFF  }
0xc2: {  	(tm) =	ssettm $0x7FFFFFFF  }
0xc3: {  	_ =	shalt  }
tec
execute0_lowered:
.L_overlay_start_1:
0x0: {  	(tag) =	ssettag $0x1  }
0x1: {  	s0 =	rddreg [dreg:$0x0]  }
0x2: {  	s1 =	rddreg [dreg:$0x1]  }
0x3: {  	s3 =	simm.s32 $0x0;
	s11 =	stileid.u32;
	s6 =	srdreg.scid  }
0x4: {  	s30 =	simm.s32 $0x14000;
	s28 =	simm.s32 $0x10;
	[smem:$0x7FF] =	sst s3  }
0x5: {  	s2 =	sadd.s32 $0x4C00, s0;
	s7 =	smul.u32 $0x4E20, s11;
	s4 =	sadd.s32 $0x1AE00, s0  }
0x6: {  	s5 =	sadd.s32 $0x42000, s0;
	s6 =	sand.u32 $0x1, s6;
	s8 =	sadd.s32 $0x18600, s0  }
0x7: {  	s29 =	smul.u32 $0x50000, s11;
	s15 =	sshll.u32 s11, $0x6;
	_ =	strace $0x8000004A  }
0x8: {  	[dreg:$0x4] =	wrdreg s8;
	s31 =	sor.u32 $0x1C11, s15;
	s7 =	sshrl.u32 s7, $0x3  }
0x9: {  	s8 =	sshrl.u32 s29, $0x2;
	[dreg:$0xe] =	wrdreg s31;
	s12 =	sadd.s32 s2, s7  }
0xa: {  	s0 =	sadd.s32 $0xB7400, s0;
	s20 =	sadd.s32 s8, s1;
	[dreg:$0x5] =	wrdreg s12  }
0xb: {  	s16 =	smul.u32 $0x14000, s11;
	s23 =	sadd.s32 $0x9C40, s12;
	[dreg:$0xd] =	wrdreg s20  }
0xc: {  	p1 =	seq.s32 s11, $0xF;
	s24 =	sadd.s32 $0xA, s12;
	[dreg:$0x6] =	wrdreg s23  }
0xd: {  	s22 =	ssub.s32 $0x2, s6;
	s25 =	sadd.s32 $0x9C4A, s12;
	[dreg:$0x7] =	wrdreg s24  }
0xe: {  	p0 =	seq.s32 s6, $0x1;
	s26 =	sadd.s32 $0x14, s12;
	[dreg:$0x8] =	wrdreg s25  }
0xf: {  	s15 =	simm.s32 $0xC;
	s10 =	sadd.s32 $0x9C54, s12;
	[dreg:$0x9] =	wrdreg s26  }
0x10: {  	s9 =	sshrl.u32 s22, $0x1;
	s13 =	sadd.s32 $0x1E, s12;
	[dreg:$0xa] =	wrdreg s10  }
0x11: {  	s7 =	ssub.s32 s22, s9;
	s14 =	sadd.s32 $0x9C5E, s12;
	[dreg:$0xb] =	wrdreg s13  }
0x12: {  	s9 =	simm.s32 $0x1;
	s17 =	sadd.s32 $0x9B0, s12;
	[dreg:$0xc] =	wrdreg s14  }
0x13: {  	s18 =	sadd.s32 $0xA5F0, s12;
	s19 =	sadd.s32 $0x9BA, s12;
	[dreg:$0xf] =	wrdreg s17  }
0x14: {  	s29 =	smax.u32 s7, $0x1;
	s10 =	smul.u32 $0x138800, s6;
	[dreg:$0x10] =	wrdreg s18  }
0x15: {  	s7 =	simm.s32 $0xA;
	[dreg:$0x11] =	wrdreg s19;
	s23 =	smul.u32 $0x9C4, s11  }
0x16: {  	s24 =	sadd.s32 $0xA5FA, s12;
	[dreg:$0x15] =	wrdreg s29;
	s17 =	simm.s32 $0x14200  }
0x17: {  	s12 =	simm.s32 $0x14180;
	s11 =	simm.s32 $0x50;
	s13 =	simm.s32 $0x2  }
0x18: {  	s14 =	simm.s32 $0x6;
	s18 =	simm.s32 $0x3;
	s19 =	simm.s32 $0x7  }
0x19: {  	[dreg:$0x13] =	wrdreg s24;
	s24 =	simm.s32 $0x1BC00;
	s21 =	sadd.s32 s16, s10  }
0x1a: {  	s22 =	sshrl.u32 s10, $0x3;
	s26 =	sadd.s32 s23, s2;
	s2 =	simm.s32 $0x14080  }
0x1b: {  	s10 =	simm.s32 $0x5;
	s16 =	simm.s32 $0xD;
	s23 =	simm.s32 $0xE  }
0x1c: {  	s6 =	sshrl.u32 s21, $0x3;
	s8 =	sadd.s32 s0, s22;
	[dreg:$0x3] =	wrdreg s26  }
.Ltmp0:
0x1d: {  	s21 =	simm.s32 $0x4;
	s22 =	simm.s32 $0x8;
	(pc) =	sbr.rel .LBB2_1-.Ltmp0, $4  }
0x1e: {  	s26 =	simm.s32 $0xF;
	s0 =	sadd.s32 s0, s6;
	s25 =	sadd.s32 $0x25800, s8  }
0x1f: {  	s6 =	simm.s32 $0x14100;
	[dreg:$0x12] =	wrdreg s0;
	s0 =	sadd.s32 $0x12C000, s1  }
0x20: {  	s8 =	simm.s32 $0xB;
	[dreg:$0x14] =	wrdreg s25;
	s0 =	sshrl.u32 @p1 s0, $0x3  }
0x21: {  	s25 =	simm.s32 $0x9;
	[dreg:$0x16] =	wrdreg s0;
	s0 =	simm.s32 $0x0  }
.LBB2_7:
0x22: {  	[spmem:s1] =	stream.indirect.scatter.add.f32 [tilespmem:s24], [sflag:$0x10], $0x80, s30, s11, $0xb8;
	[tilespmem:$0x1E400] =	vst v63  }
0x23: {  	s29 =	smov.u32 s5;
	s0 =	rddreg [dreg:$0x17]  }
.LBB2_8:
0x24: {  	_ =	swait.ge [sflag:s16], $0x2800  }
0x25: {  	[sflag:s16] =	ssyncset.done $0x0  }
0x26: {  	s20 =	simm.s32 $0x14000;
	s30 =	rddreg [dreg:$0xf];
	[sflag:s16] =	ssyncadd.s32 $0xFFFFD800  }
0x27: {  	[tilespmem:s20], [sflag:$0x1] =	stream.linear.gather [hbm4b:s30+s3], $0x50, $0x38;
	[tilespmem:$0x1E400] =	vst v63  }
0x28: {  	s2 =	simm.s32 $0x14200;
	s30 =	rddreg [dreg:$0x10]  }
0x29: {  	[tilespmem:s2], [sflag:$0x5] =	stream.linear.gather [hbm4b:s30+s3], $0x50, $0x38;
	[tilespmem:$0x1E400] =	vst v63  }
0x2a: {  	_ =	swait.ge [sflag:s23], $0x2800  }
0x2b: {  	[sflag:s23] =	ssyncset.done $0x0  }
0x2c: {  	s2 =	simm.s32 $0x14080;
	s30 =	rddreg [dreg:$0x11];
	[sflag:s23] =	ssyncadd.s32 $0xFFFFD800  }
0x2d: {  	[tilespmem:s2], [sflag:$0x2] =	stream.linear.gather [hbm4b:s30+s3], $0x50, $0x38;
	[tilespmem:$0x1E400] =	vst v63  }
0x2e: {  	s31 =	simm.s32 $0x14280;
	s30 =	rddreg [dreg:$0x13]  }
0x2f: {  	[tilespmem:s31], [sflag:$0x6] =	stream.linear.gather [hbm4b:s30+s3], $0x50, $0x38;
	[tilespmem:$0x1E400] =	vst v63  }
0x30: {  	_ =	swait.ge [sflag:s9], $0x50  }
0x31: {  	[sflag:s9] =	ssyncset.done $0x0  }
0x32: {  	[sflag:s9] =	ssyncadd.s32 $0xFFFFFFB0  }
0x33: {  	_ =	swait.ge [sflag:s10], $0x50  }
0x34: {  	[sflag:s10] =	ssyncset.done $0x0  }
0x35: {  	[sflag:s10] =	ssyncadd.s32 $0xFFFFFFB0  }
0x36: {  	[tilespmem:s17], [sflag:$0x9] =	stream.indirect.gather [hbm4b:s29+s11], $0x80, s20, s11, $0xb8;
	[tilespmem:$0x1E400] =	vst v63  }
0x37: {  	_ =	swait.ge [sflag:s13], $0x50  }
0x38: {  	[sflag:s13] =	ssyncset.done $0x0  }
0x39: {  	[sflag:s13] =	ssyncadd.s32 $0xFFFFFFB0  }
0x3a: {  	_ =	swait.ge [sflag:s14], $0x50  }
0x3b: {  	[sflag:s14] =	ssyncset.done $0x0  }
0x3c: {  	s20 =	simm.s32 $0x16C00;
	[sflag:s14] =	ssyncadd.s32 $0xFFFFFFB0  }
0x3d: {  	[tilespmem:s20], [sflag:$0xA] =	stream.indirect.gather [hbm4b:s29+s11], $0x80, s2, s11, $0xb8;
	[tilespmem:$0x1E400] =	vst v63  }
0x3e: {  	_ =	swait.ge [sflag:s25], $0x2800  }
0x3f: {  	[sflag:s25] =	ssyncset.done $0x0  }
0x40: {  	s30 =	simm.s32 $0x14200;
	[sflag:s25] =	ssyncadd.s32 $0xFFFFD800  }
0x41: {  	[spmem:s1] =	stream.indirect.scatter.add.f32 [tilespmem:s17], [sflag:$0xD], $0x80, s30, s11, $0xb8;
	[tilespmem:$0x1E400] =	vst v63  }
0x42: {  	_ =	swait.ge [sflag:s7], $0x2800  }
0x43: {  	[sflag:s7] =	ssyncset.done $0x0  }
0x44: {  	[sflag:s7] =	ssyncadd.s32 $0xFFFFD800  }
0x45: {  	[spmem:s1] =	stream.indirect.scatter.add.f32 [tilespmem:s20], [sflag:$0xE], $0x80, s31, s11, $0xb8;
	[tilespmem:$0x1E400] =	vst v63  }
0x46: {  	_ =	swait.ge [sflag:s16], $0x2800  }
0x47: {  	[sflag:s16] =	ssyncset.done $0x0  }
0x48: {  	[sflag:s16] =	ssyncadd.s32 $0xFFFFD800  }
0x49: {  	_ =	swait.ge [sflag:s23], $0x2800  }
0x4a: {  	[sflag:s23] =	ssyncset.done $0x0  }
0x4b: {  	[sflag:s23] =	ssyncadd.s32 $0xFFFFD800  }
0x4c: {  	_ =	swait.ge [sflag:s26], $0x2800  }
0x4d: {  	[sflag:s26] =	ssyncset.done $0x0  }
0x4e: {  	[sflag:s26] =	ssyncadd.s32 $0xFFFFD800  }
0x4f: {  	_ =	swait.ge [sflag:s28], $0x2800  }
0x50: {  	[sflag:s28] =	ssyncset.done $0x0  }
0x51: {  	[sflag:s28] =	ssyncadd.s32 $0xFFFFD800  }
0x52: {  	[bflag:$0x0] =	sbarrier.arrive $0xFFFF  }
0x53: {  	s31 =	rddreg [dreg:$0xe]  }
0x54: {  	s29 =	rddreg [dreg:$0x14]  }
0x55: {  	s30 =	rddreg [dreg:$0x16]  }
0x56: {  	[hbm:s29], [sflag:s31] =	dma.local @p1 [spmem:s30], $0x1900  }
0x57: {  	s29 =	simm.s32 @p1 $0x11  }
0x58: {  	_ =	swait.ge @p1 [sflag:s29], $0x1900  }
0x59: {  	[sflag:s29] =	ssyncset.done @p1 $0x0;
	s20 =	rddreg [dreg:$0xd]  }
0x5a: {  	s30 =	rddreg [dreg:$0x12];
	[sflag:s29] =	ssyncadd.s32 @p1 $0xFFFFE700;
	s29 =	sshrl.u32 @!p1 s20, $0x3  }
0x5b: {  	[hbm:s30], [sflag:s31] =	dma.local @!p1 [spmem:s29], $0x2800  }
0x5c: {  	s29 =	simm.s32 @!p1 $0x11  }
0x5d: {  	_ =	swait.ge @!p1 [sflag:s29], $0x2800  }
0x5e: {  	s0 =	sadd.s32 $0x1, s0;
	s30 =	rddreg [dreg:$0x15]  }
0x5f: {  	p2 =	sne.s32 s0, s30  }
.Ltmp1:
0x60: {  	_ = 	snop;
	(pc) =	sbr.rel @!p2 .LBB2_9-.Ltmp1, $3  }
0x61: {  	_ =	sdelay $0x1  }
0x62: {  	[sflag:s29] =	ssyncset.done @!p1 $0x0  }
0x63: {  	s17 =	simm.s32 $0x14200;
	s30 =	simm.s32 $0x14000;
	[sflag:s29] =	ssyncadd.s32 @!p1 $0xFFFFD800  }
.LBB2_1:
0x64: {  	[dreg:$0x17] =	wrdreg s0  }
0x65: {  	s29 =	rddreg [dreg:$0x5]  }
0x66: {  	[tilespmem:s30], [sflag:$0x1] =	stream.linear.gather [hbm4b:s29+s3], $0x50, $0x38;
	[tilespmem:$0x1E400] =	vst v63  }
0x67: {  	s30 =	rddreg [dreg:$0x6]  }
0x68: {  	[tilespmem:s17], [sflag:$0x5] =	stream.linear.gather [hbm4b:s30+s3], $0x50, $0x38;
	[tilespmem:$0x1E400] =	vst v63  }
0x69: {  	s0 =	rddreg [dreg:$0x7]  }
0x6a: {  	[tilespmem:s2], [sflag:$0x2] =	stream.linear.gather [hbm4b:s0+s3], $0x50, $0x38;
	[tilespmem:$0x1E400] =	vst v63  }
0x6b: {  	s17 =	rddreg [dreg:$0x8];
	s30 =	simm.s32 $0x14280  }
0x6c: {  	[tilespmem:s30], [sflag:$0x6] =	stream.linear.gather [hbm4b:s17+s3], $0x50, $0x38;
	[tilespmem:$0x1E400] =	vst v63  }
0x6d: {  	s0 =	rddreg [dreg:$0x9]  }
0x6e: {  	[tilespmem:s6], [sflag:$0x3] =	stream.linear.gather [hbm4b:s0+s3], $0x50, $0x38;
	[tilespmem:$0x1E400] =	vst v63  }
0x6f: {  	s17 =	rddreg [dreg:$0xa];
	s0 =	simm.s32 $0x14300  }
0x70: {  	[tilespmem:s0], [sflag:$0x7] =	stream.linear.gather [hbm4b:s17+s3], $0x50, $0x38;
	[tilespmem:$0x1E400] =	vst v63  }
0x71: {  	s30 =	rddreg [dreg:$0xb]  }
0x72: {  	[tilespmem:s12], [sflag:$0x4] =	stream.linear.gather [hbm4b:s30+s3], $0x50, $0x38;
	[tilespmem:$0x1E400] =	vst v63  }
0x73: {  	s17 =	rddreg [dreg:$0xc];
	s30 =	simm.s32 $0x14380  }
0x74: {  	[tilespmem:s30], [sflag:$0x8] =	stream.linear.gather [hbm4b:s17+s3], $0x50, $0x38;
	[tilespmem:$0x1E400] =	vst v63  }
0x75: {  	s29 =	sshrl.u32 s20, $0x3;
	s17 =	rddreg [dreg:$0x4]  }
0x76: {  	[spmem:s29], [sflag:s31] =	dma.local [hbm:s17], $0x2800  }
0x77: {  	s31 =	simm.s32 $0x11  }
0x78: {  	_ =	swait.ge [sflag:s31], $0x2800  }
0x79: {  	[sflag:s31] =	ssyncset.done $0x0  }
0x7a: {  	[sflag:s31] =	ssyncadd.s32 $0xFFFFD800  }
0x7b: {  	[bflag:$0x0] =	sbarrier.arrive $0xFFFF  }
0x7c: {  	_ =	swait.ge [sflag:s9], $0x50  }
.Ltmp2:
0x7d: {  	[sflag:s9] =	ssyncset.done $0x0;
	(pc) =	sbr.rel @!p0 .LBB2_2-.Ltmp2, $4  }
0x7e: {  	[sflag:s9] =	ssyncadd.s32 $0xFFFFFFB0  }
0x7f: {  	_ =	swait.ge [sflag:s10], $0x50  }
0x80: {  	[sflag:s10] =	ssyncset.done $0x0  }
0x81: {  	s20 =	simm.s32 $0x14000;
	[sflag:s10] =	ssyncadd.s32 $0xFFFFFFB0  }
0x82: {  	s0 =	simm.s32 $0x14400  }
0x83: {  	[tilespmem:s0], [sflag:$0x9] =	stream.indirect.gather [hbm4b:s5+s11], $0x80, s20, s11, $0xb8;
	[tilespmem:$0x1E400] =	vst v63  }
0x84: {  	_ =	swait.ge [sflag:s13], $0x50  }
0x85: {  	[sflag:s13] =	ssyncset.done $0x0  }
0x86: {  	[sflag:s13] =	ssyncadd.s32 $0xFFFFFFB0  }
0x87: {  	_ =	swait.ge [sflag:s14], $0x50  }
0x88: {  	[sflag:s14] =	ssyncset.done $0x0  }
0x89: {  	s20 =	simm.s32 $0x16C00;
	[sflag:s14] =	ssyncadd.s32 $0xFFFFFFB0  }
0x8a: {  	[tilespmem:s20], [sflag:$0xA] =	stream.indirect.gather [hbm4b:s5+s11], $0x80, s2, s11, $0xb8;
	[tilespmem:$0x1E400] =	vst v63  }
0x8b: {  	_ =	swait.ge [sflag:s18], $0x50  }
0x8c: {  	[sflag:s18] =	ssyncset.done $0x0  }
0x8d: {  	[sflag:s18] =	ssyncadd.s32 $0xFFFFFFB0  }
0x8e: {  	_ =	swait.ge [sflag:s19], $0x50  }
0x8f: {  	[sflag:s19] =	ssyncset.done $0x0  }
0x90: {  	s29 =	simm.s32 $0x19400;
	[sflag:s19] =	ssyncadd.s32 $0xFFFFFFB0  }
0x91: {  	[tilespmem:s29], [sflag:$0xB] =	stream.indirect.gather [hbm4b:s5+s11], $0x80, s6, s11, $0xb8;
	[tilespmem:$0x1E400] =	vst v63  }
0x92: {  	_ =	swait.ge [sflag:s21], $0x50  }
0x93: {  	[sflag:s21] =	ssyncset.done $0x0  }
0x94: {  	[sflag:s21] =	ssyncadd.s32 $0xFFFFFFB0  }
0x95: {  	_ =	swait.ge [sflag:s22], $0x50  }
0x96: {  	[sflag:s22] =	ssyncset.done $0x0  }
0x97: {  	[sflag:s22] =	ssyncadd.s32 $0xFFFFFFB0  }
0x98: {  	[tilespmem:s24], [sflag:$0xC] =	stream.indirect.gather [hbm4b:s5+s11], $0x80, s12, s11, $0xb8;
	[tilespmem:$0x1E400] =	vst v63  }
0x99: {  	_ =	swait.ge [sflag:s25], $0x2800  }
0x9a: {  	[sflag:s25] =	ssyncset.done $0x0  }
0x9b: {  	s17 =	simm.s32 $0x14400;
	s30 =	simm.s32 $0x14200;
	[sflag:s25] =	ssyncadd.s32 $0xFFFFD800  }
0x9c: {  	[spmem:s1] =	stream.indirect.scatter.add.f32 [tilespmem:s17], [sflag:$0xD], $0x80, s30, s11, $0xb8;
	[tilespmem:$0x1E400] =	vst v63  }
0x9d: {  	_ =	swait.ge [sflag:s7], $0x2800  }
0x9e: {  	[sflag:s7] =	ssyncset.done $0x0  }
0x9f: {  	s31 =	simm.s32 $0x16C00;
	s30 =	simm.s32 $0x14280;
	[sflag:s7] =	ssyncadd.s32 $0xFFFFD800  }
0xa0: {  	[spmem:s1] =	stream.indirect.scatter.add.f32 [tilespmem:s31], [sflag:$0xE], $0x80, s30, s11, $0xb8;
	[tilespmem:$0x1E400] =	vst v63  }
0xa1: {  	_ =	swait.ge [sflag:s8], $0x2800  }
0xa2: {  	[sflag:s8] =	ssyncset.done $0x0  }
0xa3: {  	s0 =	simm.s32 $0x14300;
	[sflag:s8] =	ssyncadd.s32 $0xFFFFD800  }
0xa4: {  	[spmem:s1] =	stream.indirect.scatter.add.f32 [tilespmem:s29], [sflag:$0xF], $0x80, s0, s11, $0xb8;
	[tilespmem:$0x1E400] =	vst v63  }
0xa5: {  	_ =	swait.ge [sflag:s15], $0x2800  }
0xa6: {  	[sflag:s15] =	ssyncset.done $0x0  }
0xa7: {  	s0 =	simm.s32 $0x14380;
	[sflag:s15] =	ssyncadd.s32 $0xFFFFD800  }
0xa8: {  	[spmem:s1] =	stream.indirect.scatter.add.f32 [tilespmem:s24], [sflag:$0x10], $0x80, s0, s11, $0xb8;
	[tilespmem:$0x1E400] =	vst v63  }
0xa9: {  	_ =	swait.ge [sflag:s16], $0x2800  }
0xaa: {  	s31 =	rddreg [dreg:$0x3]  }
0xab: {  	[sflag:s16] =	ssyncset.done $0x0;
	s29 =	sadd.s32 $0x0, s31  }
0xac: {  	s17 =	simm.s32 $0x14000;
	[sflag:s16] =	ssyncadd.s32 $0xFFFFD800;
	s30 =	sadd.s32 $0x28, s29  }
0xad: {  	[tilespmem:s17], [sflag:$0x1] =	stream.linear.gather [hbm4b:s30+s3], $0x50, $0x38;
	[tilespmem:$0x1E400] =	vst v63  }
0xae: {  	s20 =	simm.s32 $0x14200;
	s30 =	sadd.s32 $0x9C68, s29  }
0xaf: {  	[tilespmem:s20], [sflag:$0x5] =	stream.linear.gather [hbm4b:s30+s3], $0x50, $0x38;
	[tilespmem:$0x1E400] =	vst v63  }
0xb0: {  	_ =	swait.ge [sflag:s23], $0x2800  }
0xb1: {  	[sflag:s23] =	ssyncset.done $0x0  }
0xb2: {  	s30 =	sadd.s32 $0x32, s29;
	[sflag:s23] =	ssyncadd.s32 $0xFFFFD800  }
0xb3: {  	[tilespmem:s2], [sflag:$0x2] =	stream.linear.gather [hbm4b:s30+s3], $0x50, $0x38;
	[tilespmem:$0x1E400] =	vst v63  }
0xb4: {  	s20 =	simm.s32 $0x14280;
	s30 =	sadd.s32 $0x9C72, s29  }
0xb5: {  	[tilespmem:s20], [sflag:$0x6] =	stream.linear.gather [hbm4b:s30+s3], $0x50, $0x38;
	[tilespmem:$0x1E400] =	vst v63  }
0xb6: {  	_ =	swait.ge [sflag:s26], $0x2800  }
0xb7: {  	[sflag:s26] =	ssyncset.done $0x0  }
0xb8: {  	s30 =	sadd.s32 $0x3C, s29;
	[sflag:s26] =	ssyncadd.s32 $0xFFFFD800  }
0xb9: {  	[tilespmem:s6], [sflag:$0x3] =	stream.linear.gather [hbm4b:s30+s3], $0x50, $0x38;
	[tilespmem:$0x1E400] =	vst v63  }
0xba: {  	s20 =	simm.s32 $0x14300;
	s30 =	sadd.s32 $0x9C7C, s29  }
0xbb: {  	[tilespmem:s20], [sflag:$0x7] =	stream.linear.gather [hbm4b:s30+s3], $0x50, $0x38;
	[tilespmem:$0x1E400] =	vst v63  }
0xbc: {  	_ =	swait.ge [sflag:s28], $0x2800  }
0xbd: {  	[sflag:s28] =	ssyncset.done $0x0  }
0xbe: {  	s30 =	sadd.s32 $0x46, s29;
	[sflag:s28] =	ssyncadd.s32 $0xFFFFD800  }
0xbf: {  	[tilespmem:s12], [sflag:$0x4] =	stream.linear.gather [hbm4b:s30+s3], $0x50, $0x38;
	[tilespmem:$0x1E400] =	vst v63  }
0xc0: {  	s29 =	sadd.s32 $0x9C86, s29  }
0xc1: {  	[tilespmem:s0], [sflag:$0x8] =	stream.linear.gather [hbm4b:s29+s3], $0x50, $0x38;
	[tilespmem:$0x1E400] =	vst v63  }
0xc2: {  	_ =	swait.ge [sflag:s9], $0x50  }
0xc3: {  	[sflag:s9] =	ssyncset.done $0x0  }
0xc4: {  	[sflag:s9] =	ssyncadd.s32 $0xFFFFFFB0  }
0xc5: {  	_ =	swait.ge [sflag:s10], $0x50  }
0xc6: {  	[sflag:s10] =	ssyncset.done $0x0  }
0xc7: {  	s20 =	simm.s32 $0x14000;
	s0 =	simm.s32 $0x14400;
	[sflag:s10] =	ssyncadd.s32 $0xFFFFFFB0  }
0xc8: {  	[tilespmem:s0], [sflag:$0x9] =	stream.indirect.gather [hbm4b:s5+s11], $0x80, s20, s11, $0xb8;
	[tilespmem:$0x1E400] =	vst v63  }
0xc9: {  	_ =	swait.ge [sflag:s13], $0x50  }
0xca: {  	[sflag:s13] =	ssyncset.done $0x0  }
0xcb: {  	[sflag:s13] =	ssyncadd.s32 $0xFFFFFFB0  }
0xcc: {  	_ =	swait.ge [sflag:s14], $0x50  }
0xcd: {  	[sflag:s14] =	ssyncset.done $0x0  }
0xce: {  	s20 =	simm.s32 $0x16C00;
	[sflag:s14] =	ssyncadd.s32 $0xFFFFFFB0  }
0xcf: {  	[tilespmem:s20], [sflag:$0xA] =	stream.indirect.gather [hbm4b:s5+s11], $0x80, s2, s11, $0xb8;
	[tilespmem:$0x1E400] =	vst v63  }
0xd0: {  	_ =	swait.ge [sflag:s18], $0x50  }
0xd1: {  	[sflag:s18] =	ssyncset.done $0x0  }
0xd2: {  	[sflag:s18] =	ssyncadd.s32 $0xFFFFFFB0  }
0xd3: {  	_ =	swait.ge [sflag:s19], $0x50  }
0xd4: {  	[sflag:s19] =	ssyncset.done $0x0  }
0xd5: {  	s20 =	simm.s32 $0x19400;
	[sflag:s19] =	ssyncadd.s32 $0xFFFFFFB0  }
0xd6: {  	[tilespmem:s20], [sflag:$0xB] =	stream.indirect.gather [hbm4b:s5+s11], $0x80, s6, s11, $0xb8;
	[tilespmem:$0x1E400] =	vst v63  }
0xd7: {  	_ =	swait.ge [sflag:s21], $0x50  }
0xd8: {  	[sflag:s21] =	ssyncset.done $0x0  }
0xd9: {  	[sflag:s21] =	ssyncadd.s32 $0xFFFFFFB0  }
0xda: {  	_ =	swait.ge [sflag:s22], $0x50  }
0xdb: {  	[sflag:s22] =	ssyncset.done $0x0  }
0xdc: {  	[sflag:s22] =	ssyncadd.s32 $0xFFFFFFB0  }
0xdd: {  	[tilespmem:s24], [sflag:$0xC] =	stream.indirect.gather [hbm4b:s5+s11], $0x80, s12, s11, $0xb8;
	[tilespmem:$0x1E400] =	vst v63  }
0xde: {  	_ =	swait.ge [sflag:s25], $0x2800  }
0xdf: {  	[sflag:s25] =	ssyncset.done $0x0  }
0xe0: {  	s12 =	simm.s32 $0x14200;
	[sflag:s25] =	ssyncadd.s32 $0xFFFFD800  }
0xe1: {  	[spmem:s1] =	stream.indirect.scatter.add.f32 [tilespmem:s0], [sflag:$0xD], $0x80, s12, s11, $0xb8;
	[tilespmem:$0x1E400] =	vst v63  }
0xe2: {  	_ =	swait.ge [sflag:s7], $0x2800  }
0xe3: {  	[sflag:s7] =	ssyncset.done $0x0  }
0xe4: {  	s17 =	simm.s32 $0x14280;
	s2 =	simm.s32 $0x16C00;
	[sflag:s7] =	ssyncadd.s32 $0xFFFFD800  }
0xe5: {  	[spmem:s1] =	stream.indirect.scatter.add.f32 [tilespmem:s2], [sflag:$0xE], $0x80, s17, s11, $0xb8;
	[tilespmem:$0x1E400] =	vst v63  }
0xe6: {  	_ =	swait.ge [sflag:s8], $0x2800  }
0xe7: {  	[sflag:s8] =	ssyncset.done $0x0  }
0xe8: {  	s17 =	simm.s32 $0x14300;
	[sflag:s8] =	ssyncadd.s32 $0xFFFFD800  }
0xe9: {  	[spmem:s1] =	stream.indirect.scatter.add.f32 [tilespmem:s20], [sflag:$0xF], $0x80, s17, s11, $0xb8;
	[tilespmem:$0x1E400] =	vst v63  }
0xea: {  	_ =	swait.ge [sflag:s15], $0x2800  }
0xeb: {  	[sflag:s15] =	ssyncset.done $0x0  }
0xec: {  	s30 =	simm.s32 $0x14380;
	s29 =	simm.s32 $0x28;
	[sflag:s15] =	ssyncadd.s32 $0xFFFFD800  }
.LBB2_6:
0xed: {  	[spmem:s1] =	stream.indirect.scatter.add.f32 [tilespmem:s24], [sflag:$0x10], $0x80, s30, s11, $0xb8;
	[tilespmem:$0x1E400] =	vst v63  }
0xee: {  	s30 =	smov.u32 s29;
	_ =	swait.ge [sflag:s16], $0x2800  }
0xef: {  	s30 =	sadd.s32 s30, s31;
	[sflag:s16] =	ssyncset.done $0x0  }
0xf0: {  	s0 =	simm.s32 $0x14000;
	s31 =	sadd.s32 $0x28, s30;
	[sflag:s16] =	ssyncadd.s32 $0xFFFFD800  }
0xf1: {  	[tilespmem:s0], [sflag:$0x1] =	stream.linear.gather [hbm4b:s31+s3], $0x50, $0x38;
	[tilespmem:$0x1E400] =	vst v63  }
0xf2: {  	s2 =	simm.s32 $0x14200;
	s31 =	sadd.s32 $0x9C68, s30  }
0xf3: {  	[tilespmem:s2], [sflag:$0x5] =	stream.linear.gather [hbm4b:s31+s3], $0x50, $0x38;
	[tilespmem:$0x1E400] =	vst v63  }
0xf4: {  	_ =	swait.ge [sflag:s23], $0x2800  }
0xf5: {  	[sflag:s23] =	ssyncset.done $0x0  }
0xf6: {  	s2 =	simm.s32 $0x14080;
	s31 =	sadd.s32 $0x32, s30;
	[sflag:s23] =	ssyncadd.s32 $0xFFFFD800  }
0xf7: {  	[tilespmem:s2], [sflag:$0x2] =	stream.linear.gather [hbm4b:s31+s3], $0x50, $0x38;
	[tilespmem:$0x1E400] =	vst v63  }
0xf8: {  	s6 =	simm.s32 $0x14280;
	s31 =	sadd.s32 $0x9C72, s30  }
0xf9: {  	[tilespmem:s6], [sflag:$0x6] =	stream.linear.gather [hbm4b:s31+s3], $0x50, $0x38;
	[tilespmem:$0x1E400] =	vst v63  }
0xfa: {  	_ =	swait.ge [sflag:s26], $0x2800  }
0xfb: {  	[sflag:s26] =	ssyncset.done $0x0  }
0xfc: {  	s6 =	simm.s32 $0x14100;
	s31 =	sadd.s32 $0x3C, s30;
	[sflag:s26] =	ssyncadd.s32 $0xFFFFD800  }
0xfd: {  	[tilespmem:s6], [sflag:$0x3] =	stream.linear.gather [hbm4b:s31+s3], $0x50, $0x38;
	[tilespmem:$0x1E400] =	vst v63  }
0xfe: {  	s12 =	simm.s32 $0x14300;
	s31 =	sadd.s32 $0x9C7C, s30  }
0xff: {  	[tilespmem:s12], [sflag:$0x7] =	stream.linear.gather [hbm4b:s31+s3], $0x50, $0x38;
	[tilespmem:$0x1E400] =	vst v63  }
0x100: {  	_ =	swait.ge [sflag:s28], $0x2800  }
0x101: {  	[sflag:s28] =	ssyncset.done $0x0  }
0x102: {  	s12 =	simm.s32 $0x14180;
	s31 =	sadd.s32 $0x46, s30;
	[sflag:s28] =	ssyncadd.s32 $0xFFFFD800  }
0x103: {  	[tilespmem:s12], [sflag:$0x4] =	stream.linear.gather [hbm4b:s31+s3], $0x50, $0x38;
	[tilespmem:$0x1E400] =	vst v63  }
0x104: {  	s17 =	simm.s32 $0x14380;
	s30 =	sadd.s32 $0x9C86, s30  }
0x105: {  	[tilespmem:s17], [sflag:$0x8] =	stream.linear.gather [hbm4b:s30+s3], $0x50, $0x38;
	[tilespmem:$0x1E400] =	vst v63  }
0x106: {  	s31 =	rddreg [dreg:$0x3];
	_ =	swait.ge [sflag:s9], $0x50  }
0x107: {  	[sflag:s9] =	ssyncset.done $0x0  }
0x108: {  	[sflag:s9] =	ssyncadd.s32 $0xFFFFFFB0  }
0x109: {  	_ =	swait.ge [sflag:s10], $0x50  }
0x10a: {  	[sflag:s10] =	ssyncset.done $0x0  }
0x10b: {  	s0 =	simm.s32 $0x14000;
	s17 =	simm.s32 $0x14400;
	[sflag:s10] =	ssyncadd.s32 $0xFFFFFFB0  }
0x10c: {  	[tilespmem:s17], [sflag:$0x9] =	stream.indirect.gather [hbm4b:s5+s11], $0x80, s0, s11, $0xb8;
	[tilespmem:$0x1E400] =	vst v63  }
0x10d: {  	_ =	swait.ge [sflag:s13], $0x50  }
0x10e: {  	[sflag:s13] =	ssyncset.done $0x0  }
0x10f: {  	[sflag:s13] =	ssyncadd.s32 $0xFFFFFFB0  }
0x110: {  	_ =	swait.ge [sflag:s14], $0x50  }
0x111: {  	[sflag:s14] =	ssyncset.done $0x0  }
0x112: {  	s20 =	simm.s32 $0x16C00;
	[sflag:s14] =	ssyncadd.s32 $0xFFFFFFB0  }
0x113: {  	[tilespmem:s20], [sflag:$0xA] =	stream.indirect.gather [hbm4b:s5+s11], $0x80, s2, s11, $0xb8;
	[tilespmem:$0x1E400] =	vst v63  }
0x114: {  	_ =	swait.ge [sflag:s18], $0x50  }
0x115: {  	[sflag:s18] =	ssyncset.done $0x0  }
0x116: {  	[sflag:s18] =	ssyncadd.s32 $0xFFFFFFB0  }
0x117: {  	_ =	swait.ge [sflag:s19], $0x50  }
0x118: {  	[sflag:s19] =	ssyncset.done $0x0  }
0x119: {  	s20 =	simm.s32 $0x19400;
	[sflag:s19] =	ssyncadd.s32 $0xFFFFFFB0  }
0x11a: {  	[tilespmem:s20], [sflag:$0xB] =	stream.indirect.gather [hbm4b:s5+s11], $0x80, s6, s11, $0xb8;
	[tilespmem:$0x1E400] =	vst v63  }
0x11b: {  	_ =	swait.ge [sflag:s21], $0x50  }
0x11c: {  	[sflag:s21] =	ssyncset.done $0x0  }
0x11d: {  	[sflag:s21] =	ssyncadd.s32 $0xFFFFFFB0  }
0x11e: {  	_ =	swait.ge [sflag:s22], $0x50  }
0x11f: {  	[sflag:s22] =	ssyncset.done $0x0  }
0x120: {  	[sflag:s22] =	ssyncadd.s32 $0xFFFFFFB0  }
0x121: {  	[tilespmem:s24], [sflag:$0xC] =	stream.indirect.gather [hbm4b:s5+s11], $0x80, s12, s11, $0xb8;
	[tilespmem:$0x1E400] =	vst v63  }
0x122: {  	_ =	swait.ge [sflag:s25], $0x2800  }
0x123: {  	[sflag:s25] =	ssyncset.done $0x0  }
0x124: {  	s0 =	simm.s32 $0x14200;
	[sflag:s25] =	ssyncadd.s32 $0xFFFFD800  }
0x125: {  	[spmem:s1] =	stream.indirect.scatter.add.f32 [tilespmem:s17], [sflag:$0xD], $0x80, s0, s11, $0xb8;
	[tilespmem:$0x1E400] =	vst v63  }
0x126: {  	_ =	swait.ge [sflag:s7], $0x2800  }
0x127: {  	[sflag:s7] =	ssyncset.done $0x0  }
0x128: {  	s2 =	simm.s32 $0x16C00;
	s0 =	simm.s32 $0x14280;
	[sflag:s7] =	ssyncadd.s32 $0xFFFFD800  }
0x129: {  	[spmem:s1] =	stream.indirect.scatter.add.f32 [tilespmem:s2], [sflag:$0xE], $0x80, s0, s11, $0xb8;
	[tilespmem:$0x1E400] =	vst v63  }
0x12a: {  	_ =	swait.ge [sflag:s8], $0x2800  }
0x12b: {  	p2 =	sne.s32 s29, $0x960;
	[sflag:s8] =	ssyncset.done $0x0  }
.Ltmp3:
0x12c: {  	s2 =	simm.s32 $0x14300;
	[sflag:s8] =	ssyncadd.s32 $0xFFFFD800;
	(pc) =	sbr.rel @p2 .LBB2_6-.Ltmp3, $4  }
0x12d: {  	[spmem:s1] =	stream.indirect.scatter.add.f32 [tilespmem:s20], [sflag:$0xF], $0x80, s2, s11, $0xb8;
	[tilespmem:$0x1E400] =	vst v63  }
0x12e: {  	_ =	swait.ge [sflag:s15], $0x2800  }
0x12f: {  	[sflag:s15] =	ssyncset.done $0x0  }
0x130: {  	s29 =	sadd.s32 $0x28, s29;
	s30 =	simm.s32 $0x14380;
	[sflag:s15] =	ssyncadd.s32 $0xFFFFD800  }
.Ltmp4:
0x131: {  	_ = 	snop;
	(pc) =	sbr.rel .LBB2_7-.Ltmp4, $1  }
0x132: {  	_ =	sdelay $0x3  }
.LBB2_2:
0x133: {  	s17 =	simm.s32 $0x14400  }
0x134: {  	[tilespmem:s17], [sflag:$0x9] =	stream.indirect.gather [hbm4b:s4+s11], $0x80, s20, s11, $0xb8;
	[tilespmem:$0x1E400] =	vst v63  }
0x135: {  	_ =	swait.ge [sflag:s13], $0x50  }
0x136: {  	[sflag:s13] =	ssyncset.done $0x0  }
0x137: {  	[sflag:s13] =	ssyncadd.s32 $0xFFFFFFB0  }
0x138: {  	_ =	swait.ge [sflag:s14], $0x50  }
0x139: {  	[sflag:s14] =	ssyncset.done $0x0  }
0x13a: {  	s20 =	simm.s32 $0x16C00;
	[sflag:s14] =	ssyncadd.s32 $0xFFFFFFB0  }
0x13b: {  	[tilespmem:s20], [sflag:$0xA] =	stream.indirect.gather [hbm4b:s4+s11], $0x80, s2, s11, $0xb8;
	[tilespmem:$0x1E400] =	vst v63  }
0x13c: {  	_ =	swait.ge [sflag:s18], $0x50  }
0x13d: {  	[sflag:s18] =	ssyncset.done $0x0  }
0x13e: {  	[sflag:s18] =	ssyncadd.s32 $0xFFFFFFB0  }
0x13f: {  	_ =	swait.ge [sflag:s19], $0x50  }
0x140: {  	[sflag:s19] =	ssyncset.done $0x0  }
0x141: {  	s29 =	simm.s32 $0x19400;
	[sflag:s19] =	ssyncadd.s32 $0xFFFFFFB0  }
0x142: {  	[tilespmem:s29], [sflag:$0xB] =	stream.indirect.gather [hbm4b:s4+s11], $0x80, s6, s11, $0xb8;
	[tilespmem:$0x1E400] =	vst v63  }
0x143: {  	_ =	swait.ge [sflag:s21], $0x50  }
0x144: {  	[sflag:s21] =	ssyncset.done $0x0  }
0x145: {  	[sflag:s21] =	ssyncadd.s32 $0xFFFFFFB0  }
0x146: {  	_ =	swait.ge [sflag:s22], $0x50  }
0x147: {  	[sflag:s22] =	ssyncset.done $0x0  }
0x148: {  	[sflag:s22] =	ssyncadd.s32 $0xFFFFFFB0  }
0x149: {  	[tilespmem:s24], [sflag:$0xC] =	stream.indirect.gather [hbm4b:s4+s11], $0x80, s12, s11, $0xb8;
	[tilespmem:$0x1E400] =	vst v63  }
0x14a: {  	_ =	swait.ge [sflag:s25], $0x2800  }
0x14b: {  	[sflag:s25] =	ssyncset.done $0x0  }
0x14c: {  	s30 =	simm.s32 $0x14200;
	s17 =	simm.s32 $0x14400;
	[sflag:s25] =	ssyncadd.s32 $0xFFFFD800  }
0x14d: {  	[spmem:s1] =	stream.indirect.scatter.add.f32 [tilespmem:s17], [sflag:$0xD], $0x80, s30, s11, $0xb8;
	[tilespmem:$0x1E400] =	vst v63  }
0x14e: {  	_ =	swait.ge [sflag:s7], $0x2800  }
0x14f: {  	[sflag:s7] =	ssyncset.done $0x0  }
0x150: {  	s31 =	simm.s32 $0x16C00;
	s17 =	simm.s32 $0x14280;
	[sflag:s7] =	ssyncadd.s32 $0xFFFFD800  }
0x151: {  	[spmem:s1] =	stream.indirect.scatter.add.f32 [tilespmem:s31], [sflag:$0xE], $0x80, s17, s11, $0xb8;
	[tilespmem:$0x1E400] =	vst v63  }
0x152: {  	_ =	swait.ge [sflag:s8], $0x2800  }
0x153: {  	[sflag:s8] =	ssyncset.done $0x0  }
0x154: {  	[sflag:s8] =	ssyncadd.s32 $0xFFFFD800  }
0x155: {  	[spmem:s1] =	stream.indirect.scatter.add.f32 [tilespmem:s29], [sflag:$0xF], $0x80, s0, s11, $0xb8;
	[tilespmem:$0x1E400] =	vst v63  }
0x156: {  	_ =	swait.ge [sflag:s15], $0x2800  }
0x157: {  	[sflag:s15] =	ssyncset.done $0x0  }
0x158: {  	s17 =	simm.s32 $0x14380;
	[sflag:s15] =	ssyncadd.s32 $0xFFFFD800  }
0x159: {  	[spmem:s1] =	stream.indirect.scatter.add.f32 [tilespmem:s24], [sflag:$0x10], $0x80, s17, s11, $0xb8;
	[tilespmem:$0x1E400] =	vst v63  }
0x15a: {  	_ =	swait.ge [sflag:s16], $0x2800  }
0x15b: {  	s31 =	rddreg [dreg:$0x3]  }
0x15c: {  	[sflag:s16] =	ssyncset.done $0x0;
	s0 =	sadd.s32 $0x0, s31  }
0x15d: {  	s30 =	simm.s32 $0x14000;
	[sflag:s16] =	ssyncadd.s32 $0xFFFFD800;
	s29 =	sadd.s32 $0x28, s0  }
0x15e: {  	[tilespmem:s30], [sflag:$0x1] =	stream.linear.gather [hbm4b:s29+s3], $0x50, $0x38;
	[tilespmem:$0x1E400] =	vst v63  }
0x15f: {  	s20 =	simm.s32 $0x14200;
	s29 =	sadd.s32 $0x9C68, s0  }
0x160: {  	[tilespmem:s20], [sflag:$0x5] =	stream.linear.gather [hbm4b:s29+s3], $0x50, $0x38;
	[tilespmem:$0x1E400] =	vst v63  }
0x161: {  	_ =	swait.ge [sflag:s23], $0x2800  }
0x162: {  	[sflag:s23] =	ssyncset.done $0x0  }
0x163: {  	s29 =	sadd.s32 $0x32, s0;
	[sflag:s23] =	ssyncadd.s32 $0xFFFFD800  }
0x164: {  	[tilespmem:s2], [sflag:$0x2] =	stream.linear.gather [hbm4b:s29+s3], $0x50, $0x38;
	[tilespmem:$0x1E400] =	vst v63  }
0x165: {  	s20 =	simm.s32 $0x14280;
	s29 =	sadd.s32 $0x9C72, s0  }
0x166: {  	[tilespmem:s20], [sflag:$0x6] =	stream.linear.gather [hbm4b:s29+s3], $0x50, $0x38;
	[tilespmem:$0x1E400] =	vst v63  }
0x167: {  	_ =	swait.ge [sflag:s26], $0x2800  }
0x168: {  	[sflag:s26] =	ssyncset.done $0x0  }
0x169: {  	s29 =	sadd.s32 $0x3C, s0;
	[sflag:s26] =	ssyncadd.s32 $0xFFFFD800  }
0x16a: {  	[tilespmem:s6], [sflag:$0x3] =	stream.linear.gather [hbm4b:s29+s3], $0x50, $0x38;
	[tilespmem:$0x1E400] =	vst v63  }
0x16b: {  	s20 =	simm.s32 $0x14300;
	s29 =	sadd.s32 $0x9C7C, s0  }
0x16c: {  	[tilespmem:s20], [sflag:$0x7] =	stream.linear.gather [hbm4b:s29+s3], $0x50, $0x38;
	[tilespmem:$0x1E400] =	vst v63  }
0x16d: {  	_ =	swait.ge [sflag:s28], $0x2800  }
0x16e: {  	[sflag:s28] =	ssyncset.done $0x0  }
0x16f: {  	s29 =	sadd.s32 $0x46, s0;
	[sflag:s28] =	ssyncadd.s32 $0xFFFFD800  }
0x170: {  	[tilespmem:s12], [sflag:$0x4] =	stream.linear.gather [hbm4b:s29+s3], $0x50, $0x38;
	[tilespmem:$0x1E400] =	vst v63  }
0x171: {  	s29 =	sadd.s32 $0x9C86, s0  }
0x172: {  	[tilespmem:s17], [sflag:$0x8] =	stream.linear.gather [hbm4b:s29+s3], $0x50, $0x38;
	[tilespmem:$0x1E400] =	vst v63  }
0x173: {  	_ =	swait.ge [sflag:s9], $0x50  }
0x174: {  	[sflag:s9] =	ssyncset.done $0x0  }
0x175: {  	[sflag:s9] =	ssyncadd.s32 $0xFFFFFFB0  }
0x176: {  	_ =	swait.ge [sflag:s10], $0x50  }
0x177: {  	[sflag:s10] =	ssyncset.done $0x0  }
0x178: {  	s0 =	simm.s32 $0x14400;
	[sflag:s10] =	ssyncadd.s32 $0xFFFFFFB0  }
0x179: {  	[tilespmem:s0], [sflag:$0x9] =	stream.indirect.gather [hbm4b:s4+s11], $0x80, s30, s11, $0xb8;
	[tilespmem:$0x1E400] =	vst v63  }
0x17a: {  	_ =	swait.ge [sflag:s13], $0x50  }
0x17b: {  	[sflag:s13] =	ssyncset.done $0x0  }
0x17c: {  	[sflag:s13] =	ssyncadd.s32 $0xFFFFFFB0  }
0x17d: {  	_ =	swait.ge [sflag:s14], $0x50  }
0x17e: {  	[sflag:s14] =	ssyncset.done $0x0  }
0x17f: {  	s20 =	simm.s32 $0x16C00;
	[sflag:s14] =	ssyncadd.s32 $0xFFFFFFB0  }
0x180: {  	[tilespmem:s20], [sflag:$0xA] =	stream.indirect.gather [hbm4b:s4+s11], $0x80, s2, s11, $0xb8;
	[tilespmem:$0x1E400] =	vst v63  }
0x181: {  	_ =	swait.ge [sflag:s18], $0x50  }
0x182: {  	[sflag:s18] =	ssyncset.done $0x0  }
0x183: {  	[sflag:s18] =	ssyncadd.s32 $0xFFFFFFB0  }
0x184: {  	_ =	swait.ge [sflag:s19], $0x50  }
0x185: {  	[sflag:s19] =	ssyncset.done $0x0  }
0x186: {  	s20 =	simm.s32 $0x19400;
	[sflag:s19] =	ssyncadd.s32 $0xFFFFFFB0  }
0x187: {  	[tilespmem:s20], [sflag:$0xB] =	stream.indirect.gather [hbm4b:s4+s11], $0x80, s6, s11, $0xb8;
	[tilespmem:$0x1E400] =	vst v63  }
0x188: {  	_ =	swait.ge [sflag:s21], $0x50  }
0x189: {  	[sflag:s21] =	ssyncset.done $0x0  }
0x18a: {  	[sflag:s21] =	ssyncadd.s32 $0xFFFFFFB0  }
0x18b: {  	_ =	swait.ge [sflag:s22], $0x50  }
0x18c: {  	[sflag:s22] =	ssyncset.done $0x0  }
0x18d: {  	[sflag:s22] =	ssyncadd.s32 $0xFFFFFFB0  }
0x18e: {  	[tilespmem:s24], [sflag:$0xC] =	stream.indirect.gather [hbm4b:s4+s11], $0x80, s12, s11, $0xb8;
	[tilespmem:$0x1E400] =	vst v63  }
0x18f: {  	_ =	swait.ge [sflag:s25], $0x2800  }
0x190: {  	[sflag:s25] =	ssyncset.done $0x0  }
0x191: {  	s17 =	simm.s32 $0x14200;
	[sflag:s25] =	ssyncadd.s32 $0xFFFFD800  }
0x192: {  	[spmem:s1] =	stream.indirect.scatter.add.f32 [tilespmem:s0], [sflag:$0xD], $0x80, s17, s11, $0xb8;
	[tilespmem:$0x1E400] =	vst v63  }
0x193: {  	_ =	swait.ge [sflag:s7], $0x2800  }
0x194: {  	[sflag:s7] =	ssyncset.done $0x0  }
0x195: {  	s2 =	simm.s32 $0x16C00;
	s12 =	simm.s32 $0x14280;
	[sflag:s7] =	ssyncadd.s32 $0xFFFFD800  }
0x196: {  	[spmem:s1] =	stream.indirect.scatter.add.f32 [tilespmem:s2], [sflag:$0xE], $0x80, s12, s11, $0xb8;
	[tilespmem:$0x1E400] =	vst v63  }
0x197: {  	_ =	swait.ge [sflag:s8], $0x2800  }
0x198: {  	[sflag:s8] =	ssyncset.done $0x0  }
0x199: {  	s17 =	simm.s32 $0x14300;
	[sflag:s8] =	ssyncadd.s32 $0xFFFFD800  }
0x19a: {  	[spmem:s1] =	stream.indirect.scatter.add.f32 [tilespmem:s20], [sflag:$0xF], $0x80, s17, s11, $0xb8;
	[tilespmem:$0x1E400] =	vst v63  }
0x19b: {  	_ =	swait.ge [sflag:s15], $0x2800  }
0x19c: {  	[sflag:s15] =	ssyncset.done $0x0  }
0x19d: {  	s29 =	simm.s32 $0x28;
	s30 =	simm.s32 $0x14380;
	[sflag:s15] =	ssyncadd.s32 $0xFFFFD800  }
.LBB2_3:
0x19e: {  	[spmem:s1] =	stream.indirect.scatter.add.f32 [tilespmem:s24], [sflag:$0x10], $0x80, s30, s11, $0xb8;
	[tilespmem:$0x1E400] =	vst v63  }
0x19f: {  	s30 =	smov.u32 s29;
	_ =	swait.ge [sflag:s16], $0x2800  }
0x1a0: {  	s30 =	sadd.s32 s30, s31;
	[sflag:s16] =	ssyncset.done $0x0  }
0x1a1: {  	s0 =	simm.s32 $0x14000;
	s31 =	sadd.s32 $0x28, s30;
	[sflag:s16] =	ssyncadd.s32 $0xFFFFD800  }
0x1a2: {  	[tilespmem:s0], [sflag:$0x1] =	stream.linear.gather [hbm4b:s31+s3], $0x50, $0x38;
	[tilespmem:$0x1E400] =	vst v63  }
0x1a3: {  	s2 =	simm.s32 $0x14200;
	s31 =	sadd.s32 $0x9C68, s30  }
0x1a4: {  	[tilespmem:s2], [sflag:$0x5] =	stream.linear.gather [hbm4b:s31+s3], $0x50, $0x38;
	[tilespmem:$0x1E400] =	vst v63  }
0x1a5: {  	_ =	swait.ge [sflag:s23], $0x2800  }
0x1a6: {  	[sflag:s23] =	ssyncset.done $0x0  }
0x1a7: {  	s2 =	simm.s32 $0x14080;
	s31 =	sadd.s32 $0x32, s30;
	[sflag:s23] =	ssyncadd.s32 $0xFFFFD800  }
0x1a8: {  	[tilespmem:s2], [sflag:$0x2] =	stream.linear.gather [hbm4b:s31+s3], $0x50, $0x38;
	[tilespmem:$0x1E400] =	vst v63  }
0x1a9: {  	s6 =	simm.s32 $0x14280;
	s31 =	sadd.s32 $0x9C72, s30  }
0x1aa: {  	[tilespmem:s6], [sflag:$0x6] =	stream.linear.gather [hbm4b:s31+s3], $0x50, $0x38;
	[tilespmem:$0x1E400] =	vst v63  }
0x1ab: {  	_ =	swait.ge [sflag:s26], $0x2800  }
0x1ac: {  	[sflag:s26] =	ssyncset.done $0x0  }
0x1ad: {  	s6 =	simm.s32 $0x14100;
	s31 =	sadd.s32 $0x3C, s30;
	[sflag:s26] =	ssyncadd.s32 $0xFFFFD800  }
0x1ae: {  	[tilespmem:s6], [sflag:$0x3] =	stream.linear.gather [hbm4b:s31+s3], $0x50, $0x38;
	[tilespmem:$0x1E400] =	vst v63  }
0x1af: {  	s12 =	simm.s32 $0x14300;
	s31 =	sadd.s32 $0x9C7C, s30  }
0x1b0: {  	[tilespmem:s12], [sflag:$0x7] =	stream.linear.gather [hbm4b:s31+s3], $0x50, $0x38;
	[tilespmem:$0x1E400] =	vst v63  }
0x1b1: {  	_ =	swait.ge [sflag:s28], $0x2800  }
0x1b2: {  	[sflag:s28] =	ssyncset.done $0x0  }
0x1b3: {  	s12 =	simm.s32 $0x14180;
	s31 =	sadd.s32 $0x46, s30;
	[sflag:s28] =	ssyncadd.s32 $0xFFFFD800  }
0x1b4: {  	[tilespmem:s12], [sflag:$0x4] =	stream.linear.gather [hbm4b:s31+s3], $0x50, $0x38;
	[tilespmem:$0x1E400] =	vst v63  }
0x1b5: {  	s17 =	simm.s32 $0x14380;
	s30 =	sadd.s32 $0x9C86, s30  }
0x1b6: {  	[tilespmem:s17], [sflag:$0x8] =	stream.linear.gather [hbm4b:s30+s3], $0x50, $0x38;
	[tilespmem:$0x1E400] =	vst v63  }
0x1b7: {  	s31 =	rddreg [dreg:$0x3];
	_ =	swait.ge [sflag:s9], $0x50  }
0x1b8: {  	[sflag:s9] =	ssyncset.done $0x0  }
0x1b9: {  	[sflag:s9] =	ssyncadd.s32 $0xFFFFFFB0  }
0x1ba: {  	_ =	swait.ge [sflag:s10], $0x50  }
0x1bb: {  	[sflag:s10] =	ssyncset.done $0x0  }
0x1bc: {  	s0 =	simm.s32 $0x14000;
	s17 =	simm.s32 $0x14400;
	[sflag:s10] =	ssyncadd.s32 $0xFFFFFFB0  }
0x1bd: {  	[tilespmem:s17], [sflag:$0x9] =	stream.indirect.gather [hbm4b:s4+s11], $0x80, s0, s11, $0xb8;
	[tilespmem:$0x1E400] =	vst v63  }
0x1be: {  	_ =	swait.ge [sflag:s13], $0x50  }
0x1bf: {  	[sflag:s13] =	ssyncset.done $0x0  }
0x1c0: {  	[sflag:s13] =	ssyncadd.s32 $0xFFFFFFB0  }
0x1c1: {  	_ =	swait.ge [sflag:s14], $0x50  }
0x1c2: {  	[sflag:s14] =	ssyncset.done $0x0  }
0x1c3: {  	s20 =	simm.s32 $0x16C00;
	[sflag:s14] =	ssyncadd.s32 $0xFFFFFFB0  }
0x1c4: {  	[tilespmem:s20], [sflag:$0xA] =	stream.indirect.gather [hbm4b:s4+s11], $0x80, s2, s11, $0xb8;
	[tilespmem:$0x1E400] =	vst v63  }
0x1c5: {  	_ =	swait.ge [sflag:s18], $0x50  }
0x1c6: {  	[sflag:s18] =	ssyncset.done $0x0  }
0x1c7: {  	[sflag:s18] =	ssyncadd.s32 $0xFFFFFFB0  }
0x1c8: {  	_ =	swait.ge [sflag:s19], $0x50  }
0x1c9: {  	[sflag:s19] =	ssyncset.done $0x0  }
0x1ca: {  	s20 =	simm.s32 $0x19400;
	[sflag:s19] =	ssyncadd.s32 $0xFFFFFFB0  }
0x1cb: {  	[tilespmem:s20], [sflag:$0xB] =	stream.indirect.gather [hbm4b:s4+s11], $0x80, s6, s11, $0xb8;
	[tilespmem:$0x1E400] =	vst v63  }
0x1cc: {  	_ =	swait.ge [sflag:s21], $0x50  }
0x1cd: {  	[sflag:s21] =	ssyncset.done $0x0  }
0x1ce: {  	[sflag:s21] =	ssyncadd.s32 $0xFFFFFFB0  }
0x1cf: {  	_ =	swait.ge [sflag:s22], $0x50  }
0x1d0: {  	[sflag:s22] =	ssyncset.done $0x0  }
0x1d1: {  	[sflag:s22] =	ssyncadd.s32 $0xFFFFFFB0  }
0x1d2: {  	[tilespmem:s24], [sflag:$0xC] =	stream.indirect.gather [hbm4b:s4+s11], $0x80, s12, s11, $0xb8;
	[tilespmem:$0x1E400] =	vst v63  }
0x1d3: {  	_ =	swait.ge [sflag:s25], $0x2800  }
0x1d4: {  	[sflag:s25] =	ssyncset.done $0x0  }
0x1d5: {  	s0 =	simm.s32 $0x14200;
	[sflag:s25] =	ssyncadd.s32 $0xFFFFD800  }
0x1d6: {  	[spmem:s1] =	stream.indirect.scatter.add.f32 [tilespmem:s17], [sflag:$0xD], $0x80, s0, s11, $0xb8;
	[tilespmem:$0x1E400] =	vst v63  }
0x1d7: {  	_ =	swait.ge [sflag:s7], $0x2800  }
0x1d8: {  	[sflag:s7] =	ssyncset.done $0x0  }
0x1d9: {  	s2 =	simm.s32 $0x16C00;
	s0 =	simm.s32 $0x14280;
	[sflag:s7] =	ssyncadd.s32 $0xFFFFD800  }
0x1da: {  	[spmem:s1] =	stream.indirect.scatter.add.f32 [tilespmem:s2], [sflag:$0xE], $0x80, s0, s11, $0xb8;
	[tilespmem:$0x1E400] =	vst v63  }
0x1db: {  	_ =	swait.ge [sflag:s8], $0x2800  }
0x1dc: {  	p2 =	seq.s32 s29, $0x960;
	[sflag:s8] =	ssyncset.done $0x0  }
.Ltmp5:
0x1dd: {  	s2 =	simm.s32 $0x14300;
	[sflag:s8] =	ssyncadd.s32 $0xFFFFD800;
	(pc) =	sbr.rel @!p2 .LBB2_3-.Ltmp5, $4  }
0x1de: {  	[spmem:s1] =	stream.indirect.scatter.add.f32 [tilespmem:s20], [sflag:$0xF], $0x80, s2, s11, $0xb8;
	[tilespmem:$0x1E400] =	vst v63  }
0x1df: {  	_ =	swait.ge [sflag:s15], $0x2800  }
0x1e0: {  	[sflag:s15] =	ssyncset.done $0x0  }
0x1e1: {  	s29 =	sadd.s32 $0x28, s29;
	s30 =	simm.s32 $0x14380;
	[sflag:s15] =	ssyncadd.s32 $0xFFFFD800  }
.Ltmp6:
0x1e2: {  	(pc) =	sbr.rel .LBB2_8-.Ltmp6, $3  }
0x1e3: {  	_ =	sdelay $0x1  }
0x1e4: {  	[spmem:s1] =	stream.indirect.scatter.add.f32 [tilespmem:s24], [sflag:$0x10], $0x80, s30, s11, $0xb8;
	[tilespmem:$0x1E400] =	vst v63  }
0x1e5: {  	s29 =	smov.u32 s4;
	s0 =	rddreg [dreg:$0x17]  }
.LBB2_9:
0x1e6: {  	_ =	sfence.sel $0x180000  }
0x1e7: {  	[bflag:$0x0] =	sbarrier.arrive $0xFFFF  }
0x1e8: {  	_ =	strace $0x9000004A  }
0x1e9: {  	s0 =	stileid.u32;
	[bflag:$0x2] =	sbarrier.arrive $0xFFFF  }
0x1ea: {  	p0 =	sne.s32 s0, $0x0;
	s0 =	rddreg [dreg:$0x2]  }
0x1eb: {  	s0 =	sadd.s32 @!p0 $0x100000, s0  }
0x1ec: {  	[sflag:s0] =	ssyncadd.tile.s32 @!p0 $0x1;
	_ =	shalt  }
.Lfunc_end2:
_tile_overlayer_lowered:
.L_overlay_start_2:
0x1ed: {  	(tag) =	ssettag $0x2  }
0x1ee: {  	s0 =	rddreg [dreg:$0x0];
	s2 =	stileid.u32  }
0x1ef: {  	s1 =	rddreg [dreg:$0x1];
	p0 =	sne.s32 s2, $0x0  }
0x1f0: {  	s3 =	rddreg [dreg:$0x2];
	[bflag:$0x3] =	sbarrier.arrive $0xFFFF;
	s2 =	simm.s32 @!p0 $0x1C11  }
0x1f1: {  	[timem:s3], [sflag:s2] =	dma.local @!p0 [hbm:s0], s1  }
0x1f2: {  	s0 =	simm.s32 @!p0 $0x11  }
0x1f3: {  	_ =	swait.ge @!p0 [sflag:s0], s1  }
0x1f4: {  	s1 =	ssub.s32 @!p0 $0x0, s1;
	[sflag:s0] =	ssyncset.done @!p0 $0x0  }
0x1f5: {  	[sflag:s0] =	ssyncadd.s32 @!p0 s1  }
0x1f6: {  	[bflag:$0x3] =	sbarrier.arrive $0xFFFF  }
0x1f7: {  	_ =	shalt  }

// kernel: kernel.15.cloned.1.call-start
scs
__scs_entry_jumppad:
0x0: {  	(pc) =	sbr.rel $0x88, $3  }
0x1: {  	(tag) =	ssettag $0x0;
	lr =	simm.s32 $0x1  }
0x2: {  	[smem:$0x3F8D] =	sst lr;
	_ =	strace $0xD0000000  }
0x3: {  	_ = 	snop  }
0x4: {  	_ = 	snop  }
0x5: {  	_ = 	snop  }
0x6: {  	_ = 	snop  }
0x7: {  	_ = 	snop  }
__scs_overlays_trampoline_lowered:
0x8: {  	[smem:$0x3F9C] =	sst s0  }
0x9: {  	[smem:$0x3F9D] =	sst s1  }
0xa: {  	[smem:$0x3F9E] =	sst s2  }
0xb: {  	[smem:$0x3F9F] =	sst s3  }
0xc: {  	[smem:$0x3FA0] =	sst s4  }
0xd: {  	[smem:$0x3FA1] =	sst s5  }
0xe: {  	[smem:$0x3FA2] =	sst s6  }
0xf: {  	[smem:$0x3FA3] =	sst s7  }
0x10: {  	[smem:$0x3FA4] =	sst s8  }
0x11: {  	[smem:$0x3FA5] =	sst s9;
	s0 =	simm.s32 @!p0 $0x0  }
0x12: {  	s1 =	sld [smem:$0x3F8B];
	s0 =	simm.s32 @p0 $0x1  }
0x13: {  	[smem:$0x3FA6] =	sst s0;
	s0 =	simm.s32 @!p1 $0x0  }
0x14: {  	s2 =	sld [smem:$0x3F8A];
	s0 =	simm.s32 @p1 $0x1  }
0x15: {  	[smem:$0x3FA7] =	sst s0;
	s0 =	simm.s32 @!p2 $0x0  }
0x16: {  	s3 =	sld [smem:$0x3FDB];
	s0 =	simm.s32 @p2 $0x1  }
0x17: {  	s4 =	simm.s32 $0x1BF5;
	[smem:$0x3FA9] =	sst s0  }
0x18: {  	s0 =	sld [smem:$0x3F8C];
	_ =	swait.ge [sflag:s4], $0x0  }
0x19: {  	s7 =	sld [smem:$0x3F8D]  }
0x1a: {  	s8 =	sadd.s32 $0xFFFFE003, lr  }
0x1b: {  	s9 =	sadd.s32 $0xFFFFFEF7, lr;
	s5 =	simm.s32 $0xFFFFFFFF;
	p2 =	slt.u32 s8, $0xFFFFF086  }
0x1c: {  	p1 =	slt.u32 s9, $0xF7A;
	s5 =	simm.s32 @!p2 $0x0  }
0x1d: {  	s5 =	simm.s32 @p1 $0x1;
	p0 =	seq.s32 s7, s2  }
0x1e: {  	s7 =	smul.u32 @!p0 $0xF7A, s2;
	p2 =	seq.s32 @!p0 s5, $0x0  }
0x1f: {  	s9 =	smul.u32 $0xF7A, s1;
	s8 =	simm.s32 @!p0 $0x1BF5;
	p2 =	por !p2, p0  }
0x20: {  	[sflag:s8] =	ssyncset.s32 @!p0 $0xFFFFF086;
	s6 =	sadd.s32 @!p0 s3, s7;
	s7 =	simm.s32 @!p0 $0x108  }
0x21: {  	s3 =	sadd.s32 s3, s9;
	s6 =	sadd.s32 @!p0 $0x88, s6;
	s7 =	simm.s32 @p2 $0x1082  }
0x22: {  	[simem:s7], [sflag:s8] =	dma.local @!p0 [hbm:s6], $0xF7A  }
0x23: {  	s9 =	sor.u32 $0xD0000000, s2;
	s6 =	simm.s32 $0x108;
	_ =	swait.ge @!p0 [sflag:s8], $0x0  }
0x24: {  	s3 =	sadd.s32 $0x88, s3;
	s6 =	simm.s32 @!p1 $0x1082;
	[sflag:s4] =	ssyncset.s32 $0xFFFFF086  }
0x25: {  	[simem:s6], [sflag:s4] =	dma.local [hbm:s3], $0xF7A  }
0x26: {  	[smem:$0x3F8D] =	sst s1;
	(tag) =	ssettag s2;
	_ =	strace s9  }
0x27: {  	s1 =	sld [smem:$0x3F9D]  }
0x28: {  	s2 =	sld [smem:$0x3F9E]  }
0x29: {  	s4 =	sld [smem:$0x3FA0]  }
0x2a: {  	p0 =	seq.s32 s5, $0x0;
	s5 =	sld [smem:$0x3FA1]  }
0x2b: {  	s6 =	sld [smem:$0x3FA2]  }
0x2c: {  	s7 =	sld [smem:$0x3FA3]  }
0x2d: {  	s3 =	simm.s32 $0x108;
	s8 =	sld [smem:$0x3FA4]  }
0x2e: {  	s3 =	simm.s32 @!p0 $0x1082;
	s9 =	sld [smem:$0x3FA5]  }
0x2f: {  	lr =	sadd.s32 s0, s3;
	s0 =	sld [smem:$0x3F9C]  }
0x30: {  	s3 =	sld [smem:$0x3F9F]  }
0x31: {  	[smem:$0x3FA8] =	sst s10  }
0x32: {  	s10 =	sld [smem:$0x3FA6];
	_ =	sdelay $0x3  }
0x33: {  	p0 =	seq.s32 s10, $0x1;
	s10 =	sld [smem:$0x3FA8];
	_ =	sdelay $0x3  }
0x34: {  	[smem:$0x3FA8] =	sst s10  }
0x35: {  	s10 =	sld [smem:$0x3FA7];
	_ =	sdelay $0x3  }
0x36: {  	p1 =	seq.s32 s10, $0x1;
	s10 =	sld [smem:$0x3FA8];
	_ =	sdelay $0x3  }
0x37: {  	[smem:$0x3FA8] =	sst s10  }
0x38: {  	s10 =	sld [smem:$0x3FA9]  }
0x39: {  	_ = 	snop;
	(pc) =	sbr.ind lr, $3  }
0x3a: {  	_ = 	snop  }
0x3b: {  	_ = 	snop  }
0x3c: {  	p2 =	seq.s32 s10, $0x1;
	s10 =	sld [smem:$0x3FA8]  }
0x3d: {  	_ =	shalt  }
0x3e: {  	_ =	shalt  }
0x3f: {  	_ =	shalt  }
0x40: {  	_ =	shalt  }
0x41: {  	_ =	shalt  }
0x42: {  	_ =	shalt  }
0x43: {  	_ =	shalt  }
0x44: {  	_ =	shalt  }
0x45: {  	_ =	shalt  }
0x46: {  	_ =	shalt  }
0x47: {  	_ =	shalt  }
0x48: {  	_ =	shalt  }
0x49: {  	_ =	shalt  }
0x4a: {  	_ =	shalt  }
0x4b: {  	_ =	shalt  }
0x4c: {  	_ =	shalt  }
0x4d: {  	_ =	shalt  }
0x4e: {  	_ =	shalt  }
0x4f: {  	_ =	shalt  }
0x50: {  	_ =	shalt  }
0x51: {  	_ =	shalt  }
0x52: {  	_ =	shalt  }
0x53: {  	_ =	shalt  }
0x54: {  	_ =	shalt  }
0x55: {  	_ =	shalt  }
0x56: {  	_ =	shalt  }
0x57: {  	_ =	shalt  }
0x58: {  	_ =	shalt  }
0x59: {  	_ =	shalt  }
0x5a: {  	_ =	shalt  }
0x5b: {  	_ =	shalt  }
0x5c: {  	_ =	shalt  }
0x5d: {  	_ =	shalt  }
0x5e: {  	_ =	shalt  }
0x5f: {  	_ =	shalt  }
0x60: {  	_ =	shalt  }
0x61: {  	_ =	shalt  }
0x62: {  	_ =	shalt  }
0x63: {  	_ =	shalt  }
0x64: {  	_ =	shalt  }
0x65: {  	_ =	shalt  }
0x66: {  	_ =	shalt  }
0x67: {  	_ =	shalt  }
0x68: {  	_ =	shalt  }
0x69: {  	_ =	shalt  }
0x6a: {  	_ =	shalt  }
0x6b: {  	_ =	shalt  }
0x6c: {  	_ =	shalt  }
0x6d: {  	_ =	shalt  }
0x6e: {  	_ =	shalt  }
0x6f: {  	_ =	shalt  }
0x70: {  	_ =	shalt  }
0x71: {  	_ =	shalt  }
0x72: {  	_ =	shalt  }
0x73: {  	_ =	shalt  }
0x74: {  	_ =	shalt  }
0x75: {  	_ =	shalt  }
0x76: {  	_ =	shalt  }
0x77: {  	_ =	shalt  }
0x78: {  	_ =	shalt  }
0x79: {  	_ =	shalt  }
0x7a: {  	_ =	shalt  }
0x7b: {  	_ =	shalt  }
0x7c: {  	_ =	shalt  }
0x7d: {  	_ =	shalt  }
0x7e: {  	_ =	shalt  }
0x7f: {  	_ =	shalt  }
0x80: {  	_ =	shalt  }
0x81: {  	_ =	shalt  }
0x82: {  	_ =	shalt  }
0x83: {  	_ =	shalt  }
0x84: {  	_ =	shalt  }
0x85: {  	_ =	shalt  }
0x86: {  	_ =	shalt  }
0x87: {  	_ =	shalt  }
.Lfunc_end0:
.L_simem_size_0:
called_computation.2_lowered:
.L_overlay_start_0:
0x88: {  	s2 =	sld [smem:$0x3FD9]  }
0x89: {  	s3 =	sld [smem:$0x3FFE];
	_ =	sdelay $0x1  }
0x8a: {  	s1 =	srdreg.scid  }
0x8b: {  	s0 =	sand.u32 $0x1, s1  }
0x8c: {  	s16 =	sshll.u32 s0, $0xA;
	s2 =	sadd.s32 s3, s2  }
0x8d: {  	s2 =	sadd.s32 s2, s16  }
0x8e: {  	[smem:$0x3FB4] =	sst s2  }
0x8f: {  	_ = 	snop  }
0x90: {  	(tm) =	ssettm $0x1  }
0x91: {  	s17 =	sld [smem:$0x3FFB];
	_ =	sdelay $0x3  }
0x92: {  	_ =	strace s17  }
0x93: {  	s2 =	sld [smem:$0x3FFC];
	_ =	sdelay $0x3  }
0x94: {  	_ =	strace s2  }
0x95: {  	s2 =	sld [smem:$0x3FFD];
	_ =	sdelay $0x3  }
0x96: {  	_ =	strace s2  }
0x97: {  	_ =	strace $0x8FFFFFFF  }
0x98: {  	s18 =	sld [smem:$0x3FDB];
	_ =	sdelay $0x1  }
0x99: {  	s19 =	simm.s32 $_scs_section_size  }
0x9a: {  	s4 =	simm.s32 $_size__tile_overlayer_lowered;
	s5 =	simm.s32 $_tile_overlayer_lowered  }
0x9b: {  	s22 =	simm.s32 $0x1BFF;
	s21 =	sshll.u32 s5, $0x1;
	s2 =	sadd.s32 s19, s18  }
0x9c: {  	s6 =	simm.s32 $0x0;
	s20 =	sshll.u32 s4, $0x1;
	s4 =	sadd.s32 s21, s2  }
0x9d: {  	[timem:s6], [sflag:s22] =	dma.local [hbm:s4], s20  }
0x9e: {  	_ =	swait.ge [sflag:s22], s20  }
0x9f: {  	s3 =	ssub.s32 $0x0, s20;
	[sflag:s22] =	ssyncset.done $0x0  }
0xa0: {  	[sflag:s22] =	ssyncadd.s32 s3;
	_ =	sdelay $0x1  }
0xa1: {  	s23 =	simm.s32 $0x1B8B  }
0xa2: {  	_ =	swait.ge [sflag:s23], $0x1  }
0xa3: {  	[sflag:s23] =	ssyncset.done $0x0  }
0xa4: {  	s25 =	simm.s32 $0x1B8E;
	s24 =	sld [smem:$0x3FFE];
	[sflag:s23] =	ssyncadd.s32 $0xFFFFFFFF  }
0xa5: {  	s26 =	simm.s32 $execute0_lowered;
	[smem:$0x3FD2] =	sst s25  }
0xa6: {  	s4 =	sshll.u32 s26, $0x1;
	_ =	strace $0x8000004C;
	[dreg:$0x1] =	wrdreg $0xFFFFFFFF  }
0xa7: {  	s28 =	simm.s32 $_size_execute0_lowered;
	s2 =	sadd.s32 s2, s4;
	[dreg:$0x0] =	wrdreg $0x0  }
0xa8: {  	s4 =	sshll.u32 s28, $0x1;
	[dreg:$0x2] =	wrdreg s2  }
0xa9: {  	[dreg:$0x3] =	wrdreg s4  }
0xaa: {  	[dreg:$0x4] =	wrdreg $0xC0  }
0xab: {  	_ =	task [dreg:s6], $0x5FFFF  }
0xac: {  	[dreg:$0x1] =	wrdreg $0xFFFFFFFF  }
0xad: {  	[dreg:$0x0] =	wrdreg $0x60  }
0xae: {  	[dreg:$0x2] =	wrdreg s24  }
0xaf: {  	[dreg:$0x3] =	wrdreg $0x0  }
0xb0: {  	[dreg:$0x4] =	wrdreg $0x9  }
0xb1: {  	_ =	task.clear_ibuf [dreg:s6], $0x5FFFF;
	_ =	strace $0x9000004C  }
0xb2: {  	s29 =	simm.s32 $0x9;
	_ =	strace $0x8000004E  }
0xb3: {  	_ =	swait.ge [sflag:s29], $0x1  }
0xb4: {  	[sflag:s29] =	ssyncadd.s32 $0xFFFFFFFF  }
0xb5: {  	_ =	strace $0x9000004E  }
0xb6: {  	_ =	sfence  }
0xb7: {  	s30 =	sld [smem:$0x0];
	_ =	sdelay $0x2  }
0xb8: {  	s31 =	sshll.u32 s1, $0xD;
	s1 =	sshrl.u32 s1, $0x2  }
0xb9: {  	s3 =	sand.u32 $0x4000, s31;
	s1 =	sadd.s32 s1, s30  }
0xba: {  	s0 =	sor.u32 s3, s0;
	s1 =	sshll.u32 s1, $0x11  }
0xbb: {  	s0 =	sor.u32 s1, s0  }
0xbc: {  	s0 =	sadd.s32 $0x8F2B, s0  }
0xbd: {  	[sflag:s0] =	ssyncadd.remote.s32 $0x1  }
0xbe: {  	_ =	sfence.sel $0xFFFF  }
0xbf: {  	[dreg:$0x0] =	wrdreg $0xFFFFFFFF;
	(pc) =	sbr.abs _section_cstart, $3  }
0xc0: {  	[dreg:$0x1] =	wrdreg $0xFFFFFFFF  }
0xc1: {  	_ =	task.clear_ibuf [dreg:s6], $0x2FFFF;
	_ =	strace $0x9FFFFFFF  }
0xc2: {  	(tm) =	ssettm $0x7FFFFFFF  }
0xc3: {  	_ =	shalt  }
tec
execute0_lowered:
.L_overlay_start_1:
0x0: {  	(tag) =	ssettag $0x1  }
0x1: {  	s0 =	rddreg [dreg:$0x0]  }
0x2: {  	s1 =	rddreg [dreg:$0x1]  }
0x3: {  	s3 =	simm.s32 $0x0;
	s11 =	stileid.u32;
	s6 =	srdreg.scid  }
0x4: {  	s30 =	simm.s32 $0x14000;
	s28 =	simm.s32 $0x10;
	[smem:$0x7FF] =	sst s3  }
0x5: {  	s2 =	sadd.s32 $0x4C00, s0;
	s7 =	smul.u32 $0x4E20, s11;
	s4 =	sadd.s32 $0x1AE00, s0  }
0x6: {  	s5 =	sadd.s32 $0x42000, s0;
	s6 =	sand.u32 $0x1, s6;
	s8 =	sadd.s32 $0x18600, s0  }
0x7: {  	s29 =	smul.u32 $0x50000, s11;
	s15 =	sshll.u32 s11, $0x6;
	_ =	strace $0x8000004D  }
0x8: {  	[dreg:$0x4] =	wrdreg s8;
	s31 =	sor.u32 $0x1C11, s15;
	s7 =	sshrl.u32 s7, $0x3  }
0x9: {  	s8 =	sshrl.u32 s29, $0x2;
	[dreg:$0xe] =	wrdreg s31;
	s12 =	sadd.s32 s2, s7  }
0xa: {  	s0 =	sadd.s32 $0xB7400, s0;
	s20 =	sadd.s32 s8, s1;
	[dreg:$0x5] =	wrdreg s12  }
0xb: {  	s16 =	smul.u32 $0x14000, s11;
	s23 =	sadd.s32 $0x9C40, s12;
	[dreg:$0xd] =	wrdreg s20  }
0xc: {  	p1 =	seq.s32 s11, $0xF;
	s24 =	sadd.s32 $0xA, s12;
	[dreg:$0x6] =	wrdreg s23  }
0xd: {  	s22 =	ssub.s32 $0x2, s6;
	s25 =	sadd.s32 $0x9C4A, s12;
	[dreg:$0x7] =	wrdreg s24  }
0xe: {  	p0 =	seq.s32 s6, $0x1;
	s26 =	sadd.s32 $0x14, s12;
	[dreg:$0x8] =	wrdreg s25  }
0xf: {  	s15 =	simm.s32 $0xC;
	s10 =	sadd.s32 $0x9C54, s12;
	[dreg:$0x9] =	wrdreg s26  }
0x10: {  	s9 =	sshrl.u32 s22, $0x1;
	s13 =	sadd.s32 $0x1E, s12;
	[dreg:$0xa] =	wrdreg s10  }
0x11: {  	s7 =	ssub.s32 s22, s9;
	s14 =	sadd.s32 $0x9C5E, s12;
	[dreg:$0xb] =	wrdreg s13  }
0x12: {  	s9 =	simm.s32 $0x1;
	s17 =	sadd.s32 $0x9B0, s12;
	[dreg:$0xc] =	wrdreg s14  }
0x13: {  	s18 =	sadd.s32 $0xA5F0, s12;
	s19 =	sadd.s32 $0x9BA, s12;
	[dreg:$0xf] =	wrdreg s17  }
0x14: {  	s29 =	smax.u32 s7, $0x1;
	s10 =	smul.u32 $0x138800, s6;
	[dreg:$0x10] =	wrdreg s18  }
0x15: {  	s7 =	simm.s32 $0xA;
	[dreg:$0x11] =	wrdreg s19;
	s23 =	smul.u32 $0x9C4, s11  }
0x16: {  	s24 =	sadd.s32 $0xA5FA, s12;
	[dreg:$0x15] =	wrdreg s29;
	s17 =	simm.s32 $0x14200  }
0x17: {  	s12 =	simm.s32 $0x14180;
	s11 =	simm.s32 $0x50;
	s13 =	simm.s32 $0x2  }
0x18: {  	s14 =	simm.s32 $0x6;
	s18 =	simm.s32 $0x3;
	s19 =	simm.s32 $0x7  }
0x19: {  	[dreg:$0x13] =	wrdreg s24;
	s24 =	simm.s32 $0x1BC00;
	s21 =	sadd.s32 s16, s10  }
0x1a: {  	s22 =	sshrl.u32 s10, $0x3;
	s26 =	sadd.s32 s23, s2;
	s2 =	simm.s32 $0x14080  }
0x1b: {  	s10 =	simm.s32 $0x5;
	s16 =	simm.s32 $0xD;
	s23 =	simm.s32 $0xE  }
0x1c: {  	s6 =	sshrl.u32 s21, $0x3;
	s8 =	sadd.s32 s0, s22;
	[dreg:$0x3] =	wrdreg s26  }
.Ltmp0:
0x1d: {  	s21 =	simm.s32 $0x4;
	s22 =	simm.s32 $0x8;
	(pc) =	sbr.rel .LBB2_1-.Ltmp0, $4  }
0x1e: {  	s26 =	simm.s32 $0xF;
	s0 =	sadd.s32 s0, s6;
	s25 =	sadd.s32 $0x25800, s8  }
0x1f: {  	s6 =	simm.s32 $0x14100;
	[dreg:$0x12] =	wrdreg s0;
	s0 =	sadd.s32 $0x12C000, s1  }
0x20: {  	s8 =	simm.s32 $0xB;
	[dreg:$0x14] =	wrdreg s25;
	s0 =	sshrl.u32 @p1 s0, $0x3  }
0x21: {  	s25 =	simm.s32 $0x9;
	[dreg:$0x16] =	wrdreg s0;
	s0 =	simm.s32 $0x0  }
.LBB2_7:
0x22: {  	[spmem:s1] =	stream.indirect.scatter.add.f32 [tilespmem:s24], [sflag:$0x10], $0x80, s30, s11, $0xb8;
	[tilespmem:$0x1E400] =	vst v63  }
0x23: {  	s29 =	smov.u32 s5;
	s0 =	rddreg [dreg:$0x17]  }
.LBB2_8:
0x24: {  	_ =	swait.ge [sflag:s16], $0x2800  }
0x25: {  	[sflag:s16] =	ssyncset.done $0x0  }
0x26: {  	s20 =	simm.s32 $0x14000;
	s30 =	rddreg [dreg:$0xf];
	[sflag:s16] =	ssyncadd.s32 $0xFFFFD800  }
0x27: {  	[tilespmem:s20], [sflag:$0x1] =	stream.linear.gather [hbm4b:s30+s3], $0x50, $0x38;
	[tilespmem:$0x1E400] =	vst v63  }
0x28: {  	s2 =	simm.s32 $0x14200;
	s30 =	rddreg [dreg:$0x10]  }
0x29: {  	[tilespmem:s2], [sflag:$0x5] =	stream.linear.gather [hbm4b:s30+s3], $0x50, $0x38;
	[tilespmem:$0x1E400] =	vst v63  }
0x2a: {  	_ =	swait.ge [sflag:s23], $0x2800  }
0x2b: {  	[sflag:s23] =	ssyncset.done $0x0  }
0x2c: {  	s2 =	simm.s32 $0x14080;
	s30 =	rddreg [dreg:$0x11];
	[sflag:s23] =	ssyncadd.s32 $0xFFFFD800  }
0x2d: {  	[tilespmem:s2], [sflag:$0x2] =	stream.linear.gather [hbm4b:s30+s3], $0x50, $0x38;
	[tilespmem:$0x1E400] =	vst v63  }
0x2e: {  	s31 =	simm.s32 $0x14280;
	s30 =	rddreg [dreg:$0x13]  }
0x2f: {  	[tilespmem:s31], [sflag:$0x6] =	stream.linear.gather [hbm4b:s30+s3], $0x50, $0x38;
	[tilespmem:$0x1E400] =	vst v63  }
0x30: {  	_ =	swait.ge [sflag:s9], $0x50  }
0x31: {  	[sflag:s9] =	ssyncset.done $0x0  }
0x32: {  	[sflag:s9] =	ssyncadd.s32 $0xFFFFFFB0  }
0x33: {  	_ =	swait.ge [sflag:s10], $0x50  }
0x34: {  	[sflag:s10] =	ssyncset.done $0x0  }
0x35: {  	[sflag:s10] =	ssyncadd.s32 $0xFFFFFFB0  }
0x36: {  	[tilespmem:s17], [sflag:$0x9] =	stream.indirect.gather [hbm4b:s29+s11], $0x80, s20, s11, $0xb8;
	[tilespmem:$0x1E400] =	vst v63  }
0x37: {  	_ =	swait.ge [sflag:s13], $0x50  }
0x38: {  	[sflag:s13] =	ssyncset.done $0x0  }
0x39: {  	[sflag:s13] =	ssyncadd.s32 $0xFFFFFFB0  }
0x3a: {  	_ =	swait.ge [sflag:s14], $0x50  }
0x3b: {  	[sflag:s14] =	ssyncset.done $0x0  }
0x3c: {  	s20 =	simm.s32 $0x16C00;
	[sflag:s14] =	ssyncadd.s32 $0xFFFFFFB0  }
0x3d: {  	[tilespmem:s20], [sflag:$0xA] =	stream.indirect.gather [hbm4b:s29+s11], $0x80, s2, s11, $0xb8;
	[tilespmem:$0x1E400] =	vst v63  }
0x3e: {  	_ =	swait.ge [sflag:s25], $0x2800  }
0x3f: {  	[sflag:s25] =	ssyncset.done $0x0  }
0x40: {  	s30 =	simm.s32 $0x14200;
	[sflag:s25] =	ssyncadd.s32 $0xFFFFD800  }
0x41: {  	[spmem:s1] =	stream.indirect.scatter.add.f32 [tilespmem:s17], [sflag:$0xD], $0x80, s30, s11, $0xb8;
	[tilespmem:$0x1E400] =	vst v63  }
0x42: {  	_ =	swait.ge [sflag:s7], $0x2800  }
0x43: {  	[sflag:s7] =	ssyncset.done $0x0  }
0x44: {  	[sflag:s7] =	ssyncadd.s32 $0xFFFFD800  }
0x45: {  	[spmem:s1] =	stream.indirect.scatter.add.f32 [tilespmem:s20], [sflag:$0xE], $0x80, s31, s11, $0xb8;
	[tilespmem:$0x1E400] =	vst v63  }
0x46: {  	_ =	swait.ge [sflag:s16], $0x2800  }
0x47: {  	[sflag:s16] =	ssyncset.done $0x0  }
0x48: {  	[sflag:s16] =	ssyncadd.s32 $0xFFFFD800  }
0x49: {  	_ =	swait.ge [sflag:s23], $0x2800  }
0x4a: {  	[sflag:s23] =	ssyncset.done $0x0  }
0x4b: {  	[sflag:s23] =	ssyncadd.s32 $0xFFFFD800  }
0x4c: {  	_ =	swait.ge [sflag:s26], $0x2800  }
0x4d: {  	[sflag:s26] =	ssyncset.done $0x0  }
0x4e: {  	[sflag:s26] =	ssyncadd.s32 $0xFFFFD800  }
0x4f: {  	_ =	swait.ge [sflag:s28], $0x2800  }
0x50: {  	[sflag:s28] =	ssyncset.done $0x0  }
0x51: {  	[sflag:s28] =	ssyncadd.s32 $0xFFFFD800  }
0x52: {  	[bflag:$0x0] =	sbarrier.arrive $0xFFFF  }
0x53: {  	s31 =	rddreg [dreg:$0xe]  }
0x54: {  	s29 =	rddreg [dreg:$0x14]  }
0x55: {  	s30 =	rddreg [dreg:$0x16]  }
0x56: {  	[hbm:s29], [sflag:s31] =	dma.local @p1 [spmem:s30], $0x1900  }
0x57: {  	s29 =	simm.s32 @p1 $0x11  }
0x58: {  	_ =	swait.ge @p1 [sflag:s29], $0x1900  }
0x59: {  	[sflag:s29] =	ssyncset.done @p1 $0x0;
	s20 =	rddreg [dreg:$0xd]  }
0x5a: {  	s30 =	rddreg [dreg:$0x12];
	[sflag:s29] =	ssyncadd.s32 @p1 $0xFFFFE700;
	s29 =	sshrl.u32 @!p1 s20, $0x3  }
0x5b: {  	[hbm:s30], [sflag:s31] =	dma.local @!p1 [spmem:s29], $0x2800  }
0x5c: {  	s29 =	simm.s32 @!p1 $0x11  }
0x5d: {  	_ =	swait.ge @!p1 [sflag:s29], $0x2800  }
0x5e: {  	s0 =	sadd.s32 $0x1, s0;
	s30 =	rddreg [dreg:$0x15]  }
0x5f: {  	p2 =	sne.s32 s0, s30  }
.Ltmp1:
0x60: {  	_ = 	snop;
	(pc) =	sbr.rel @!p2 .LBB2_9-.Ltmp1, $3  }
0x61: {  	_ =	sdelay $0x1  }
0x62: {  	[sflag:s29] =	ssyncset.done @!p1 $0x0  }
0x63: {  	s17 =	simm.s32 $0x14200;
	s30 =	simm.s32 $0x14000;
	[sflag:s29] =	ssyncadd.s32 @!p1 $0xFFFFD800  }
.LBB2_1:
0x64: {  	[dreg:$0x17] =	wrdreg s0  }
0x65: {  	s29 =	rddreg [dreg:$0x5]  }
0x66: {  	[tilespmem:s30], [sflag:$0x1] =	stream.linear.gather [hbm4b:s29+s3], $0x50, $0x38;
	[tilespmem:$0x1E400] =	vst v63  }
0x67: {  	s30 =	rddreg [dreg:$0x6]  }
0x68: {  	[tilespmem:s17], [sflag:$0x5] =	stream.linear.gather [hbm4b:s30+s3], $0x50, $0x38;
	[tilespmem:$0x1E400] =	vst v63  }
0x69: {  	s0 =	rddreg [dreg:$0x7]  }
0x6a: {  	[tilespmem:s2], [sflag:$0x2] =	stream.linear.gather [hbm4b:s0+s3], $0x50, $0x38;
	[tilespmem:$0x1E400] =	vst v63  }
0x6b: {  	s17 =	rddreg [dreg:$0x8];
	s30 =	simm.s32 $0x14280  }
0x6c: {  	[tilespmem:s30], [sflag:$0x6] =	stream.linear.gather [hbm4b:s17+s3], $0x50, $0x38;
	[tilespmem:$0x1E400] =	vst v63  }
0x6d: {  	s0 =	rddreg [dreg:$0x9]  }
0x6e: {  	[tilespmem:s6], [sflag:$0x3] =	stream.linear.gather [hbm4b:s0+s3], $0x50, $0x38;
	[tilespmem:$0x1E400] =	vst v63  }
0x6f: {  	s17 =	rddreg [dreg:$0xa];
	s0 =	simm.s32 $0x14300  }
0x70: {  	[tilespmem:s0], [sflag:$0x7] =	stream.linear.gather [hbm4b:s17+s3], $0x50, $0x38;
	[tilespmem:$0x1E400] =	vst v63  }
0x71: {  	s30 =	rddreg [dreg:$0xb]  }
0x72: {  	[tilespmem:s12], [sflag:$0x4] =	stream.linear.gather [hbm4b:s30+s3], $0x50, $0x38;
	[tilespmem:$0x1E400] =	vst v63  }
0x73: {  	s17 =	rddreg [dreg:$0xc];
	s30 =	simm.s32 $0x14380  }
0x74: {  	[tilespmem:s30], [sflag:$0x8] =	stream.linear.gather [hbm4b:s17+s3], $0x50, $0x38;
	[tilespmem:$0x1E400] =	vst v63  }
0x75: {  	s29 =	sshrl.u32 s20, $0x3;
	s17 =	rddreg [dreg:$0x4]  }
0x76: {  	[spmem:s29], [sflag:s31] =	dma.local [hbm:s17], $0x2800  }
0x77: {  	s31 =	simm.s32 $0x11  }
0x78: {  	_ =	swait.ge [sflag:s31], $0x2800  }
0x79: {  	[sflag:s31] =	ssyncset.done $0x0  }
0x7a: {  	[sflag:s31] =	ssyncadd.s32 $0xFFFFD800  }
0x7b: {  	[bflag:$0x0] =	sbarrier.arrive $0xFFFF  }
0x7c: {  	_ =	swait.ge [sflag:s9], $0x50  }
.Ltmp2:
0x7d: {  	[sflag:s9] =	ssyncset.done $0x0;
	(pc) =	sbr.rel @!p0 .LBB2_2-.Ltmp2, $4  }
0x7e: {  	[sflag:s9] =	ssyncadd.s32 $0xFFFFFFB0  }
0x7f: {  	_ =	swait.ge [sflag:s10], $0x50  }
0x80: {  	[sflag:s10] =	ssyncset.done $0x0  }
0x81: {  	s20 =	simm.s32 $0x14000;
	[sflag:s10] =	ssyncadd.s32 $0xFFFFFFB0  }
0x82: {  	s0 =	simm.s32 $0x14400  }
0x83: {  	[tilespmem:s0], [sflag:$0x9] =	stream.indirect.gather [hbm4b:s5+s11], $0x80, s20, s11, $0xb8;
	[tilespmem:$0x1E400] =	vst v63  }
0x84: {  	_ =	swait.ge [sflag:s13], $0x50  }
0x85: {  	[sflag:s13] =	ssyncset.done $0x0  }
0x86: {  	[sflag:s13] =	ssyncadd.s32 $0xFFFFFFB0  }
0x87: {  	_ =	swait.ge [sflag:s14], $0x50  }
0x88: {  	[sflag:s14] =	ssyncset.done $0x0  }
0x89: {  	s20 =	simm.s32 $0x16C00;
	[sflag:s14] =	ssyncadd.s32 $0xFFFFFFB0  }
0x8a: {  	[tilespmem:s20], [sflag:$0xA] =	stream.indirect.gather [hbm4b:s5+s11], $0x80, s2, s11, $0xb8;
	[tilespmem:$0x1E400] =	vst v63  }
0x8b: {  	_ =	swait.ge [sflag:s18], $0x50  }
0x8c: {  	[sflag:s18] =	ssyncset.done $0x0  }
0x8d: {  	[sflag:s18] =	ssyncadd.s32 $0xFFFFFFB0  }
0x8e: {  	_ =	swait.ge [sflag:s19], $0x50  }
0x8f: {  	[sflag:s19] =	ssyncset.done $0x0  }
0x90: {  	s29 =	simm.s32 $0x19400;
	[sflag:s19] =	ssyncadd.s32 $0xFFFFFFB0  }
0x91: {  	[tilespmem:s29], [sflag:$0xB] =	stream.indirect.gather [hbm4b:s5+s11], $0x80, s6, s11, $0xb8;
	[tilespmem:$0x1E400] =	vst v63  }
0x92: {  	_ =	swait.ge [sflag:s21], $0x50  }
0x93: {  	[sflag:s21] =	ssyncset.done $0x0  }
0x94: {  	[sflag:s21] =	ssyncadd.s32 $0xFFFFFFB0  }
0x95: {  	_ =	swait.ge [sflag:s22], $0x50  }
0x96: {  	[sflag:s22] =	ssyncset.done $0x0  }
0x97: {  	[sflag:s22] =	ssyncadd.s32 $0xFFFFFFB0  }
0x98: {  	[tilespmem:s24], [sflag:$0xC] =	stream.indirect.gather [hbm4b:s5+s11], $0x80, s12, s11, $0xb8;
	[tilespmem:$0x1E400] =	vst v63  }
0x99: {  	_ =	swait.ge [sflag:s25], $0x2800  }
0x9a: {  	[sflag:s25] =	ssyncset.done $0x0  }
0x9b: {  	s17 =	simm.s32 $0x14400;
	s30 =	simm.s32 $0x14200;
	[sflag:s25] =	ssyncadd.s32 $0xFFFFD800  }
0x9c: {  	[spmem:s1] =	stream.indirect.scatter.add.f32 [tilespmem:s17], [sflag:$0xD], $0x80, s30, s11, $0xb8;
	[tilespmem:$0x1E400] =	vst v63  }
0x9d: {  	_ =	swait.ge [sflag:s7], $0x2800  }
0x9e: {  	[sflag:s7] =	ssyncset.done $0x0  }
0x9f: {  	s31 =	simm.s32 $0x16C00;
	s30 =	simm.s32 $0x14280;
	[sflag:s7] =	ssyncadd.s32 $0xFFFFD800  }
0xa0: {  	[spmem:s1] =	stream.indirect.scatter.add.f32 [tilespmem:s31], [sflag:$0xE], $0x80, s30, s11, $0xb8;
	[tilespmem:$0x1E400] =	vst v63  }
0xa1: {  	_ =	swait.ge [sflag:s8], $0x2800  }
0xa2: {  	[sflag:s8] =	ssyncset.done $0x0  }
0xa3: {  	s0 =	simm.s32 $0x14300;
	[sflag:s8] =	ssyncadd.s32 $0xFFFFD800  }
0xa4: {  	[spmem:s1] =	stream.indirect.scatter.add.f32 [tilespmem:s29], [sflag:$0xF], $0x80, s0, s11, $0xb8;
	[tilespmem:$0x1E400] =	vst v63  }
0xa5: {  	_ =	swait.ge [sflag:s15], $0x2800  }
0xa6: {  	[sflag:s15] =	ssyncset.done $0x0  }
0xa7: {  	s0 =	simm.s32 $0x14380;
	[sflag:s15] =	ssyncadd.s32 $0xFFFFD800  }
0xa8: {  	[spmem:s1] =	stream.indirect.scatter.add.f32 [tilespmem:s24], [sflag:$0x10], $0x80, s0, s11, $0xb8;
	[tilespmem:$0x1E400] =	vst v63  }
0xa9: {  	_ =	swait.ge [sflag:s16], $0x2800  }
0xaa: {  	s31 =	rddreg [dreg:$0x3]  }
0xab: {  	[sflag:s16] =	ssyncset.done $0x0;
	s29 =	sadd.s32 $0x0, s31  }
0xac: {  	s17 =	simm.s32 $0x14000;
	[sflag:s16] =	ssyncadd.s32 $0xFFFFD800;
	s30 =	sadd.s32 $0x28, s29  }
0xad: {  	[tilespmem:s17], [sflag:$0x1] =	stream.linear.gather [hbm4b:s30+s3], $0x50, $0x38;
	[tilespmem:$0x1E400] =	vst v63  }
0xae: {  	s20 =	simm.s32 $0x14200;
	s30 =	sadd.s32 $0x9C68, s29  }
0xaf: {  	[tilespmem:s20], [sflag:$0x5] =	stream.linear.gather [hbm4b:s30+s3], $0x50, $0x38;
	[tilespmem:$0x1E400] =	vst v63  }
0xb0: {  	_ =	swait.ge [sflag:s23], $0x2800  }
0xb1: {  	[sflag:s23] =	ssyncset.done $0x0  }
0xb2: {  	s30 =	sadd.s32 $0x32, s29;
	[sflag:s23] =	ssyncadd.s32 $0xFFFFD800  }
0xb3: {  	[tilespmem:s2], [sflag:$0x2] =	stream.linear.gather [hbm4b:s30+s3], $0x50, $0x38;
	[tilespmem:$0x1E400] =	vst v63  }
0xb4: {  	s20 =	simm.s32 $0x14280;
	s30 =	sadd.s32 $0x9C72, s29  }
0xb5: {  	[tilespmem:s20], [sflag:$0x6] =	stream.linear.gather [hbm4b:s30+s3], $0x50, $0x38;
	[tilespmem:$0x1E400] =	vst v63  }
0xb6: {  	_ =	swait.ge [sflag:s26], $0x2800  }
0xb7: {  	[sflag:s26] =	ssyncset.done $0x0  }
0xb8: {  	s30 =	sadd.s32 $0x3C, s29;
	[sflag:s26] =	ssyncadd.s32 $0xFFFFD800  }
0xb9: {  	[tilespmem:s6], [sflag:$0x3] =	stream.linear.gather [hbm4b:s30+s3], $0x50, $0x38;
	[tilespmem:$0x1E400] =	vst v63  }
0xba: {  	s20 =	simm.s32 $0x14300;
	s30 =	sadd.s32 $0x9C7C, s29  }
0xbb: {  	[tilespmem:s20], [sflag:$0x7] =	stream.linear.gather [hbm4b:s30+s3], $0x50, $0x38;
	[tilespmem:$0x1E400] =	vst v63  }
0xbc: {  	_ =	swait.ge [sflag:s28], $0x2800  }
0xbd: {  	[sflag:s28] =	ssyncset.done $0x0  }
0xbe: {  	s30 =	sadd.s32 $0x46, s29;
	[sflag:s28] =	ssyncadd.s32 $0xFFFFD800  }
0xbf: {  	[tilespmem:s12], [sflag:$0x4] =	stream.linear.gather [hbm4b:s30+s3], $0x50, $0x38;
	[tilespmem:$0x1E400] =	vst v63  }
0xc0: {  	s29 =	sadd.s32 $0x9C86, s29  }
0xc1: {  	[tilespmem:s0], [sflag:$0x8] =	stream.linear.gather [hbm4b:s29+s3], $0x50, $0x38;
	[tilespmem:$0x1E400] =	vst v63  }
0xc2: {  	_ =	swait.ge [sflag:s9], $0x50  }
0xc3: {  	[sflag:s9] =	ssyncset.done $0x0  }
0xc4: {  	[sflag:s9] =	ssyncadd.s32 $0xFFFFFFB0  }
0xc5: {  	_ =	swait.ge [sflag:s10], $0x50  }
0xc6: {  	[sflag:s10] =	ssyncset.done $0x0  }
0xc7: {  	s20 =	simm.s32 $0x14000;
	s0 =	simm.s32 $0x14400;
	[sflag:s10] =	ssyncadd.s32 $0xFFFFFFB0  }
0xc8: {  	[tilespmem:s0], [sflag:$0x9] =	stream.indirect.gather [hbm4b:s5+s11], $0x80, s20, s11, $0xb8;
	[tilespmem:$0x1E400] =	vst v63  }
0xc9: {  	_ =	swait.ge [sflag:s13], $0x50  }
0xca: {  	[sflag:s13] =	ssyncset.done $0x0  }
0xcb: {  	[sflag:s13] =	ssyncadd.s32 $0xFFFFFFB0  }
0xcc: {  	_ =	swait.ge [sflag:s14], $0x50  }
0xcd: {  	[sflag:s14] =	ssyncset.done $0x0  }
0xce: {  	s20 =	simm.s32 $0x16C00;
	[sflag:s14] =	ssyncadd.s32 $0xFFFFFFB0  }
0xcf: {  	[tilespmem:s20], [sflag:$0xA] =	stream.indirect.gather [hbm4b:s5+s11], $0x80, s2, s11, $0xb8;
	[tilespmem:$0x1E400] =	vst v63  }
0xd0: {  	_ =	swait.ge [sflag:s18], $0x50  }
0xd1: {  	[sflag:s18] =	ssyncset.done $0x0  }
0xd2: {  	[sflag:s18] =	ssyncadd.s32 $0xFFFFFFB0  }
0xd3: {  	_ =	swait.ge [sflag:s19], $0x50  }
0xd4: {  	[sflag:s19] =	ssyncset.done $0x0  }
0xd5: {  	s20 =	simm.s32 $0x19400;
	[sflag:s19] =	ssyncadd.s32 $0xFFFFFFB0  }
0xd6: {  	[tilespmem:s20], [sflag:$0xB] =	stream.indirect.gather [hbm4b:s5+s11], $0x80, s6, s11, $0xb8;
	[tilespmem:$0x1E400] =	vst v63  }
0xd7: {  	_ =	swait.ge [sflag:s21], $0x50  }
0xd8: {  	[sflag:s21] =	ssyncset.done $0x0  }
0xd9: {  	[sflag:s21] =	ssyncadd.s32 $0xFFFFFFB0  }
0xda: {  	_ =	swait.ge [sflag:s22], $0x50  }
0xdb: {  	[sflag:s22] =	ssyncset.done $0x0  }
0xdc: {  	[sflag:s22] =	ssyncadd.s32 $0xFFFFFFB0  }
0xdd: {  	[tilespmem:s24], [sflag:$0xC] =	stream.indirect.gather [hbm4b:s5+s11], $0x80, s12, s11, $0xb8;
	[tilespmem:$0x1E400] =	vst v63  }
0xde: {  	_ =	swait.ge [sflag:s25], $0x2800  }
0xdf: {  	[sflag:s25] =	ssyncset.done $0x0  }
0xe0: {  	s12 =	simm.s32 $0x14200;
	[sflag:s25] =	ssyncadd.s32 $0xFFFFD800  }
0xe1: {  	[spmem:s1] =	stream.indirect.scatter.add.f32 [tilespmem:s0], [sflag:$0xD], $0x80, s12, s11, $0xb8;
	[tilespmem:$0x1E400] =	vst v63  }
0xe2: {  	_ =	swait.ge [sflag:s7], $0x2800  }
0xe3: {  	[sflag:s7] =	ssyncset.done $0x0  }
0xe4: {  	s17 =	simm.s32 $0x14280;
	s2 =	simm.s32 $0x16C00;
	[sflag:s7] =	ssyncadd.s32 $0xFFFFD800  }
0xe5: {  	[spmem:s1] =	stream.indirect.scatter.add.f32 [tilespmem:s2], [sflag:$0xE], $0x80, s17, s11, $0xb8;
	[tilespmem:$0x1E400] =	vst v63  }
0xe6: {  	_ =	swait.ge [sflag:s8], $0x2800  }
0xe7: {  	[sflag:s8] =	ssyncset.done $0x0  }
0xe8: {  	s17 =	simm.s32 $0x14300;
	[sflag:s8] =	ssyncadd.s32 $0xFFFFD800  }
0xe9: {  	[spmem:s1] =	stream.indirect.scatter.add.f32 [tilespmem:s20], [sflag:$0xF], $0x80, s17, s11, $0xb8;
	[tilespmem:$0x1E400] =	vst v63  }
0xea: {  	_ =	swait.ge [sflag:s15], $0x2800  }
0xeb: {  	[sflag:s15] =	ssyncset.done $0x0  }
0xec: {  	s30 =	simm.s32 $0x14380;
	s29 =	simm.s32 $0x28;
	[sflag:s15] =	ssyncadd.s32 $0xFFFFD800  }
.LBB2_6:
0xed: {  	[spmem:s1] =	stream.indirect.scatter.add.f32 [tilespmem:s24], [sflag:$0x10], $0x80, s30, s11, $0xb8;
	[tilespmem:$0x1E400] =	vst v63  }
0xee: {  	s30 =	smov.u32 s29;
	_ =	swait.ge [sflag:s16], $0x2800  }
0xef: {  	s30 =	sadd.s32 s30, s31;
	[sflag:s16] =	ssyncset.done $0x0  }
0xf0: {  	s0 =	simm.s32 $0x14000;
	s31 =	sadd.s32 $0x28, s30;
	[sflag:s16] =	ssyncadd.s32 $0xFFFFD800  }
0xf1: {  	[tilespmem:s0], [sflag:$0x1] =	stream.linear.gather [hbm4b:s31+s3], $0x50, $0x38;
	[tilespmem:$0x1E400] =	vst v63  }
0xf2: {  	s2 =	simm.s32 $0x14200;
	s31 =	sadd.s32 $0x9C68, s30  }
0xf3: {  	[tilespmem:s2], [sflag:$0x5] =	stream.linear.gather [hbm4b:s31+s3], $0x50, $0x38;
	[tilespmem:$0x1E400] =	vst v63  }
0xf4: {  	_ =	swait.ge [sflag:s23], $0x2800  }
0xf5: {  	[sflag:s23] =	ssyncset.done $0x0  }
0xf6: {  	s2 =	simm.s32 $0x14080;
	s31 =	sadd.s32 $0x32, s30;
	[sflag:s23] =	ssyncadd.s32 $0xFFFFD800  }
0xf7: {  	[tilespmem:s2], [sflag:$0x2] =	stream.linear.gather [hbm4b:s31+s3], $0x50, $0x38;
	[tilespmem:$0x1E400] =	vst v63  }
0xf8: {  	s6 =	simm.s32 $0x14280;
	s31 =	sadd.s32 $0x9C72, s30  }
0xf9: {  	[tilespmem:s6], [sflag:$0x6] =	stream.linear.gather [hbm4b:s31+s3], $0x50, $0x38;
	[tilespmem:$0x1E400] =	vst v63  }
0xfa: {  	_ =	swait.ge [sflag:s26], $0x2800  }
0xfb: {  	[sflag:s26] =	ssyncset.done $0x0  }
0xfc: {  	s6 =	simm.s32 $0x14100;
	s31 =	sadd.s32 $0x3C, s30;
	[sflag:s26] =	ssyncadd.s32 $0xFFFFD800  }
0xfd: {  	[tilespmem:s6], [sflag:$0x3] =	stream.linear.gather [hbm4b:s31+s3], $0x50, $0x38;
	[tilespmem:$0x1E400] =	vst v63  }
0xfe: {  	s12 =	simm.s32 $0x14300;
	s31 =	sadd.s32 $0x9C7C, s30  }
0xff: {  	[tilespmem:s12], [sflag:$0x7] =	stream.linear.gather [hbm4b:s31+s3], $0x50, $0x38;
	[tilespmem:$0x1E400] =	vst v63  }
0x100: {  	_ =	swait.ge [sflag:s28], $0x2800  }
0x101: {  	[sflag:s28] =	ssyncset.done $0x0  }
0x102: {  	s12 =	simm.s32 $0x14180;
	s31 =	sadd.s32 $0x46, s30;
	[sflag:s28] =	ssyncadd.s32 $0xFFFFD800  }
0x103: {  	[tilespmem:s12], [sflag:$0x4] =	stream.linear.gather [hbm4b:s31+s3], $0x50, $0x38;
	[tilespmem:$0x1E400] =	vst v63  }
0x104: {  	s17 =	simm.s32 $0x14380;
	s30 =	sadd.s32 $0x9C86, s30  }
0x105: {  	[tilespmem:s17], [sflag:$0x8] =	stream.linear.gather [hbm4b:s30+s3], $0x50, $0x38;
	[tilespmem:$0x1E400] =	vst v63  }
0x106: {  	s31 =	rddreg [dreg:$0x3];
	_ =	swait.ge [sflag:s9], $0x50  }
0x107: {  	[sflag:s9] =	ssyncset.done $0x0  }
0x108: {  	[sflag:s9] =	ssyncadd.s32 $0xFFFFFFB0  }
0x109: {  	_ =	swait.ge [sflag:s10], $0x50  }
0x10a: {  	[sflag:s10] =	ssyncset.done $0x0  }
0x10b: {  	s0 =	simm.s32 $0x14000;
	s17 =	simm.s32 $0x14400;
	[sflag:s10] =	ssyncadd.s32 $0xFFFFFFB0  }
0x10c: {  	[tilespmem:s17], [sflag:$0x9] =	stream.indirect.gather [hbm4b:s5+s11], $0x80, s0, s11, $0xb8;
	[tilespmem:$0x1E400] =	vst v63  }
0x10d: {  	_ =	swait.ge [sflag:s13], $0x50  }
0x10e: {  	[sflag:s13] =	ssyncset.done $0x0  }
0x10f: {  	[sflag:s13] =	ssyncadd.s32 $0xFFFFFFB0  }
0x110: {  	_ =	swait.ge [sflag:s14], $0x50  }
0x111: {  	[sflag:s14] =	ssyncset.done $0x0  }
0x112: {  	s20 =	simm.s32 $0x16C00;
	[sflag:s14] =	ssyncadd.s32 $0xFFFFFFB0  }
0x113: {  	[tilespmem:s20], [sflag:$0xA] =	stream.indirect.gather [hbm4b:s5+s11], $0x80, s2, s11, $0xb8;
	[tilespmem:$0x1E400] =	vst v63  }
0x114: {  	_ =	swait.ge [sflag:s18], $0x50  }
0x115: {  	[sflag:s18] =	ssyncset.done $0x0  }
0x116: {  	[sflag:s18] =	ssyncadd.s32 $0xFFFFFFB0  }
0x117: {  	_ =	swait.ge [sflag:s19], $0x50  }
0x118: {  	[sflag:s19] =	ssyncset.done $0x0  }
0x119: {  	s20 =	simm.s32 $0x19400;
	[sflag:s19] =	ssyncadd.s32 $0xFFFFFFB0  }
0x11a: {  	[tilespmem:s20], [sflag:$0xB] =	stream.indirect.gather [hbm4b:s5+s11], $0x80, s6, s11, $0xb8;
	[tilespmem:$0x1E400] =	vst v63  }
0x11b: {  	_ =	swait.ge [sflag:s21], $0x50  }
0x11c: {  	[sflag:s21] =	ssyncset.done $0x0  }
0x11d: {  	[sflag:s21] =	ssyncadd.s32 $0xFFFFFFB0  }
0x11e: {  	_ =	swait.ge [sflag:s22], $0x50  }
0x11f: {  	[sflag:s22] =	ssyncset.done $0x0  }
0x120: {  	[sflag:s22] =	ssyncadd.s32 $0xFFFFFFB0  }
0x121: {  	[tilespmem:s24], [sflag:$0xC] =	stream.indirect.gather [hbm4b:s5+s11], $0x80, s12, s11, $0xb8;
	[tilespmem:$0x1E400] =	vst v63  }
0x122: {  	_ =	swait.ge [sflag:s25], $0x2800  }
0x123: {  	[sflag:s25] =	ssyncset.done $0x0  }
0x124: {  	s0 =	simm.s32 $0x14200;
	[sflag:s25] =	ssyncadd.s32 $0xFFFFD800  }
0x125: {  	[spmem:s1] =	stream.indirect.scatter.add.f32 [tilespmem:s17], [sflag:$0xD], $0x80, s0, s11, $0xb8;
	[tilespmem:$0x1E400] =	vst v63  }
0x126: {  	_ =	swait.ge [sflag:s7], $0x2800  }
0x127: {  	[sflag:s7] =	ssyncset.done $0x0  }
0x128: {  	s2 =	simm.s32 $0x16C00;
	s0 =	simm.s32 $0x14280;
	[sflag:s7] =	ssyncadd.s32 $0xFFFFD800  }
0x129: {  	[spmem:s1] =	stream.indirect.scatter.add.f32 [tilespmem:s2], [sflag:$0xE], $0x80, s0, s11, $0xb8;
	[tilespmem:$0x1E400] =	vst v63  }
0x12a: {  	_ =	swait.ge [sflag:s8], $0x2800  }
0x12b: {  	p2 =	sne.s32 s29, $0x960;
	[sflag:s8] =	ssyncset.done $0x0  }
.Ltmp3:
0x12c: {  	s2 =	simm.s32 $0x14300;
	[sflag:s8] =	ssyncadd.s32 $0xFFFFD800;
	(pc) =	sbr.rel @p2 .LBB2_6-.Ltmp3, $4  }
0x12d: {  	[spmem:s1] =	stream.indirect.scatter.add.f32 [tilespmem:s20], [sflag:$0xF], $0x80, s2, s11, $0xb8;
	[tilespmem:$0x1E400] =	vst v63  }
0x12e: {  	_ =	swait.ge [sflag:s15], $0x2800  }
0x12f: {  	[sflag:s15] =	ssyncset.done $0x0  }
0x130: {  	s29 =	sadd.s32 $0x28, s29;
	s30 =	simm.s32 $0x14380;
	[sflag:s15] =	ssyncadd.s32 $0xFFFFD800  }
.Ltmp4:
0x131: {  	_ = 	snop;
	(pc) =	sbr.rel .LBB2_7-.Ltmp4, $1  }
0x132: {  	_ =	sdelay $0x3  }
.LBB2_2:
0x133: {  	s17 =	simm.s32 $0x14400  }
0x134: {  	[tilespmem:s17], [sflag:$0x9] =	stream.indirect.gather [hbm4b:s4+s11], $0x80, s20, s11, $0xb8;
	[tilespmem:$0x1E400] =	vst v63  }
0x135: {  	_ =	swait.ge [sflag:s13], $0x50  }
0x136: {  	[sflag:s13] =	ssyncset.done $0x0  }
0x137: {  	[sflag:s13] =	ssyncadd.s32 $0xFFFFFFB0  }
0x138: {  	_ =	swait.ge [sflag:s14], $0x50  }
0x139: {  	[sflag:s14] =	ssyncset.done $0x0  }
0x13a: {  	s20 =	simm.s32 $0x16C00;
	[sflag:s14] =	ssyncadd.s32 $0xFFFFFFB0  }
0x13b: {  	[tilespmem:s20], [sflag:$0xA] =	stream.indirect.gather [hbm4b:s4+s11], $0x80, s2, s11, $0xb8;
	[tilespmem:$0x1E400] =	vst v63  }
0x13c: {  	_ =	swait.ge [sflag:s18], $0x50  }
0x13d: {  	[sflag:s18] =	ssyncset.done $0x0  }
0x13e: {  	[sflag:s18] =	ssyncadd.s32 $0xFFFFFFB0  }
0x13f: {  	_ =	swait.ge [sflag:s19], $0x50  }
0x140: {  	[sflag:s19] =	ssyncset.done $0x0  }
0x141: {  	s29 =	simm.s32 $0x19400;
	[sflag:s19] =	ssyncadd.s32 $0xFFFFFFB0  }
0x142: {  	[tilespmem:s29], [sflag:$0xB] =	stream.indirect.gather [hbm4b:s4+s11], $0x80, s6, s11, $0xb8;
	[tilespmem:$0x1E400] =	vst v63  }
0x143: {  	_ =	swait.ge [sflag:s21], $0x50  }
0x144: {  	[sflag:s21] =	ssyncset.done $0x0  }
0x145: {  	[sflag:s21] =	ssyncadd.s32 $0xFFFFFFB0  }
0x146: {  	_ =	swait.ge [sflag:s22], $0x50  }
0x147: {  	[sflag:s22] =	ssyncset.done $0x0  }
0x148: {  	[sflag:s22] =	ssyncadd.s32 $0xFFFFFFB0  }
0x149: {  	[tilespmem:s24], [sflag:$0xC] =	stream.indirect.gather [hbm4b:s4+s11], $0x80, s12, s11, $0xb8;
	[tilespmem:$0x1E400] =	vst v63  }
0x14a: {  	_ =	swait.ge [sflag:s25], $0x2800  }
0x14b: {  	[sflag:s25] =	ssyncset.done $0x0  }
0x14c: {  	s30 =	simm.s32 $0x14200;
	s17 =	simm.s32 $0x14400;
	[sflag:s25] =	ssyncadd.s32 $0xFFFFD800  }
0x14d: {  	[spmem:s1] =	stream.indirect.scatter.add.f32 [tilespmem:s17], [sflag:$0xD], $0x80, s30, s11, $0xb8;
	[tilespmem:$0x1E400] =	vst v63  }
0x14e: {  	_ =	swait.ge [sflag:s7], $0x2800  }
0x14f: {  	[sflag:s7] =	ssyncset.done $0x0  }
0x150: {  	s31 =	simm.s32 $0x16C00;
	s17 =	simm.s32 $0x14280;
	[sflag:s7] =	ssyncadd.s32 $0xFFFFD800  }
0x151: {  	[spmem:s1] =	stream.indirect.scatter.add.f32 [tilespmem:s31], [sflag:$0xE], $0x80, s17, s11, $0xb8;
	[tilespmem:$0x1E400] =	vst v63  }
0x152: {  	_ =	swait.ge [sflag:s8], $0x2800  }
0x153: {  	[sflag:s8] =	ssyncset.done $0x0  }
0x154: {  	[sflag:s8] =	ssyncadd.s32 $0xFFFFD800  }
0x155: {  	[spmem:s1] =	stream.indirect.scatter.add.f32 [tilespmem:s29], [sflag:$0xF], $0x80, s0, s11, $0xb8;
	[tilespmem:$0x1E400] =	vst v63  }
0x156: {  	_ =	swait.ge [sflag:s15], $0x2800  }
0x157: {  	[sflag:s15] =	ssyncset.done $0x0  }
0x158: {  	s17 =	simm.s32 $0x14380;
	[sflag:s15] =	ssyncadd.s32 $0xFFFFD800  }
0x159: {  	[spmem:s1] =	stream.indirect.scatter.add.f32 [tilespmem:s24], [sflag:$0x10], $0x80, s17, s11, $0xb8;
	[tilespmem:$0x1E400] =	vst v63  }
0x15a: {  	_ =	swait.ge [sflag:s16], $0x2800  }
0x15b: {  	s31 =	rddreg [dreg:$0x3]  }
0x15c: {  	[sflag:s16] =	ssyncset.done $0x0;
	s0 =	sadd.s32 $0x0, s31  }
0x15d: {  	s30 =	simm.s32 $0x14000;
	[sflag:s16] =	ssyncadd.s32 $0xFFFFD800;
	s29 =	sadd.s32 $0x28, s0  }
0x15e: {  	[tilespmem:s30], [sflag:$0x1] =	stream.linear.gather [hbm4b:s29+s3], $0x50, $0x38;
	[tilespmem:$0x1E400] =	vst v63  }
0x15f: {  	s20 =	simm.s32 $0x14200;
	s29 =	sadd.s32 $0x9C68, s0  }
0x160: {  	[tilespmem:s20], [sflag:$0x5] =	stream.linear.gather [hbm4b:s29+s3], $0x50, $0x38;
	[tilespmem:$0x1E400] =	vst v63  }
0x161: {  	_ =	swait.ge [sflag:s23], $0x2800  }
0x162: {  	[sflag:s23] =	ssyncset.done $0x0  }
0x163: {  	s29 =	sadd.s32 $0x32, s0;
	[sflag:s23] =	ssyncadd.s32 $0xFFFFD800  }
0x164: {  	[tilespmem:s2], [sflag:$0x2] =	stream.linear.gather [hbm4b:s29+s3], $0x50, $0x38;
	[tilespmem:$0x1E400] =	vst v63  }
0x165: {  	s20 =	simm.s32 $0x14280;
	s29 =	sadd.s32 $0x9C72, s0  }
0x166: {  	[tilespmem:s20], [sflag:$0x6] =	stream.linear.gather [hbm4b:s29+s3], $0x50, $0x38;
	[tilespmem:$0x1E400] =	vst v63  }
0x167: {  	_ =	swait.ge [sflag:s26], $0x2800  }
0x168: {  	[sflag:s26] =	ssyncset.done $0x0  }
0x169: {  	s29 =	sadd.s32 $0x3C, s0;
	[sflag:s26] =	ssyncadd.s32 $0xFFFFD800  }
0x16a: {  	[tilespmem:s6], [sflag:$0x3] =	stream.linear.gather [hbm4b:s29+s3], $0x50, $0x38;
	[tilespmem:$0x1E400] =	vst v63  }
0x16b: {  	s20 =	simm.s32 $0x14300;
	s29 =	sadd.s32 $0x9C7C, s0  }
0x16c: {  	[tilespmem:s20], [sflag:$0x7] =	stream.linear.gather [hbm4b:s29+s3], $0x50, $0x38;
	[tilespmem:$0x1E400] =	vst v63  }
0x16d: {  	_ =	swait.ge [sflag:s28], $0x2800  }
0x16e: {  	[sflag:s28] =	ssyncset.done $0x0  }
0x16f: {  	s29 =	sadd.s32 $0x46, s0;
	[sflag:s28] =	ssyncadd.s32 $0xFFFFD800  }
0x170: {  	[tilespmem:s12], [sflag:$0x4] =	stream.linear.gather [hbm4b:s29+s3], $0x50, $0x38;
	[tilespmem:$0x1E400] =	vst v63  }
0x171: {  	s29 =	sadd.s32 $0x9C86, s0  }
0x172: {  	[tilespmem:s17], [sflag:$0x8] =	stream.linear.gather [hbm4b:s29+s3], $0x50, $0x38;
	[tilespmem:$0x1E400] =	vst v63  }
0x173: {  	_ =	swait.ge [sflag:s9], $0x50  }
0x174: {  	[sflag:s9] =	ssyncset.done $0x0  }
0x175: {  	[sflag:s9] =	ssyncadd.s32 $0xFFFFFFB0  }
0x176: {  	_ =	swait.ge [sflag:s10], $0x50  }
0x177: {  	[sflag:s10] =	ssyncset.done $0x0  }
0x178: {  	s0 =	simm.s32 $0x14400;
	[sflag:s10] =	ssyncadd.s32 $0xFFFFFFB0  }
0x179: {  	[tilespmem:s0], [sflag:$0x9] =	stream.indirect.gather [hbm4b:s4+s11], $0x80, s30, s11, $0xb8;
	[tilespmem:$0x1E400] =	vst v63  }
0x17a: {  	_ =	swait.ge [sflag:s13], $0x50  }
0x17b: {  	[sflag:s13] =	ssyncset.done $0x0  }
0x17c: {  	[sflag:s13] =	ssyncadd.s32 $0xFFFFFFB0  }
0x17d: {  	_ =	swait.ge [sflag:s14], $0x50  }
0x17e: {  	[sflag:s14] =	ssyncset.done $0x0  }
0x17f: {  	s20 =	simm.s32 $0x16C00;
	[sflag:s14] =	ssyncadd.s32 $0xFFFFFFB0  }
0x180: {  	[tilespmem:s20], [sflag:$0xA] =	stream.indirect.gather [hbm4b:s4+s11], $0x80, s2, s11, $0xb8;
	[tilespmem:$0x1E400] =	vst v63  }
0x181: {  	_ =	swait.ge [sflag:s18], $0x50  }
0x182: {  	[sflag:s18] =	ssyncset.done $0x0  }
0x183: {  	[sflag:s18] =	ssyncadd.s32 $0xFFFFFFB0  }
0x184: {  	_ =	swait.ge [sflag:s19], $0x50  }
0x185: {  	[sflag:s19] =	ssyncset.done $0x0  }
0x186: {  	s20 =	simm.s32 $0x19400;
	[sflag:s19] =	ssyncadd.s32 $0xFFFFFFB0  }
0x187: {  	[tilespmem:s20], [sflag:$0xB] =	stream.indirect.gather [hbm4b:s4+s11], $0x80, s6, s11, $0xb8;
	[tilespmem:$0x1E400] =	vst v63  }
0x188: {  	_ =	swait.ge [sflag:s21], $0x50  }
0x189: {  	[sflag:s21] =	ssyncset.done $0x0  }
0x18a: {  	[sflag:s21] =	ssyncadd.s32 $0xFFFFFFB0  }
0x18b: {  	_ =	swait.ge [sflag:s22], $0x50  }
0x18c: {  	[sflag:s22] =	ssyncset.done $0x0  }
0x18d: {  	[sflag:s22] =	ssyncadd.s32 $0xFFFFFFB0  }
0x18e: {  	[tilespmem:s24], [sflag:$0xC] =	stream.indirect.gather [hbm4b:s4+s11], $0x80, s12, s11, $0xb8;
	[tilespmem:$0x1E400] =	vst v63  }
0x18f: {  	_ =	swait.ge [sflag:s25], $0x2800  }
0x190: {  	[sflag:s25] =	ssyncset.done $0x0  }
0x191: {  	s17 =	simm.s32 $0x14200;
	[sflag:s25] =	ssyncadd.s32 $0xFFFFD800  }
0x192: {  	[spmem:s1] =	stream.indirect.scatter.add.f32 [tilespmem:s0], [sflag:$0xD], $0x80, s17, s11, $0xb8;
	[tilespmem:$0x1E400] =	vst v63  }
0x193: {  	_ =	swait.ge [sflag:s7], $0x2800  }
0x194: {  	[sflag:s7] =	ssyncset.done $0x0  }
0x195: {  	s2 =	simm.s32 $0x16C00;
	s12 =	simm.s32 $0x14280;
	[sflag:s7] =	ssyncadd.s32 $0xFFFFD800  }
0x196: {  	[spmem:s1] =	stream.indirect.scatter.add.f32 [tilespmem:s2], [sflag:$0xE], $0x80, s12, s11, $0xb8;
	[tilespmem:$0x1E400] =	vst v63  }
0x197: {  	_ =	swait.ge [sflag:s8], $0x2800  }
0x198: {  	[sflag:s8] =	ssyncset.done $0x0  }
0x199: {  	s17 =	simm.s32 $0x14300;
	[sflag:s8] =	ssyncadd.s32 $0xFFFFD800  }
0x19a: {  	[spmem:s1] =	stream.indirect.scatter.add.f32 [tilespmem:s20], [sflag:$0xF], $0x80, s17, s11, $0xb8;
	[tilespmem:$0x1E400] =	vst v63  }
0x19b: {  	_ =	swait.ge [sflag:s15], $0x2800  }
0x19c: {  	[sflag:s15] =	ssyncset.done $0x0  }
0x19d: {  	s29 =	simm.s32 $0x28;
	s30 =	simm.s32 $0x14380;
	[sflag:s15] =	ssyncadd.s32 $0xFFFFD800  }
.LBB2_3:
0x19e: {  	[spmem:s1] =	stream.indirect.scatter.add.f32 [tilespmem:s24], [sflag:$0x10], $0x80, s30, s11, $0xb8;
	[tilespmem:$0x1E400] =	vst v63  }
0x19f: {  	s30 =	smov.u32 s29;
	_ =	swait.ge [sflag:s16], $0x2800  }
0x1a0: {  	s30 =	sadd.s32 s30, s31;
	[sflag:s16] =	ssyncset.done $0x0  }
0x1a1: {  	s0 =	simm.s32 $0x14000;
	s31 =	sadd.s32 $0x28, s30;
	[sflag:s16] =	ssyncadd.s32 $0xFFFFD800  }
0x1a2: {  	[tilespmem:s0], [sflag:$0x1] =	stream.linear.gather [hbm4b:s31+s3], $0x50, $0x38;
	[tilespmem:$0x1E400] =	vst v63  }
0x1a3: {  	s2 =	simm.s32 $0x14200;
	s31 =	sadd.s32 $0x9C68, s30  }
0x1a4: {  	[tilespmem:s2], [sflag:$0x5] =	stream.linear.gather [hbm4b:s31+s3], $0x50, $0x38;
	[tilespmem:$0x1E400] =	vst v63  }
0x1a5: {  	_ =	swait.ge [sflag:s23], $0x2800  }
0x1a6: {  	[sflag:s23] =	ssyncset.done $0x0  }
0x1a7: {  	s2 =	simm.s32 $0x14080;
	s31 =	sadd.s32 $0x32, s30;
	[sflag:s23] =	ssyncadd.s32 $0xFFFFD800  }
0x1a8: {  	[tilespmem:s2], [sflag:$0x2] =	stream.linear.gather [hbm4b:s31+s3], $0x50, $0x38;
	[tilespmem:$0x1E400] =	vst v63  }
0x1a9: {  	s6 =	simm.s32 $0x14280;
	s31 =	sadd.s32 $0x9C72, s30  }
0x1aa: {  	[tilespmem:s6], [sflag:$0x6] =	stream.linear.gather [hbm4b:s31+s3], $0x50, $0x38;
	[tilespmem:$0x1E400] =	vst v63  }
0x1ab: {  	_ =	swait.ge [sflag:s26], $0x2800  }
0x1ac: {  	[sflag:s26] =	ssyncset.done $0x0  }
0x1ad: {  	s6 =	simm.s32 $0x14100;
	s31 =	sadd.s32 $0x3C, s30;
	[sflag:s26] =	ssyncadd.s32 $0xFFFFD800  }
0x1ae: {  	[tilespmem:s6], [sflag:$0x3] =	stream.linear.gather [hbm4b:s31+s3], $0x50, $0x38;
	[tilespmem:$0x1E400] =	vst v63  }
0x1af: {  	s12 =	simm.s32 $0x14300;
	s31 =	sadd.s32 $0x9C7C, s30  }
0x1b0: {  	[tilespmem:s12], [sflag:$0x7] =	stream.linear.gather [hbm4b:s31+s3], $0x50, $0x38;
	[tilespmem:$0x1E400] =	vst v63  }
0x1b1: {  	_ =	swait.ge [sflag:s28], $0x2800  }
0x1b2: {  	[sflag:s28] =	ssyncset.done $0x0  }
0x1b3: {  	s12 =	simm.s32 $0x14180;
	s31 =	sadd.s32 $0x46, s30;
	[sflag:s28] =	ssyncadd.s32 $0xFFFFD800  }
0x1b4: {  	[tilespmem:s12], [sflag:$0x4] =	stream.linear.gather [hbm4b:s31+s3], $0x50, $0x38;
	[tilespmem:$0x1E400] =	vst v63  }
0x1b5: {  	s17 =	simm.s32 $0x14380;
	s30 =	sadd.s32 $0x9C86, s30  }
0x1b6: {  	[tilespmem:s17], [sflag:$0x8] =	stream.linear.gather [hbm4b:s30+s3], $0x50, $0x38;
	[tilespmem:$0x1E400] =	vst v63  }
0x1b7: {  	s31 =	rddreg [dreg:$0x3];
	_ =	swait.ge [sflag:s9], $0x50  }
0x1b8: {  	[sflag:s9] =	ssyncset.done $0x0  }
0x1b9: {  	[sflag:s9] =	ssyncadd.s32 $0xFFFFFFB0  }
0x1ba: {  	_ =	swait.ge [sflag:s10], $0x50  }
0x1bb: {  	[sflag:s10] =	ssyncset.done $0x0  }
0x1bc: {  	s0 =	simm.s32 $0x14000;
	s17 =	simm.s32 $0x14400;
	[sflag:s10] =	ssyncadd.s32 $0xFFFFFFB0  }
0x1bd: {  	[tilespmem:s17], [sflag:$0x9] =	stream.indirect.gather [hbm4b:s4+s11], $0x80, s0, s11, $0xb8;
	[tilespmem:$0x1E400] =	vst v63  }
0x1be: {  	_ =	swait.ge [sflag:s13], $0x50  }
0x1bf: {  	[sflag:s13] =	ssyncset.done $0x0  }
0x1c0: {  	[sflag:s13] =	ssyncadd.s32 $0xFFFFFFB0  }
0x1c1: {  	_ =	swait.ge [sflag:s14], $0x50  }
0x1c2: {  	[sflag:s14] =	ssyncset.done $0x0  }
0x1c3: {  	s20 =	simm.s32 $0x16C00;
	[sflag:s14] =	ssyncadd.s32 $0xFFFFFFB0  }
0x1c4: {  	[tilespmem:s20], [sflag:$0xA] =	stream.indirect.gather [hbm4b:s4+s11], $0x80, s2, s11, $0xb8;
	[tilespmem:$0x1E400] =	vst v63  }
0x1c5: {  	_ =	swait.ge [sflag:s18], $0x50  }
0x1c6: {  	[sflag:s18] =	ssyncset.done $0x0  }
0x1c7: {  	[sflag:s18] =	ssyncadd.s32 $0xFFFFFFB0  }
0x1c8: {  	_ =	swait.ge [sflag:s19], $0x50  }
0x1c9: {  	[sflag:s19] =	ssyncset.done $0x0  }
0x1ca: {  	s20 =	simm.s32 $0x19400;
	[sflag:s19] =	ssyncadd.s32 $0xFFFFFFB0  }
0x1cb: {  	[tilespmem:s20], [sflag:$0xB] =	stream.indirect.gather [hbm4b:s4+s11], $0x80, s6, s11, $0xb8;
	[tilespmem:$0x1E400] =	vst v63  }
0x1cc: {  	_ =	swait.ge [sflag:s21], $0x50  }
0x1cd: {  	[sflag:s21] =	ssyncset.done $0x0  }
0x1ce: {  	[sflag:s21] =	ssyncadd.s32 $0xFFFFFFB0  }
0x1cf: {  	_ =	swait.ge [sflag:s22], $0x50  }
0x1d0: {  	[sflag:s22] =	ssyncset.done $0x0  }
0x1d1: {  	[sflag:s22] =	ssyncadd.s32 $0xFFFFFFB0  }
0x1d2: {  	[tilespmem:s24], [sflag:$0xC] =	stream.indirect.gather [hbm4b:s4+s11], $0x80, s12, s11, $0xb8;
	[tilespmem:$0x1E400] =	vst v63  }
0x1d3: {  	_ =	swait.ge [sflag:s25], $0x2800  }
0x1d4: {  	[sflag:s25] =	ssyncset.done $0x0  }
0x1d5: {  	s0 =	simm.s32 $0x14200;
	[sflag:s25] =	ssyncadd.s32 $0xFFFFD800  }
0x1d6: {  	[spmem:s1] =	stream.indirect.scatter.add.f32 [tilespmem:s17], [sflag:$0xD], $0x80, s0, s11, $0xb8;
	[tilespmem:$0x1E400] =	vst v63  }
0x1d7: {  	_ =	swait.ge [sflag:s7], $0x2800  }
0x1d8: {  	[sflag:s7] =	ssyncset.done $0x0  }
0x1d9: {  	s2 =	simm.s32 $0x16C00;
	s0 =	simm.s32 $0x14280;
	[sflag:s7] =	ssyncadd.s32 $0xFFFFD800  }
0x1da: {  	[spmem:s1] =	stream.indirect.scatter.add.f32 [tilespmem:s2], [sflag:$0xE], $0x80, s0, s11, $0xb8;
	[tilespmem:$0x1E400] =	vst v63  }
0x1db: {  	_ =	swait.ge [sflag:s8], $0x2800  }
0x1dc: {  	p2 =	seq.s32 s29, $0x960;
	[sflag:s8] =	ssyncset.done $0x0  }
.Ltmp5:
0x1dd: {  	s2 =	simm.s32 $0x14300;
	[sflag:s8] =	ssyncadd.s32 $0xFFFFD800;
	(pc) =	sbr.rel @!p2 .LBB2_3-.Ltmp5, $4  }
0x1de: {  	[spmem:s1] =	stream.indirect.scatter.add.f32 [tilespmem:s20], [sflag:$0xF], $0x80, s2, s11, $0xb8;
	[tilespmem:$0x1E400] =	vst v63  }
0x1df: {  	_ =	swait.ge [sflag:s15], $0x2800  }
0x1e0: {  	[sflag:s15] =	ssyncset.done $0x0  }
0x1e1: {  	s29 =	sadd.s32 $0x28, s29;
	s30 =	simm.s32 $0x14380;
	[sflag:s15] =	ssyncadd.s32 $0xFFFFD800  }
.Ltmp6:
0x1e2: {  	(pc) =	sbr.rel .LBB2_8-.Ltmp6, $3  }
0x1e3: {  	_ =	sdelay $0x1  }
0x1e4: {  	[spmem:s1] =	stream.indirect.scatter.add.f32 [tilespmem:s24], [sflag:$0x10], $0x80, s30, s11, $0xb8;
	[tilespmem:$0x1E400] =	vst v63  }
0x1e5: {  	s29 =	smov.u32 s4;
	s0 =	rddreg [dreg:$0x17]  }
.LBB2_9:
0x1e6: {  	_ =	sfence.sel $0x180000  }
0x1e7: {  	[bflag:$0x0] =	sbarrier.arrive $0xFFFF  }
0x1e8: {  	_ =	strace $0x9000004D  }
0x1e9: {  	s0 =	stileid.u32;
	[bflag:$0x2] =	sbarrier.arrive $0xFFFF  }
0x1ea: {  	p0 =	sne.s32 s0, $0x0;
	s0 =	rddreg [dreg:$0x2]  }
0x1eb: {  	s0 =	sadd.s32 @!p0 $0x100000, s0  }
0x1ec: {  	[sflag:s0] =	ssyncadd.tile.s32 @!p0 $0x1;
	_ =	shalt  }
.Lfunc_end2:
_tile_overlayer_lowered:
.L_overlay_start_2:
0x1ed: {  	(tag) =	ssettag $0x2  }
0x1ee: {  	s0 =	rddreg [dreg:$0x0];
	s2 =	stileid.u32  }
0x1ef: {  	s1 =	rddreg [dreg:$0x1];
	p0 =	sne.s32 s2, $0x0  }
0x1f0: {  	s3 =	rddreg [dreg:$0x2];
	[bflag:$0x3] =	sbarrier.arrive $0xFFFF;
	s2 =	simm.s32 @!p0 $0x1C11  }
0x1f1: {  	[timem:s3], [sflag:s2] =	dma.local @!p0 [hbm:s0], s1  }
0x1f2: {  	s0 =	simm.s32 @!p0 $0x11  }
0x1f3: {  	_ =	swait.ge @!p0 [sflag:s0], s1  }
0x1f4: {  	s1 =	ssub.s32 @!p0 $0x0, s1;
	[sflag:s0] =	ssyncset.done @!p0 $0x0  }
0x1f5: {  	[sflag:s0] =	ssyncadd.s32 @!p0 s1  }
0x1f6: {  	[bflag:$0x3] =	sbarrier.arrive $0xFFFF  }
0x1f7: {  	_ =	shalt  }

// kernel: kernel.9.cloned.1.call-start
scs
__scs_entry_jumppad:
0x0: {  	(pc) =	sbr.rel $0x88, $3  }
0x1: {  	(tag) =	ssettag $0x0;
	lr =	simm.s32 $0x1  }
0x2: {  	[smem:$0x3F8D] =	sst lr;
	_ =	strace $0xD0000000  }
0x3: {  	_ = 	snop  }
0x4: {  	_ = 	snop  }
0x5: {  	_ = 	snop  }
0x6: {  	_ = 	snop  }
0x7: {  	_ = 	snop  }
__scs_overlays_trampoline_lowered:
0x8: {  	[smem:$0x3F9C] =	sst s0  }
0x9: {  	[smem:$0x3F9D] =	sst s1  }
0xa: {  	[smem:$0x3F9E] =	sst s2  }
0xb: {  	[smem:$0x3F9F] =	sst s3  }
0xc: {  	[smem:$0x3FA0] =	sst s4  }
0xd: {  	[smem:$0x3FA1] =	sst s5  }
0xe: {  	[smem:$0x3FA2] =	sst s6  }
0xf: {  	[smem:$0x3FA3] =	sst s7  }
0x10: {  	[smem:$0x3FA4] =	sst s8  }
0x11: {  	[smem:$0x3FA5] =	sst s9;
	s0 =	simm.s32 @!p0 $0x0  }
0x12: {  	s1 =	sld [smem:$0x3F8B];
	s0 =	simm.s32 @p0 $0x1  }
0x13: {  	[smem:$0x3FA6] =	sst s0;
	s0 =	simm.s32 @!p1 $0x0  }
0x14: {  	s2 =	sld [smem:$0x3F8A];
	s0 =	simm.s32 @p1 $0x1  }
0x15: {  	[smem:$0x3FA7] =	sst s0;
	s0 =	simm.s32 @!p2 $0x0  }
0x16: {  	s3 =	sld [smem:$0x3FDB];
	s0 =	simm.s32 @p2 $0x1  }
0x17: {  	s4 =	simm.s32 $0x1BF5;
	[smem:$0x3FA9] =	sst s0  }
0x18: {  	s0 =	sld [smem:$0x3F8C];
	_ =	swait.ge [sflag:s4], $0x0  }
0x19: {  	s7 =	sld [smem:$0x3F8D]  }
0x1a: {  	s8 =	sadd.s32 $0xFFFFE003, lr  }
0x1b: {  	s9 =	sadd.s32 $0xFFFFFEF7, lr;
	s5 =	simm.s32 $0xFFFFFFFF;
	p2 =	slt.u32 s8, $0xFFFFF086  }
0x1c: {  	p1 =	slt.u32 s9, $0xF7A;
	s5 =	simm.s32 @!p2 $0x0  }
0x1d: {  	s5 =	simm.s32 @p1 $0x1;
	p0 =	seq.s32 s7, s2  }
0x1e: {  	s7 =	smul.u32 @!p0 $0xF7A, s2;
	p2 =	seq.s32 @!p0 s5, $0x0  }
0x1f: {  	s9 =	smul.u32 $0xF7A, s1;
	s8 =	simm.s32 @!p0 $0x1BF5;
	p2 =	por !p2, p0  }
0x20: {  	[sflag:s8] =	ssyncset.s32 @!p0 $0xFFFFF086;
	s6 =	sadd.s32 @!p0 s3, s7;
	s7 =	simm.s32 @!p0 $0x108  }
0x21: {  	s3 =	sadd.s32 s3, s9;
	s6 =	sadd.s32 @!p0 $0x88, s6;
	s7 =	simm.s32 @p2 $0x1082  }
0x22: {  	[simem:s7], [sflag:s8] =	dma.local @!p0 [hbm:s6], $0xF7A  }
0x23: {  	s9 =	sor.u32 $0xD0000000, s2;
	s6 =	simm.s32 $0x108;
	_ =	swait.ge @!p0 [sflag:s8], $0x0  }
0x24: {  	s3 =	sadd.s32 $0x88, s3;
	s6 =	simm.s32 @!p1 $0x1082;
	[sflag:s4] =	ssyncset.s32 $0xFFFFF086  }
0x25: {  	[simem:s6], [sflag:s4] =	dma.local [hbm:s3], $0xF7A  }
0x26: {  	[smem:$0x3F8D] =	sst s1;
	(tag) =	ssettag s2;
	_ =	strace s9  }
0x27: {  	s1 =	sld [smem:$0x3F9D]  }
0x28: {  	s2 =	sld [smem:$0x3F9E]  }
0x29: {  	s4 =	sld [smem:$0x3FA0]  }
0x2a: {  	p0 =	seq.s32 s5, $0x0;
	s5 =	sld [smem:$0x3FA1]  }
0x2b: {  	s6 =	sld [smem:$0x3FA2]  }
0x2c: {  	s7 =	sld [smem:$0x3FA3]  }
0x2d: {  	s3 =	simm.s32 $0x108;
	s8 =	sld [smem:$0x3FA4]  }
0x2e: {  	s3 =	simm.s32 @!p0 $0x1082;
	s9 =	sld [smem:$0x3FA5]  }
0x2f: {  	lr =	sadd.s32 s0, s3;
	s0 =	sld [smem:$0x3F9C]  }
0x30: {  	s3 =	sld [smem:$0x3F9F]  }
0x31: {  	[smem:$0x3FA8] =	sst s10  }
0x32: {  	s10 =	sld [smem:$0x3FA6];
	_ =	sdelay $0x3  }
0x33: {  	p0 =	seq.s32 s10, $0x1;
	s10 =	sld [smem:$0x3FA8];
	_ =	sdelay $0x3  }
0x34: {  	[smem:$0x3FA8] =	sst s10  }
0x35: {  	s10 =	sld [smem:$0x3FA7];
	_ =	sdelay $0x3  }
0x36: {  	p1 =	seq.s32 s10, $0x1;
	s10 =	sld [smem:$0x3FA8];
	_ =	sdelay $0x3  }
0x37: {  	[smem:$0x3FA8] =	sst s10  }
0x38: {  	s10 =	sld [smem:$0x3FA9]  }
0x39: {  	_ = 	snop;
	(pc) =	sbr.ind lr, $3  }
0x3a: {  	_ = 	snop  }
0x3b: {  	_ = 	snop  }
0x3c: {  	p2 =	seq.s32 s10, $0x1;
	s10 =	sld [smem:$0x3FA8]  }
0x3d: {  	_ =	shalt  }
0x3e: {  	_ =	shalt  }
0x3f: {  	_ =	shalt  }
0x40: {  	_ =	shalt  }
0x41: {  	_ =	shalt  }
0x42: {  	_ =	shalt  }
0x43: {  	_ =	shalt  }
0x44: {  	_ =	shalt  }
0x45: {  	_ =	shalt  }
0x46: {  	_ =	shalt  }
0x47: {  	_ =	shalt  }
0x48: {  	_ =	shalt  }
0x49: {  	_ =	shalt  }
0x4a: {  	_ =	shalt  }
0x4b: {  	_ =	shalt  }
0x4c: {  	_ =	shalt  }
0x4d: {  	_ =	shalt  }
0x4e: {  	_ =	shalt  }
0x4f: {  	_ =	shalt  }
0x50: {  	_ =	shalt  }
0x51: {  	_ =	shalt  }
0x52: {  	_ =	shalt  }
0x53: {  	_ =	shalt  }
0x54: {  	_ =	shalt  }
0x55: {  	_ =	shalt  }
0x56: {  	_ =	shalt  }
0x57: {  	_ =	shalt  }
0x58: {  	_ =	shalt  }
0x59: {  	_ =	shalt  }
0x5a: {  	_ =	shalt  }
0x5b: {  	_ =	shalt  }
0x5c: {  	_ =	shalt  }
0x5d: {  	_ =	shalt  }
0x5e: {  	_ =	shalt  }
0x5f: {  	_ =	shalt  }
0x60: {  	_ =	shalt  }
0x61: {  	_ =	shalt  }
0x62: {  	_ =	shalt  }
0x63: {  	_ =	shalt  }
0x64: {  	_ =	shalt  }
0x65: {  	_ =	shalt  }
0x66: {  	_ =	shalt  }
0x67: {  	_ =	shalt  }
0x68: {  	_ =	shalt  }
0x69: {  	_ =	shalt  }
0x6a: {  	_ =	shalt  }
0x6b: {  	_ =	shalt  }
0x6c: {  	_ =	shalt  }
0x6d: {  	_ =	shalt  }
0x6e: {  	_ =	shalt  }
0x6f: {  	_ =	shalt  }
0x70: {  	_ =	shalt  }
0x71: {  	_ =	shalt  }
0x72: {  	_ =	shalt  }
0x73: {  	_ =	shalt  }
0x74: {  	_ =	shalt  }
0x75: {  	_ =	shalt  }
0x76: {  	_ =	shalt  }
0x77: {  	_ =	shalt  }
0x78: {  	_ =	shalt  }
0x79: {  	_ =	shalt  }
0x7a: {  	_ =	shalt  }
0x7b: {  	_ =	shalt  }
0x7c: {  	_ =	shalt  }
0x7d: {  	_ =	shalt  }
0x7e: {  	_ =	shalt  }
0x7f: {  	_ =	shalt  }
0x80: {  	_ =	shalt  }
0x81: {  	_ =	shalt  }
0x82: {  	_ =	shalt  }
0x83: {  	_ =	shalt  }
0x84: {  	_ =	shalt  }
0x85: {  	_ =	shalt  }
0x86: {  	_ =	shalt  }
0x87: {  	_ =	shalt  }
.Lfunc_end0:
.L_simem_size_0:
called_computation_lowered:
.L_overlay_start_0:
0x88: {  	s2 =	sld [smem:$0x3FD9]  }
0x89: {  	s3 =	sld [smem:$0x3FFE];
	_ =	sdelay $0x1  }
0x8a: {  	s1 =	srdreg.scid  }
0x8b: {  	s0 =	sand.u32 $0x1, s1  }
0x8c: {  	s17 =	sshll.u32 s0, $0xA;
	s2 =	sadd.s32 s3, s2  }
0x8d: {  	s2 =	sadd.s32 s2, s17  }
0x8e: {  	[smem:$0x3FB4] =	sst s2  }
0x8f: {  	_ = 	snop  }
0x90: {  	s2 =	sld [smem:$0x3FC9];
	(tm) =	ssettm $0x1  }
0x91: {  	s18 =	sld [smem:$0x3FFB];
	_ =	sdelay $0x3  }
0x92: {  	_ =	strace s18  }
0x93: {  	s3 =	sld [smem:$0x3FFC];
	_ =	sdelay $0x3  }
0x94: {  	_ =	strace s3  }
0x95: {  	s3 =	sld [smem:$0x3FFD];
	_ =	sdelay $0x3  }
0x96: {  	_ =	strace s3  }
0x97: {  	_ =	strace $0x8FFFFFFF  }
0x98: {  	s19 =	sld [smem:$0x3FDB];
	_ =	sdelay $0x1  }
0x99: {  	s4 =	simm.s32 $_scs_section_size  }
0x9a: {  	s5 =	simm.s32 $_size__tile_overlayer_lowered;
	s6 =	simm.s32 $_tile_overlayer_lowered  }
0x9b: {  	s22 =	simm.s32 $0x1BFF;
	s21 =	sshll.u32 s6, $0x1;
	s3 =	sadd.s32 s4, s19  }
0x9c: {  	s7 =	simm.s32 $0x0;
	s20 =	sshll.u32 s5, $0x1;
	s5 =	sadd.s32 s21, s3  }
0x9d: {  	[timem:s7], [sflag:s22] =	dma.local [hbm:s5], s20  }
0x9e: {  	_ =	swait.ge [sflag:s22], s20  }
0x9f: {  	s4 =	ssub.s32 $0x0, s20;
	[sflag:s22] =	ssyncset.done $0x0  }
0xa0: {  	[sflag:s22] =	ssyncadd.s32 s4;
	_ =	sdelay $0x1  }
0xa1: {  	s23 =	simm.s32 $0x1B8B  }
0xa2: {  	_ =	swait.ge [sflag:s23], $0x1  }
0xa3: {  	[sflag:s23] =	ssyncset.done $0x0  }
0xa4: {  	s25 =	simm.s32 $0x1B8E;
	s24 =	sld [smem:$0x3FFE];
	[sflag:s23] =	ssyncadd.s32 $0xFFFFFFFF  }
0xa5: {  	s26 =	simm.s32 $execute0_lowered;
	[smem:$0x3FD2] =	sst s25  }
0xa6: {  	s5 =	sshll.u32 s26, $0x1;
	_ =	strace $0x80000046;
	[dreg:$0x1] =	wrdreg $0xFFFFFFFF  }
0xa7: {  	s28 =	simm.s32 $_size_execute0_lowered;
	s3 =	sadd.s32 s3, s5;
	[dreg:$0x0] =	wrdreg $0x0  }
0xa8: {  	s5 =	sshll.u32 s28, $0x1;
	[dreg:$0x2] =	wrdreg s3  }
0xa9: {  	[dreg:$0x3] =	wrdreg s5  }
0xaa: {  	[dreg:$0x4] =	wrdreg $0xC0  }
0xab: {  	_ =	task [dreg:s7], $0x5FFFF  }
0xac: {  	[dreg:$0x1] =	wrdreg $0xFFFFFFFF  }
0xad: {  	[dreg:$0x0] =	wrdreg $0x60  }
0xae: {  	[dreg:$0x2] =	wrdreg s24  }
0xaf: {  	[dreg:$0x3] =	wrdreg s2  }
0xb0: {  	[dreg:$0x4] =	wrdreg $0x0  }
0xb1: {  	[dreg:$0x5] =	wrdreg $0x9  }
0xb2: {  	_ =	task.clear_ibuf [dreg:s7], $0x6FFFF;
	_ =	strace $0x90000046  }
0xb3: {  	s29 =	simm.s32 $0x9;
	_ =	strace $0x80000048  }
0xb4: {  	_ =	swait.ge [sflag:s29], $0x1  }
0xb5: {  	[sflag:s29] =	ssyncadd.s32 $0xFFFFFFFF  }
0xb6: {  	_ =	strace $0x90000048  }
0xb7: {  	_ =	sfence  }
0xb8: {  	s30 =	sld [smem:$0x0];
	_ =	sdelay $0x2  }
0xb9: {  	s31 =	sshll.u32 s1, $0xD;
	s1 =	sshrl.u32 s1, $0x2  }
0xba: {  	s3 =	sand.u32 $0x4000, s31;
	s1 =	sadd.s32 s1, s30  }
0xbb: {  	s0 =	sor.u32 s3, s0;
	s1 =	sshll.u32 s1, $0x11  }
0xbc: {  	s0 =	sor.u32 s1, s0  }
0xbd: {  	s0 =	sadd.s32 $0x8F2B, s0  }
0xbe: {  	[sflag:s0] =	ssyncadd.remote.s32 $0x1  }
0xbf: {  	_ =	sfence.sel $0xFFFF  }
0xc0: {  	[dreg:$0x0] =	wrdreg $0xFFFFFFFF;
	(pc) =	sbr.abs _section_cstart, $3  }
0xc1: {  	[dreg:$0x1] =	wrdreg $0xFFFFFFFF  }
0xc2: {  	_ =	task.clear_ibuf [dreg:s7], $0x2FFFF;
	_ =	strace $0x9FFFFFFF  }
0xc3: {  	(tm) =	ssettm $0x7FFFFFFF  }
tec
execute0_lowered:
.L_overlay_start_1:
0x0: {  	(tag) =	ssettag $0x1  }
0x1: {  	s0 =	rddreg [dreg:$0x0]  }
0x2: {  	s2 =	rddreg [dreg:$0x1]  }
0x3: {  	s1 =	srdreg.scid;
	s3 =	rddreg [dreg:$0x2];
	s4 =	simm.s32 $0x0  }
0x4: {  	s11 =	stileid.u32;
	s1 =	sand.u32 $0x1, s1;
	[smem:$0x7FF] =	sst s4  }
0x5: {  	s30 =	sadd.s32 $0x4C00, s0;
	s6 =	sadd.s32 $0x18600, s0;
	s18 =	smul.u32 $0x50000, s11  }
0x6: {  	s0 =	sadd.s32 $0x1AE00, s0;
	s23 =	smul.u32 $0x14000, s11;
	s25 =	sshll.u32 s11, $0x6  }
0x7: {  	s10 =	smul.u32 $0x2710, s11;
	p0 =	seq.s32 s11, $0xF;
	s5 =	sshll.u32 s1, $0x4  }
0x8: {  	_ =	strace $0x80000047;
	s21 =	smul.u32 $0x138800, s1;
	s5 =	sor.u32 s11, s5  }
0x9: {  	[dreg:$0xb] =	wrdreg s6;
	s16 =	ssub.s32 $0x2, s1;
	s5 =	smul.u32 $0x2710, s5  }
0xa: {  	s1 =	smul.u32 $0x27100, s1;
	s29 =	sor.u32 $0x1C11, s25;
	s6 =	sshrl.u32 s18, $0x2  }
0xb: {  	[dreg:$0x15] =	wrdreg s29;
	s26 =	sadd.s32 s6, s3;
	s5 =	sshrl.u32 s5, $0x3  }
0xc: {  	s7 =	sshrl.u32 s16, $0x1;
	[dreg:$0x14] =	wrdreg s26;
	s12 =	sadd.s32 s30, s5  }
0xd: {  	s1 =	sadd.s32 s10, s1;
	s17 =	sadd.s32 $0x9C40, s12;
	[dreg:$0xc] =	wrdreg s12  }
0xe: {  	s10 =	sadd.s32 $0x4E430, s1;
	s19 =	sadd.s32 $0xA, s12;
	[dreg:$0xd] =	wrdreg s17  }
0xf: {  	s14 =	sadd.s32 $0x230, s1;
	s20 =	sadd.s32 $0x9C4A, s12;
	[dreg:$0xe] =	wrdreg s19  }
0x10: {  	s15 =	sshrl.u32 s14, $0x3;
	s8 =	sadd.s32 $0x14, s12;
	[dreg:$0xf] =	wrdreg s20  }
0x11: {  	s14 =	simm.s32 $0x6;
	s22 =	sadd.s32 $0x9C54, s12;
	[dreg:$0x10] =	wrdreg s8  }
0x12: {  	s5 =	ssub.s32 s16, s7;
	s9 =	sadd.s32 $0x1E, s12;
	[dreg:$0x11] =	wrdreg s22  }
0x13: {  	s7 =	sshrl.u32 s21, $0x3;
	s24 =	sadd.s32 $0x9C5E, s12;
	[dreg:$0x12] =	wrdreg s9  }
0x14: {  	s16 =	sadd.s32 $0x4E3E0, s1;
	s28 =	sadd.s32 $0x4D8, s12;
	[dreg:$0x13] =	wrdreg s24  }
0x15: {  	s31 =	sadd.s32 $0xA118, s12;
	s12 =	sshrl.u32 s10, $0x3;
	[dreg:$0x16] =	wrdreg s28  }
0x16: {  	s5 =	smax.u32 s5, $0x1;
	s10 =	simm.s32 $0x14080;
	[dreg:$0x17] =	wrdreg s31  }
0x17: {  	s9 =	sadd.s32 s23, s21;
	s13 =	sadd.s32 s12, s30;
	s17 =	sadd.s32 $0x1E0, s1  }
0x18: {  	s21 =	sadd.s32 $0x4E390, s1;
	s23 =	sadd.s32 $0x190, s1;
	s24 =	sadd.s32 $0x4E340, s1  }
0x19: {  	[dreg:$0x1a] =	wrdreg s5;
	s1 =	sadd.s32 $0x140, s1;
	s5 =	simm.s32 $0xF  }
0x1a: {  	s12 =	simm.s32 $0x2;
	s6 =	sshrl.u32 s9, $0x3;
	[dreg:$0x4] =	wrdreg s13  }
0x1b: {  	s19 =	sshrl.u32 s17, $0x3;
	s22 =	sshrl.u32 s21, $0x3;
	s28 =	sshrl.u32 s24, $0x3  }
0x1c: {  	[dreg:$0x1b] =	wrdreg s1;
	s13 =	simm.s32 $0x14280;
	s21 =	simm.s32 $0x14300  }
0x1d: {  	s9 =	simm.s32 $0x50;
	s17 =	simm.s32 $0x3;
	s6 =	sadd.s32 s0, s6  }
0x1e: {  	s0 =	sadd.s32 s0, s7;
	s20 =	sadd.s32 s19, s30;
	s7 =	sadd.s32 $0x12C000, s3  }
0x1f: {  	s31 =	sadd.s32 s28, s30;
	s19 =	simm.s32 $0x7;
	[dreg:$0x18] =	wrdreg s6  }
0x20: {  	s0 =	sadd.s32 $0x25800, s0;
	s6 =	sshrl.u32 s16, $0x3;
	[dreg:$0x7] =	wrdreg s20  }
0x21: {  	[dreg:$0xa] =	wrdreg s31;
	s16 =	simm.s32 $0xE;
	s20 =	simm.s32 $0x4  }
0x22: {  	[dreg:$0x19] =	wrdreg s0;
	s0 =	sadd.s32 s15, s30;
	s18 =	sadd.s32 s6, s30  }
0x23: {  	s6 =	sshrl.u32 s23, $0x3;
	s23 =	simm.s32 $0x10;
	[dreg:$0x5] =	wrdreg s0  }
0x24: {  	[dreg:$0x6] =	wrdreg s18;
	s0 =	sadd.s32 s22, s30;
	s25 =	sadd.s32 s6, s30  }
0x25: {  	s18 =	simm.s32 $0x14100;
	s6 =	simm.s32 $0x14180;
	[dreg:$0x8] =	wrdreg s0  }
0x26: {  	s22 =	simm.s32 $0xC;
	[dreg:$0x9] =	wrdreg s25;
	s0 =	sshrl.u32 @p0 s7, $0x3  }
0x27: {  	s25 =	simm.s32 $0x8;
	[dreg:$0x1c] =	wrdreg s0;
	s0 =	simm.s32 $0x0  }
.LBB2_1:
0x28: {  	[dreg:$0x1d] =	wrdreg s0  }
0x29: {  	s24 =	rddreg [dreg:$0xc]  }
0x2a: {  	s11 =	simm.s32 $0x14000;
	s15 =	rddreg [dreg:$0xd]  }
0x2b: {  	[tilespmem:s11], [sflag:$0x1] =	stream.linear.gather [hbm4b:s24+s4], $0x50, $0x38;
	[tilespmem:$0x1E400] =	vst v63  }
0x2c: {  	s28 =	simm.s32 $0x14200;
	s7 =	rddreg [dreg:$0xe]  }
0x2d: {  	[tilespmem:s28], [sflag:$0x5] =	stream.linear.gather [hbm4b:s15+s4], $0x50, $0x38;
	[tilespmem:$0x1E400] =	vst v63  }
0x2e: {  	s8 =	rddreg [dreg:$0xf]  }
0x2f: {  	[tilespmem:s10], [sflag:$0x2] =	stream.linear.gather [hbm4b:s7+s4], $0x50, $0x38;
	[tilespmem:$0x1E400] =	vst v63  }
0x30: {  	s0 =	rddreg [dreg:$0x13]  }
0x31: {  	[tilespmem:s13], [sflag:$0x6] =	stream.linear.gather [hbm4b:s8+s4], $0x50, $0x38;
	[tilespmem:$0x1E400] =	vst v63  }
0x32: {  	s11 =	rddreg [dreg:$0x10]  }
0x33: {  	[tilespmem:s18], [sflag:$0x3] =	stream.linear.gather [hbm4b:s11+s4], $0x50, $0x38;
	[tilespmem:$0x1E400] =	vst v63  }
0x34: {  	s15 =	rddreg [dreg:$0x11]  }
0x35: {  	[tilespmem:s21], [sflag:$0x7] =	stream.linear.gather [hbm4b:s15+s4], $0x50, $0x38;
	[tilespmem:$0x1E400] =	vst v63  }
0x36: {  	s28 =	rddreg [dreg:$0x12]  }
0x37: {  	[tilespmem:s6], [sflag:$0x4] =	stream.linear.gather [hbm4b:s28+s4], $0x50, $0x38;
	[tilespmem:$0x1E400] =	vst v63  }
0x38: {  	s7 =	simm.s32 $0x14380;
	s8 =	sshrl.u32 s26, $0x3;
	s11 =	rddreg [dreg:$0xb]  }
0x39: {  	[tilespmem:s7], [sflag:$0x8] =	stream.linear.gather [hbm4b:s0+s4], $0x50, $0x38;
	[tilespmem:$0x1E400] =	vst v63  }
0x3a: {  	[spmem:s8], [sflag:s29] =	dma.local [hbm:s11], $0x2800  }
0x3b: {  	s11 =	simm.s32 $0x11  }
0x3c: {  	_ =	swait.ge [sflag:s11], $0x2800  }
0x3d: {  	[sflag:s11] =	ssyncset.done $0x0  }
0x3e: {  	[sflag:s11] =	ssyncadd.s32 $0xFFFFD800  }
0x3f: {  	s11 =	simm.s32 $0x1;
	[bflag:$0x0] =	sbarrier.arrive $0xFFFF  }
0x40: {  	_ =	swait.ge [sflag:s11], $0x50  }
0x41: {  	[sflag:s11] =	ssyncset.done $0x0  }
0x42: {  	s31 =	simm.s32 $0x5;
	[sflag:s11] =	ssyncadd.s32 $0xFFFFFFB0  }
0x43: {  	_ =	swait.ge [sflag:s31], $0x50  }
0x44: {  	[sflag:s31] =	ssyncset.done $0x0  }
0x45: {  	s1 =	simm.s32 $0x14000;
	s15 =	simm.s32 $0x14400;
	[sflag:s31] =	ssyncadd.s32 $0xFFFFFFB0  }
0x46: {  	[tilespmem:s15], [sflag:$0x9] =	stream.indirect.gather [hbm4b:s2+s9], $0x80, s1, s9, $0xb8;
	[tilespmem:$0x1E400] =	vst v63  }
0x47: {  	_ =	swait.ge [sflag:s12], $0x50  }
0x48: {  	[sflag:s12] =	ssyncset.done $0x0  }
0x49: {  	[sflag:s12] =	ssyncadd.s32 $0xFFFFFFB0  }
0x4a: {  	_ =	swait.ge [sflag:s14], $0x50  }
0x4b: {  	[sflag:s14] =	ssyncset.done $0x0  }
0x4c: {  	s24 =	simm.s32 $0x16C00;
	[sflag:s14] =	ssyncadd.s32 $0xFFFFFFB0  }
0x4d: {  	[tilespmem:s24], [sflag:$0xA] =	stream.indirect.gather [hbm4b:s2+s9], $0x80, s10, s9, $0xb8;
	[tilespmem:$0x1E400] =	vst v63  }
0x4e: {  	_ =	swait.ge [sflag:s17], $0x50  }
0x4f: {  	[sflag:s17] =	ssyncset.done $0x0  }
0x50: {  	[sflag:s17] =	ssyncadd.s32 $0xFFFFFFB0  }
0x51: {  	_ =	swait.ge [sflag:s19], $0x50  }
0x52: {  	[sflag:s19] =	ssyncset.done $0x0  }
0x53: {  	s8 =	simm.s32 $0x19400;
	[sflag:s19] =	ssyncadd.s32 $0xFFFFFFB0  }
0x54: {  	[tilespmem:s8], [sflag:$0xB] =	stream.indirect.gather [hbm4b:s2+s9], $0x80, s18, s9, $0xb8;
	[tilespmem:$0x1E400] =	vst v63  }
0x55: {  	_ =	swait.ge [sflag:s20], $0x50  }
0x56: {  	[sflag:s20] =	ssyncset.done $0x0  }
0x57: {  	[sflag:s20] =	ssyncadd.s32 $0xFFFFFFB0  }
0x58: {  	_ =	swait.ge [sflag:s25], $0x50  }
0x59: {  	[sflag:s25] =	ssyncset.done $0x0  }
0x5a: {  	s26 =	simm.s32 $0x1BC00;
	s0 =	simm.s32 $0x9;
	[sflag:s25] =	ssyncadd.s32 $0xFFFFFFB0  }
0x5b: {  	[tilespmem:s26], [sflag:$0xC] =	stream.indirect.gather [hbm4b:s2+s9], $0x80, s6, s9, $0xb8;
	[tilespmem:$0x1E400] =	vst v63  }
0x5c: {  	_ =	swait.ge [sflag:s0], $0x2800  }
0x5d: {  	[sflag:s0] =	ssyncset.done $0x0  }
0x5e: {  	s7 =	simm.s32 $0x14200;
	s1 =	simm.s32 $0x14400;
	[sflag:s0] =	ssyncadd.s32 $0xFFFFD800  }
0x5f: {  	[spmem:s3] =	stream.indirect.scatter.add.f32 [tilespmem:s1], [sflag:$0xD], $0x80, s7, s9, $0xb8;
	[tilespmem:$0x1E400] =	vst v63  }
0x60: {  	s1 =	simm.s32 $0xA  }
0x61: {  	_ =	swait.ge [sflag:s1], $0x2800  }
0x62: {  	[sflag:s1] =	ssyncset.done $0x0  }
0x63: {  	s15 =	simm.s32 $0x16C00;
	[sflag:s1] =	ssyncadd.s32 $0xFFFFD800  }
0x64: {  	[spmem:s3] =	stream.indirect.scatter.add.f32 [tilespmem:s15], [sflag:$0xE], $0x80, s13, s9, $0xb8;
	[tilespmem:$0x1E400] =	vst v63  }
0x65: {  	s15 =	simm.s32 $0xB  }
0x66: {  	_ =	swait.ge [sflag:s15], $0x2800  }
0x67: {  	[sflag:s15] =	ssyncset.done $0x0  }
0x68: {  	[sflag:s15] =	ssyncadd.s32 $0xFFFFD800  }
0x69: {  	[spmem:s3] =	stream.indirect.scatter.add.f32 [tilespmem:s8], [sflag:$0xF], $0x80, s21, s9, $0xb8;
	[tilespmem:$0x1E400] =	vst v63  }
0x6a: {  	_ =	swait.ge [sflag:s22], $0x2800  }
0x6b: {  	[sflag:s22] =	ssyncset.done $0x0  }
0x6c: {  	s28 =	simm.s32 $0x14380;
	s29 =	simm.s32 $0x1BC00;
	[sflag:s22] =	ssyncadd.s32 $0xFFFFD800  }
0x6d: {  	[spmem:s3] =	stream.indirect.scatter.add.f32 [tilespmem:s29], [sflag:$0x10], $0x80, s28, s9, $0xb8;
	[tilespmem:$0x1E400] =	vst v63  }
0x6e: {  	s28 =	simm.s32 $0xD  }
0x6f: {  	_ =	swait.ge [sflag:s28], $0x2800  }
0x70: {  	s29 =	rddreg [dreg:$0x1b]  }
0x71: {  	[sflag:s28] =	ssyncset.done $0x0;
	s26 =	rddreg [dreg:$0xa];
	s24 =	sshrl.u32 s29, $0x3  }
0x72: {  	[sflag:s28] =	ssyncadd.s32 $0xFFFFD800;
	s28 =	simm.s32 $0x14000;
	s24 =	sadd.s32 s30, s24  }
0x73: {  	[tilespmem:s28], [sflag:$0x1] =	stream.linear.gather [hbm4b:s24+s4], $0x50, $0x38;
	[tilespmem:$0x1E400] =	vst v63  }
0x74: {  	s26 =	sadd.s32 $0x0, s26  }
0x75: {  	[tilespmem:s7], [sflag:$0x5] =	stream.linear.gather [hbm4b:s26+s4], $0x50, $0x38;
	[tilespmem:$0x1E400] =	vst v63  }
0x76: {  	_ =	swait.ge [sflag:s16], $0x2800  }
0x77: {  	s24 =	rddreg [dreg:$0x9];
	[sflag:s16] =	ssyncset.done $0x0  }
0x78: {  	s26 =	rddreg [dreg:$0x8];
	[sflag:s16] =	ssyncadd.s32 $0xFFFFD800;
	s24 =	sadd.s32 $0x0, s24  }
0x79: {  	[tilespmem:s10], [sflag:$0x2] =	stream.linear.gather [hbm4b:s24+s4], $0x50, $0x38;
	[tilespmem:$0x1E400] =	vst v63  }
0x7a: {  	s26 =	sadd.s32 $0x0, s26  }
0x7b: {  	[tilespmem:s13], [sflag:$0x6] =	stream.linear.gather [hbm4b:s26+s4], $0x50, $0x38;
	[tilespmem:$0x1E400] =	vst v63  }
0x7c: {  	_ =	swait.ge [sflag:s5], $0x2800  }
0x7d: {  	s24 =	rddreg [dreg:$0x7];
	[sflag:s5] =	ssyncset.done $0x0  }
0x7e: {  	s26 =	rddreg [dreg:$0x6];
	[sflag:s5] =	ssyncadd.s32 $0xFFFFD800;
	s24 =	sadd.s32 $0x0, s24  }
0x7f: {  	[tilespmem:s18], [sflag:$0x3] =	stream.linear.gather [hbm4b:s24+s4], $0x50, $0x38;
	[tilespmem:$0x1E400] =	vst v63  }
0x80: {  	s26 =	sadd.s32 $0x0, s26  }
0x81: {  	[tilespmem:s21], [sflag:$0x7] =	stream.linear.gather [hbm4b:s26+s4], $0x50, $0x38;
	[tilespmem:$0x1E400] =	vst v63  }
0x82: {  	_ =	swait.ge [sflag:s23], $0x2800  }
0x83: {  	s24 =	rddreg [dreg:$0x5];
	[sflag:s23] =	ssyncset.done $0x0  }
0x84: {  	s26 =	rddreg [dreg:$0x4];
	[sflag:s23] =	ssyncadd.s32 $0xFFFFD800;
	s24 =	sadd.s32 $0x0, s24  }
0x85: {  	[tilespmem:s6], [sflag:$0x4] =	stream.linear.gather [hbm4b:s24+s4], $0x50, $0x38;
	[tilespmem:$0x1E400] =	vst v63  }
0x86: {  	s24 =	sadd.s32 $0x0, s26;
	s26 =	simm.s32 $0x14380  }
0x87: {  	[tilespmem:s26], [sflag:$0x8] =	stream.linear.gather [hbm4b:s24+s4], $0x50, $0x38;
	[tilespmem:$0x1E400] =	vst v63  }
0x88: {  	_ =	swait.ge [sflag:s11], $0x50  }
0x89: {  	[sflag:s11] =	ssyncset.done $0x0  }
0x8a: {  	[sflag:s11] =	ssyncadd.s32 $0xFFFFFFB0  }
0x8b: {  	_ =	swait.ge [sflag:s31], $0x50  }
0x8c: {  	[sflag:s31] =	ssyncset.done $0x0  }
0x8d: {  	s24 =	simm.s32 $0x14400;
	[sflag:s31] =	ssyncadd.s32 $0xFFFFFFB0  }
0x8e: {  	[tilespmem:s24], [sflag:$0x9] =	stream.indirect.gather [hbm4b:s2+s9], $0x80, s28, s9, $0xb8;
	[tilespmem:$0x1E400] =	vst v63  }
0x8f: {  	_ =	swait.ge [sflag:s12], $0x50  }
0x90: {  	[sflag:s12] =	ssyncset.done $0x0  }
0x91: {  	[sflag:s12] =	ssyncadd.s32 $0xFFFFFFB0  }
0x92: {  	_ =	swait.ge [sflag:s14], $0x50  }
0x93: {  	[sflag:s14] =	ssyncset.done $0x0  }
0x94: {  	s26 =	simm.s32 $0x16C00;
	[sflag:s14] =	ssyncadd.s32 $0xFFFFFFB0  }
0x95: {  	[tilespmem:s26], [sflag:$0xA] =	stream.indirect.gather [hbm4b:s2+s9], $0x80, s10, s9, $0xb8;
	[tilespmem:$0x1E400] =	vst v63  }
0x96: {  	_ =	swait.ge [sflag:s17], $0x50  }
0x97: {  	[sflag:s17] =	ssyncset.done $0x0  }
0x98: {  	[sflag:s17] =	ssyncadd.s32 $0xFFFFFFB0  }
0x99: {  	_ =	swait.ge [sflag:s19], $0x50  }
0x9a: {  	[sflag:s19] =	ssyncset.done $0x0  }
0x9b: {  	[sflag:s19] =	ssyncadd.s32 $0xFFFFFFB0  }
0x9c: {  	[tilespmem:s8], [sflag:$0xB] =	stream.indirect.gather [hbm4b:s2+s9], $0x80, s18, s9, $0xb8;
	[tilespmem:$0x1E400] =	vst v63  }
0x9d: {  	_ =	swait.ge [sflag:s20], $0x50  }
0x9e: {  	[sflag:s20] =	ssyncset.done $0x0  }
0x9f: {  	[sflag:s20] =	ssyncadd.s32 $0xFFFFFFB0  }
0xa0: {  	_ =	swait.ge [sflag:s25], $0x50  }
0xa1: {  	[sflag:s25] =	ssyncset.done $0x0  }
0xa2: {  	s28 =	simm.s32 $0x1BC00;
	[sflag:s25] =	ssyncadd.s32 $0xFFFFFFB0  }
0xa3: {  	[tilespmem:s28], [sflag:$0xC] =	stream.indirect.gather [hbm4b:s2+s9], $0x80, s6, s9, $0xb8;
	[tilespmem:$0x1E400] =	vst v63  }
0xa4: {  	_ =	swait.ge [sflag:s0], $0x2800  }
0xa5: {  	[sflag:s0] =	ssyncset.done $0x0  }
0xa6: {  	s7 =	simm.s32 $0x14200;
	[sflag:s0] =	ssyncadd.s32 $0xFFFFD800  }
0xa7: {  	[spmem:s3] =	stream.indirect.scatter.add.f32 [tilespmem:s24], [sflag:$0xD], $0x80, s7, s9, $0xb8;
	[tilespmem:$0x1E400] =	vst v63  }
0xa8: {  	_ =	swait.ge [sflag:s1], $0x2800  }
0xa9: {  	[sflag:s1] =	ssyncset.done $0x0  }
0xaa: {  	[sflag:s1] =	ssyncadd.s32 $0xFFFFD800  }
0xab: {  	[spmem:s3] =	stream.indirect.scatter.add.f32 [tilespmem:s26], [sflag:$0xE], $0x80, s13, s9, $0xb8;
	[tilespmem:$0x1E400] =	vst v63  }
0xac: {  	_ =	swait.ge [sflag:s15], $0x2800  }
0xad: {  	[sflag:s15] =	ssyncset.done $0x0  }
0xae: {  	s31 =	smov.u32 s30;
	s18 =	simm.s32 $0x14280;
	[sflag:s15] =	ssyncadd.s32 $0xFFFFD800  }
0xaf: {  	[spmem:s3] =	stream.indirect.scatter.add.f32 [tilespmem:s8], [sflag:$0xF], $0x80, s21, s9, $0xb8;
	[tilespmem:$0x1E400] =	vst v63  }
0xb0: {  	s6 =	simm.s32 $0x14300;
	s24 =	simm.s32 $0x28;
	_ =	swait.ge [sflag:s22], $0x2800  }
0xb1: {  	s26 =	sadd.s32 $0x140, s29;
	s13 =	simm.s32 $0x14080;
	[sflag:s22] =	ssyncset.done $0x0  }
0xb2: {  	s8 =	simm.s32 $0x14180;
	s21 =	simm.s32 $0x14100;
	[sflag:s22] =	ssyncadd.s32 $0xFFFFD800  }
.LBB2_2:
0xb3: {  	s11 =	simm.s32 $0x14380;
	s7 =	simm.s32 $0x1BC00;
	s0 =	simm.s32 $0xD  }
0xb4: {  	[spmem:s3] =	stream.indirect.scatter.add.f32 [tilespmem:s7], [sflag:$0x10], $0x80, s11, s9, $0xb8;
	[tilespmem:$0x1E400] =	vst v63  }
0xb5: {  	s29 =	sshrl.u32 s26, $0x3;
	_ =	swait.ge [sflag:s0], $0x2800  }
0xb6: {  	s28 =	smov.u32 s24;
	s29 =	sadd.s32 s31, s29;
	[sflag:s0] =	ssyncset.done $0x0  }
0xb7: {  	s30 =	rddreg [dreg:$0xa];
	[sflag:s0] =	ssyncadd.s32 $0xFFFFD800;
	s0 =	simm.s32 $0x14000  }
0xb8: {  	[tilespmem:s0], [sflag:$0x1] =	stream.linear.gather [hbm4b:s29+s4], $0x50, $0x38;
	[tilespmem:$0x1E400] =	vst v63  }
0xb9: {  	s10 =	simm.s32 $0x14200;
	s29 =	sadd.s32 s28, s30  }
0xba: {  	[tilespmem:s10], [sflag:$0x5] =	stream.linear.gather [hbm4b:s29+s4], $0x50, $0x38;
	[tilespmem:$0x1E400] =	vst v63  }
0xbb: {  	_ =	swait.ge [sflag:s16], $0x2800  }
0xbc: {  	s29 =	rddreg [dreg:$0x9];
	[sflag:s16] =	ssyncset.done $0x0  }
0xbd: {  	s30 =	rddreg [dreg:$0x8];
	[sflag:s16] =	ssyncadd.s32 $0xFFFFD800;
	s29 =	sadd.s32 s28, s29  }
0xbe: {  	[tilespmem:s13], [sflag:$0x2] =	stream.linear.gather [hbm4b:s29+s4], $0x50, $0x38;
	[tilespmem:$0x1E400] =	vst v63  }
0xbf: {  	s29 =	sadd.s32 s28, s30  }
0xc0: {  	[tilespmem:s18], [sflag:$0x6] =	stream.linear.gather [hbm4b:s29+s4], $0x50, $0x38;
	[tilespmem:$0x1E400] =	vst v63  }
0xc1: {  	_ =	swait.ge [sflag:s5], $0x2800  }
0xc2: {  	s29 =	rddreg [dreg:$0x7];
	[sflag:s5] =	ssyncset.done $0x0  }
0xc3: {  	s30 =	rddreg [dreg:$0x6];
	[sflag:s5] =	ssyncadd.s32 $0xFFFFD800;
	s29 =	sadd.s32 s28, s29  }
0xc4: {  	[tilespmem:s21], [sflag:$0x3] =	stream.linear.gather [hbm4b:s29+s4], $0x50, $0x38;
	[tilespmem:$0x1E400] =	vst v63  }
0xc5: {  	s29 =	sadd.s32 s28, s30  }
0xc6: {  	[tilespmem:s6], [sflag:$0x7] =	stream.linear.gather [hbm4b:s29+s4], $0x50, $0x38;
	[tilespmem:$0x1E400] =	vst v63  }
0xc7: {  	_ =	swait.ge [sflag:s23], $0x2800  }
0xc8: {  	s29 =	rddreg [dreg:$0x5];
	[sflag:s23] =	ssyncset.done $0x0  }
0xc9: {  	s30 =	rddreg [dreg:$0x4];
	[sflag:s23] =	ssyncadd.s32 $0xFFFFD800;
	s29 =	sadd.s32 s28, s29  }
0xca: {  	[tilespmem:s8], [sflag:$0x4] =	stream.linear.gather [hbm4b:s29+s4], $0x50, $0x38;
	[tilespmem:$0x1E400] =	vst v63  }
0xcb: {  	s28 =	sadd.s32 s28, s30  }
0xcc: {  	[tilespmem:s11], [sflag:$0x8] =	stream.linear.gather [hbm4b:s28+s4], $0x50, $0x38;
	[tilespmem:$0x1E400] =	vst v63  }
0xcd: {  	s28 =	simm.s32 $0x1  }
0xce: {  	_ =	swait.ge [sflag:s28], $0x50  }
0xcf: {  	[sflag:s28] =	ssyncset.done $0x0  }
0xd0: {  	s30 =	simm.s32 $0x5;
	[sflag:s28] =	ssyncadd.s32 $0xFFFFFFB0  }
0xd1: {  	_ =	swait.ge [sflag:s30], $0x50  }
0xd2: {  	[sflag:s30] =	ssyncset.done $0x0  }
0xd3: {  	s11 =	simm.s32 $0x14400;
	[sflag:s30] =	ssyncadd.s32 $0xFFFFFFB0  }
0xd4: {  	[tilespmem:s11], [sflag:$0x9] =	stream.indirect.gather [hbm4b:s2+s9], $0x80, s0, s9, $0xb8;
	[tilespmem:$0x1E400] =	vst v63  }
0xd5: {  	_ =	swait.ge [sflag:s12], $0x50  }
0xd6: {  	[sflag:s12] =	ssyncset.done $0x0  }
0xd7: {  	[sflag:s12] =	ssyncadd.s32 $0xFFFFFFB0  }
0xd8: {  	_ =	swait.ge [sflag:s14], $0x50  }
0xd9: {  	[sflag:s14] =	ssyncset.done $0x0  }
0xda: {  	s28 =	simm.s32 $0x16C00;
	[sflag:s14] =	ssyncadd.s32 $0xFFFFFFB0  }
0xdb: {  	[tilespmem:s28], [sflag:$0xA] =	stream.indirect.gather [hbm4b:s2+s9], $0x80, s13, s9, $0xb8;
	[tilespmem:$0x1E400] =	vst v63  }
0xdc: {  	_ =	swait.ge [sflag:s17], $0x50  }
0xdd: {  	[sflag:s17] =	ssyncset.done $0x0  }
0xde: {  	[sflag:s17] =	ssyncadd.s32 $0xFFFFFFB0  }
0xdf: {  	_ =	swait.ge [sflag:s19], $0x50  }
0xe0: {  	[sflag:s19] =	ssyncset.done $0x0  }
0xe1: {  	s30 =	simm.s32 $0x19400;
	[sflag:s19] =	ssyncadd.s32 $0xFFFFFFB0  }
0xe2: {  	[tilespmem:s30], [sflag:$0xB] =	stream.indirect.gather [hbm4b:s2+s9], $0x80, s21, s9, $0xb8;
	[tilespmem:$0x1E400] =	vst v63  }
0xe3: {  	_ =	swait.ge [sflag:s20], $0x50  }
0xe4: {  	[sflag:s20] =	ssyncset.done $0x0  }
0xe5: {  	[sflag:s20] =	ssyncadd.s32 $0xFFFFFFB0  }
0xe6: {  	_ =	swait.ge [sflag:s25], $0x50  }
0xe7: {  	[sflag:s25] =	ssyncset.done $0x0  }
0xe8: {  	[sflag:s25] =	ssyncadd.s32 $0xFFFFFFB0  }
0xe9: {  	[tilespmem:s7], [sflag:$0xC] =	stream.indirect.gather [hbm4b:s2+s9], $0x80, s8, s9, $0xb8;
	[tilespmem:$0x1E400] =	vst v63  }
0xea: {  	s7 =	simm.s32 $0x9  }
0xeb: {  	_ =	swait.ge [sflag:s7], $0x2800  }
0xec: {  	[sflag:s7] =	ssyncset.done $0x0  }
0xed: {  	[sflag:s7] =	ssyncadd.s32 $0xFFFFD800  }
0xee: {  	[spmem:s3] =	stream.indirect.scatter.add.f32 [tilespmem:s11], [sflag:$0xD], $0x80, s10, s9, $0xb8;
	[tilespmem:$0x1E400] =	vst v63  }
0xef: {  	_ =	swait.ge [sflag:s1], $0x2800  }
0xf0: {  	[sflag:s1] =	ssyncset.done $0x0  }
0xf1: {  	[sflag:s1] =	ssyncadd.s32 $0xFFFFD800  }
0xf2: {  	[spmem:s3] =	stream.indirect.scatter.add.f32 [tilespmem:s28], [sflag:$0xE], $0x80, s18, s9, $0xb8;
	[tilespmem:$0x1E400] =	vst v63  }
0xf3: {  	_ =	swait.ge [sflag:s15], $0x2800  }
0xf4: {  	p1 =	sne.s32 s24, $0x488;
	[sflag:s15] =	ssyncset.done $0x0  }
.Ltmp0:
0xf5: {  	[sflag:s15] =	ssyncadd.s32 $0xFFFFD800;
	(pc) =	sbr.rel @p1 .LBB2_2-.Ltmp0, $4  }
0xf6: {  	[spmem:s3] =	stream.indirect.scatter.add.f32 [tilespmem:s30], [sflag:$0xF], $0x80, s6, s9, $0xb8;
	[tilespmem:$0x1E400] =	vst v63  }
0xf7: {  	_ =	swait.ge [sflag:s22], $0x2800  }
0xf8: {  	s24 =	sadd.s32 $0x28, s24;
	s26 =	sadd.s32 $0x140, s26;
	[sflag:s22] =	ssyncset.done $0x0  }
0xf9: {  	s29 =	simm.s32 $0x14380;
	s0 =	simm.s32 $0x1BC00;
	[sflag:s22] =	ssyncadd.s32 $0xFFFFD800  }
0xfa: {  	[spmem:s3] =	stream.indirect.scatter.add.f32 [tilespmem:s0], [sflag:$0x10], $0x80, s29, s9, $0xb8;
	[tilespmem:$0x1E400] =	vst v63  }
0xfb: {  	s1 =	simm.s32 $0xD  }
0xfc: {  	_ =	swait.ge [sflag:s1], $0x2800  }
0xfd: {  	[sflag:s1] =	ssyncset.done $0x0  }
0xfe: {  	s7 =	simm.s32 $0x14000;
	s24 =	rddreg [dreg:$0x16];
	[sflag:s1] =	ssyncadd.s32 $0xFFFFD800  }
0xff: {  	[tilespmem:s7], [sflag:$0x1] =	stream.linear.gather [hbm4b:s24+s4], $0x50, $0x38;
	[tilespmem:$0x1E400] =	vst v63  }
0x100: {  	s10 =	simm.s32 $0x14200;
	s6 =	simm.s32 $0x1;
	s8 =	rddreg [dreg:$0x17]  }
0x101: {  	[tilespmem:s10], [sflag:$0x5] =	stream.linear.gather [hbm4b:s8+s4], $0x50, $0x38;
	[tilespmem:$0x1E400] =	vst v63  }
0x102: {  	_ =	swait.ge [sflag:s6], $0x50  }
0x103: {  	[sflag:s6] =	ssyncset.done $0x0  }
0x104: {  	s11 =	simm.s32 $0x5;
	[sflag:s6] =	ssyncadd.s32 $0xFFFFFFB0  }
0x105: {  	_ =	swait.ge [sflag:s11], $0x50  }
0x106: {  	[sflag:s11] =	ssyncset.done $0x0  }
0x107: {  	s13 =	simm.s32 $0x14400;
	s15 =	simm.s32 $0x9;
	[sflag:s11] =	ssyncadd.s32 $0xFFFFFFB0  }
0x108: {  	[tilespmem:s13], [sflag:$0x9] =	stream.indirect.gather [hbm4b:s2+s9], $0x80, s7, s9, $0xb8;
	[tilespmem:$0x1E400] =	vst v63  }
0x109: {  	_ =	swait.ge [sflag:s15], $0x2800  }
0x10a: {  	[sflag:s15] =	ssyncset.done $0x0  }
0x10b: {  	[sflag:s15] =	ssyncadd.s32 $0xFFFFD800  }
0x10c: {  	[spmem:s3] =	stream.indirect.scatter.add.f32 [tilespmem:s13], [sflag:$0xD], $0x80, s10, s9, $0xb8;
	[tilespmem:$0x1E400] =	vst v63  }
0x10d: {  	_ =	swait.ge [sflag:s1], $0x2800  }
0x10e: {  	[sflag:s1] =	ssyncset.done $0x0  }
0x10f: {  	[sflag:s1] =	ssyncadd.s32 $0xFFFFD800  }
0x110: {  	_ =	swait.ge [sflag:s16], $0x2800  }
0x111: {  	[sflag:s16] =	ssyncset.done $0x0  }
0x112: {  	[sflag:s16] =	ssyncadd.s32 $0xFFFFD800  }
0x113: {  	_ =	swait.ge [sflag:s5], $0x2800  }
0x114: {  	[sflag:s5] =	ssyncset.done $0x0  }
0x115: {  	[sflag:s5] =	ssyncadd.s32 $0xFFFFD800  }
0x116: {  	_ =	swait.ge [sflag:s23], $0x2800  }
0x117: {  	[sflag:s23] =	ssyncset.done $0x0  }
0x118: {  	[sflag:s23] =	ssyncadd.s32 $0xFFFFD800  }
0x119: {  	[bflag:$0x0] =	sbarrier.arrive $0xFFFF  }
0x11a: {  	s29 =	rddreg [dreg:$0x15]  }
0x11b: {  	s24 =	rddreg [dreg:$0x19]  }
0x11c: {  	s0 =	rddreg [dreg:$0x1c]  }
0x11d: {  	[hbm:s24], [sflag:s29] =	dma.local @p0 [spmem:s0], $0x1900  }
0x11e: {  	s24 =	simm.s32 @p0 $0x11  }
0x11f: {  	_ =	swait.ge @p0 [sflag:s24], $0x1900  }
0x120: {  	[sflag:s24] =	ssyncset.done @p0 $0x0;
	s26 =	rddreg [dreg:$0x14]  }
0x121: {  	s28 =	rddreg [dreg:$0x18];
	[sflag:s24] =	ssyncadd.s32 @p0 $0xFFFFE700;
	s24 =	sshrl.u32 @!p0 s26, $0x3  }
0x122: {  	[hbm:s28], [sflag:s29] =	dma.local @!p0 [spmem:s24], $0x2800  }
0x123: {  	s24 =	simm.s32 @!p0 $0x11  }
0x124: {  	_ =	swait.ge @!p0 [sflag:s24], $0x2800  }
0x125: {  	s18 =	rddreg [dreg:$0x1d]  }
0x126: {  	s21 =	rddreg [dreg:$0x1a];
	s0 =	sadd.s32 $0x1, s18  }
0x127: {  	p1 =	sne.s32 s0, s21  }
.Ltmp1:
0x128: {  	_ = 	snop;
	(pc) =	sbr.rel @p1 .LBB2_1-.Ltmp1, $4  }
0x129: {  	_ = 	snop  }
0x12a: {  	s30 =	smov.u32 s31;
	s6 =	simm.s32 $0x14180  }
0x12b: {  	s10 =	simm.s32 $0x14080;
	s13 =	simm.s32 $0x14280;
	[sflag:s24] =	ssyncset.done @!p0 $0x0  }
0x12c: {  	[sflag:s24] =	ssyncadd.s32 @!p0 $0xFFFFD800;
	s18 =	simm.s32 $0x14100;
	s21 =	simm.s32 $0x14300  }
0x12d: {  	_ =	sfence.sel $0x180000  }
0x12e: {  	[bflag:$0x0] =	sbarrier.arrive $0xFFFF  }
0x12f: {  	_ =	strace $0x90000047  }
0x130: {  	s0 =	stileid.u32;
	[bflag:$0x2] =	sbarrier.arrive $0xFFFF  }
0x131: {  	p0 =	sne.s32 s0, $0x0;
	s0 =	rddreg [dreg:$0x3]  }
0x132: {  	s0 =	sadd.s32 @!p0 $0x100000, s0  }
0x133: {  	[sflag:s0] =	ssyncadd.tile.s32 @!p0 $0x1;
	_ =	shalt  }
.Lfunc_end2:
_tile_overlayer_lowered:
.L_overlay_start_2:
0x134: {  	(tag) =	ssettag $0x2  }
0x135: {  	s0 =	rddreg [dreg:$0x0];
	s2 =	stileid.u32  }
0x136: {  	s1 =	rddreg [dreg:$0x1];
	p0 =	sne.s32 s2, $0x0  }
0x137: {  	s3 =	rddreg [dreg:$0x2];
	[bflag:$0x3] =	sbarrier.arrive $0xFFFF;
	s2 =	simm.s32 @!p0 $0x1C11  }
0x138: {  	[timem:s3], [sflag:s2] =	dma.local @!p0 [hbm:s0], s1  }
0x139: {  	s0 =	simm.s32 @!p0 $0x11  }
0x13a: {  	_ =	swait.ge @!p0 [sflag:s0], s1  }
0x13b: {  	s1 =	ssub.s32 @!p0 $0x0, s1;
	[sflag:s0] =	ssyncset.done @!p0 $0x0  }
0x13c: {  	[sflag:s0] =	ssyncadd.s32 @!p0 s1  }
0x13d: {  	[bflag:$0x3] =	sbarrier.arrive $0xFFFF  }
0x13e: {  	_ =	shalt  }

</sc_bundles>
